<compile_context>
chip_gen: v7x
topology: tpu7x:2x2x1
jax: 0.10.2.dev20260603
libtpu: 0.0.44.dev20260713+nightly
codegen_flags: <defaults>
</compile_context>

<pallas_src>
import jax
import jax.numpy as jnp
from jax import lax
from jax.experimental import pallas as pl
from jax.experimental.pallas import tpu as pltpu
from jax.experimental.pallas import tpu_sc as plsc

SEQ = 16384
Q = 32
D = 4 * Q
NC = 2
NS = 16
NW = NC * NS
B_PER_W = SEQ // NW
L = 16
NGRP = B_PER_W // L
NPH = 2
GPP = NGRP // NPH
RPP = B_PER_W // NPH
TAB_ROWS = (24, 7, 12, 10)


def _body(h, d, m, y, wh, wd, wm, wy, out,
          th_v, td_v, tm_v, ty_v, ih_v, id_v, im_v, iy_v, rows_v,
          tsem, isem, wsem):
    wid = lax.axis_index("s") * NC + lax.axis_index("c")
    base = wid * B_PER_W
    tabs_h = (wh, wd, wm, wy)
    tabs_v = (th_v, td_v, tm_v, ty_v)
    idx_h = (h, d, m, y)
    idx_v = (ih_v, id_v, im_v, iy_v)
    copies = [pltpu.async_copy(tabs_h[j], tabs_v[j], tsem) for j in range(4)]
    copies += [pltpu.async_copy(idx_h[j].at[wid], idx_v[j], isem) for j in range(4)]
    for c in copies:
        c.wait()

    writes = []
    for p in range(NPH):
        @plsc.parallel_loop(p * GPP, (p + 1) * GPP, unroll=2)
        def grp(g):
            ivecs = [idx_v[j][pl.ds(g * L, L)] * Q for j in range(4)]
            for k in range(L):
                srcs = [ivecs[j][k] for j in range(4)]
                vals = [tabs_v[j][pl.ds(srcs[j] + c2 * L, L)]
                        for j in range(4) for c2 in range(Q // L)]
                dst = (g * L + k) * D
                for u in range(2 * 4):
                    rows_v[pl.ds(dst + u * L, L)] = vals[u]

        writes.append(pltpu.async_copy(
            rows_v.at[pl.ds(p * RPP * D, RPP * D)],
            out.at[pl.ds((base + p * RPP) * D, RPP * D)], wsem))
    for w in writes:
        w.wait()


_sc_call = pl.kernel(
    _body,
    out_type=jax.ShapeDtypeStruct((SEQ * D,), jnp.float32),
    mesh=plsc.VectorSubcoreMesh(core_axis_name="c", subcore_axis_name="s"),
    scratch_types=[
        pltpu.VMEM((TAB_ROWS[0] * Q,), jnp.float32),
        pltpu.VMEM((TAB_ROWS[1] * Q,), jnp.float32),
        pltpu.VMEM((TAB_ROWS[2] * Q,), jnp.float32),
        pltpu.VMEM((TAB_ROWS[3] * Q,), jnp.float32),
        pltpu.VMEM((B_PER_W,), jnp.int32),
        pltpu.VMEM((B_PER_W,), jnp.int32),
        pltpu.VMEM((B_PER_W,), jnp.int32),
        pltpu.VMEM((B_PER_W,), jnp.int32),
        pltpu.VMEM((B_PER_W * D,), jnp.float32),
        pltpu.SemaphoreType.DMA,
        pltpu.SemaphoreType.DMA,
        pltpu.SemaphoreType.DMA,
    ],
    compiler_params=pltpu.CompilerParams(
        use_tc_tiling_on_sc=False, needs_layout_passes=False),
)


def kernel(hours, days, months, years, W_hour, W_day, W_month, W_year):
    h = hours.astype(jnp.int32).reshape(NW, B_PER_W)
    d = days.astype(jnp.int32).reshape(NW, B_PER_W)
    m = months.astype(jnp.int32).reshape(NW, B_PER_W)
    y = years.astype(jnp.int32).reshape(NW, B_PER_W)
    out = _sc_call(h, d, m, y,
                   W_hour.reshape(-1), W_day.reshape(-1),
                   W_month.reshape(-1), W_year.reshape(-1))
    return out.reshape(SEQ, D)

# --- scband reference (transcript-rebuilt; emitter-appended) ---
"""Pipeline reference for scband-cyclical-time-encoding-17231408792336 (READ-ONLY COPY).

The authoritative reference and input builder live on the scoring server;
editing this copy changes nothing except your own understanding.
"""

import jax, jax.numpy as jnp
import numpy as np

D_MODEL = 128
QUARTER = D_MODEL // 4
SEQ = 16384

def setup_inputs(seed: int = 0) -> dict:
    key = jax.random.key(seed)
    k1, k2, k3, k4, k5, k6, k7, k8 = jax.random.split(key, 8)
    hours = jax.random.randint(k1, (SEQ,), 0, 24, dtype=jnp.int64) if jax.config.jax_enable_x64 else jax.random.randint(k1, (SEQ,), 0, 24).astype(jnp.int32)
    days = jax.random.randint(k2, (SEQ,), 0, 7).astype(hours.dtype)
    months = jax.random.randint(k3, (SEQ,), 0, 12).astype(hours.dtype)
    years = jax.random.randint(k4, (SEQ,), 0, 10).astype(hours.dtype)
    W_hour = jax.random.normal(k5, (24, QUARTER), dtype=jnp.float32)
    W_day = jax.random.normal(k6, (7, QUARTER), dtype=jnp.float32)
    W_month = jax.random.normal(k7, (12, QUARTER), dtype=jnp.float32)
    W_year = jax.random.normal(k8, (10, QUARTER), dtype=jnp.float32)
    return {"hours": hours, "days": days, "months": months, "years": years,
            "W_hour": W_hour, "W_day": W_day, "W_month": W_month, "W_year": W_year}

def reference(hours, days, months, years, W_hour, W_day, W_month, W_year):
    hour_emb = jnp.take(W_hour, hours, axis=0)
    day_emb = jnp.take(W_day, days, axis=0)
    month_emb = jnp.take(W_month, months, axis=0)
    year_emb = jnp.take(W_year, years, axis=0)
    time_encoding = jnp.concatenate([hour_emb, day_emb, month_emb, year_emb], axis=-1)
    return time_encoding

if __name__ == "__main__":
    import jax
    _d = setup_inputs()
    print(jax.jit(kernel)(*tuple(_d.values())))

</pallas_src>

<mosaic_0001>
#map = affine_map<(d0, d1) -> (0, 0)>
#map1 = affine_map<(d0, d1) -> (0)>
module attributes {stable_mosaic.version = 14 : i64} {
  func.func @_body(%arg0: i32, %arg1: i32, %arg2: memref<32x512xi32, #tpu.memory_space<hbm>>, %arg3: memref<32x512xi32, #tpu.memory_space<hbm>>, %arg4: memref<32x512xi32, #tpu.memory_space<hbm>>, %arg5: memref<32x512xi32, #tpu.memory_space<hbm>>, %arg6: memref<768xf32, #tpu.memory_space<hbm>>, %arg7: memref<224xf32, #tpu.memory_space<hbm>>, %arg8: memref<384xf32, #tpu.memory_space<hbm>>, %arg9: memref<320xf32, #tpu.memory_space<hbm>>, %arg10: memref<2097152xf32, #tpu.memory_space<hbm>>, %arg11: memref<768xf32, #tpu.memory_space<vmem>>, %arg12: memref<224xf32, #tpu.memory_space<vmem>>, %arg13: memref<384xf32, #tpu.memory_space<vmem>>, %arg14: memref<320xf32, #tpu.memory_space<vmem>>, %arg15: memref<512xi32, #tpu.memory_space<vmem>>, %arg16: memref<512xi32, #tpu.memory_space<vmem>>, %arg17: memref<512xi32, #tpu.memory_space<vmem>>, %arg18: memref<512xi32, #tpu.memory_space<vmem>>, %arg19: memref<65536xf32, #tpu.memory_space<vmem>>, %arg20: memref<!tpu.dma_semaphore, #tpu.memory_space<semaphore_mem>>, %arg21: memref<!tpu.dma_semaphore, #tpu.memory_space<semaphore_mem>>, %arg22: memref<!tpu.dma_semaphore, #tpu.memory_space<semaphore_mem>>) attributes {dimension_semantics = [#tpu.dimension_semantics<core_parallel>, #tpu.dimension_semantics<subcore_parallel>], iteration_bounds = array<i64: 2, 16>, scalar_prefetch = 0 : i64, scratch_operands = 12 : i64, tpu.core_type = #tpu.core_type<sc_vector_subcore>, window_params = [{transform_indices = #map}, {transform_indices = #map}, {transform_indices = #map}, {transform_indices = #map}, {transform_indices = #map1}, {transform_indices = #map1}, {transform_indices = #map1}, {transform_indices = #map1}, {transform_indices = #map1}]} {
    %mul3A = arith.constant 2 : i32
    %mul3A_0 = arith.muli %arg1, %mul3A : i32
    %add3A = arith.addi %mul3A_0, %arg0 : i32
    %mul3A_1 = arith.constant 512 : i32
    %mul3A_2 = arith.muli %add3A, %mul3A_1 : i32
    tpu.enqueue_dma source(%arg6 : memref<768xf32, #tpu.memory_space<hbm>>) target(%arg11 : memref<768xf32, #tpu.memory_space<vmem>>) target_semaphore(%arg20 : memref<!tpu.dma_semaphore, #tpu.memory_space<semaphore_mem>>)
    tpu.enqueue_dma source(%arg7 : memref<224xf32, #tpu.memory_space<hbm>>) target(%arg12 : memref<224xf32, #tpu.memory_space<vmem>>) target_semaphore(%arg20 : memref<!tpu.dma_semaphore, #tpu.memory_space<semaphore_mem>>)
    tpu.enqueue_dma source(%arg8 : memref<384xf32, #tpu.memory_space<hbm>>) target(%arg13 : memref<384xf32, #tpu.memory_space<vmem>>) target_semaphore(%arg20 : memref<!tpu.dma_semaphore, #tpu.memory_space<semaphore_mem>>)
    tpu.enqueue_dma source(%arg9 : memref<320xf32, #tpu.memory_space<hbm>>) target(%arg14 : memref<320xf32, #tpu.memory_space<vmem>>) target_semaphore(%arg20 : memref<!tpu.dma_semaphore, #tpu.memory_space<semaphore_mem>>)
    %dma_start3A = arith.constant 0 : i32
    %dma_start3A_3 = tpu.memref_slice %arg2[%add3A, %dma_start3A] : memref<32x512xi32, #tpu.memory_space<hbm>> -> memref<1x512xi32, #tpu.memory_space<hbm>>
    %dma_start3A_4 = tpu.memref_squeeze %dma_start3A_3 : memref<1x512xi32, #tpu.memory_space<hbm>> -> memref<512xi32, #tpu.memory_space<hbm>>
    %dma_start3A_5 = arith.constant 0 : i32
    %dma_start3A_6 = tpu.memref_slice %arg2[%add3A, %dma_start3A_5] : memref<32x512xi32, #tpu.memory_space<hbm>> -> memref<1x512xi32, #tpu.memory_space<hbm>>
    %dma_start3A_7 = tpu.memref_squeeze %dma_start3A_6 : memref<1x512xi32, #tpu.memory_space<hbm>> -> memref<512xi32, #tpu.memory_space<hbm>>
    tpu.enqueue_dma source(%dma_start3A_7 : memref<512xi32, #tpu.memory_space<hbm>>) target(%arg15 : memref<512xi32, #tpu.memory_space<vmem>>) target_semaphore(%arg21 : memref<!tpu.dma_semaphore, #tpu.memory_space<semaphore_mem>>)
    %dma_start3A_8 = arith.constant 0 : i32
    %dma_start3A_9 = tpu.memref_slice %arg3[%add3A, %dma_start3A_8] : memref<32x512xi32, #tpu.memory_space<hbm>> -> memref<1x512xi32, #tpu.memory_space<hbm>>
    %dma_start3A_10 = tpu.memref_squeeze %dma_start3A_9 : memref<1x512xi32, #tpu.memory_space<hbm>> -> memref<512xi32, #tpu.memory_space<hbm>>
    %dma_start3A_11 = arith.constant 0 : i32
    %dma_start3A_12 = tpu.memref_slice %arg3[%add3A, %dma_start3A_11] : memref<32x512xi32, #tpu.memory_space<hbm>> -> memref<1x512xi32, #tpu.memory_space<hbm>>
    %dma_start3A_13 = tpu.memref_squeeze %dma_start3A_12 : memref<1x512xi32, #tpu.memory_space<hbm>> -> memref<512xi32, #tpu.memory_space<hbm>>
    tpu.enqueue_dma source(%dma_start3A_13 : memref<512xi32, #tpu.memory_space<hbm>>) target(%arg16 : memref<512xi32, #tpu.memory_space<vmem>>) target_semaphore(%arg21 : memref<!tpu.dma_semaphore, #tpu.memory_space<semaphore_mem>>)
    %dma_start3A_14 = arith.constant 0 : i32
    %dma_start3A_15 = tpu.memref_slice %arg4[%add3A, %dma_start3A_14] : memref<32x512xi32, #tpu.memory_space<hbm>> -> memref<1x512xi32, #tpu.memory_space<hbm>>
    %dma_start3A_16 = tpu.memref_squeeze %dma_start3A_15 : memref<1x512xi32, #tpu.memory_space<hbm>> -> memref<512xi32, #tpu.memory_space<hbm>>
    %dma_start3A_17 = arith.constant 0 : i32
    %dma_start3A_18 = tpu.memref_slice %arg4[%add3A, %dma_start3A_17] : memref<32x512xi32, #tpu.memory_space<hbm>> -> memref<1x512xi32, #tpu.memory_space<hbm>>
    %dma_start3A_19 = tpu.memref_squeeze %dma_start3A_18 : memref<1x512xi32, #tpu.memory_space<hbm>> -> memref<512xi32, #tpu.memory_space<hbm>>
    tpu.enqueue_dma source(%dma_start3A_19 : memref<512xi32, #tpu.memory_space<hbm>>) target(%arg17 : memref<512xi32, #tpu.memory_space<vmem>>) target_semaphore(%arg21 : memref<!tpu.dma_semaphore, #tpu.memory_space<semaphore_mem>>)
    %dma_start3A_20 = arith.constant 0 : i32
    %dma_start3A_21 = tpu.memref_slice %arg5[%add3A, %dma_start3A_20] : memref<32x512xi32, #tpu.memory_space<hbm>> -> memref<1x512xi32, #tpu.memory_space<hbm>>
    %dma_start3A_22 = tpu.memref_squeeze %dma_start3A_21 : memref<1x512xi32, #tpu.memory_space<hbm>> -> memref<512xi32, #tpu.memory_space<hbm>>
    %dma_start3A_23 = arith.constant 0 : i32
    %dma_start3A_24 = tpu.memref_slice %arg5[%add3A, %dma_start3A_23] : memref<32x512xi32, #tpu.memory_space<hbm>> -> memref<1x512xi32, #tpu.memory_space<hbm>>
    %dma_start3A_25 = tpu.memref_squeeze %dma_start3A_24 : memref<1x512xi32, #tpu.memory_space<hbm>> -> memref<512xi32, #tpu.memory_space<hbm>>
    tpu.enqueue_dma source(%dma_start3A_25 : memref<512xi32, #tpu.memory_space<hbm>>) target(%arg18 : memref<512xi32, #tpu.memory_space<vmem>>) target_semaphore(%arg21 : memref<!tpu.dma_semaphore, #tpu.memory_space<semaphore_mem>>)
    tpu.wait_dma2 semaphore(%arg20 : memref<!tpu.dma_semaphore, #tpu.memory_space<semaphore_mem>>) src(%arg6 : memref<768xf32, #tpu.memory_space<hbm>>) dst(%arg11 : memref<768xf32, #tpu.memory_space<vmem>>)
    tpu.wait_dma2 semaphore(%arg20 : memref<!tpu.dma_semaphore, #tpu.memory_space<semaphore_mem>>) src(%arg7 : memref<224xf32, #tpu.memory_space<hbm>>) dst(%arg12 : memref<224xf32, #tpu.memory_space<vmem>>)
    tpu.wait_dma2 semaphore(%arg20 : memref<!tpu.dma_semaphore, #tpu.memory_space<semaphore_mem>>) src(%arg8 : memref<384xf32, #tpu.memory_space<hbm>>) dst(%arg13 : memref<384xf32, #tpu.memory_space<vmem>>)
    tpu.wait_dma2 semaphore(%arg20 : memref<!tpu.dma_semaphore, #tpu.memory_space<semaphore_mem>>) src(%arg9 : memref<320xf32, #tpu.memory_space<hbm>>) dst(%arg14 : memref<320xf32, #tpu.memory_space<vmem>>)
    %dma_wait3A = arith.constant 0 : i32
    %dma_wait3A_26 = tpu.memref_slice %arg2[%add3A, %dma_wait3A] : memref<32x512xi32, #tpu.memory_space<hbm>> -> memref<1x512xi32, #tpu.memory_space<hbm>>
    %dma_wait3A_27 = tpu.memref_squeeze %dma_wait3A_26 : memref<1x512xi32, #tpu.memory_space<hbm>> -> memref<512xi32, #tpu.memory_space<hbm>>
    %dma_wait3A_28 = arith.constant 0 : i32
    %dma_wait3A_29 = tpu.memref_slice %arg2[%add3A, %dma_wait3A_28] : memref<32x512xi32, #tpu.memory_space<hbm>> -> memref<1x512xi32, #tpu.memory_space<hbm>>
    %dma_wait3A_30 = tpu.memref_squeeze %dma_wait3A_29 : memref<1x512xi32, #tpu.memory_space<hbm>> -> memref<512xi32, #tpu.memory_space<hbm>>
    tpu.wait_dma2 semaphore(%arg21 : memref<!tpu.dma_semaphore, #tpu.memory_space<semaphore_mem>>) src(%dma_wait3A_30 : memref<512xi32, #tpu.memory_space<hbm>>) dst(%arg15 : memref<512xi32, #tpu.memory_space<vmem>>)
    %dma_wait3A_31 = arith.constant 0 : i32
    %dma_wait3A_32 = tpu.memref_slice %arg3[%add3A, %dma_wait3A_31] : memref<32x512xi32, #tpu.memory_space<hbm>> -> memref<1x512xi32, #tpu.memory_space<hbm>>
    %dma_wait3A_33 = tpu.memref_squeeze %dma_wait3A_32 : memref<1x512xi32, #tpu.memory_space<hbm>> -> memref<512xi32, #tpu.memory_space<hbm>>
    %dma_wait3A_34 = arith.constant 0 : i32
    %dma_wait3A_35 = tpu.memref_slice %arg3[%add3A, %dma_wait3A_34] : memref<32x512xi32, #tpu.memory_space<hbm>> -> memref<1x512xi32, #tpu.memory_space<hbm>>
    %dma_wait3A_36 = tpu.memref_squeeze %dma_wait3A_35 : memref<1x512xi32, #tpu.memory_space<hbm>> -> memref<512xi32, #tpu.memory_space<hbm>>
    tpu.wait_dma2 semaphore(%arg21 : memref<!tpu.dma_semaphore, #tpu.memory_space<semaphore_mem>>) src(%dma_wait3A_36 : memref<512xi32, #tpu.memory_space<hbm>>) dst(%arg16 : memref<512xi32, #tpu.memory_space<vmem>>)
    %dma_wait3A_37 = arith.constant 0 : i32
    %dma_wait3A_38 = tpu.memref_slice %arg4[%add3A, %dma_wait3A_37] : memref<32x512xi32, #tpu.memory_space<hbm>> -> memref<1x512xi32, #tpu.memory_space<hbm>>
    %dma_wait3A_39 = tpu.memref_squeeze %dma_wait3A_38 : memref<1x512xi32, #tpu.memory_space<hbm>> -> memref<512xi32, #tpu.memory_space<hbm>>
    %dma_wait3A_40 = arith.constant 0 : i32
    %dma_wait3A_41 = tpu.memref_slice %arg4[%add3A, %dma_wait3A_40] : memref<32x512xi32, #tpu.memory_space<hbm>> -> memref<1x512xi32, #tpu.memory_space<hbm>>
    %dma_wait3A_42 = tpu.memref_squeeze %dma_wait3A_41 : memref<1x512xi32, #tpu.memory_space<hbm>> -> memref<512xi32, #tpu.memory_space<hbm>>
    tpu.wait_dma2 semaphore(%arg21 : memref<!tpu.dma_semaphore, #tpu.memory_space<semaphore_mem>>) src(%dma_wait3A_42 : memref<512xi32, #tpu.memory_space<hbm>>) dst(%arg17 : memref<512xi32, #tpu.memory_space<vmem>>)
    %dma_wait3A_43 = arith.constant 0 : i32
    %dma_wait3A_44 = tpu.memref_slice %arg5[%add3A, %dma_wait3A_43] : memref<32x512xi32, #tpu.memory_space<hbm>> -> memref<1x512xi32, #tpu.memory_space<hbm>>
    %dma_wait3A_45 = tpu.memref_squeeze %dma_wait3A_44 : memref<1x512xi32, #tpu.memory_space<hbm>> -> memref<512xi32, #tpu.memory_space<hbm>>
    %dma_wait3A_46 = arith.constant 0 : i32
    %dma_wait3A_47 = tpu.memref_slice %arg5[%add3A, %dma_wait3A_46] : memref<32x512xi32, #tpu.memory_space<hbm>> -> memref<1x512xi32, #tpu.memory_space<hbm>>
    %dma_wait3A_48 = tpu.memref_squeeze %dma_wait3A_47 : memref<1x512xi32, #tpu.memory_space<hbm>> -> memref<512xi32, #tpu.memory_space<hbm>>
    tpu.wait_dma2 semaphore(%arg21 : memref<!tpu.dma_semaphore, #tpu.memory_space<semaphore_mem>>) src(%dma_wait3A_48 : memref<512xi32, #tpu.memory_space<hbm>>) dst(%arg18 : memref<512xi32, #tpu.memory_space<vmem>>)
    %parallel_loop3A = arith.constant 0 : i32
    %parallel_loop3A_49 = arith.constant 16 : i32
    %parallel_loop3A_50 = arith.constant 1 : i32
    scf.for %parallel_loop3A_86 = %parallel_loop3A to %parallel_loop3A_49 step %parallel_loop3A_50  : i32 {
      %parallel_loop3A_87 = arith.constant 16 : i32
      %parallel_loop3A_88 = arith.muli %parallel_loop3A_86, %parallel_loop3A_87 : i32
      %parallel_loop3A_89 = arith.index_cast %parallel_loop3A_88 : i32 to index
      %parallel_loop3A_90 = tpu.vector_load %arg15[%parallel_loop3A_89] {strides = array<i32>} : memref<512xi32, #tpu.memory_space<vmem>>, vector<16xi32>,
      %parallel_loop3A_91 = arith.constant 32 : i32
      %parallel_loop3A_92 = vector.broadcast %parallel_loop3A_91 : i32 to vector<16xi32>
      %parallel_loop3A_93 = arith.muli %parallel_loop3A_90, %parallel_loop3A_92 : vector<16xi32>
      %parallel_loop3A_94 = arith.constant 16 : i32
      %parallel_loop3A_95 = arith.muli %parallel_loop3A_86, %parallel_loop3A_94 : i32
      %parallel_loop3A_96 = arith.index_cast %parallel_loop3A_95 : i32 to index
      %parallel_loop3A_97 = tpu.vector_load %arg16[%parallel_loop3A_96] {strides = array<i32>} : memref<512xi32, #tpu.memory_space<vmem>>, vector<16xi32>,
      %parallel_loop3A_98 = arith.constant 32 : i32
      %parallel_loop3A_99 = vector.broadcast %parallel_loop3A_98 : i32 to vector<16xi32>
      %parallel_loop3A_100 = arith.muli %parallel_loop3A_97, %parallel_loop3A_99 : vector<16xi32>
      %parallel_loop3A_101 = arith.constant 16 : i32
      %parallel_loop3A_102 = arith.muli %parallel_loop3A_86, %parallel_loop3A_101 : i32
      %parallel_loop3A_103 = arith.index_cast %parallel_loop3A_102 : i32 to index
      %parallel_loop3A_104 = tpu.vector_load %arg17[%parallel_loop3A_103] {strides = array<i32>} : memref<512xi32, #tpu.memory_space<vmem>>, vector<16xi32>,
      %parallel_loop3A_105 = arith.constant 32 : i32
      %parallel_loop3A_106 = vector.broadcast %parallel_loop3A_105 : i32 to vector<16xi32>
      %parallel_loop3A_107 = arith.muli %parallel_loop3A_104, %parallel_loop3A_106 : vector<16xi32>
      %parallel_loop3A_108 = arith.constant 16 : i32
      %parallel_loop3A_109 = arith.muli %parallel_loop3A_86, %parallel_loop3A_108 : i32
      %parallel_loop3A_110 = arith.index_cast %parallel_loop3A_109 : i32 to index
      %parallel_loop3A_111 = tpu.vector_load %arg18[%parallel_loop3A_110] {strides = array<i32>} : memref<512xi32, #tpu.memory_space<vmem>>, vector<16xi32>,
      %parallel_loop3A_112 = arith.constant 32 : i32
      %parallel_loop3A_113 = vector.broadcast %parallel_loop3A_112 : i32 to vector<16xi32>
      %parallel_loop3A_114 = arith.muli %parallel_loop3A_111, %parallel_loop3A_113 : vector<16xi32>
      %parallel_loop3A_115 = vector.extract_strided_slice %parallel_loop3A_93 {offsets = [0], sizes = [1], strides = [1]} : vector<16xi32> to vector<1xi32>
      %parallel_loop3A_116 = vector.extract %parallel_loop3A_115[0] : i32 from vector<1xi32>
      %parallel_loop3A_117 = vector.extract_strided_slice %parallel_loop3A_100 {offsets = [0], sizes = [1], strides = [1]} : vector<16xi32> to vector<1xi32>
      %parallel_loop3A_118 = vector.extract %parallel_loop3A_117[0] : i32 from vector<1xi32>
      %parallel_loop3A_119 = vector.extract_strided_slice %parallel_loop3A_107 {offsets = [0], sizes = [1], strides = [1]} : vector<16xi32> to vector<1xi32>
      %parallel_loop3A_120 = vector.extract %parallel_loop3A_119[0] : i32 from vector<1xi32>
      %parallel_loop3A_121 = vector.extract_strided_slice %parallel_loop3A_114 {offsets = [0], sizes = [1], strides = [1]} : vector<16xi32> to vector<1xi32>
      %parallel_loop3A_122 = vector.extract %parallel_loop3A_121[0] : i32 from vector<1xi32>
      %parallel_loop3A_123 = arith.constant 0 : i32
      %parallel_loop3A_124 = arith.addi %parallel_loop3A_116, %parallel_loop3A_123 : i32
      %parallel_loop3A_125 = arith.index_cast %parallel_loop3A_124 : i32 to index
      %parallel_loop3A_126 = tpu.vector_load %arg11[%parallel_loop3A_125] {strides = array<i32>} : memref<768xf32, #tpu.memory_space<vmem>>, vector<16xf32>,
      %parallel_loop3A_127 = arith.constant 16 : i32
      %parallel_loop3A_128 = arith.addi %parallel_loop3A_116, %parallel_loop3A_127 : i32
      %parallel_loop3A_129 = arith.index_cast %parallel_loop3A_128 : i32 to index
      %parallel_loop3A_130 = tpu.vector_load %arg11[%parallel_loop3A_129] {strides = array<i32>} : memref<768xf32, #tpu.memory_space<vmem>>, vector<16xf32>,
      %parallel_loop3A_131 = arith.constant 0 : i32
      %parallel_loop3A_132 = arith.addi %parallel_loop3A_118, %parallel_loop3A_131 : i32
      %parallel_loop3A_133 = arith.index_cast %parallel_loop3A_132 : i32 to index
      %parallel_loop3A_134 = tpu.vector_load %arg12[%parallel_loop3A_133] {strides = array<i32>} : memref<224xf32, #tpu.memory_space<vmem>>, vector<16xf32>,
      %parallel_loop3A_135 = arith.constant 16 : i32
      %parallel_loop3A_136 = arith.addi %parallel_loop3A_118, %parallel_loop3A_135 : i32
      %parallel_loop3A_137 = arith.index_cast %parallel_loop3A_136 : i32 to index
      %parallel_loop3A_138 = tpu.vector_load %arg12[%parallel_loop3A_137] {strides = array<i32>} : memref<224xf32, #tpu.memory_space<vmem>>, vector<16xf32>,
      %parallel_loop3A_139 = arith.constant 0 : i32
      %parallel_loop3A_140 = arith.addi %parallel_loop3A_120, %parallel_loop3A_139 : i32
      %parallel_loop3A_141 = arith.index_cast %parallel_loop3A_140 : i32 to index
      %parallel_loop3A_142 = tpu.vector_load %arg13[%parallel_loop3A_141] {strides = array<i32>} : memref<384xf32, #tpu.memory_space<vmem>>, vector<16xf32>,
      %parallel_loop3A_143 = arith.constant 16 : i32
      %parallel_loop3A_144 = arith.addi %parallel_loop3A_120, %parallel_loop3A_143 : i32
      %parallel_loop3A_145 = arith.index_cast %parallel_loop3A_144 : i32 to index
      %parallel_loop3A_146 = tpu.vector_load %arg13[%parallel_loop3A_145] {strides = array<i32>} : memref<384xf32, #tpu.memory_space<vmem>>, vector<16xf32>,
      %parallel_loop3A_147 = arith.constant 0 : i32
      %parallel_loop3A_148 = arith.addi %parallel_loop3A_122, %parallel_loop3A_147 : i32
      %parallel_loop3A_149 = arith.index_cast %parallel_loop3A_148 : i32 to index
      %parallel_loop3A_150 = tpu.vector_load %arg14[%parallel_loop3A_149] {strides = array<i32>} : memref<320xf32, #tpu.memory_space<vmem>>, vector<16xf32>,
      %parallel_loop3A_151 = arith.constant 16 : i32
      %parallel_loop3A_152 = arith.addi %parallel_loop3A_122, %parallel_loop3A_151 : i32
      %parallel_loop3A_153 = arith.index_cast %parallel_loop3A_152 : i32 to index
      %parallel_loop3A_154 = tpu.vector_load %arg14[%parallel_loop3A_153] {strides = array<i32>} : memref<320xf32, #tpu.memory_space<vmem>>, vector<16xf32>,
      %parallel_loop3A_155 = arith.constant 16 : i32
      %parallel_loop3A_156 = arith.muli %parallel_loop3A_86, %parallel_loop3A_155 : i32
      %parallel_loop3A_157 = arith.constant 0 : i32
      %parallel_loop3A_158 = arith.addi %parallel_loop3A_156, %parallel_loop3A_157 : i32
      %parallel_loop3A_159 = arith.constant 128 : i32
      %parallel_loop3A_160 = arith.muli %parallel_loop3A_158, %parallel_loop3A_159 : i32
      %parallel_loop3A_161 = arith.constant 0 : i32
      %parallel_loop3A_162 = arith.addi %parallel_loop3A_160, %parallel_loop3A_161 : i32
      %parallel_loop3A_163 = arith.index_cast %parallel_loop3A_162 : i32 to index
      %parallel_loop3A_164 = tpu.vector_load %arg19[%parallel_loop3A_163] {strides = array<i32>} : memref<65536xf32, #tpu.memory_space<vmem>>, vector<16xf32>,
      tpu.vector_store %arg19[%parallel_loop3A_163], %parallel_loop3A_126 {strides = array<i32>} : memref<65536xf32, #tpu.memory_space<vmem>>, vector<16xf32>,
      %parallel_loop3A_165 = arith.constant 16 : i32
      %parallel_loop3A_166 = arith.addi %parallel_loop3A_160, %parallel_loop3A_165 : i32
      %parallel_loop3A_167 = arith.index_cast %parallel_loop3A_166 : i32 to index
      %parallel_loop3A_168 = tpu.vector_load %arg19[%parallel_loop3A_167] {strides = array<i32>} : memref<65536xf32, #tpu.memory_space<vmem>>, vector<16xf32>,
      tpu.vector_store %arg19[%parallel_loop3A_167], %parallel_loop3A_130 {strides = array<i32>} : memref<65536xf32, #tpu.memory_space<vmem>>, vector<16xf32>,
      %parallel_loop3A_169 = arith.constant 32 : i32
      %parallel_loop3A_170 = arith.addi %parallel_loop3A_160, %parallel_loop3A_169 : i32
      %parallel_loop3A_171 = arith.index_cast %parallel_loop3A_170 : i32 to index
      %parallel_loop3A_172 = tpu.vector_load %arg19[%parallel_loop3A_171] {strides = array<i32>} : memref<65536xf32, #tpu.memory_space<vmem>>, vector<16xf32>,
      tpu.vector_store %arg19[%parallel_loop3A_171], %parallel_loop3A_134 {strides = array<i32>} : memref<65536xf32, #tpu.memory_space<vmem>>, vector<16xf32>,
      %parallel_loop3A_173 = arith.constant 48 : i32
      %parallel_loop3A_174 = arith.addi %parallel_loop3A_160, %parallel_loop3A_173 : i32
      %parallel_loop3A_175 = arith.index_cast %parallel_loop3A_174 : i32 to index
      %parallel_loop3A_176 = tpu.vector_load %arg19[%parallel_loop3A_175] {strides = array<i32>} : memref<65536xf32, #tpu.memory_space<vmem>>, vector<16xf32>,
      tpu.vector_store %arg19[%parallel_loop3A_175], %parallel_loop3A_138 {strides = array<i32>} : memref<65536xf32, #tpu.memory_space<vmem>>, vector<16xf32>,
      %parallel_loop3A_177 = arith.constant 64 : i32
      %parallel_loop3A_178 = arith.addi %parallel_loop3A_160, %parallel_loop3A_177 : i32
      %parallel_loop3A_179 = arith.index_cast %parallel_loop3A_178 : i32 to index
      %parallel_loop3A_180 = tpu.vector_load %arg19[%parallel_loop3A_179] {strides = array<i32>} : memref<65536xf32, #tpu.memory_space<vmem>>, vector<16xf32>,
      tpu.vector_store %arg19[%parallel_loop3A_179], %parallel_loop3A_142 {strides = array<i32>} : memref<65536xf32, #tpu.memory_space<vmem>>, vector<16xf32>,
      %parallel_loop3A_181 = arith.constant 80 : i32
      %parallel_loop3A_182 = arith.addi %parallel_loop3A_160, %parallel_loop3A_181 : i32
      %parallel_loop3A_183 = arith.index_cast %parallel_loop3A_182 : i32 to index
      %parallel_loop3A_184 = tpu.vector_load %arg19[%parallel_loop3A_183] {strides = array<i32>} : memref<65536xf32, #tpu.memory_space<vmem>>, vector<16xf32>,
      tpu.vector_store %arg19[%parallel_loop3A_183], %parallel_loop3A_146 {strides = array<i32>} : memref<65536xf32, #tpu.memory_space<vmem>>, vector<16xf32>,
      %parallel_loop3A_185 = arith.constant 96 : i32
      %parallel_loop3A_186 = arith.addi %parallel_loop3A_160, %parallel_loop3A_185 : i32
      %parallel_loop3A_187 = arith.index_cast %parallel_loop3A_186 : i32 to index
      %parallel_loop3A_188 = tpu.vector_load %arg19[%parallel_loop3A_187] {strides = array<i32>} : memref<65536xf32, #tpu.memory_space<vmem>>, vector<16xf32>,
      tpu.vector_store %arg19[%parallel_loop3A_187], %parallel_loop3A_150 {strides = array<i32>} : memref<65536xf32, #tpu.memory_space<vmem>>, vector<16xf32>,
      %parallel_loop3A_189 = arith.constant 112 : i32
      %parallel_loop3A_190 = arith.addi %parallel_loop3A_160, %parallel_loop3A_189 : i32
      %parallel_loop3A_191 = arith.index_cast %parallel_loop3A_190 : i32 to index
      %parallel_loop3A_192 = tpu.vector_load %arg19[%parallel_loop3A_191] {strides = array<i32>} : memref<65536xf32, #tpu.memory_space<vmem>>, vector<16xf32>,
      tpu.vector_store %arg19[%parallel_loop3A_191], %parallel_loop3A_154 {strides = array<i32>} : memref<65536xf32, #tpu.memory_space<vmem>>, vector<16xf32>,
      %parallel_loop3A_193 = vector.extract_strided_slice %parallel_loop3A_93 {offsets = [1], sizes = [1], strides = [1]} : vector<16xi32> to vector<1xi32>
      %parallel_loop3A_194 = vector.extract %parallel_loop3A_193[0] : i32 from vector<1xi32>
      %parallel_loop3A_195 = vector.extract_strided_slice %parallel_loop3A_100 {offsets = [1], sizes = [1], strides = [1]} : vector<16xi32> to vector<1xi32>
      %parallel_loop3A_196 = vector.extract %parallel_loop3A_195[0] : i32 from vector<1xi32>
      %parallel_loop3A_197 = vector.extract_strided_slice %parallel_loop3A_107 {offsets = [1], sizes = [1], strides = [1]} : vector<16xi32> to vector<1xi32>
      %parallel_loop3A_198 = vector.extract %parallel_loop3A_197[0] : i32 from vector<1xi32>
      %parallel_loop3A_199 = vector.extract_strided_slice %parallel_loop3A_114 {offsets = [1], sizes = [1], strides = [1]} : vector<16xi32> to vector<1xi32>
      %parallel_loop3A_200 = vector.extract %parallel_loop3A_199[0] : i32 from vector<1xi32>
      %parallel_loop3A_201 = arith.constant 0 : i32
      %parallel_loop3A_202 = arith.addi %parallel_loop3A_194, %parallel_loop3A_201 : i32
      %parallel_loop3A_203 = arith.index_cast %parallel_loop3A_202 : i32 to index
      %parallel_loop3A_204 = tpu.vector_load %arg11[%parallel_loop3A_203] {strides = array<i32>} : memref<768xf32, #tpu.memory_space<vmem>>, vector<16xf32>,
      %parallel_loop3A_205 = arith.constant 16 : i32
      %parallel_loop3A_206 = arith.addi %parallel_loop3A_194, %parallel_loop3A_205 : i32
      %parallel_loop3A_207 = arith.index_cast %parallel_loop3A_206 : i32 to index
      %parallel_loop3A_208 = tpu.vector_load %arg11[%parallel_loop3A_207] {strides = array<i32>} : memref<768xf32, #tpu.memory_space<vmem>>, vector<16xf32>,
      %parallel_loop3A_209 = arith.constant 0 : i32
      %parallel_loop3A_210 = arith.addi %parallel_loop3A_196, %parallel_loop3A_209 : i32
      %parallel_loop3A_211 = arith.index_cast %parallel_loop3A_210 : i32 to index
      %parallel_loop3A_212 = tpu.vector_load %arg12[%parallel_loop3A_211] {strides = array<i32>} : memref<224xf32, #tpu.memory_space<vmem>>, vector<16xf32>,
      %parallel_loop3A_213 = arith.constant 16 : i32
      %parallel_loop3A_214 = arith.addi %parallel_loop3A_196, %parallel_loop3A_213 : i32
      %parallel_loop3A_215 = arith.index_cast %parallel_loop3A_214 : i32 to index
      %parallel_loop3A_216 = tpu.vector_load %arg12[%parallel_loop3A_215] {strides = array<i32>} : memref<224xf32, #tpu.memory_space<vmem>>, vector<16xf32>,
      %parallel_loop3A_217 = arith.constant 0 : i32
      %parallel_loop3A_218 = arith.addi %parallel_loop3A_198, %parallel_loop3A_217 : i32
      %parallel_loop3A_219 = arith.index_cast %parallel_loop3A_218 : i32 to index
      %parallel_loop3A_220 = tpu.vector_load %arg13[%parallel_loop3A_219] {strides = array<i32>} : memref<384xf32, #tpu.memory_space<vmem>>, vector<16xf32>,
      %parallel_loop3A_221 = arith.constant 16 : i32
      %parallel_loop3A_222 = arith.addi %parallel_loop3A_198, %parallel_loop3A_221 : i32
      %parallel_loop3A_223 = arith.index_cast %parallel_loop3A_222 : i32 to index
      %parallel_loop3A_224 = tpu.vector_load %arg13[%parallel_loop3A_223] {strides = array<i32>} : memref<384xf32, #tpu.memory_space<vmem>>, vector<16xf32>,
      %parallel_loop3A_225 = arith.constant 0 : i32
      %parallel_loop3A_226 = arith.addi %parallel_loop3A_200, %parallel_loop3A_225 : i32
      %parallel_loop3A_227 = arith.index_cast %parallel_loop3A_226 : i32 to index
      %parallel_loop3A_228 = tpu.vector_load %arg14[%parallel_loop3A_227] {strides = array<i32>} : memref<320xf32, #tpu.memory_space<vmem>>, vector<16xf32>,
      %parallel_loop3A_229 = arith.constant 16 : i32
      %parallel_loop3A_230 = arith.addi %parallel_loop3A_200, %parallel_loop3A_229 : i32
      %parallel_loop3A_231 = arith.index_cast %parallel_loop3A_230 : i32 to index
      %parallel_loop3A_232 = tpu.vector_load %arg14[%parallel_loop3A_231] {strides = array<i32>} : memref<320xf32, #tpu.memory_space<vmem>>, vector<16xf32>,
      %parallel_loop3A_233 = arith.constant 16 : i32
      %parallel_loop3A_234 = arith.muli %parallel_loop3A_86, %parallel_loop3A_233 : i32
      %parallel_loop3A_235 = arith.constant 1 : i32
      %parallel_loop3A_236 = arith.addi %parallel_loop3A_234, %parallel_loop3A_235 : i32
      %parallel_loop3A_237 = arith.constant 128 : i32
      %parallel_loop3A_238 = arith.muli %parallel_loop3A_236, %parallel_loop3A_237 : i32
      %parallel_loop3A_239 = arith.constant 0 : i32
      %parallel_loop3A_240 = arith.addi %parallel_loop3A_238, %parallel_loop3A_239 : i32
      %parallel_loop3A_241 = arith.index_cast %parallel_loop3A_240 : i32 to index
      %parallel_loop3A_242 = tpu.vector_load %arg19[%parallel_loop3A_241] {strides = array<i32>} : memref<65536xf32, #tpu.memory_space<vmem>>, vector<16xf32>,
      tpu.vector_store %arg19[%parallel_loop3A_241], %parallel_loop3A_204 {strides = array<i32>} : memref<65536xf32, #tpu.memory_space<vmem>>, vector<16xf32>,
      %parallel_loop3A_243 = arith.constant 16 : i32
      %parallel_loop3A_244 = arith.addi %parallel_loop3A_238, %parallel_loop3A_243 : i32
      %parallel_loop3A_245 = arith.index_cast %parallel_loop3A_244 : i32 to index
      %parallel_loop3A_246 = tpu.vector_load %arg19[%parallel_loop3A_245] {strides = array<i32>} : memref<65536xf32, #tpu.memory_space<vmem>>, vector<16xf32>,
      tpu.vector_store %arg19[%parallel_loop3A_245], %parallel_loop3A_208 {strides = array<i32>} : memref<65536xf32, #tpu.memory_space<vmem>>, vector<16xf32>,
      %parallel_loop3A_247 = arith.constant 32 : i32
      %parallel_loop3A_248 = arith.addi %parallel_loop3A_238, %parallel_loop3A_247 : i32
      %parallel_loop3A_249 = arith.index_cast %parallel_loop3A_248 : i32 to index
      %parallel_loop3A_250 = tpu.vector_load %arg19[%parallel_loop3A_249] {strides = array<i32>} : memref<65536xf32, #tpu.memory_space<vmem>>, vector<16xf32>,
      tpu.vector_store %arg19[%parallel_loop3A_249], %parallel_loop3A_212 {strides = array<i32>} : memref<65536xf32, #tpu.memory_space<vmem>>, vector<16xf32>,
      %parallel_loop3A_251 = arith.constant 48 : i32
      %parallel_loop3A_252 = arith.addi %parallel_loop3A_238, %parallel_loop3A_251 : i32
      %parallel_loop3A_253 = arith.index_cast %parallel_loop3A_252 : i32 to index
      %parallel_loop3A_254 = tpu.vector_load %arg19[%parallel_loop3A_253] {strides = array<i32>} : memref<65536xf32, #tpu.memory_space<vmem>>, vector<16xf32>,
      tpu.vector_store %arg19[%parallel_loop3A_253], %parallel_loop3A_216 {strides = array<i32>} : memref<65536xf32, #tpu.memory_space<vmem>>, vector<16xf32>,
      %parallel_loop3A_255 = arith.constant 64 : i32
      %parallel_loop3A_256 = arith.addi %parallel_loop3A_238, %parallel_loop3A_255 : i32
      %parallel_loop3A_257 = arith.index_cast %parallel_loop3A_256 : i32 to index
      %parallel_loop3A_258 = tpu.vector_load %arg19[%parallel_loop3A_257] {strides = array<i32>} : memref<65536xf32, #tpu.memory_space<vmem>>, vector<16xf32>,
      tpu.vector_store %arg19[%parallel_loop3A_257], %parallel_loop3A_220 {strides = array<i32>} : memref<65536xf32, #tpu.memory_space<vmem>>, vector<16xf32>,
      %parallel_loop3A_259 = arith.constant 80 : i32
      %parallel_loop3A_260 = arith.addi %parallel_loop3A_238, %parallel_loop3A_259 : i32
      %parallel_loop3A_261 = arith.index_cast %parallel_loop3A_260 : i32 to index
      %parallel_loop3A_262 = tpu.vector_load %arg19[%parallel_loop3A_261] {strides = array<i32>} : memref<65536xf32, #tpu.memory_space<vmem>>, vector<16xf32>,
      tpu.vector_store %arg19[%parallel_loop3A_261], %parallel_loop3A_224 {strides = array<i32>} : memref<65536xf32, #tpu.memory_space<vmem>>, vector<16xf32>,
      %parallel_loop3A_263 = arith.constant 96 : i32
      %parallel_loop3A_264 = arith.addi %parallel_loop3A_238, %parallel_loop3A_263 : i32
      %parallel_loop3A_265 = arith.index_cast %parallel_loop3A_264 : i32 to index
      %parallel_loop3A_266 = tpu.vector_load %arg19[%parallel_loop3A_265] {strides = array<i32>} : memref<65536xf32, #tpu.memory_space<vmem>>, vector<16xf32>,
      tpu.vector_store %arg19[%parallel_loop3A_265], %parallel_loop3A_228 {strides = array<i32>} : memref<65536xf32, #tpu.memory_space<vmem>>, vector<16xf32>,
      %parallel_loop3A_267 = arith.constant 112 : i32
      %parallel_loop3A_268 = arith.addi %parallel_loop3A_238, %parallel_loop3A_267 : i32
      %parallel_loop3A_269 = arith.index_cast %parallel_loop3A_268 : i32 to index
      %parallel_loop3A_270 = tpu.vector_load %arg19[%parallel_loop3A_269] {strides = array<i32>} : memref<65536xf32, #tpu.memory_space<vmem>>, vector<16xf32>,
      tpu.vector_store %arg19[%parallel_loop3A_269], %parallel_loop3A_232 {strides = array<i32>} : memref<65536xf32, #tpu.memory_space<vmem>>, vector<16xf32>,
      %parallel_loop3A_271 = vector.extract_strided_slice %parallel_loop3A_93 {offsets = [2], sizes = [1], strides = [1]} : vector<16xi32> to vector<1xi32>
      %parallel_loop3A_272 = vector.extract %parallel_loop3A_271[0] : i32 from vector<1xi32>
      %parallel_loop3A_273 = vector.extract_strided_slice %parallel_loop3A_100 {offsets = [2], sizes = [1], strides = [1]} : vector<16xi32> to vector<1xi32>
      %parallel_loop3A_274 = vector.extract %parallel_loop3A_273[0] : i32 from vector<1xi32>
      %parallel_loop3A_275 = vector.extract_strided_slice %parallel_loop3A_107 {offsets = [2], sizes = [1], strides = [1]} : vector<16xi32> to vector<1xi32>
      %parallel_loop3A_276 = vector.extract %parallel_loop3A_275[0] : i32 from vector<1xi32>
      %parallel_loop3A_277 = vector.extract_strided_slice %parallel_loop3A_114 {offsets = [2], sizes = [1], strides = [1]} : vector<16xi32> to vector<1xi32>
      %parallel_loop3A_278 = vector.extract %parallel_loop3A_277[0] : i32 from vector<1xi32>
      %parallel_loop3A_279 = arith.constant 0 : i32
      %parallel_loop3A_280 = arith.addi %parallel_loop3A_272, %parallel_loop3A_279 : i32
      %parallel_loop3A_281 = arith.index_cast %parallel_loop3A_280 : i32 to index
      %parallel_loop3A_282 = tpu.vector_load %arg11[%parallel_loop3A_281] {strides = array<i32>} : memref<768xf32, #tpu.memory_space<vmem>>, vector<16xf32>,
      %parallel_loop3A_283 = arith.constant 16 : i32
      %parallel_loop3A_284 = arith.addi %parallel_loop3A_272, %parallel_loop3A_283 : i32
      %parallel_loop3A_285 = arith.index_cast %parallel_loop3A_284 : i32 to index
      %parallel_loop3A_286 = tpu.vector_load %arg11[%parallel_loop3A_285] {strides = array<i32>} : memref<768xf32, #tpu.memory_space<vmem>>, vector<16xf32>,
      %parallel_loop3A_287 = arith.constant 0 : i32
      %parallel_loop3A_288 = arith.addi %parallel_loop3A_274, %parallel_loop3A_287 : i32
      %parallel_loop3A_289 = arith.index_cast %parallel_loop3A_288 : i32 to index
      %parallel_loop3A_290 = tpu.vector_load %arg12[%parallel_loop3A_289] {strides = array<i32>} : memref<224xf32, #tpu.memory_space<vmem>>, vector<16xf32>,
      %parallel_loop3A_291 = arith.constant 16 : i32
      %parallel_loop3A_292 = arith.addi %parallel_loop3A_274, %parallel_loop3A_291 : i32
      %parallel_loop3A_293 = arith.index_cast %parallel_loop3A_292 : i32 to index
      %parallel_loop3A_294 = tpu.vector_load %arg12[%parallel_loop3A_293] {strides = array<i32>} : memref<224xf32, #tpu.memory_space<vmem>>, vector<16xf32>,
      %parallel_loop3A_295 = arith.constant 0 : i32
      %parallel_loop3A_296 = arith.addi %parallel_loop3A_276, %parallel_loop3A_295 : i32
      %parallel_loop3A_297 = arith.index_cast %parallel_loop3A_296 : i32 to index
      %parallel_loop3A_298 = tpu.vector_load %arg13[%parallel_loop3A_297] {strides = array<i32>} : memref<384xf32, #tpu.memory_space<vmem>>, vector<16xf32>,
      %parallel_loop3A_299 = arith.constant 16 : i32
      %parallel_loop3A_300 = arith.addi %parallel_loop3A_276, %parallel_loop3A_299 : i32
      %parallel_loop3A_301 = arith.index_cast %parallel_loop3A_300 : i32 to index
      %parallel_loop3A_302 = tpu.vector_load %arg13[%parallel_loop3A_301] {strides = array<i32>} : memref<384xf32, #tpu.memory_space<vmem>>, vector<16xf32>,
      %parallel_loop3A_303 = arith.constant 0 : i32
      %parallel_loop3A_304 = arith.addi %parallel_loop3A_278, %parallel_loop3A_303 : i32
      %parallel_loop3A_305 = arith.index_cast %parallel_loop3A_304 : i32 to index
      %parallel_loop3A_306 = tpu.vector_load %arg14[%parallel_loop3A_305] {strides = array<i32>} : memref<320xf32, #tpu.memory_space<vmem>>, vector<16xf32>,
      %parallel_loop3A_307 = arith.constant 16 : i32
      %parallel_loop3A_308 = arith.addi %parallel_loop3A_278, %parallel_loop3A_307 : i32
      %parallel_loop3A_309 = arith.index_cast %parallel_loop3A_308 : i32 to index
      %parallel_loop3A_310 = tpu.vector_load %arg14[%parallel_loop3A_309] {strides = array<i32>} : memref<320xf32, #tpu.memory_space<vmem>>, vector<16xf32>,
      %parallel_loop3A_311 = arith.constant 16 : i32
      %parallel_loop3A_312 = arith.muli %parallel_loop3A_86, %parallel_loop3A_311 : i32
      %parallel_loop3A_313 = arith.constant 2 : i32
      %parallel_loop3A_314 = arith.addi %parallel_loop3A_312, %parallel_loop3A_313 : i32
      %parallel_loop3A_315 = arith.constant 128 : i32
      %parallel_loop3A_316 = arith.muli %parallel_loop3A_314, %parallel_loop3A_315 : i32
      %parallel_loop3A_317 = arith.constant 0 : i32
      %parallel_loop3A_318 = arith.addi %parallel_loop3A_316, %parallel_loop3A_317 : i32
      %parallel_loop3A_319 = arith.index_cast %parallel_loop3A_318 : i32 to index
      %parallel_loop3A_320 = tpu.vector_load %arg19[%parallel_loop3A_319] {strides = array<i32>} : memref<65536xf32, #tpu.memory_space<vmem>>, vector<16xf32>,
      tpu.vector_store %arg19[%parallel_loop3A_319], %parallel_loop3A_282 {strides = array<i32>} : memref<65536xf32, #tpu.memory_space<vmem>>, vector<16xf32>,
      %parallel_loop3A_321 = arith.constant 16 : i32
      %parallel_loop3A_322 = arith.addi %parallel_loop3A_316, %parallel_loop3A_321 : i32
      %parallel_loop3A_323 = arith.index_cast %parallel_loop3A_322 : i32 to index
      %parallel_loop3A_324 = tpu.vector_load %arg19[%parallel_loop3A_323] {strides = array<i32>} : memref<65536xf32, #tpu.memory_space<vmem>>, vector<16xf32>,
      tpu.vector_store %arg19[%parallel_loop3A_323], %parallel_loop3A_286 {strides = array<i32>} : memref<65536xf32, #tpu.memory_space<vmem>>, vector<16xf32>,
      %parallel_loop3A_325 = arith.constant 32 : i32
      %parallel_loop3A_326 = arith.addi %parallel_loop3A_316, %parallel_loop3A_325 : i32
      %parallel_loop3A_327 = arith.index_cast %parallel_loop3A_326 : i32 to index
      %parallel_loop3A_328 = tpu.vector_load %arg19[%parallel_loop3A_327] {strides = array<i32>} : memref<65536xf32, #tpu.memory_space<vmem>>, vector<16xf32>,
      tpu.vector_store %arg19[%parallel_loop3A_327], %parallel_loop3A_290 {strides = array<i32>} : memref<65536xf32, #tpu.memory_space<vmem>>, vector<16xf32>,
      %parallel_loop3A_329 = arith.constant 48 : i32
      %parallel_loop3A_330 = arith.addi %parallel_loop3A_316, %parallel_loop3A_329 : i32
      %parallel_loop3A_331 = arith.index_cast %parallel_loop3A_330 : i32 to index
      %parallel_loop3A_332 = tpu.vector_load %arg19[%parallel_loop3A_331] {strides = array<i32>} : memref<65536xf32, #tpu.memory_space<vmem>>, vector<16xf32>,
      tpu.vector_store %arg19[%parallel_loop3A_331], %parallel_loop3A_294 {strides = array<i32>} : memref<65536xf32, #tpu.memory_space<vmem>>, vector<16xf32>,
      %parallel_loop3A_333 = arith.constant 64 : i32
      %parallel_loop3A_334 = arith.addi %parallel_loop3A_316, %parallel_loop3A_333 : i32
      %parallel_loop3A_335 = arith.index_cast %parallel_loop3A_334 : i32 to index
      %parallel_loop3A_336 = tpu.vector_load %arg19[%parallel_loop3A_335] {strides = array<i32>} : memref<65536xf32, #tpu.memory_space<vmem>>, vector<16xf32>,
      tpu.vector_store %arg19[%parallel_loop3A_335], %parallel_loop3A_298 {strides = array<i32>} : memref<65536xf32, #tpu.memory_space<vmem>>, vector<16xf32>,
      %parallel_loop3A_337 = arith.constant 80 : i32
      %parallel_loop3A_338 = arith.addi %parallel_loop3A_316, %parallel_loop3A_337 : i32
      %parallel_loop3A_339 = arith.index_cast %parallel_loop3A_338 : i32 to index
      %parallel_loop3A_340 = tpu.vector_load %arg19[%parallel_loop3A_339] {strides = array<i32>} : memref<65536xf32, #tpu.memory_space<vmem>>, vector<16xf32>,
      tpu.vector_store %arg19[%parallel_loop3A_339], %parallel_loop3A_302 {strides = array<i32>} : memref<65536xf32, #tpu.memory_space<vmem>>, vector<16xf32>,
      %parallel_loop3A_341 = arith.constant 96 : i32
      %parallel_loop3A_342 = arith.addi %parallel_loop3A_316, %parallel_loop3A_341 : i32
      %parallel_loop3A_343 = arith.index_cast %parallel_loop3A_342 : i32 to index
      %parallel_loop3A_344 = tpu.vector_load %arg19[%parallel_loop3A_343] {strides = array<i32>} : memref<65536xf32, #tpu.memory_space<vmem>>, vector<16xf32>,
      tpu.vector_store %arg19[%parallel_loop3A_343], %parallel_loop3A_306 {strides = array<i32>} : memref<65536xf32, #tpu.memory_space<vmem>>, vector<16xf32>,
      %parallel_loop3A_345 = arith.constant 112 : i32
      %parallel_loop3A_346 = arith.addi %parallel_loop3A_316, %parallel_loop3A_345 : i32
      %parallel_loop3A_347 = arith.index_cast %parallel_loop3A_346 : i32 to index
      %parallel_loop3A_348 = tpu.vector_load %arg19[%parallel_loop3A_347] {strides = array<i32>} : memref<65536xf32, #tpu.memory_space<vmem>>, vector<16xf32>,
      tpu.vector_store %arg19[%parallel_loop3A_347], %parallel_loop3A_310 {strides = array<i32>} : memref<65536xf32, #tpu.memory_space<vmem>>, vector<16xf32>,
      %parallel_loop3A_349 = vector.extract_strided_slice %parallel_loop3A_93 {offsets = [3], sizes = [1], strides = [1]} : vector<16xi32> to vector<1xi32>
      %parallel_loop3A_350 = vector.extract %parallel_loop3A_349[0] : i32 from vector<1xi32>
      %parallel_loop3A_351 = vector.extract_strided_slice %parallel_loop3A_100 {offsets = [3], sizes = [1], strides = [1]} : vector<16xi32> to vector<1xi32>
      %parallel_loop3A_352 = vector.extract %parallel_loop3A_351[0] : i32 from vector<1xi32>
      %parallel_loop3A_353 = vector.extract_strided_slice %parallel_loop3A_107 {offsets = [3], sizes = [1], strides = [1]} : vector<16xi32> to vector<1xi32>
      %parallel_loop3A_354 = vector.extract %parallel_loop3A_353[0] : i32 from vector<1xi32>
      %parallel_loop3A_355 = vector.extract_strided_slice %parallel_loop3A_114 {offsets = [3], sizes = [1], strides = [1]} : vector<16xi32> to vector<1xi32>
      %parallel_loop3A_356 = vector.extract %parallel_loop3A_355[0] : i32 from vector<1xi32>
      %parallel_loop3A_357 = arith.constant 0 : i32
      %parallel_loop3A_358 = arith.addi %parallel_loop3A_350, %parallel_loop3A_357 : i32
      %parallel_loop3A_359 = arith.index_cast %parallel_loop3A_358 : i32 to index
      %parallel_loop3A_360 = tpu.vector_load %arg11[%parallel_loop3A_359] {strides = array<i32>} : memref<768xf32, #tpu.memory_space<vmem>>, vector<16xf32>,
      %parallel_loop3A_361 = arith.constant 16 : i32
      %parallel_loop3A_362 = arith.addi %parallel_loop3A_350, %parallel_loop3A_361 : i32
      %parallel_loop3A_363 = arith.index_cast %parallel_loop3A_362 : i32 to index
      %parallel_loop3A_364 = tpu.vector_load %arg11[%parallel_loop3A_363] {strides = array<i32>} : memref<768xf32, #tpu.memory_space<vmem>>, vector<16xf32>,
      %parallel_loop3A_365 = arith.constant 0 : i32
      %parallel_loop3A_366 = arith.addi %parallel_loop3A_352, %parallel_loop3A_365 : i32
      %parallel_loop3A_367 = arith.index_cast %parallel_loop3A_366 : i32 to index
      %parallel_loop3A_368 = tpu.vector_load %arg12[%parallel_loop3A_367] {strides = array<i32>} : memref<224xf32, #tpu.memory_space<vmem>>, vector<16xf32>,
      %parallel_loop3A_369 = arith.constant 16 : i32
      %parallel_loop3A_370 = arith.addi %parallel_loop3A_352, %parallel_loop3A_369 : i32
      %parallel_loop3A_371 = arith.index_cast %parallel_loop3A_370 : i32 to index
      %parallel_loop3A_372 = tpu.vector_load %arg12[%parallel_loop3A_371] {strides = array<i32>} : memref<224xf32, #tpu.memory_space<vmem>>, vector<16xf32>,
      %parallel_loop3A_373 = arith.constant 0 : i32
      %parallel_loop3A_374 = arith.addi %parallel_loop3A_354, %parallel_loop3A_373 : i32
      %parallel_loop3A_375 = arith.index_cast %parallel_loop3A_374 : i32 to index
      %parallel_loop3A_376 = tpu.vector_load %arg13[%parallel_loop3A_375] {strides = array<i32>} : memref<384xf32, #tpu.memory_space<vmem>>, vector<16xf32>,
      %parallel_loop3A_377 = arith.constant 16 : i32
      %parallel_loop3A_378 = arith.addi %parallel_loop3A_354, %parallel_loop3A_377 : i32
      %parallel_loop3A_379 = arith.index_cast %parallel_loop3A_378 : i32 to index
      %parallel_loop3A_380 = tpu.vector_load %arg13[%parallel_loop3A_379] {strides = array<i32>} : memref<384xf32, #tpu.memory_space<vmem>>, vector<16xf32>,
      %parallel_loop3A_381 = arith.constant 0 : i32
      %parallel_loop3A_382 = arith.addi %parallel_loop3A_356, %parallel_loop3A_381 : i32
      %parallel_loop3A_383 = arith.index_cast %parallel_loop3A_382 : i32 to index
      %parallel_loop3A_384 = tpu.vector_load %arg14[%parallel_loop3A_383] {strides = array<i32>} : memref<320xf32, #tpu.memory_space<vmem>>, vector<16xf32>,
      %parallel_loop3A_385 = arith.constant 16 : i32
      %parallel_loop3A_386 = arith.addi %parallel_loop3A_356, %parallel_loop3A_385 : i32
      %parallel_loop3A_387 = arith.index_cast %parallel_loop3A_386 : i32 to index
      %parallel_loop3A_388 = tpu.vector_load %arg14[%parallel_loop3A_387] {strides = array<i32>} : memref<320xf32, #tpu.memory_space<vmem>>, vector<16xf32>,
      %parallel_loop3A_389 = arith.constant 16 : i32
      %parallel_loop3A_390 = arith.muli %parallel_loop3A_86, %parallel_loop3A_389 : i32
      %parallel_loop3A_391 = arith.constant 3 : i32
      %parallel_loop3A_392 = arith.addi %parallel_loop3A_390, %parallel_loop3A_391 : i32
      %parallel_loop3A_393 = arith.constant 128 : i32
      %parallel_loop3A_394 = arith.muli %parallel_loop3A_392, %parallel_loop3A_393 : i32
      %parallel_loop3A_395 = arith.constant 0 : i32
      %parallel_loop3A_396 = arith.addi %parallel_loop3A_394, %parallel_loop3A_395 : i32
      %parallel_loop3A_397 = arith.index_cast %parallel_loop3A_396 : i32 to index
      %parallel_loop3A_398 = tpu.vector_load %arg19[%parallel_loop3A_397] {strides = array<i32>} : memref<65536xf32, #tpu.memory_space<vmem>>, vector<16xf32>,
      tpu.vector_store %arg19[%parallel_loop3A_397], %parallel_loop3A_360 {strides = array<i32>} : memref<65536xf32, #tpu.memory_space<vmem>>, vector<16xf32>,
      %parallel_loop3A_399 = arith.constant 16 : i32
      %parallel_loop3A_400 = arith.addi %parallel_loop3A_394, %parallel_loop3A_399 : i32
      %parallel_loop3A_401 = arith.index_cast %parallel_loop3A_400 : i32 to index
      %parallel_loop3A_402 = tpu.vector_load %arg19[%parallel_loop3A_401] {strides = array<i32>} : memref<65536xf32, #tpu.memory_space<vmem>>, vector<16xf32>,
      tpu.vector_store %arg19[%parallel_loop3A_401], %parallel_loop3A_364 {strides = array<i32>} : memref<65536xf32, #tpu.memory_space<vmem>>, vector<16xf32>,
      %parallel_loop3A_403 = arith.constant 32 : i32
      %parallel_loop3A_404 = arith.addi %parallel_loop3A_394, %parallel_loop3A_403 : i32
      %parallel_loop3A_405 = arith.index_cast %parallel_loop3A_404 : i32 to index
      %parallel_loop3A_406 = tpu.vector_load %arg19[%parallel_loop3A_405] {strides = array<i32>} : memref<65536xf32, #tpu.memory_space<vmem>>, vector<16xf32>,
      tpu.vector_store %arg19[%parallel_loop3A_405], %parallel_loop3A_368 {strides = array<i32>} : memref<65536xf32, #tpu.memory_space<vmem>>, vector<16xf32>,
      %parallel_loop3A_407 = arith.constant 48 : i32
      %parallel_loop3A_408 = arith.addi %parallel_loop3A_394, %parallel_loop3A_407 : i32
      %parallel_loop3A_409 = arith.index_cast %parallel_loop3A_408 : i32 to index
      %parallel_loop3A_410 = tpu.vector_load %arg19[%parallel_loop3A_409] {strides = array<i32>} : memref<65536xf32, #tpu.memory_space<vmem>>, vector<16xf32>,
      tpu.vector_store %arg19[%parallel_loop3A_409], %parallel_loop3A_372 {strides = array<i32>} : memref<65536xf32, #tpu.memory_space<vmem>>, vector<16xf32>,
      %parallel_loop3A_411 = arith.constant 64 : i32
      %parallel_loop3A_412 = arith.addi %parallel_loop3A_394, %parallel_loop3A_411 : i32
      %parallel_loop3A_413 = arith.index_cast %parallel_loop3A_412 : i32 to index
      %parallel_loop3A_414 = tpu.vector_load %arg19[%parallel_loop3A_413] {strides = array<i32>} : memref<65536xf32, #tpu.memory_space<vmem>>, vector<16xf32>,
      tpu.vector_store %arg19[%parallel_loop3A_413], %parallel_loop3A_376 {strides = array<i32>} : memref<65536xf32, #tpu.memory_space<vmem>>, vector<16xf32>,
      %parallel_loop3A_415 = arith.constant 80 : i32
      %parallel_loop3A_416 = arith.addi %parallel_loop3A_394, %parallel_loop3A_415 : i32
      %parallel_loop3A_417 = arith.index_cast %parallel_loop3A_416 : i32 to index
      %parallel_loop3A_418 = tpu.vector_load %arg19[%parallel_loop3A_417] {strides = array<i32>} : memref<65536xf32, #tpu.memory_space<vmem>>, vector<16xf32>,
      tpu.vector_store %arg19[%parallel_loop3A_417], %parallel_loop3A_380 {strides = array<i32>} : memref<65536xf32, #tpu.memory_space<vmem>>, vector<16xf32>,
      %parallel_loop3A_419 = arith.constant 96 : i32
      %parallel_loop3A_420 = arith.addi %parallel_loop3A_394, %parallel_loop3A_419 : i32
      %parallel_loop3A_421 = arith.index_cast %parallel_loop3A_420 : i32 to index
      %parallel_loop3A_422 = tpu.vector_load %arg19[%parallel_loop3A_421] {strides = array<i32>} : memref<65536xf32, #tpu.memory_space<vmem>>, vector<16xf32>,
      tpu.vector_store %arg19[%parallel_loop3A_421], %parallel_loop3A_384 {strides = array<i32>} : memref<65536xf32, #tpu.memory_space<vmem>>, vector<16xf32>,
      %parallel_loop3A_423 = arith.constant 112 : i32
      %parallel_loop3A_424 = arith.addi %parallel_loop3A_394, %parallel_loop3A_423 : i32
      %parallel_loop3A_425 = arith.index_cast %parallel_loop3A_424 : i32 to index
      %parallel_loop3A_426 = tpu.vector_load %arg19[%parallel_loop3A_425] {strides = array<i32>} : memref<65536xf32, #tpu.memory_space<vmem>>, vector<16xf32>,
      tpu.vector_store %arg19[%parallel_loop3A_425], %parallel_loop3A_388 {strides = array<i32>} : memref<65536xf32, #tpu.memory_space<vmem>>, vector<16xf32>,
      %parallel_loop3A_427 = vector.extract_strided_slice %parallel_loop3A_93 {offsets = [4], sizes = [1], strides = [1]} : vector<16xi32> to vector<1xi32>
      %parallel_loop3A_428 = vector.extract %parallel_loop3A_427[0] : i32 from vector<1xi32>
      %parallel_loop3A_429 = vector.extract_strided_slice %parallel_loop3A_100 {offsets = [4], sizes = [1], strides = [1]} : vector<16xi32> to vector<1xi32>
      %parallel_loop3A_430 = vector.extract %parallel_loop3A_429[0] : i32 from vector<1xi32>
      %parallel_loop3A_431 = vector.extract_strided_slice %parallel_loop3A_107 {offsets = [4], sizes = [1], strides = [1]} : vector<16xi32> to vector<1xi32>
      %parallel_loop3A_432 = vector.extract %parallel_loop3A_431[0] : i32 from vector<1xi32>
      %parallel_loop3A_433 = vector.extract_strided_slice %parallel_loop3A_114 {offsets = [4], sizes = [1], strides = [1]} : vector<16xi32> to vector<1xi32>
      %parallel_loop3A_434 = vector.extract %parallel_loop3A_433[0] : i32 from vector<1xi32>
      %parallel_loop3A_435 = arith.constant 0 : i32
      %parallel_loop3A_436 = arith.addi %parallel_loop3A_428, %parallel_loop3A_435 : i32
      %parallel_loop3A_437 = arith.index_cast %parallel_loop3A_436 : i32 to index
      %parallel_loop3A_438 = tpu.vector_load %arg11[%parallel_loop3A_437] {strides = array<i32>} : memref<768xf32, #tpu.memory_space<vmem>>, vector<16xf32>,
      %parallel_loop3A_439 = arith.constant 16 : i32
      %parallel_loop3A_440 = arith.addi %parallel_loop3A_428, %parallel_loop3A_439 : i32
      %parallel_loop3A_441 = arith.index_cast %parallel_loop3A_440 : i32 to index
      %parallel_loop3A_442 = tpu.vector_load %arg11[%parallel_loop3A_441] {strides = array<i32>} : memref<768xf32, #tpu.memory_space<vmem>>, vector<16xf32>,
      %parallel_loop3A_443 = arith.constant 0 : i32
      %parallel_loop3A_444 = arith.addi %parallel_loop3A_430, %parallel_loop3A_443 : i32
      %parallel_loop3A_445 = arith.index_cast %parallel_loop3A_444 : i32 to index
      %parallel_loop3A_446 = tpu.vector_load %arg12[%parallel_loop3A_445] {strides = array<i32>} : memref<224xf32, #tpu.memory_space<vmem>>, vector<16xf32>,
      %parallel_loop3A_447 = arith.constant 16 : i32
      %parallel_loop3A_448 = arith.addi %parallel_loop3A_430, %parallel_loop3A_447 : i32
      %parallel_loop3A_449 = arith.index_cast %parallel_loop3A_448 : i32 to index
      %parallel_loop3A_450 = tpu.vector_load %arg12[%parallel_loop3A_449] {strides = array<i32>} : memref<224xf32, #tpu.memory_space<vmem>>, vector<16xf32>,
      %parallel_loop3A_451 = arith.constant 0 : i32
      %parallel_loop3A_452 = arith.addi %parallel_loop3A_432, %parallel_loop3A_451 : i32
      %parallel_loop3A_453 = arith.index_cast %parallel_loop3A_452 : i32 to index
      %parallel_loop3A_454 = tpu.vector_load %arg13[%parallel_loop3A_453] {strides = array<i32>} : memref<384xf32, #tpu.memory_space<vmem>>, vector<16xf32>,
      %parallel_loop3A_455 = arith.constant 16 : i32
      %parallel_loop3A_456 = arith.addi %parallel_loop3A_432, %parallel_loop3A_455 : i32
      %parallel_loop3A_457 = arith.index_cast %parallel_loop3A_456 : i32 to index
      %parallel_loop3A_458 = tpu.vector_load %arg13[%parallel_loop3A_457] {strides = array<i32>} : memref<384xf32, #tpu.memory_space<vmem>>, vector<16xf32>,
      %parallel_loop3A_459 = arith.constant 0 : i32
      %parallel_loop3A_460 = arith.addi %parallel_loop3A_434, %parallel_loop3A_459 : i32
      %parallel_loop3A_461 = arith.index_cast %parallel_loop3A_460 : i32 to index
      %parallel_loop3A_462 = tpu.vector_load %arg14[%parallel_loop3A_461] {strides = array<i32>} : memref<320xf32, #tpu.memory_space<vmem>>, vector<16xf32>,
      %parallel_loop3A_463 = arith.constant 16 : i32
      %parallel_loop3A_464 = arith.addi %parallel_loop3A_434, %parallel_loop3A_463 : i32
      %parallel_loop3A_465 = arith.index_cast %parallel_loop3A_464 : i32 to index
      %parallel_loop3A_466 = tpu.vector_load %arg14[%parallel_loop3A_465] {strides = array<i32>} : memref<320xf32, #tpu.memory_space<vmem>>, vector<16xf32>,
      %parallel_loop3A_467 = arith.constant 16 : i32
      %parallel_loop3A_468 = arith.muli %parallel_loop3A_86, %parallel_loop3A_467 : i32
      %parallel_loop3A_469 = arith.constant 4 : i32
      %parallel_loop3A_470 = arith.addi %parallel_loop3A_468, %parallel_loop3A_469 : i32
      %parallel_loop3A_471 = arith.constant 128 : i32
      %parallel_loop3A_472 = arith.muli %parallel_loop3A_470, %parallel_loop3A_471 : i32
      %parallel_loop3A_473 = arith.constant 0 : i32
      %parallel_loop3A_474 = arith.addi %parallel_loop3A_472, %parallel_loop3A_473 : i32
      %parallel_loop3A_475 = arith.index_cast %parallel_loop3A_474 : i32 to index
      %parallel_loop3A_476 = tpu.vector_load %arg19[%parallel_loop3A_475] {strides = array<i32>} : memref<65536xf32, #tpu.memory_space<vmem>>, vector<16xf32>,
      tpu.vector_store %arg19[%parallel_loop3A_475], %parallel_loop3A_438 {strides = array<i32>} : memref<65536xf32, #tpu.memory_space<vmem>>, vector<16xf32>,
      %parallel_loop3A_477 = arith.constant 16 : i32
      %parallel_loop3A_478 = arith.addi %parallel_loop3A_472, %parallel_loop3A_477 : i32
      %parallel_loop3A_479 = arith.index_cast %parallel_loop3A_478 : i32 to index
      %parallel_loop3A_480 = tpu.vector_load %arg19[%parallel_loop3A_479] {strides = array<i32>} : memref<65536xf32, #tpu.memory_space<vmem>>, vector<16xf32>,
      tpu.vector_store %arg19[%parallel_loop3A_479], %parallel_loop3A_442 {strides = array<i32>} : memref<65536xf32, #tpu.memory_space<vmem>>, vector<16xf32>,
      %parallel_loop3A_481 = arith.constant 32 : i32
      %parallel_loop3A_482 = arith.addi %parallel_loop3A_472, %parallel_loop3A_481 : i32
      %parallel_loop3A_483 = arith.index_cast %parallel_loop3A_482 : i32 to index
      %parallel_loop3A_484 = tpu.vector_load %arg19[%parallel_loop3A_483] {strides = array<i32>} : memref<65536xf32, #tpu.memory_space<vmem>>, vector<16xf32>,
      tpu.vector_store %arg19[%parallel_loop3A_483], %parallel_loop3A_446 {strides = array<i32>} : memref<65536xf32, #tpu.memory_space<vmem>>, vector<16xf32>,
      %parallel_loop3A_485 = arith.constant 48 : i32
      %parallel_loop3A_486 = arith.addi %parallel_loop3A_472, %parallel_loop3A_485 : i32
      %parallel_loop3A_487 = arith.index_cast %parallel_loop3A_486 : i32 to index
      %parallel_loop3A_488 = tpu.vector_load %arg19[%parallel_loop3A_487] {strides = array<i32>} : memref<65536xf32, #tpu.memory_space<vmem>>, vector<16xf32>,
      tpu.vector_store %arg19[%parallel_loop3A_487], %parallel_loop3A_450 {strides = array<i32>} : memref<65536xf32, #tpu.memory_space<vmem>>, vector<16xf32>,
      %parallel_loop3A_489 = arith.constant 64 : i32
      %parallel_loop3A_490 = arith.addi %parallel_loop3A_472, %parallel_loop3A_489 : i32
      %parallel_loop3A_491 = arith.index_cast %parallel_loop3A_490 : i32 to index
      %parallel_loop3A_492 = tpu.vector_load %arg19[%parallel_loop3A_491] {strides = array<i32>} : memref<65536xf32, #tpu.memory_space<vmem>>, vector<16xf32>,
      tpu.vector_store %arg19[%parallel_loop3A_491], %parallel_loop3A_454 {strides = array<i32>} : memref<65536xf32, #tpu.memory_space<vmem>>, vector<16xf32>,
      %parallel_loop3A_493 = arith.constant 80 : i32
      %parallel_loop3A_494 = arith.addi %parallel_loop3A_472, %parallel_loop3A_493 : i32
      %parallel_loop3A_495 = arith.index_cast %parallel_loop3A_494 : i32 to index
      %parallel_loop3A_496 = tpu.vector_load %arg19[%parallel_loop3A_495] {strides = array<i32>} : memref<65536xf32, #tpu.memory_space<vmem>>, vector<16xf32>,
      tpu.vector_store %arg19[%parallel_loop3A_495], %parallel_loop3A_458 {strides = array<i32>} : memref<65536xf32, #tpu.memory_space<vmem>>, vector<16xf32>,
      %parallel_loop3A_497 = arith.constant 96 : i32
      %parallel_loop3A_498 = arith.addi %parallel_loop3A_472, %parallel_loop3A_497 : i32
      %parallel_loop3A_499 = arith.index_cast %parallel_loop3A_498 : i32 to index
      %parallel_loop3A_500 = tpu.vector_load %arg19[%parallel_loop3A_499] {strides = array<i32>} : memref<65536xf32, #tpu.memory_space<vmem>>, vector<16xf32>,
      tpu.vector_store %arg19[%parallel_loop3A_499], %parallel_loop3A_462 {strides = array<i32>} : memref<65536xf32, #tpu.memory_space<vmem>>, vector<16xf32>,
      %parallel_loop3A_501 = arith.constant 112 : i32
      %parallel_loop3A_502 = arith.addi %parallel_loop3A_472, %parallel_loop3A_501 : i32
      %parallel_loop3A_503 = arith.index_cast %parallel_loop3A_502 : i32 to index
      %parallel_loop3A_504 = tpu.vector_load %arg19[%parallel_loop3A_503] {strides = array<i32>} : memref<65536xf32, #tpu.memory_space<vmem>>, vector<16xf32>,
      tpu.vector_store %arg19[%parallel_loop3A_503], %parallel_loop3A_466 {strides = array<i32>} : memref<65536xf32, #tpu.memory_space<vmem>>, vector<16xf32>,
      %parallel_loop3A_505 = vector.extract_strided_slice %parallel_loop3A_93 {offsets = [5], sizes = [1], strides = [1]} : vector<16xi32> to vector<1xi32>
      %parallel_loop3A_506 = vector.extract %parallel_loop3A_505[0] : i32 from vector<1xi32>
      %parallel_loop3A_507 = vector.extract_strided_slice %parallel_loop3A_100 {offsets = [5], sizes = [1], strides = [1]} : vector<16xi32> to vector<1xi32>
      %parallel_loop3A_508 = vector.extract %parallel_loop3A_507[0] : i32 from vector<1xi32>
      %parallel_loop3A_509 = vector.extract_strided_slice %parallel_loop3A_107 {offsets = [5], sizes = [1], strides = [1]} : vector<16xi32> to vector<1xi32>
      %parallel_loop3A_510 = vector.extract %parallel_loop3A_509[0] : i32 from vector<1xi32>
      %parallel_loop3A_511 = vector.extract_strided_slice %parallel_loop3A_114 {offsets = [5], sizes = [1], strides = [1]} : vector<16xi32> to vector<1xi32>
      %parallel_loop3A_512 = vector.extract %parallel_loop3A_511[0] : i32 from vector<1xi32>
      %parallel_loop3A_513 = arith.constant 0 : i32
      %parallel_loop3A_514 = arith.addi %parallel_loop3A_506, %parallel_loop3A_513 : i32
      %parallel_loop3A_515 = arith.index_cast %parallel_loop3A_514 : i32 to index
      %parallel_loop3A_516 = tpu.vector_load %arg11[%parallel_loop3A_515] {strides = array<i32>} : memref<768xf32, #tpu.memory_space<vmem>>, vector<16xf32>,
      %parallel_loop3A_517 = arith.constant 16 : i32
      %parallel_loop3A_518 = arith.addi %parallel_loop3A_506, %parallel_loop3A_517 : i32
      %parallel_loop3A_519 = arith.index_cast %parallel_loop3A_518 : i32 to index
      %parallel_loop3A_520 = tpu.vector_load %arg11[%parallel_loop3A_519] {strides = array<i32>} : memref<768xf32, #tpu.memory_space<vmem>>, vector<16xf32>,
      %parallel_loop3A_521 = arith.constant 0 : i32
      %parallel_loop3A_522 = arith.addi %parallel_loop3A_508, %parallel_loop3A_521 : i32
      %parallel_loop3A_523 = arith.index_cast %parallel_loop3A_522 : i32 to index
      %parallel_loop3A_524 = tpu.vector_load %arg12[%parallel_loop3A_523] {strides = array<i32>} : memref<224xf32, #tpu.memory_space<vmem>>, vector<16xf32>,
      %parallel_loop3A_525 = arith.constant 16 : i32
      %parallel_loop3A_526 = arith.addi %parallel_loop3A_508, %parallel_loop3A_525 : i32
      %parallel_loop3A_527 = arith.index_cast %parallel_loop3A_526 : i32 to index
      %parallel_loop3A_528 = tpu.vector_load %arg12[%parallel_loop3A_527] {strides = array<i32>} : memref<224xf32, #tpu.memory_space<vmem>>, vector<16xf32>,
      %parallel_loop3A_529 = arith.constant 0 : i32
      %parallel_loop3A_530 = arith.addi %parallel_loop3A_510, %parallel_loop3A_529 : i32
      %parallel_loop3A_531 = arith.index_cast %parallel_loop3A_530 : i32 to index
      %parallel_loop3A_532 = tpu.vector_load %arg13[%parallel_loop3A_531] {strides = array<i32>} : memref<384xf32, #tpu.memory_space<vmem>>, vector<16xf32>,
      %parallel_loop3A_533 = arith.constant 16 : i32
      %parallel_loop3A_534 = arith.addi %parallel_loop3A_510, %parallel_loop3A_533 : i32
      %parallel_loop3A_535 = arith.index_cast %parallel_loop3A_534 : i32 to index
      %parallel_loop3A_536 = tpu.vector_load %arg13[%parallel_loop3A_535] {strides = array<i32>} : memref<384xf32, #tpu.memory_space<vmem>>, vector<16xf32>,
      %parallel_loop3A_537 = arith.constant 0 : i32
      %parallel_loop3A_538 = arith.addi %parallel_loop3A_512, %parallel_loop3A_537 : i32
      %parallel_loop3A_539 = arith.index_cast %parallel_loop3A_538 : i32 to index
      %parallel_loop3A_540 = tpu.vector_load %arg14[%parallel_loop3A_539] {strides = array<i32>} : memref<320xf32, #tpu.memory_space<vmem>>, vector<16xf32>,
      %parallel_loop3A_541 = arith.constant 16 : i32
      %parallel_loop3A_542 = arith.addi %parallel_loop3A_512, %parallel_loop3A_541 : i32
      %parallel_loop3A_543 = arith.index_cast %parallel_loop3A_542 : i32 to index
      %parallel_loop3A_544 = tpu.vector_load %arg14[%parallel_loop3A_543] {strides = array<i32>} : memref<320xf32, #tpu.memory_space<vmem>>, vector<16xf32>,
      %parallel_loop3A_545 = arith.constant 16 : i32
      %parallel_loop3A_546 = arith.muli %parallel_loop3A_86, %parallel_loop3A_545 : i32
      %parallel_loop3A_547 = arith.constant 5 : i32
      %parallel_loop3A_548 = arith.addi %parallel_loop3A_546, %parallel_loop3A_547 : i32
      %parallel_loop3A_549 = arith.constant 128 : i32
      %parallel_loop3A_550 = arith.muli %parallel_loop3A_548, %parallel_loop3A_549 : i32
      %parallel_loop3A_551 = arith.constant 0 : i32
      %parallel_loop3A_552 = arith.addi %parallel_loop3A_550, %parallel_loop3A_551 : i32
      %parallel_loop3A_553 = arith.index_cast %parallel_loop3A_552 : i32 to index
      %parallel_loop3A_554 = tpu.vector_load %arg19[%parallel_loop3A_553] {strides = array<i32>} : memref<65536xf32, #tpu.memory_space<vmem>>, vector<16xf32>,
      tpu.vector_store %arg19[%parallel_loop3A_553], %parallel_loop3A_516 {strides = array<i32>} : memref<65536xf32, #tpu.memory_space<vmem>>, vector<16xf32>,
      %parallel_loop3A_555 = arith.constant 16 : i32
      %parallel_loop3A_556 = arith.addi %parallel_loop3A_550, %parallel_loop3A_555 : i32
      %parallel_loop3A_557 = arith.index_cast %parallel_loop3A_556 : i32 to index
      %parallel_loop3A_558 = tpu.vector_load %arg19[%parallel_loop3A_557] {strides = array<i32>} : memref<65536xf32, #tpu.memory_space<vmem>>, vector<16xf32>,
      tpu.vector_store %arg19[%parallel_loop3A_557], %parallel_loop3A_520 {strides = array<i32>} : memref<65536xf32, #tpu.memory_space<vmem>>, vector<16xf32>,
      %parallel_loop3A_559 = arith.constant 32 : i32
      %parallel_loop3A_560 = arith.addi %parallel_loop3A_550, %parallel_loop3A_559 : i32
      %parallel_loop3A_561 = arith.index_cast %parallel_loop3A_560 : i32 to index
      %parallel_loop3A_562 = tpu.vector_load %arg19[%parallel_loop3A_561] {strides = array<i32>} : memref<65536xf32, #tpu.memory_space<vmem>>, vector<16xf32>,
      tpu.vector_store %arg19[%parallel_loop3A_561], %parallel_loop3A_524 {strides = array<i32>} : memref<65536xf32, #tpu.memory_space<vmem>>, vector<16xf32>,
      %parallel_loop3A_563 = arith.constant 48 : i32
      %parallel_loop3A_564 = arith.addi %parallel_loop3A_550, %parallel_loop3A_563 : i32
      %parallel_loop3A_565 = arith.index_cast %parallel_loop3A_564 : i32 to index
      %parallel_loop3A_566 = tpu.vector_load %arg19[%parallel_loop3A_565] {strides = array<i32>} : memref<65536xf32, #tpu.memory_space<vmem>>, vector<16xf32>,
      tpu.vector_store %arg19[%parallel_loop3A_565], %parallel_loop3A_528 {strides = array<i32>} : memref<65536xf32, #tpu.memory_space<vmem>>, vector<16xf32>,
      %parallel_loop3A_567 = arith.constant 64 : i32
      %parallel_loop3A_568 = arith.addi %parallel_loop3A_550, %parallel_loop3A_567 : i32
      %parallel_loop3A_569 = arith.index_cast %parallel_loop3A_568 : i32 to index
      %parallel_loop3A_570 = tpu.vector_load %arg19[%parallel_loop3A_569] {strides = array<i32>} : memref<65536xf32, #tpu.memory_space<vmem>>, vector<16xf32>,
      tpu.vector_store %arg19[%parallel_loop3A_569], %parallel_loop3A_532 {strides = array<i32>} : memref<65536xf32, #tpu.memory_space<vmem>>, vector<16xf32>,
      %parallel_loop3A_571 = arith.constant 80 : i32
      %parallel_loop3A_572 = arith.addi %parallel_loop3A_550, %parallel_loop3A_571 : i32
      %parallel_loop3A_573 = arith.index_cast %parallel_loop3A_572 : i32 to index
      %parallel_loop3A_574 = tpu.vector_load %arg19[%parallel_loop3A_573] {strides = array<i32>} : memref<65536xf32, #tpu.memory_space<vmem>>, vector<16xf32>,
      tpu.vector_store %arg19[%parallel_loop3A_573], %parallel_loop3A_536 {strides = array<i32>} : memref<65536xf32, #tpu.memory_space<vmem>>, vector<16xf32>,
      %parallel_loop3A_575 = arith.constant 96 : i32
      %parallel_loop3A_576 = arith.addi %parallel_loop3A_550, %parallel_loop3A_575 : i32
      %parallel_loop3A_577 = arith.index_cast %parallel_loop3A_576 : i32 to index
      %parallel_loop3A_578 = tpu.vector_load %arg19[%parallel_loop3A_577] {strides = array<i32>} : memref<65536xf32, #tpu.memory_space<vmem>>, vector<16xf32>,
      tpu.vector_store %arg19[%parallel_loop3A_577], %parallel_loop3A_540 {strides = array<i32>} : memref<65536xf32, #tpu.memory_space<vmem>>, vector<16xf32>,
      %parallel_loop3A_579 = arith.constant 112 : i32
      %parallel_loop3A_580 = arith.addi %parallel_loop3A_550, %parallel_loop3A_579 : i32
      %parallel_loop3A_581 = arith.index_cast %parallel_loop3A_580 : i32 to index
      %parallel_loop3A_582 = tpu.vector_load %arg19[%parallel_loop3A_581] {strides = array<i32>} : memref<65536xf32, #tpu.memory_space<vmem>>, vector<16xf32>,
      tpu.vector_store %arg19[%parallel_loop3A_581], %parallel_loop3A_544 {strides = array<i32>} : memref<65536xf32, #tpu.memory_space<vmem>>, vector<16xf32>,
      %parallel_loop3A_583 = vector.extract_strided_slice %parallel_loop3A_93 {offsets = [6], sizes = [1], strides = [1]} : vector<16xi32> to vector<1xi32>
      %parallel_loop3A_584 = vector.extract %parallel_loop3A_583[0] : i32 from vector<1xi32>
      %parallel_loop3A_585 = vector.extract_strided_slice %parallel_loop3A_100 {offsets = [6], sizes = [1], strides = [1]} : vector<16xi32> to vector<1xi32>
      %parallel_loop3A_586 = vector.extract %parallel_loop3A_585[0] : i32 from vector<1xi32>
      %parallel_loop3A_587 = vector.extract_strided_slice %parallel_loop3A_107 {offsets = [6], sizes = [1], strides = [1]} : vector<16xi32> to vector<1xi32>
      %parallel_loop3A_588 = vector.extract %parallel_loop3A_587[0] : i32 from vector<1xi32>
      %parallel_loop3A_589 = vector.extract_strided_slice %parallel_loop3A_114 {offsets = [6], sizes = [1], strides = [1]} : vector<16xi32> to vector<1xi32>
      %parallel_loop3A_590 = vector.extract %parallel_loop3A_589[0] : i32 from vector<1xi32>
      %parallel_loop3A_591 = arith.constant 0 : i32
      %parallel_loop3A_592 = arith.addi %parallel_loop3A_584, %parallel_loop3A_591 : i32
      %parallel_loop3A_593 = arith.index_cast %parallel_loop3A_592 : i32 to index
      %parallel_loop3A_594 = tpu.vector_load %arg11[%parallel_loop3A_593] {strides = array<i32>} : memref<768xf32, #tpu.memory_space<vmem>>, vector<16xf32>,
      %parallel_loop3A_595 = arith.constant 16 : i32
      %parallel_loop3A_596 = arith.addi %parallel_loop3A_584, %parallel_loop3A_595 : i32
      %parallel_loop3A_597 = arith.index_cast %parallel_loop3A_596 : i32 to index
      %parallel_loop3A_598 = tpu.vector_load %arg11[%parallel_loop3A_597] {strides = array<i32>} : memref<768xf32, #tpu.memory_space<vmem>>, vector<16xf32>,
      %parallel_loop3A_599 = arith.constant 0 : i32
      %parallel_loop3A_600 = arith.addi %parallel_loop3A_586, %parallel_loop3A_599 : i32
      %parallel_loop3A_601 = arith.index_cast %parallel_loop3A_600 : i32 to index
      %parallel_loop3A_602 = tpu.vector_load %arg12[%parallel_loop3A_601] {strides = array<i32>} : memref<224xf32, #tpu.memory_space<vmem>>, vector<16xf32>,
      %parallel_loop3A_603 = arith.constant 16 : i32
      %parallel_loop3A_604 = arith.addi %parallel_loop3A_586, %parallel_loop3A_603 : i32
      %parallel_loop3A_605 = arith.index_cast %parallel_loop3A_604 : i32 to index
      %parallel_loop3A_606 = tpu.vector_load %arg12[%parallel_loop3A_605] {strides = array<i32>} : memref<224xf32, #tpu.memory_space<vmem>>, vector<16xf32>,
      %parallel_loop3A_607 = arith.constant 0 : i32
      %parallel_loop3A_608 = arith.addi %parallel_loop3A_588, %parallel_loop3A_607 : i32
      %parallel_loop3A_609 = arith.index_cast %parallel_loop3A_608 : i32 to index
      %parallel_loop3A_610 = tpu.vector_load %arg13[%parallel_loop3A_609] {strides = array<i32>} : memref<384xf32, #tpu.memory_space<vmem>>, vector<16xf32>,
      %parallel_loop3A_611 = arith.constant 16 : i32
      %parallel_loop3A_612 = arith.addi %parallel_loop3A_588, %parallel_loop3A_611 : i32
      %parallel_loop3A_613 = arith.index_cast %parallel_loop3A_612 : i32 to index
      %parallel_loop3A_614 = tpu.vector_load %arg13[%parallel_loop3A_613] {strides = array<i32>} : memref<384xf32, #tpu.memory_space<vmem>>, vector<16xf32>,
      %parallel_loop3A_615 = arith.constant 0 : i32
      %parallel_loop3A_616 = arith.addi %parallel_loop3A_590, %parallel_loop3A_615 : i32
      %parallel_loop3A_617 = arith.index_cast %parallel_loop3A_616 : i32 to index
      %parallel_loop3A_618 = tpu.vector_load %arg14[%parallel_loop3A_617] {strides = array<i32>} : memref<320xf32, #tpu.memory_space<vmem>>, vector<16xf32>,
      %parallel_loop3A_619 = arith.constant 16 : i32
      %parallel_loop3A_620 = arith.addi %parallel_loop3A_590, %parallel_loop3A_619 : i32
      %parallel_loop3A_621 = arith.index_cast %parallel_loop3A_620 : i32 to index
      %parallel_loop3A_622 = tpu.vector_load %arg14[%parallel_loop3A_621] {strides = array<i32>} : memref<320xf32, #tpu.memory_space<vmem>>, vector<16xf32>,
      %parallel_loop3A_623 = arith.constant 16 : i32
      %parallel_loop3A_624 = arith.muli %parallel_loop3A_86, %parallel_loop3A_623 : i32
      %parallel_loop3A_625 = arith.constant 6 : i32
      %parallel_loop3A_626 = arith.addi %parallel_loop3A_624, %parallel_loop3A_625 : i32
      %parallel_loop3A_627 = arith.constant 128 : i32
      %parallel_loop3A_628 = arith.muli %parallel_loop3A_626, %parallel_loop3A_627 : i32
      %parallel_loop3A_629 = arith.constant 0 : i32
      %parallel_loop3A_630 = arith.addi %parallel_loop3A_628, %parallel_loop3A_629 : i32
      %parallel_loop3A_631 = arith.index_cast %parallel_loop3A_630 : i32 to index
      %parallel_loop3A_632 = tpu.vector_load %arg19[%parallel_loop3A_631] {strides = array<i32>} : memref<65536xf32, #tpu.memory_space<vmem>>, vector<16xf32>,
      tpu.vector_store %arg19[%parallel_loop3A_631], %parallel_loop3A_594 {strides = array<i32>} : memref<65536xf32, #tpu.memory_space<vmem>>, vector<16xf32>,
      %parallel_loop3A_633 = arith.constant 16 : i32
      %parallel_loop3A_634 = arith.addi %parallel_loop3A_628, %parallel_loop3A_633 : i32
      %parallel_loop3A_635 = arith.index_cast %parallel_loop3A_634 : i32 to index
      %parallel_loop3A_636 = tpu.vector_load %arg19[%parallel_loop3A_635] {strides = array<i32>} : memref<65536xf32, #tpu.memory_space<vmem>>, vector<16xf32>,
      tpu.vector_store %arg19[%parallel_loop3A_635], %parallel_loop3A_598 {strides = array<i32>} : memref<65536xf32, #tpu.memory_space<vmem>>, vector<16xf32>,
      %parallel_loop3A_637 = arith.constant 32 : i32
      %parallel_loop3A_638 = arith.addi %parallel_loop3A_628, %parallel_loop3A_637 : i32
      %parallel_loop3A_639 = arith.index_cast %parallel_loop3A_638 : i32 to index
      %parallel_loop3A_640 = tpu.vector_load %arg19[%parallel_loop3A_639] {strides = array<i32>} : memref<65536xf32, #tpu.memory_space<vmem>>, vector<16xf32>,
      tpu.vector_store %arg19[%parallel_loop3A_639], %parallel_loop3A_602 {strides = array<i32>} : memref<65536xf32, #tpu.memory_space<vmem>>, vector<16xf32>,
      %parallel_loop3A_641 = arith.constant 48 : i32
      %parallel_loop3A_642 = arith.addi %parallel_loop3A_628, %parallel_loop3A_641 : i32
      %parallel_loop3A_643 = arith.index_cast %parallel_loop3A_642 : i32 to index
      %parallel_loop3A_644 = tpu.vector_load %arg19[%parallel_loop3A_643] {strides = array<i32>} : memref<65536xf32, #tpu.memory_space<vmem>>, vector<16xf32>,
      tpu.vector_store %arg19[%parallel_loop3A_643], %parallel_loop3A_606 {strides = array<i32>} : memref<65536xf32, #tpu.memory_space<vmem>>, vector<16xf32>,
      %parallel_loop3A_645 = arith.constant 64 : i32
      %parallel_loop3A_646 = arith.addi %parallel_loop3A_628, %parallel_loop3A_645 : i32
      %parallel_loop3A_647 = arith.index_cast %parallel_loop3A_646 : i32 to index
      %parallel_loop3A_648 = tpu.vector_load %arg19[%parallel_loop3A_647] {strides = array<i32>} : memref<65536xf32, #tpu.memory_space<vmem>>, vector<16xf32>,
      tpu.vector_store %arg19[%parallel_loop3A_647], %parallel_loop3A_610 {strides = array<i32>} : memref<65536xf32, #tpu.memory_space<vmem>>, vector<16xf32>,
      %parallel_loop3A_649 = arith.constant 80 : i32
      %parallel_loop3A_650 = arith.addi %parallel_loop3A_628, %parallel_loop3A_649 : i32
      %parallel_loop3A_651 = arith.index_cast %parallel_loop3A_650 : i32 to index
      %parallel_loop3A_652 = tpu.vector_load %arg19[%parallel_loop3A_651] {strides = array<i32>} : memref<65536xf32, #tpu.memory_space<vmem>>, vector<16xf32>,
      tpu.vector_store %arg19[%parallel_loop3A_651], %parallel_loop3A_614 {strides = array<i32>} : memref<65536xf32, #tpu.memory_space<vmem>>, vector<16xf32>,
      %parallel_loop3A_653 = arith.constant 96 : i32
      %parallel_loop3A_654 = arith.addi %parallel_loop3A_628, %parallel_loop3A_653 : i32
      %parallel_loop3A_655 = arith.index_cast %parallel_loop3A_654 : i32 to index
      %parallel_loop3A_656 = tpu.vector_load %arg19[%parallel_loop3A_655] {strides = array<i32>} : memref<65536xf32, #tpu.memory_space<vmem>>, vector<16xf32>,
      tpu.vector_store %arg19[%parallel_loop3A_655], %parallel_loop3A_618 {strides = array<i32>} : memref<65536xf32, #tpu.memory_space<vmem>>, vector<16xf32>,
      %parallel_loop3A_657 = arith.constant 112 : i32
      %parallel_loop3A_658 = arith.addi %parallel_loop3A_628, %parallel_loop3A_657 : i32
      %parallel_loop3A_659 = arith.index_cast %parallel_loop3A_658 : i32 to index
      %parallel_loop3A_660 = tpu.vector_load %arg19[%parallel_loop3A_659] {strides = array<i32>} : memref<65536xf32, #tpu.memory_space<vmem>>, vector<16xf32>,
      tpu.vector_store %arg19[%parallel_loop3A_659], %parallel_loop3A_622 {strides = array<i32>} : memref<65536xf32, #tpu.memory_space<vmem>>, vector<16xf32>,
      %parallel_loop3A_661 = vector.extract_strided_slice %parallel_loop3A_93 {offsets = [7], sizes = [1], strides = [1]} : vector<16xi32> to vector<1xi32>
      %parallel_loop3A_662 = vector.extract %parallel_loop3A_661[0] : i32 from vector<1xi32>
      %parallel_loop3A_663 = vector.extract_strided_slice %parallel_loop3A_100 {offsets = [7], sizes = [1], strides = [1]} : vector<16xi32> to vector<1xi32>
      %parallel_loop3A_664 = vector.extract %parallel_loop3A_663[0] : i32 from vector<1xi32>
      %parallel_loop3A_665 = vector.extract_strided_slice %parallel_loop3A_107 {offsets = [7], sizes = [1], strides = [1]} : vector<16xi32> to vector<1xi32>
      %parallel_loop3A_666 = vector.extract %parallel_loop3A_665[0] : i32 from vector<1xi32>
      %parallel_loop3A_667 = vector.extract_strided_slice %parallel_loop3A_114 {offsets = [7], sizes = [1], strides = [1]} : vector<16xi32> to vector<1xi32>
      %parallel_loop3A_668 = vector.extract %parallel_loop3A_667[0] : i32 from vector<1xi32>
      %parallel_loop3A_669 = arith.constant 0 : i32
      %parallel_loop3A_670 = arith.addi %parallel_loop3A_662, %parallel_loop3A_669 : i32
      %parallel_loop3A_671 = arith.index_cast %parallel_loop3A_670 : i32 to index
      %parallel_loop3A_672 = tpu.vector_load %arg11[%parallel_loop3A_671] {strides = array<i32>} : memref<768xf32, #tpu.memory_space<vmem>>, vector<16xf32>,
      %parallel_loop3A_673 = arith.constant 16 : i32
      %parallel_loop3A_674 = arith.addi %parallel_loop3A_662, %parallel_loop3A_673 : i32
      %parallel_loop3A_675 = arith.index_cast %parallel_loop3A_674 : i32 to index
      %parallel_loop3A_676 = tpu.vector_load %arg11[%parallel_loop3A_675] {strides = array<i32>} : memref<768xf32, #tpu.memory_space<vmem>>, vector<16xf32>,
      %parallel_loop3A_677 = arith.constant 0 : i32
      %parallel_loop3A_678 = arith.addi %parallel_loop3A_664, %parallel_loop3A_677 : i32
      %parallel_loop3A_679 = arith.index_cast %parallel_loop3A_678 : i32 to index
      %parallel_loop3A_680 = tpu.vector_load %arg12[%parallel_loop3A_679] {strides = array<i32>} : memref<224xf32, #tpu.memory_space<vmem>>, vector<16xf32>,
      %parallel_loop3A_681 = arith.constant 16 : i32
      %parallel_loop3A_682 = arith.addi %parallel_loop3A_664, %parallel_loop3A_681 : i32
      %parallel_loop3A_683 = arith.index_cast %parallel_loop3A_682 : i32 to index
      %parallel_loop3A_684 = tpu.vector_load %arg12[%parallel_loop3A_683] {strides = array<i32>} : memref<224xf32, #tpu.memory_space<vmem>>, vector<16xf32>,
      %parallel_loop3A_685 = arith.constant 0 : i32
      %parallel_loop3A_686 = arith.addi %parallel_loop3A_666, %parallel_loop3A_685 : i32
      %parallel_loop3A_687 = arith.index_cast %parallel_loop3A_686 : i32 to index
      %parallel_loop3A_688 = tpu.vector_load %arg13[%parallel_loop3A_687] {strides = array<i32>} : memref<384xf32, #tpu.memory_space<vmem>>, vector<16xf32>,
      %parallel_loop3A_689 = arith.constant 16 : i32
      %parallel_loop3A_690 = arith.addi %parallel_loop3A_666, %parallel_loop3A_689 : i32
      %parallel_loop3A_691 = arith.index_cast %parallel_loop3A_690 : i32 to index
      %parallel_loop3A_692 = tpu.vector_load %arg13[%parallel_loop3A_691] {strides = array<i32>} : memref<384xf32, #tpu.memory_space<vmem>>, vector<16xf32>,
      %parallel_loop3A_693 = arith.constant 0 : i32
      %parallel_loop3A_694 = arith.addi %parallel_loop3A_668, %parallel_loop3A_693 : i32
      %parallel_loop3A_695 = arith.index_cast %parallel_loop3A_694 : i32 to index
      %parallel_loop3A_696 = tpu.vector_load %arg14[%parallel_loop3A_695] {strides = array<i32>} : memref<320xf32, #tpu.memory_space<vmem>>, vector<16xf32>,
      %parallel_loop3A_697 = arith.constant 16 : i32
      %parallel_loop3A_698 = arith.addi %parallel_loop3A_668, %parallel_loop3A_697 : i32
      %parallel_loop3A_699 = arith.index_cast %parallel_loop3A_698 : i32 to index
      %parallel_loop3A_700 = tpu.vector_load %arg14[%parallel_loop3A_699] {strides = array<i32>} : memref<320xf32, #tpu.memory_space<vmem>>, vector<16xf32>,
      %parallel_loop3A_701 = arith.constant 16 : i32
      %parallel_loop3A_702 = arith.muli %parallel_loop3A_86, %parallel_loop3A_701 : i32
      %parallel_loop3A_703 = arith.constant 7 : i32
      %parallel_loop3A_704 = arith.addi %parallel_loop3A_702, %parallel_loop3A_703 : i32
      %parallel_loop3A_705 = arith.constant 128 : i32
      %parallel_loop3A_706 = arith.muli %parallel_loop3A_704, %parallel_loop3A_705 : i32
      %parallel_loop3A_707 = arith.constant 0 : i32
      %parallel_loop3A_708 = arith.addi %parallel_loop3A_706, %parallel_loop3A_707 : i32
      %parallel_loop3A_709 = arith.index_cast %parallel_loop3A_708 : i32 to index
      %parallel_loop3A_710 = tpu.vector_load %arg19[%parallel_loop3A_709] {strides = array<i32>} : memref<65536xf32, #tpu.memory_space<vmem>>, vector<16xf32>,
      tpu.vector_store %arg19[%parallel_loop3A_709], %parallel_loop3A_672 {strides = array<i32>} : memref<65536xf32, #tpu.memory_space<vmem>>, vector<16xf32>,
      %parallel_loop3A_711 = arith.constant 16 : i32
      %parallel_loop3A_712 = arith.addi %parallel_loop3A_706, %parallel_loop3A_711 : i32
      %parallel_loop3A_713 = arith.index_cast %parallel_loop3A_712 : i32 to index
      %parallel_loop3A_714 = tpu.vector_load %arg19[%parallel_loop3A_713] {strides = array<i32>} : memref<65536xf32, #tpu.memory_space<vmem>>, vector<16xf32>,
      tpu.vector_store %arg19[%parallel_loop3A_713], %parallel_loop3A_676 {strides = array<i32>} : memref<65536xf32, #tpu.memory_space<vmem>>, vector<16xf32>,
      %parallel_loop3A_715 = arith.constant 32 : i32
      %parallel_loop3A_716 = arith.addi %parallel_loop3A_706, %parallel_loop3A_715 : i32
      %parallel_loop3A_717 = arith.index_cast %parallel_loop3A_716 : i32 to index
      %parallel_loop3A_718 = tpu.vector_load %arg19[%parallel_loop3A_717] {strides = array<i32>} : memref<65536xf32, #tpu.memory_space<vmem>>, vector<16xf32>,
      tpu.vector_store %arg19[%parallel_loop3A_717], %parallel_loop3A_680 {strides = array<i32>} : memref<65536xf32, #tpu.memory_space<vmem>>, vector<16xf32>,
      %parallel_loop3A_719 = arith.constant 48 : i32
      %parallel_loop3A_720 = arith.addi %parallel_loop3A_706, %parallel_loop3A_719 : i32
      %parallel_loop3A_721 = arith.index_cast %parallel_loop3A_720 : i32 to index
      %parallel_loop3A_722 = tpu.vector_load %arg19[%parallel_loop3A_721] {strides = array<i32>} : memref<65536xf32, #tpu.memory_space<vmem>>, vector<16xf32>,
      tpu.vector_store %arg19[%parallel_loop3A_721], %parallel_loop3A_684 {strides = array<i32>} : memref<65536xf32, #tpu.memory_space<vmem>>, vector<16xf32>,
      %parallel_loop3A_723 = arith.constant 64 : i32
      %parallel_loop3A_724 = arith.addi %parallel_loop3A_706, %parallel_loop3A_723 : i32
      %parallel_loop3A_725 = arith.index_cast %parallel_loop3A_724 : i32 to index
      %parallel_loop3A_726 = tpu.vector_load %arg19[%parallel_loop3A_725] {strides = array<i32>} : memref<65536xf32, #tpu.memory_space<vmem>>, vector<16xf32>,
      tpu.vector_store %arg19[%parallel_loop3A_725], %parallel_loop3A_688 {strides = array<i32>} : memref<65536xf32, #tpu.memory_space<vmem>>, vector<16xf32>,
      %parallel_loop3A_727 = arith.constant 80 : i32
      %parallel_loop3A_728 = arith.addi %parallel_loop3A_706, %parallel_loop3A_727 : i32
      %parallel_loop3A_729 = arith.index_cast %parallel_loop3A_728 : i32 to index
      %parallel_loop3A_730 = tpu.vector_load %arg19[%parallel_loop3A_729] {strides = array<i32>} : memref<65536xf32, #tpu.memory_space<vmem>>, vector<16xf32>,
      tpu.vector_store %arg19[%parallel_loop3A_729], %parallel_loop3A_692 {strides = array<i32>} : memref<65536xf32, #tpu.memory_space<vmem>>, vector<16xf32>,
      %parallel_loop3A_731 = arith.constant 96 : i32
      %parallel_loop3A_732 = arith.addi %parallel_loop3A_706, %parallel_loop3A_731 : i32
      %parallel_loop3A_733 = arith.index_cast %parallel_loop3A_732 : i32 to index
      %parallel_loop3A_734 = tpu.vector_load %arg19[%parallel_loop3A_733] {strides = array<i32>} : memref<65536xf32, #tpu.memory_space<vmem>>, vector<16xf32>,
      tpu.vector_store %arg19[%parallel_loop3A_733], %parallel_loop3A_696 {strides = array<i32>} : memref<65536xf32, #tpu.memory_space<vmem>>, vector<16xf32>,
      %parallel_loop3A_735 = arith.constant 112 : i32
      %parallel_loop3A_736 = arith.addi %parallel_loop3A_706, %parallel_loop3A_735 : i32
      %parallel_loop3A_737 = arith.index_cast %parallel_loop3A_736 : i32 to index
      %parallel_loop3A_738 = tpu.vector_load %arg19[%parallel_loop3A_737] {strides = array<i32>} : memref<65536xf32, #tpu.memory_space<vmem>>, vector<16xf32>,
      tpu.vector_store %arg19[%parallel_loop3A_737], %parallel_loop3A_700 {strides = array<i32>} : memref<65536xf32, #tpu.memory_space<vmem>>, vector<16xf32>,
      %parallel_loop3A_739 = vector.extract_strided_slice %parallel_loop3A_93 {offsets = [8], sizes = [1], strides = [1]} : vector<16xi32> to vector<1xi32>
      %parallel_loop3A_740 = vector.extract %parallel_loop3A_739[0] : i32 from vector<1xi32>
      %parallel_loop3A_741 = vector.extract_strided_slice %parallel_loop3A_100 {offsets = [8], sizes = [1], strides = [1]} : vector<16xi32> to vector<1xi32>
      %parallel_loop3A_742 = vector.extract %parallel_loop3A_741[0] : i32 from vector<1xi32>
      %parallel_loop3A_743 = vector.extract_strided_slice %parallel_loop3A_107 {offsets = [8], sizes = [1], strides = [1]} : vector<16xi32> to vector<1xi32>
      %parallel_loop3A_744 = vector.extract %parallel_loop3A_743[0] : i32 from vector<1xi32>
      %parallel_loop3A_745 = vector.extract_strided_slice %parallel_loop3A_114 {offsets = [8], sizes = [1], strides = [1]} : vector<16xi32> to vector<1xi32>
      %parallel_loop3A_746 = vector.extract %parallel_loop3A_745[0] : i32 from vector<1xi32>
      %parallel_loop3A_747 = arith.constant 0 : i32
      %parallel_loop3A_748 = arith.addi %parallel_loop3A_740, %parallel_loop3A_747 : i32
      %parallel_loop3A_749 = arith.index_cast %parallel_loop3A_748 : i32 to index
      %parallel_loop3A_750 = tpu.vector_load %arg11[%parallel_loop3A_749] {strides = array<i32>} : memref<768xf32, #tpu.memory_space<vmem>>, vector<16xf32>,
      %parallel_loop3A_751 = arith.constant 16 : i32
      %parallel_loop3A_752 = arith.addi %parallel_loop3A_740, %parallel_loop3A_751 : i32
      %parallel_loop3A_753 = arith.index_cast %parallel_loop3A_752 : i32 to index
      %parallel_loop3A_754 = tpu.vector_load %arg11[%parallel_loop3A_753] {strides = array<i32>} : memref<768xf32, #tpu.memory_space<vmem>>, vector<16xf32>,
      %parallel_loop3A_755 = arith.constant 0 : i32
      %parallel_loop3A_756 = arith.addi %parallel_loop3A_742, %parallel_loop3A_755 : i32
      %parallel_loop3A_757 = arith.index_cast %parallel_loop3A_756 : i32 to index
      %parallel_loop3A_758 = tpu.vector_load %arg12[%parallel_loop3A_757] {strides = array<i32>} : memref<224xf32, #tpu.memory_space<vmem>>, vector<16xf32>,
      %parallel_loop3A_759 = arith.constant 16 : i32
      %parallel_loop3A_760 = arith.addi %parallel_loop3A_742, %parallel_loop3A_759 : i32
      %parallel_loop3A_761 = arith.index_cast %parallel_loop3A_760 : i32 to index
      %parallel_loop3A_762 = tpu.vector_load %arg12[%parallel_loop3A_761] {strides = array<i32>} : memref<224xf32, #tpu.memory_space<vmem>>, vector<16xf32>,
      %parallel_loop3A_763 = arith.constant 0 : i32
      %parallel_loop3A_764 = arith.addi %parallel_loop3A_744, %parallel_loop3A_763 : i32
      %parallel_loop3A_765 = arith.index_cast %parallel_loop3A_764 : i32 to index
      %parallel_loop3A_766 = tpu.vector_load %arg13[%parallel_loop3A_765] {strides = array<i32>} : memref<384xf32, #tpu.memory_space<vmem>>, vector<16xf32>,
      %parallel_loop3A_767 = arith.constant 16 : i32
      %parallel_loop3A_768 = arith.addi %parallel_loop3A_744, %parallel_loop3A_767 : i32
      %parallel_loop3A_769 = arith.index_cast %parallel_loop3A_768 : i32 to index
      %parallel_loop3A_770 = tpu.vector_load %arg13[%parallel_loop3A_769] {strides = array<i32>} : memref<384xf32, #tpu.memory_space<vmem>>, vector<16xf32>,
      %parallel_loop3A_771 = arith.constant 0 : i32
      %parallel_loop3A_772 = arith.addi %parallel_loop3A_746, %parallel_loop3A_771 : i32
      %parallel_loop3A_773 = arith.index_cast %parallel_loop3A_772 : i32 to index
      %parallel_loop3A_774 = tpu.vector_load %arg14[%parallel_loop3A_773] {strides = array<i32>} : memref<320xf32, #tpu.memory_space<vmem>>, vector<16xf32>,
      %parallel_loop3A_775 = arith.constant 16 : i32
      %parallel_loop3A_776 = arith.addi %parallel_loop3A_746, %parallel_loop3A_775 : i32
      %parallel_loop3A_777 = arith.index_cast %parallel_loop3A_776 : i32 to index
      %parallel_loop3A_778 = tpu.vector_load %arg14[%parallel_loop3A_777] {strides = array<i32>} : memref<320xf32, #tpu.memory_space<vmem>>, vector<16xf32>,
      %parallel_loop3A_779 = arith.constant 16 : i32
      %parallel_loop3A_780 = arith.muli %parallel_loop3A_86, %parallel_loop3A_779 : i32
      %parallel_loop3A_781 = arith.constant 8 : i32
      %parallel_loop3A_782 = arith.addi %parallel_loop3A_780, %parallel_loop3A_781 : i32
      %parallel_loop3A_783 = arith.constant 128 : i32
      %parallel_loop3A_784 = arith.muli %parallel_loop3A_782, %parallel_loop3A_783 : i32
      %parallel_loop3A_785 = arith.constant 0 : i32
      %parallel_loop3A_786 = arith.addi %parallel_loop3A_784, %parallel_loop3A_785 : i32
      %parallel_loop3A_787 = arith.index_cast %parallel_loop3A_786 : i32 to index
      %parallel_loop3A_788 = tpu.vector_load %arg19[%parallel_loop3A_787] {strides = array<i32>} : memref<65536xf32, #tpu.memory_space<vmem>>, vector<16xf32>,
      tpu.vector_store %arg19[%parallel_loop3A_787], %parallel_loop3A_750 {strides = array<i32>} : memref<65536xf32, #tpu.memory_space<vmem>>, vector<16xf32>,
      %parallel_loop3A_789 = arith.constant 16 : i32
      %parallel_loop3A_790 = arith.addi %parallel_loop3A_784, %parallel_loop3A_789 : i32
      %parallel_loop3A_791 = arith.index_cast %parallel_loop3A_790 : i32 to index
      %parallel_loop3A_792 = tpu.vector_load %arg19[%parallel_loop3A_791] {strides = array<i32>} : memref<65536xf32, #tpu.memory_space<vmem>>, vector<16xf32>,
      tpu.vector_store %arg19[%parallel_loop3A_791], %parallel_loop3A_754 {strides = array<i32>} : memref<65536xf32, #tpu.memory_space<vmem>>, vector<16xf32>,
      %parallel_loop3A_793 = arith.constant 32 : i32
      %parallel_loop3A_794 = arith.addi %parallel_loop3A_784, %parallel_loop3A_793 : i32
      %parallel_loop3A_795 = arith.index_cast %parallel_loop3A_794 : i32 to index
      %parallel_loop3A_796 = tpu.vector_load %arg19[%parallel_loop3A_795] {strides = array<i32>} : memref<65536xf32, #tpu.memory_space<vmem>>, vector<16xf32>,
      tpu.vector_store %arg19[%parallel_loop3A_795], %parallel_loop3A_758 {strides = array<i32>} : memref<65536xf32, #tpu.memory_space<vmem>>, vector<16xf32>,
      %parallel_loop3A_797 = arith.constant 48 : i32
      %parallel_loop3A_798 = arith.addi %parallel_loop3A_784, %parallel_loop3A_797 : i32
      %parallel_loop3A_799 = arith.index_cast %parallel_loop3A_798 : i32 to index
      %parallel_loop3A_800 = tpu.vector_load %arg19[%parallel_loop3A_799] {strides = array<i32>} : memref<65536xf32, #tpu.memory_space<vmem>>, vector<16xf32>,
      tpu.vector_store %arg19[%parallel_loop3A_799], %parallel_loop3A_762 {strides = array<i32>} : memref<65536xf32, #tpu.memory_space<vmem>>, vector<16xf32>,
      %parallel_loop3A_801 = arith.constant 64 : i32
      %parallel_loop3A_802 = arith.addi %parallel_loop3A_784, %parallel_loop3A_801 : i32
      %parallel_loop3A_803 = arith.index_cast %parallel_loop3A_802 : i32 to index
      %parallel_loop3A_804 = tpu.vector_load %arg19[%parallel_loop3A_803] {strides = array<i32>} : memref<65536xf32, #tpu.memory_space<vmem>>, vector<16xf32>,
      tpu.vector_store %arg19[%parallel_loop3A_803], %parallel_loop3A_766 {strides = array<i32>} : memref<65536xf32, #tpu.memory_space<vmem>>, vector<16xf32>,
      %parallel_loop3A_805 = arith.constant 80 : i32
      %parallel_loop3A_806 = arith.addi %parallel_loop3A_784, %parallel_loop3A_805 : i32
      %parallel_loop3A_807 = arith.index_cast %parallel_loop3A_806 : i32 to index
      %parallel_loop3A_808 = tpu.vector_load %arg19[%parallel_loop3A_807] {strides = array<i32>} : memref<65536xf32, #tpu.memory_space<vmem>>, vector<16xf32>,
      tpu.vector_store %arg19[%parallel_loop3A_807], %parallel_loop3A_770 {strides = array<i32>} : memref<65536xf32, #tpu.memory_space<vmem>>, vector<16xf32>,
      %parallel_loop3A_809 = arith.constant 96 : i32
      %parallel_loop3A_810 = arith.addi %parallel_loop3A_784, %parallel_loop3A_809 : i32
      %parallel_loop3A_811 = arith.index_cast %parallel_loop3A_810 : i32 to index
      %parallel_loop3A_812 = tpu.vector_load %arg19[%parallel_loop3A_811] {strides = array<i32>} : memref<65536xf32, #tpu.memory_space<vmem>>, vector<16xf32>,
      tpu.vector_store %arg19[%parallel_loop3A_811], %parallel_loop3A_774 {strides = array<i32>} : memref<65536xf32, #tpu.memory_space<vmem>>, vector<16xf32>,
      %parallel_loop3A_813 = arith.constant 112 : i32
      %parallel_loop3A_814 = arith.addi %parallel_loop3A_784, %parallel_loop3A_813 : i32
      %parallel_loop3A_815 = arith.index_cast %parallel_loop3A_814 : i32 to index
      %parallel_loop3A_816 = tpu.vector_load %arg19[%parallel_loop3A_815] {strides = array<i32>} : memref<65536xf32, #tpu.memory_space<vmem>>, vector<16xf32>,
      tpu.vector_store %arg19[%parallel_loop3A_815], %parallel_loop3A_778 {strides = array<i32>} : memref<65536xf32, #tpu.memory_space<vmem>>, vector<16xf32>,
      %parallel_loop3A_817 = vector.extract_strided_slice %parallel_loop3A_93 {offsets = [9], sizes = [1], strides = [1]} : vector<16xi32> to vector<1xi32>
      %parallel_loop3A_818 = vector.extract %parallel_loop3A_817[0] : i32 from vector<1xi32>
      %parallel_loop3A_819 = vector.extract_strided_slice %parallel_loop3A_100 {offsets = [9], sizes = [1], strides = [1]} : vector<16xi32> to vector<1xi32>
      %parallel_loop3A_820 = vector.extract %parallel_loop3A_819[0] : i32 from vector<1xi32>
      %parallel_loop3A_821 = vector.extract_strided_slice %parallel_loop3A_107 {offsets = [9], sizes = [1], strides = [1]} : vector<16xi32> to vector<1xi32>
      %parallel_loop3A_822 = vector.extract %parallel_loop3A_821[0] : i32 from vector<1xi32>
      %parallel_loop3A_823 = vector.extract_strided_slice %parallel_loop3A_114 {offsets = [9], sizes = [1], strides = [1]} : vector<16xi32> to vector<1xi32>
      %parallel_loop3A_824 = vector.extract %parallel_loop3A_823[0] : i32 from vector<1xi32>
      %parallel_loop3A_825 = arith.constant 0 : i32
      %parallel_loop3A_826 = arith.addi %parallel_loop3A_818, %parallel_loop3A_825 : i32
      %parallel_loop3A_827 = arith.index_cast %parallel_loop3A_826 : i32 to index
      %parallel_loop3A_828 = tpu.vector_load %arg11[%parallel_loop3A_827] {strides = array<i32>} : memref<768xf32, #tpu.memory_space<vmem>>, vector<16xf32>,
      %parallel_loop3A_829 = arith.constant 16 : i32
      %parallel_loop3A_830 = arith.addi %parallel_loop3A_818, %parallel_loop3A_829 : i32
      %parallel_loop3A_831 = arith.index_cast %parallel_loop3A_830 : i32 to index
      %parallel_loop3A_832 = tpu.vector_load %arg11[%parallel_loop3A_831] {strides = array<i32>} : memref<768xf32, #tpu.memory_space<vmem>>, vector<16xf32>,
      %parallel_loop3A_833 = arith.constant 0 : i32
      %parallel_loop3A_834 = arith.addi %parallel_loop3A_820, %parallel_loop3A_833 : i32
      %parallel_loop3A_835 = arith.index_cast %parallel_loop3A_834 : i32 to index
      %parallel_loop3A_836 = tpu.vector_load %arg12[%parallel_loop3A_835] {strides = array<i32>} : memref<224xf32, #tpu.memory_space<vmem>>, vector<16xf32>,
      %parallel_loop3A_837 = arith.constant 16 : i32
      %parallel_loop3A_838 = arith.addi %parallel_loop3A_820, %parallel_loop3A_837 : i32
      %parallel_loop3A_839 = arith.index_cast %parallel_loop3A_838 : i32 to index
      %parallel_loop3A_840 = tpu.vector_load %arg12[%parallel_loop3A_839] {strides = array<i32>} : memref<224xf32, #tpu.memory_space<vmem>>, vector<16xf32>,
      %parallel_loop3A_841 = arith.constant 0 : i32
      %parallel_loop3A_842 = arith.addi %parallel_loop3A_822, %parallel_loop3A_841 : i32
      %parallel_loop3A_843 = arith.index_cast %parallel_loop3A_842 : i32 to index
      %parallel_loop3A_844 = tpu.vector_load %arg13[%parallel_loop3A_843] {strides = array<i32>} : memref<384xf32, #tpu.memory_space<vmem>>, vector<16xf32>,
      %parallel_loop3A_845 = arith.constant 16 : i32
      %parallel_loop3A_846 = arith.addi %parallel_loop3A_822, %parallel_loop3A_845 : i32
      %parallel_loop3A_847 = arith.index_cast %parallel_loop3A_846 : i32 to index
      %parallel_loop3A_848 = tpu.vector_load %arg13[%parallel_loop3A_847] {strides = array<i32>} : memref<384xf32, #tpu.memory_space<vmem>>, vector<16xf32>,
      %parallel_loop3A_849 = arith.constant 0 : i32
      %parallel_loop3A_850 = arith.addi %parallel_loop3A_824, %parallel_loop3A_849 : i32
      %parallel_loop3A_851 = arith.index_cast %parallel_loop3A_850 : i32 to index
      %parallel_loop3A_852 = tpu.vector_load %arg14[%parallel_loop3A_851] {strides = array<i32>} : memref<320xf32, #tpu.memory_space<vmem>>, vector<16xf32>,
      %parallel_loop3A_853 = arith.constant 16 : i32
      %parallel_loop3A_854 = arith.addi %parallel_loop3A_824, %parallel_loop3A_853 : i32
      %parallel_loop3A_855 = arith.index_cast %parallel_loop3A_854 : i32 to index
      %parallel_loop3A_856 = tpu.vector_load %arg14[%parallel_loop3A_855] {strides = array<i32>} : memref<320xf32, #tpu.memory_space<vmem>>, vector<16xf32>,
      %parallel_loop3A_857 = arith.constant 16 : i32
      %parallel_loop3A_858 = arith.muli %parallel_loop3A_86, %parallel_loop3A_857 : i32
      %parallel_loop3A_859 = arith.constant 9 : i32
      %parallel_loop3A_860 = arith.addi %parallel_loop3A_858, %parallel_loop3A_859 : i32
      %parallel_loop3A_861 = arith.constant 128 : i32
      %parallel_loop3A_862 = arith.muli %parallel_loop3A_860, %parallel_loop3A_861 : i32
      %parallel_loop3A_863 = arith.constant 0 : i32
      %parallel_loop3A_864 = arith.addi %parallel_loop3A_862, %parallel_loop3A_863 : i32
      %parallel_loop3A_865 = arith.index_cast %parallel_loop3A_864 : i32 to index
      %parallel_loop3A_866 = tpu.vector_load %arg19[%parallel_loop3A_865] {strides = array<i32>} : memref<65536xf32, #tpu.memory_space<vmem>>, vector<16xf32>,
      tpu.vector_store %arg19[%parallel_loop3A_865], %parallel_loop3A_828 {strides = array<i32>} : memref<65536xf32, #tpu.memory_space<vmem>>, vector<16xf32>,
      %parallel_loop3A_867 = arith.constant 16 : i32
      %parallel_loop3A_868 = arith.addi %parallel_loop3A_862, %parallel_loop3A_867 : i32
      %parallel_loop3A_869 = arith.index_cast %parallel_loop3A_868 : i32 to index
      %parallel_loop3A_870 = tpu.vector_load %arg19[%parallel_loop3A_869] {strides = array<i32>} : memref<65536xf32, #tpu.memory_space<vmem>>, vector<16xf32>,
      tpu.vector_store %arg19[%parallel_loop3A_869], %parallel_loop3A_832 {strides = array<i32>} : memref<65536xf32, #tpu.memory_space<vmem>>, vector<16xf32>,
      %parallel_loop3A_871 = arith.constant 32 : i32
      %parallel_loop3A_872 = arith.addi %parallel_loop3A_862, %parallel_loop3A_871 : i32
      %parallel_loop3A_873 = arith.index_cast %parallel_loop3A_872 : i32 to index
      %parallel_loop3A_874 = tpu.vector_load %arg19[%parallel_loop3A_873] {strides = array<i32>} : memref<65536xf32, #tpu.memory_space<vmem>>, vector<16xf32>,
      tpu.vector_store %arg19[%parallel_loop3A_873], %parallel_loop3A_836 {strides = array<i32>} : memref<65536xf32, #tpu.memory_space<vmem>>, vector<16xf32>,
      %parallel_loop3A_875 = arith.constant 48 : i32
      %parallel_loop3A_876 = arith.addi %parallel_loop3A_862, %parallel_loop3A_875 : i32
      %parallel_loop3A_877 = arith.index_cast %parallel_loop3A_876 : i32 to index
      %parallel_loop3A_878 = tpu.vector_load %arg19[%parallel_loop3A_877] {strides = array<i32>} : memref<65536xf32, #tpu.memory_space<vmem>>, vector<16xf32>,
      tpu.vector_store %arg19[%parallel_loop3A_877], %parallel_loop3A_840 {strides = array<i32>} : memref<65536xf32, #tpu.memory_space<vmem>>, vector<16xf32>,
      %parallel_loop3A_879 = arith.constant 64 : i32
      %parallel_loop3A_880 = arith.addi %parallel_loop3A_862, %parallel_loop3A_879 : i32
      %parallel_loop3A_881 = arith.index_cast %parallel_loop3A_880 : i32 to index
      %parallel_loop3A_882 = tpu.vector_load %arg19[%parallel_loop3A_881] {strides = array<i32>} : memref<65536xf32, #tpu.memory_space<vmem>>, vector<16xf32>,
      tpu.vector_store %arg19[%parallel_loop3A_881], %parallel_loop3A_844 {strides = array<i32>} : memref<65536xf32, #tpu.memory_space<vmem>>, vector<16xf32>,
      %parallel_loop3A_883 = arith.constant 80 : i32
      %parallel_loop3A_884 = arith.addi %parallel_loop3A_862, %parallel_loop3A_883 : i32
      %parallel_loop3A_885 = arith.index_cast %parallel_loop3A_884 : i32 to index
      %parallel_loop3A_886 = tpu.vector_load %arg19[%parallel_loop3A_885] {strides = array<i32>} : memref<65536xf32, #tpu.memory_space<vmem>>, vector<16xf32>,
      tpu.vector_store %arg19[%parallel_loop3A_885], %parallel_loop3A_848 {strides = array<i32>} : memref<65536xf32, #tpu.memory_space<vmem>>, vector<16xf32>,
      %parallel_loop3A_887 = arith.constant 96 : i32
      %parallel_loop3A_888 = arith.addi %parallel_loop3A_862, %parallel_loop3A_887 : i32
      %parallel_loop3A_889 = arith.index_cast %parallel_loop3A_888 : i32 to index
      %parallel_loop3A_890 = tpu.vector_load %arg19[%parallel_loop3A_889] {strides = array<i32>} : memref<65536xf32, #tpu.memory_space<vmem>>, vector<16xf32>,
      tpu.vector_store %arg19[%parallel_loop3A_889], %parallel_loop3A_852 {strides = array<i32>} : memref<65536xf32, #tpu.memory_space<vmem>>, vector<16xf32>,
      %parallel_loop3A_891 = arith.constant 112 : i32
      %parallel_loop3A_892 = arith.addi %parallel_loop3A_862, %parallel_loop3A_891 : i32
      %parallel_loop3A_893 = arith.index_cast %parallel_loop3A_892 : i32 to index
      %parallel_loop3A_894 = tpu.vector_load %arg19[%parallel_loop3A_893] {strides = array<i32>} : memref<65536xf32, #tpu.memory_space<vmem>>, vector<16xf32>,
      tpu.vector_store %arg19[%parallel_loop3A_893], %parallel_loop3A_856 {strides = array<i32>} : memref<65536xf32, #tpu.memory_space<vmem>>, vector<16xf32>,
      %parallel_loop3A_895 = vector.extract_strided_slice %parallel_loop3A_93 {offsets = [10], sizes = [1], strides = [1]} : vector<16xi32> to vector<1xi32>
      %parallel_loop3A_896 = vector.extract %parallel_loop3A_895[0] : i32 from vector<1xi32>
      %parallel_loop3A_897 = vector.extract_strided_slice %parallel_loop3A_100 {offsets = [10], sizes = [1], strides = [1]} : vector<16xi32> to vector<1xi32>
      %parallel_loop3A_898 = vector.extract %parallel_loop3A_897[0] : i32 from vector<1xi32>
      %parallel_loop3A_899 = vector.extract_strided_slice %parallel_loop3A_107 {offsets = [10], sizes = [1], strides = [1]} : vector<16xi32> to vector<1xi32>
      %parallel_loop3A_900 = vector.extract %parallel_loop3A_899[0] : i32 from vector<1xi32>
      %parallel_loop3A_901 = vector.extract_strided_slice %parallel_loop3A_114 {offsets = [10], sizes = [1], strides = [1]} : vector<16xi32> to vector<1xi32>
      %parallel_loop3A_902 = vector.extract %parallel_loop3A_901[0] : i32 from vector<1xi32>
      %parallel_loop3A_903 = arith.constant 0 : i32
      %parallel_loop3A_904 = arith.addi %parallel_loop3A_896, %parallel_loop3A_903 : i32
      %parallel_loop3A_905 = arith.index_cast %parallel_loop3A_904 : i32 to index
      %parallel_loop3A_906 = tpu.vector_load %arg11[%parallel_loop3A_905] {strides = array<i32>} : memref<768xf32, #tpu.memory_space<vmem>>, vector<16xf32>,
      %parallel_loop3A_907 = arith.constant 16 : i32
      %parallel_loop3A_908 = arith.addi %parallel_loop3A_896, %parallel_loop3A_907 : i32
      %parallel_loop3A_909 = arith.index_cast %parallel_loop3A_908 : i32 to index
      %parallel_loop3A_910 = tpu.vector_load %arg11[%parallel_loop3A_909] {strides = array<i32>} : memref<768xf32, #tpu.memory_space<vmem>>, vector<16xf32>,
      %parallel_loop3A_911 = arith.constant 0 : i32
      %parallel_loop3A_912 = arith.addi %parallel_loop3A_898, %parallel_loop3A_911 : i32
      %parallel_loop3A_913 = arith.index_cast %parallel_loop3A_912 : i32 to index
      %parallel_loop3A_914 = tpu.vector_load %arg12[%parallel_loop3A_913] {strides = array<i32>} : memref<224xf32, #tpu.memory_space<vmem>>, vector<16xf32>,
      %parallel_loop3A_915 = arith.constant 16 : i32
      %parallel_loop3A_916 = arith.addi %parallel_loop3A_898, %parallel_loop3A_915 : i32
      %parallel_loop3A_917 = arith.index_cast %parallel_loop3A_916 : i32 to index
      %parallel_loop3A_918 = tpu.vector_load %arg12[%parallel_loop3A_917] {strides = array<i32>} : memref<224xf32, #tpu.memory_space<vmem>>, vector<16xf32>,
      %parallel_loop3A_919 = arith.constant 0 : i32
      %parallel_loop3A_920 = arith.addi %parallel_loop3A_900, %parallel_loop3A_919 : i32
      %parallel_loop3A_921 = arith.index_cast %parallel_loop3A_920 : i32 to index
      %parallel_loop3A_922 = tpu.vector_load %arg13[%parallel_loop3A_921] {strides = array<i32>} : memref<384xf32, #tpu.memory_space<vmem>>, vector<16xf32>,
      %parallel_loop3A_923 = arith.constant 16 : i32
      %parallel_loop3A_924 = arith.addi %parallel_loop3A_900, %parallel_loop3A_923 : i32
      %parallel_loop3A_925 = arith.index_cast %parallel_loop3A_924 : i32 to index
      %parallel_loop3A_926 = tpu.vector_load %arg13[%parallel_loop3A_925] {strides = array<i32>} : memref<384xf32, #tpu.memory_space<vmem>>, vector<16xf32>,
      %parallel_loop3A_927 = arith.constant 0 : i32
      %parallel_loop3A_928 = arith.addi %parallel_loop3A_902, %parallel_loop3A_927 : i32
      %parallel_loop3A_929 = arith.index_cast %parallel_loop3A_928 : i32 to index
      %parallel_loop3A_930 = tpu.vector_load %arg14[%parallel_loop3A_929] {strides = array<i32>} : memref<320xf32, #tpu.memory_space<vmem>>, vector<16xf32>,
      %parallel_loop3A_931 = arith.constant 16 : i32
      %parallel_loop3A_932 = arith.addi %parallel_loop3A_902, %parallel_loop3A_931 : i32
      %parallel_loop3A_933 = arith.index_cast %parallel_loop3A_932 : i32 to index
      %parallel_loop3A_934 = tpu.vector_load %arg14[%parallel_loop3A_933] {strides = array<i32>} : memref<320xf32, #tpu.memory_space<vmem>>, vector<16xf32>,
      %parallel_loop3A_935 = arith.constant 16 : i32
      %parallel_loop3A_936 = arith.muli %parallel_loop3A_86, %parallel_loop3A_935 : i32
      %parallel_loop3A_937 = arith.constant 10 : i32
      %parallel_loop3A_938 = arith.addi %parallel_loop3A_936, %parallel_loop3A_937 : i32
      %parallel_loop3A_939 = arith.constant 128 : i32
      %parallel_loop3A_940 = arith.muli %parallel_loop3A_938, %parallel_loop3A_939 : i32
      %parallel_loop3A_941 = arith.constant 0 : i32
      %parallel_loop3A_942 = arith.addi %parallel_loop3A_940, %parallel_loop3A_941 : i32
      %parallel_loop3A_943 = arith.index_cast %parallel_loop3A_942 : i32 to index
      %parallel_loop3A_944 = tpu.vector_load %arg19[%parallel_loop3A_943] {strides = array<i32>} : memref<65536xf32, #tpu.memory_space<vmem>>, vector<16xf32>,
      tpu.vector_store %arg19[%parallel_loop3A_943], %parallel_loop3A_906 {strides = array<i32>} : memref<65536xf32, #tpu.memory_space<vmem>>, vector<16xf32>,
      %parallel_loop3A_945 = arith.constant 16 : i32
      %parallel_loop3A_946 = arith.addi %parallel_loop3A_940, %parallel_loop3A_945 : i32
      %parallel_loop3A_947 = arith.index_cast %parallel_loop3A_946 : i32 to index
      %parallel_loop3A_948 = tpu.vector_load %arg19[%parallel_loop3A_947] {strides = array<i32>} : memref<65536xf32, #tpu.memory_space<vmem>>, vector<16xf32>,
      tpu.vector_store %arg19[%parallel_loop3A_947], %parallel_loop3A_910 {strides = array<i32>} : memref<65536xf32, #tpu.memory_space<vmem>>, vector<16xf32>,
      %parallel_loop3A_949 = arith.constant 32 : i32
      %parallel_loop3A_950 = arith.addi %parallel_loop3A_940, %parallel_loop3A_949 : i32
      %parallel_loop3A_951 = arith.index_cast %parallel_loop3A_950 : i32 to index
      %parallel_loop3A_952 = tpu.vector_load %arg19[%parallel_loop3A_951] {strides = array<i32>} : memref<65536xf32, #tpu.memory_space<vmem>>, vector<16xf32>,
      tpu.vector_store %arg19[%parallel_loop3A_951], %parallel_loop3A_914 {strides = array<i32>} : memref<65536xf32, #tpu.memory_space<vmem>>, vector<16xf32>,
      %parallel_loop3A_953 = arith.constant 48 : i32
      %parallel_loop3A_954 = arith.addi %parallel_loop3A_940, %parallel_loop3A_953 : i32
      %parallel_loop3A_955 = arith.index_cast %parallel_loop3A_954 : i32 to index
      %parallel_loop3A_956 = tpu.vector_load %arg19[%parallel_loop3A_955] {strides = array<i32>} : memref<65536xf32, #tpu.memory_space<vmem>>, vector<16xf32>,
      tpu.vector_store %arg19[%parallel_loop3A_955], %parallel_loop3A_918 {strides = array<i32>} : memref<65536xf32, #tpu.memory_space<vmem>>, vector<16xf32>,
      %parallel_loop3A_957 = arith.constant 64 : i32
      %parallel_loop3A_958 = arith.addi %parallel_loop3A_940, %parallel_loop3A_957 : i32
      %parallel_loop3A_959 = arith.index_cast %parallel_loop3A_958 : i32 to index
      %parallel_loop3A_960 = tpu.vector_load %arg19[%parallel_loop3A_959] {strides = array<i32>} : memref<65536xf32, #tpu.memory_space<vmem>>, vector<16xf32>,
      tpu.vector_store %arg19[%parallel_loop3A_959], %parallel_loop3A_922 {strides = array<i32>} : memref<65536xf32, #tpu.memory_space<vmem>>, vector<16xf32>,
      %parallel_loop3A_961 = arith.constant 80 : i32
      %parallel_loop3A_962 = arith.addi %parallel_loop3A_940, %parallel_loop3A_961 : i32
      %parallel_loop3A_963 = arith.index_cast %parallel_loop3A_962 : i32 to index
      %parallel_loop3A_964 = tpu.vector_load %arg19[%parallel_loop3A_963] {strides = array<i32>} : memref<65536xf32, #tpu.memory_space<vmem>>, vector<16xf32>,
      tpu.vector_store %arg19[%parallel_loop3A_963], %parallel_loop3A_926 {strides = array<i32>} : memref<65536xf32, #tpu.memory_space<vmem>>, vector<16xf32>,
      %parallel_loop3A_965 = arith.constant 96 : i32
      %parallel_loop3A_966 = arith.addi %parallel_loop3A_940, %parallel_loop3A_965 : i32
      %parallel_loop3A_967 = arith.index_cast %parallel_loop3A_966 : i32 to index
      %parallel_loop3A_968 = tpu.vector_load %arg19[%parallel_loop3A_967] {strides = array<i32>} : memref<65536xf32, #tpu.memory_space<vmem>>, vector<16xf32>,
      tpu.vector_store %arg19[%parallel_loop3A_967], %parallel_loop3A_930 {strides = array<i32>} : memref<65536xf32, #tpu.memory_space<vmem>>, vector<16xf32>,
      %parallel_loop3A_969 = arith.constant 112 : i32
      %parallel_loop3A_970 = arith.addi %parallel_loop3A_940, %parallel_loop3A_969 : i32
      %parallel_loop3A_971 = arith.index_cast %parallel_loop3A_970 : i32 to index
      %parallel_loop3A_972 = tpu.vector_load %arg19[%parallel_loop3A_971] {strides = array<i32>} : memref<65536xf32, #tpu.memory_space<vmem>>, vector<16xf32>,
      tpu.vector_store %arg19[%parallel_loop3A_971], %parallel_loop3A_934 {strides = array<i32>} : memref<65536xf32, #tpu.memory_space<vmem>>, vector<16xf32>,
      %parallel_loop3A_973 = vector.extract_strided_slice %parallel_loop3A_93 {offsets = [11], sizes = [1], strides = [1]} : vector<16xi32> to vector<1xi32>
      %parallel_loop3A_974 = vector.extract %parallel_loop3A_973[0] : i32 from vector<1xi32>
      %parallel_loop3A_975 = vector.extract_strided_slice %parallel_loop3A_100 {offsets = [11], sizes = [1], strides = [1]} : vector<16xi32> to vector<1xi32>
      %parallel_loop3A_976 = vector.extract %parallel_loop3A_975[0] : i32 from vector<1xi32>
      %parallel_loop3A_977 = vector.extract_strided_slice %parallel_loop3A_107 {offsets = [11], sizes = [1], strides = [1]} : vector<16xi32> to vector<1xi32>
      %parallel_loop3A_978 = vector.extract %parallel_loop3A_977[0] : i32 from vector<1xi32>
      %parallel_loop3A_979 = vector.extract_strided_slice %parallel_loop3A_114 {offsets = [11], sizes = [1], strides = [1]} : vector<16xi32> to vector<1xi32>
      %parallel_loop3A_980 = vector.extract %parallel_loop3A_979[0] : i32 from vector<1xi32>
      %parallel_loop3A_981 = arith.constant 0 : i32
      %parallel_loop3A_982 = arith.addi %parallel_loop3A_974, %parallel_loop3A_981 : i32
      %parallel_loop3A_983 = arith.index_cast %parallel_loop3A_982 : i32 to index
      %parallel_loop3A_984 = tpu.vector_load %arg11[%parallel_loop3A_983] {strides = array<i32>} : memref<768xf32, #tpu.memory_space<vmem>>, vector<16xf32>,
      %parallel_loop3A_985 = arith.constant 16 : i32
      %parallel_loop3A_986 = arith.addi %parallel_loop3A_974, %parallel_loop3A_985 : i32
      %parallel_loop3A_987 = arith.index_cast %parallel_loop3A_986 : i32 to index
      %parallel_loop3A_988 = tpu.vector_load %arg11[%parallel_loop3A_987] {strides = array<i32>} : memref<768xf32, #tpu.memory_space<vmem>>, vector<16xf32>,
      %parallel_loop3A_989 = arith.constant 0 : i32
      %parallel_loop3A_990 = arith.addi %parallel_loop3A_976, %parallel_loop3A_989 : i32
      %parallel_loop3A_991 = arith.index_cast %parallel_loop3A_990 : i32 to index
      %parallel_loop3A_992 = tpu.vector_load %arg12[%parallel_loop3A_991] {strides = array<i32>} : memref<224xf32, #tpu.memory_space<vmem>>, vector<16xf32>,
      %parallel_loop3A_993 = arith.constant 16 : i32
      %parallel_loop3A_994 = arith.addi %parallel_loop3A_976, %parallel_loop3A_993 : i32
      %parallel_loop3A_995 = arith.index_cast %parallel_loop3A_994 : i32 to index
      %parallel_loop3A_996 = tpu.vector_load %arg12[%parallel_loop3A_995] {strides = array<i32>} : memref<224xf32, #tpu.memory_space<vmem>>, vector<16xf32>,
      %parallel_loop3A_997 = arith.constant 0 : i32
      %parallel_loop3A_998 = arith.addi %parallel_loop3A_978, %parallel_loop3A_997 : i32
      %parallel_loop3A_999 = arith.index_cast %parallel_loop3A_998 : i32 to index
      %parallel_loop3A_1000 = tpu.vector_load %arg13[%parallel_loop3A_999] {strides = array<i32>} : memref<384xf32, #tpu.memory_space<vmem>>, vector<16xf32>,
      %parallel_loop3A_1001 = arith.constant 16 : i32
      %parallel_loop3A_1002 = arith.addi %parallel_loop3A_978, %parallel_loop3A_1001 : i32
      %parallel_loop3A_1003 = arith.index_cast %parallel_loop3A_1002 : i32 to index
      %parallel_loop3A_1004 = tpu.vector_load %arg13[%parallel_loop3A_1003] {strides = array<i32>} : memref<384xf32, #tpu.memory_space<vmem>>, vector<16xf32>,
      %parallel_loop3A_1005 = arith.constant 0 : i32
      %parallel_loop3A_1006 = arith.addi %parallel_loop3A_980, %parallel_loop3A_1005 : i32
      %parallel_loop3A_1007 = arith.index_cast %parallel_loop3A_1006 : i32 to index
      %parallel_loop3A_1008 = tpu.vector_load %arg14[%parallel_loop3A_1007] {strides = array<i32>} : memref<320xf32, #tpu.memory_space<vmem>>, vector<16xf32>,
      %parallel_loop3A_1009 = arith.constant 16 : i32
      %parallel_loop3A_1010 = arith.addi %parallel_loop3A_980, %parallel_loop3A_1009 : i32
      %parallel_loop3A_1011 = arith.index_cast %parallel_loop3A_1010 : i32 to index
      %parallel_loop3A_1012 = tpu.vector_load %arg14[%parallel_loop3A_1011] {strides = array<i32>} : memref<320xf32, #tpu.memory_space<vmem>>, vector<16xf32>,
      %parallel_loop3A_1013 = arith.constant 16 : i32
      %parallel_loop3A_1014 = arith.muli %parallel_loop3A_86, %parallel_loop3A_1013 : i32
      %parallel_loop3A_1015 = arith.constant 11 : i32
      %parallel_loop3A_1016 = arith.addi %parallel_loop3A_1014, %parallel_loop3A_1015 : i32
      %parallel_loop3A_1017 = arith.constant 128 : i32
      %parallel_loop3A_1018 = arith.muli %parallel_loop3A_1016, %parallel_loop3A_1017 : i32
      %parallel_loop3A_1019 = arith.constant 0 : i32
      %parallel_loop3A_1020 = arith.addi %parallel_loop3A_1018, %parallel_loop3A_1019 : i32
      %parallel_loop3A_1021 = arith.index_cast %parallel_loop3A_1020 : i32 to index
      %parallel_loop3A_1022 = tpu.vector_load %arg19[%parallel_loop3A_1021] {strides = array<i32>} : memref<65536xf32, #tpu.memory_space<vmem>>, vector<16xf32>,
      tpu.vector_store %arg19[%parallel_loop3A_1021], %parallel_loop3A_984 {strides = array<i32>} : memref<65536xf32, #tpu.memory_space<vmem>>, vector<16xf32>,
      %parallel_loop3A_1023 = arith.constant 16 : i32
      %parallel_loop3A_1024 = arith.addi %parallel_loop3A_1018, %parallel_loop3A_1023 : i32
      %parallel_loop3A_1025 = arith.index_cast %parallel_loop3A_1024 : i32 to index
      %parallel_loop3A_1026 = tpu.vector_load %arg19[%parallel_loop3A_1025] {strides = array<i32>} : memref<65536xf32, #tpu.memory_space<vmem>>, vector<16xf32>,
      tpu.vector_store %arg19[%parallel_loop3A_1025], %parallel_loop3A_988 {strides = array<i32>} : memref<65536xf32, #tpu.memory_space<vmem>>, vector<16xf32>,
      %parallel_loop3A_1027 = arith.constant 32 : i32
      %parallel_loop3A_1028 = arith.addi %parallel_loop3A_1018, %parallel_loop3A_1027 : i32
      %parallel_loop3A_1029 = arith.index_cast %parallel_loop3A_1028 : i32 to index
      %parallel_loop3A_1030 = tpu.vector_load %arg19[%parallel_loop3A_1029] {strides = array<i32>} : memref<65536xf32, #tpu.memory_space<vmem>>, vector<16xf32>,
      tpu.vector_store %arg19[%parallel_loop3A_1029], %parallel_loop3A_992 {strides = array<i32>} : memref<65536xf32, #tpu.memory_space<vmem>>, vector<16xf32>,
      %parallel_loop3A_1031 = arith.constant 48 : i32
      %parallel_loop3A_1032 = arith.addi %parallel_loop3A_1018, %parallel_loop3A_1031 : i32
      %parallel_loop3A_1033 = arith.index_cast %parallel_loop3A_1032 : i32 to index
      %parallel_loop3A_1034 = tpu.vector_load %arg19[%parallel_loop3A_1033] {strides = array<i32>} : memref<65536xf32, #tpu.memory_space<vmem>>, vector<16xf32>,
      tpu.vector_store %arg19[%parallel_loop3A_1033], %parallel_loop3A_996 {strides = array<i32>} : memref<65536xf32, #tpu.memory_space<vmem>>, vector<16xf32>,
      %parallel_loop3A_1035 = arith.constant 64 : i32
      %parallel_loop3A_1036 = arith.addi %parallel_loop3A_1018, %parallel_loop3A_1035 : i32
      %parallel_loop3A_1037 = arith.index_cast %parallel_loop3A_1036 : i32 to index
      %parallel_loop3A_1038 = tpu.vector_load %arg19[%parallel_loop3A_1037] {strides = array<i32>} : memref<65536xf32, #tpu.memory_space<vmem>>, vector<16xf32>,
      tpu.vector_store %arg19[%parallel_loop3A_1037], %parallel_loop3A_1000 {strides = array<i32>} : memref<65536xf32, #tpu.memory_space<vmem>>, vector<16xf32>,
      %parallel_loop3A_1039 = arith.constant 80 : i32
      %parallel_loop3A_1040 = arith.addi %parallel_loop3A_1018, %parallel_loop3A_1039 : i32
      %parallel_loop3A_1041 = arith.index_cast %parallel_loop3A_1040 : i32 to index
      %parallel_loop3A_1042 = tpu.vector_load %arg19[%parallel_loop3A_1041] {strides = array<i32>} : memref<65536xf32, #tpu.memory_space<vmem>>, vector<16xf32>,
      tpu.vector_store %arg19[%parallel_loop3A_1041], %parallel_loop3A_1004 {strides = array<i32>} : memref<65536xf32, #tpu.memory_space<vmem>>, vector<16xf32>,
      %parallel_loop3A_1043 = arith.constant 96 : i32
      %parallel_loop3A_1044 = arith.addi %parallel_loop3A_1018, %parallel_loop3A_1043 : i32
      %parallel_loop3A_1045 = arith.index_cast %parallel_loop3A_1044 : i32 to index
      %parallel_loop3A_1046 = tpu.vector_load %arg19[%parallel_loop3A_1045] {strides = array<i32>} : memref<65536xf32, #tpu.memory_space<vmem>>, vector<16xf32>,
      tpu.vector_store %arg19[%parallel_loop3A_1045], %parallel_loop3A_1008 {strides = array<i32>} : memref<65536xf32, #tpu.memory_space<vmem>>, vector<16xf32>,
      %parallel_loop3A_1047 = arith.constant 112 : i32
      %parallel_loop3A_1048 = arith.addi %parallel_loop3A_1018, %parallel_loop3A_1047 : i32
      %parallel_loop3A_1049 = arith.index_cast %parallel_loop3A_1048 : i32 to index
      %parallel_loop3A_1050 = tpu.vector_load %arg19[%parallel_loop3A_1049] {strides = array<i32>} : memref<65536xf32, #tpu.memory_space<vmem>>, vector<16xf32>,
      tpu.vector_store %arg19[%parallel_loop3A_1049], %parallel_loop3A_1012 {strides = array<i32>} : memref<65536xf32, #tpu.memory_space<vmem>>, vector<16xf32>,
      %parallel_loop3A_1051 = vector.extract_strided_slice %parallel_loop3A_93 {offsets = [12], sizes = [1], strides = [1]} : vector<16xi32> to vector<1xi32>
      %parallel_loop3A_1052 = vector.extract %parallel_loop3A_1051[0] : i32 from vector<1xi32>
      %parallel_loop3A_1053 = vector.extract_strided_slice %parallel_loop3A_100 {offsets = [12], sizes = [1], strides = [1]} : vector<16xi32> to vector<1xi32>
      %parallel_loop3A_1054 = vector.extract %parallel_loop3A_1053[0] : i32 from vector<1xi32>
      %parallel_loop3A_1055 = vector.extract_strided_slice %parallel_loop3A_107 {offsets = [12], sizes = [1], strides = [1]} : vector<16xi32> to vector<1xi32>
      %parallel_loop3A_1056 = vector.extract %parallel_loop3A_1055[0] : i32 from vector<1xi32>
      %parallel_loop3A_1057 = vector.extract_strided_slice %parallel_loop3A_114 {offsets = [12], sizes = [1], strides = [1]} : vector<16xi32> to vector<1xi32>
      %parallel_loop3A_1058 = vector.extract %parallel_loop3A_1057[0] : i32 from vector<1xi32>
      %parallel_loop3A_1059 = arith.constant 0 : i32
      %parallel_loop3A_1060 = arith.addi %parallel_loop3A_1052, %parallel_loop3A_1059 : i32
      %parallel_loop3A_1061 = arith.index_cast %parallel_loop3A_1060 : i32 to index
      %parallel_loop3A_1062 = tpu.vector_load %arg11[%parallel_loop3A_1061] {strides = array<i32>} : memref<768xf32, #tpu.memory_space<vmem>>, vector<16xf32>,
      %parallel_loop3A_1063 = arith.constant 16 : i32
      %parallel_loop3A_1064 = arith.addi %parallel_loop3A_1052, %parallel_loop3A_1063 : i32
      %parallel_loop3A_1065 = arith.index_cast %parallel_loop3A_1064 : i32 to index
      %parallel_loop3A_1066 = tpu.vector_load %arg11[%parallel_loop3A_1065] {strides = array<i32>} : memref<768xf32, #tpu.memory_space<vmem>>, vector<16xf32>,
      %parallel_loop3A_1067 = arith.constant 0 : i32
      %parallel_loop3A_1068 = arith.addi %parallel_loop3A_1054, %parallel_loop3A_1067 : i32
      %parallel_loop3A_1069 = arith.index_cast %parallel_loop3A_1068 : i32 to index
      %parallel_loop3A_1070 = tpu.vector_load %arg12[%parallel_loop3A_1069] {strides = array<i32>} : memref<224xf32, #tpu.memory_space<vmem>>, vector<16xf32>,
      %parallel_loop3A_1071 = arith.constant 16 : i32
      %parallel_loop3A_1072 = arith.addi %parallel_loop3A_1054, %parallel_loop3A_1071 : i32
      %parallel_loop3A_1073 = arith.index_cast %parallel_loop3A_1072 : i32 to index
      %parallel_loop3A_1074 = tpu.vector_load %arg12[%parallel_loop3A_1073] {strides = array<i32>} : memref<224xf32, #tpu.memory_space<vmem>>, vector<16xf32>,
      %parallel_loop3A_1075 = arith.constant 0 : i32
      %parallel_loop3A_1076 = arith.addi %parallel_loop3A_1056, %parallel_loop3A_1075 : i32
      %parallel_loop3A_1077 = arith.index_cast %parallel_loop3A_1076 : i32 to index
      %parallel_loop3A_1078 = tpu.vector_load %arg13[%parallel_loop3A_1077] {strides = array<i32>} : memref<384xf32, #tpu.memory_space<vmem>>, vector<16xf32>,
      %parallel_loop3A_1079 = arith.constant 16 : i32
      %parallel_loop3A_1080 = arith.addi %parallel_loop3A_1056, %parallel_loop3A_1079 : i32
      %parallel_loop3A_1081 = arith.index_cast %parallel_loop3A_1080 : i32 to index
      %parallel_loop3A_1082 = tpu.vector_load %arg13[%parallel_loop3A_1081] {strides = array<i32>} : memref<384xf32, #tpu.memory_space<vmem>>, vector<16xf32>,
      %parallel_loop3A_1083 = arith.constant 0 : i32
      %parallel_loop3A_1084 = arith.addi %parallel_loop3A_1058, %parallel_loop3A_1083 : i32
      %parallel_loop3A_1085 = arith.index_cast %parallel_loop3A_1084 : i32 to index
      %parallel_loop3A_1086 = tpu.vector_load %arg14[%parallel_loop3A_1085] {strides = array<i32>} : memref<320xf32, #tpu.memory_space<vmem>>, vector<16xf32>,
      %parallel_loop3A_1087 = arith.constant 16 : i32
      %parallel_loop3A_1088 = arith.addi %parallel_loop3A_1058, %parallel_loop3A_1087 : i32
      %parallel_loop3A_1089 = arith.index_cast %parallel_loop3A_1088 : i32 to index
      %parallel_loop3A_1090 = tpu.vector_load %arg14[%parallel_loop3A_1089] {strides = array<i32>} : memref<320xf32, #tpu.memory_space<vmem>>, vector<16xf32>,
      %parallel_loop3A_1091 = arith.constant 16 : i32
      %parallel_loop3A_1092 = arith.muli %parallel_loop3A_86, %parallel_loop3A_1091 : i32
      %parallel_loop3A_1093 = arith.constant 12 : i32
      %parallel_loop3A_1094 = arith.addi %parallel_loop3A_1092, %parallel_loop3A_1093 : i32
      %parallel_loop3A_1095 = arith.constant 128 : i32
      %parallel_loop3A_1096 = arith.muli %parallel_loop3A_1094, %parallel_loop3A_1095 : i32
      %parallel_loop3A_1097 = arith.constant 0 : i32
      %parallel_loop3A_1098 = arith.addi %parallel_loop3A_1096, %parallel_loop3A_1097 : i32
      %parallel_loop3A_1099 = arith.index_cast %parallel_loop3A_1098 : i32 to index
      %parallel_loop3A_1100 = tpu.vector_load %arg19[%parallel_loop3A_1099] {strides = array<i32>} : memref<65536xf32, #tpu.memory_space<vmem>>, vector<16xf32>,
      tpu.vector_store %arg19[%parallel_loop3A_1099], %parallel_loop3A_1062 {strides = array<i32>} : memref<65536xf32, #tpu.memory_space<vmem>>, vector<16xf32>,
      %parallel_loop3A_1101 = arith.constant 16 : i32
      %parallel_loop3A_1102 = arith.addi %parallel_loop3A_1096, %parallel_loop3A_1101 : i32
      %parallel_loop3A_1103 = arith.index_cast %parallel_loop3A_1102 : i32 to index
      %parallel_loop3A_1104 = tpu.vector_load %arg19[%parallel_loop3A_1103] {strides = array<i32>} : memref<65536xf32, #tpu.memory_space<vmem>>, vector<16xf32>,
      tpu.vector_store %arg19[%parallel_loop3A_1103], %parallel_loop3A_1066 {strides = array<i32>} : memref<65536xf32, #tpu.memory_space<vmem>>, vector<16xf32>,
      %parallel_loop3A_1105 = arith.constant 32 : i32
      %parallel_loop3A_1106 = arith.addi %parallel_loop3A_1096, %parallel_loop3A_1105 : i32
      %parallel_loop3A_1107 = arith.index_cast %parallel_loop3A_1106 : i32 to index
      %parallel_loop3A_1108 = tpu.vector_load %arg19[%parallel_loop3A_1107] {strides = array<i32>} : memref<65536xf32, #tpu.memory_space<vmem>>, vector<16xf32>,
      tpu.vector_store %arg19[%parallel_loop3A_1107], %parallel_loop3A_1070 {strides = array<i32>} : memref<65536xf32, #tpu.memory_space<vmem>>, vector<16xf32>,
      %parallel_loop3A_1109 = arith.constant 48 : i32
      %parallel_loop3A_1110 = arith.addi %parallel_loop3A_1096, %parallel_loop3A_1109 : i32
      %parallel_loop3A_1111 = arith.index_cast %parallel_loop3A_1110 : i32 to index
      %parallel_loop3A_1112 = tpu.vector_load %arg19[%parallel_loop3A_1111] {strides = array<i32>} : memref<65536xf32, #tpu.memory_space<vmem>>, vector<16xf32>,
      tpu.vector_store %arg19[%parallel_loop3A_1111], %parallel_loop3A_1074 {strides = array<i32>} : memref<65536xf32, #tpu.memory_space<vmem>>, vector<16xf32>,
      %parallel_loop3A_1113 = arith.constant 64 : i32
      %parallel_loop3A_1114 = arith.addi %parallel_loop3A_1096, %parallel_loop3A_1113 : i32
      %parallel_loop3A_1115 = arith.index_cast %parallel_loop3A_1114 : i32 to index
      %parallel_loop3A_1116 = tpu.vector_load %arg19[%parallel_loop3A_1115] {strides = array<i32>} : memref<65536xf32, #tpu.memory_space<vmem>>, vector<16xf32>,
      tpu.vector_store %arg19[%parallel_loop3A_1115], %parallel_loop3A_1078 {strides = array<i32>} : memref<65536xf32, #tpu.memory_space<vmem>>, vector<16xf32>,
      %parallel_loop3A_1117 = arith.constant 80 : i32
      %parallel_loop3A_1118 = arith.addi %parallel_loop3A_1096, %parallel_loop3A_1117 : i32
      %parallel_loop3A_1119 = arith.index_cast %parallel_loop3A_1118 : i32 to index
      %parallel_loop3A_1120 = tpu.vector_load %arg19[%parallel_loop3A_1119] {strides = array<i32>} : memref<65536xf32, #tpu.memory_space<vmem>>, vector<16xf32>,
      tpu.vector_store %arg19[%parallel_loop3A_1119], %parallel_loop3A_1082 {strides = array<i32>} : memref<65536xf32, #tpu.memory_space<vmem>>, vector<16xf32>,
      %parallel_loop3A_1121 = arith.constant 96 : i32
      %parallel_loop3A_1122 = arith.addi %parallel_loop3A_1096, %parallel_loop3A_1121 : i32
      %parallel_loop3A_1123 = arith.index_cast %parallel_loop3A_1122 : i32 to index
      %parallel_loop3A_1124 = tpu.vector_load %arg19[%parallel_loop3A_1123] {strides = array<i32>} : memref<65536xf32, #tpu.memory_space<vmem>>, vector<16xf32>,
      tpu.vector_store %arg19[%parallel_loop3A_1123], %parallel_loop3A_1086 {strides = array<i32>} : memref<65536xf32, #tpu.memory_space<vmem>>, vector<16xf32>,
      %parallel_loop3A_1125 = arith.constant 112 : i32
      %parallel_loop3A_1126 = arith.addi %parallel_loop3A_1096, %parallel_loop3A_1125 : i32
      %parallel_loop3A_1127 = arith.index_cast %parallel_loop3A_1126 : i32 to index
      %parallel_loop3A_1128 = tpu.vector_load %arg19[%parallel_loop3A_1127] {strides = array<i32>} : memref<65536xf32, #tpu.memory_space<vmem>>, vector<16xf32>,
      tpu.vector_store %arg19[%parallel_loop3A_1127], %parallel_loop3A_1090 {strides = array<i32>} : memref<65536xf32, #tpu.memory_space<vmem>>, vector<16xf32>,
      %parallel_loop3A_1129 = vector.extract_strided_slice %parallel_loop3A_93 {offsets = [13], sizes = [1], strides = [1]} : vector<16xi32> to vector<1xi32>
      %parallel_loop3A_1130 = vector.extract %parallel_loop3A_1129[0] : i32 from vector<1xi32>
      %parallel_loop3A_1131 = vector.extract_strided_slice %parallel_loop3A_100 {offsets = [13], sizes = [1], strides = [1]} : vector<16xi32> to vector<1xi32>
      %parallel_loop3A_1132 = vector.extract %parallel_loop3A_1131[0] : i32 from vector<1xi32>
      %parallel_loop3A_1133 = vector.extract_strided_slice %parallel_loop3A_107 {offsets = [13], sizes = [1], strides = [1]} : vector<16xi32> to vector<1xi32>
      %parallel_loop3A_1134 = vector.extract %parallel_loop3A_1133[0] : i32 from vector<1xi32>
      %parallel_loop3A_1135 = vector.extract_strided_slice %parallel_loop3A_114 {offsets = [13], sizes = [1], strides = [1]} : vector<16xi32> to vector<1xi32>
      %parallel_loop3A_1136 = vector.extract %parallel_loop3A_1135[0] : i32 from vector<1xi32>
      %parallel_loop3A_1137 = arith.constant 0 : i32
      %parallel_loop3A_1138 = arith.addi %parallel_loop3A_1130, %parallel_loop3A_1137 : i32
      %parallel_loop3A_1139 = arith.index_cast %parallel_loop3A_1138 : i32 to index
      %parallel_loop3A_1140 = tpu.vector_load %arg11[%parallel_loop3A_1139] {strides = array<i32>} : memref<768xf32, #tpu.memory_space<vmem>>, vector<16xf32>,
      %parallel_loop3A_1141 = arith.constant 16 : i32
      %parallel_loop3A_1142 = arith.addi %parallel_loop3A_1130, %parallel_loop3A_1141 : i32
      %parallel_loop3A_1143 = arith.index_cast %parallel_loop3A_1142 : i32 to index
      %parallel_loop3A_1144 = tpu.vector_load %arg11[%parallel_loop3A_1143] {strides = array<i32>} : memref<768xf32, #tpu.memory_space<vmem>>, vector<16xf32>,
      %parallel_loop3A_1145 = arith.constant 0 : i32
      %parallel_loop3A_1146 = arith.addi %parallel_loop3A_1132, %parallel_loop3A_1145 : i32
      %parallel_loop3A_1147 = arith.index_cast %parallel_loop3A_1146 : i32 to index
      %parallel_loop3A_1148 = tpu.vector_load %arg12[%parallel_loop3A_1147] {strides = array<i32>} : memref<224xf32, #tpu.memory_space<vmem>>, vector<16xf32>,
      %parallel_loop3A_1149 = arith.constant 16 : i32
      %parallel_loop3A_1150 = arith.addi %parallel_loop3A_1132, %parallel_loop3A_1149 : i32
      %parallel_loop3A_1151 = arith.index_cast %parallel_loop3A_1150 : i32 to index
      %parallel_loop3A_1152 = tpu.vector_load %arg12[%parallel_loop3A_1151] {strides = array<i32>} : memref<224xf32, #tpu.memory_space<vmem>>, vector<16xf32>,
      %parallel_loop3A_1153 = arith.constant 0 : i32
      %parallel_loop3A_1154 = arith.addi %parallel_loop3A_1134, %parallel_loop3A_1153 : i32
      %parallel_loop3A_1155 = arith.index_cast %parallel_loop3A_1154 : i32 to index
      %parallel_loop3A_1156 = tpu.vector_load %arg13[%parallel_loop3A_1155] {strides = array<i32>} : memref<384xf32, #tpu.memory_space<vmem>>, vector<16xf32>,
      %parallel_loop3A_1157 = arith.constant 16 : i32
      %parallel_loop3A_1158 = arith.addi %parallel_loop3A_1134, %parallel_loop3A_1157 : i32
      %parallel_loop3A_1159 = arith.index_cast %parallel_loop3A_1158 : i32 to index
      %parallel_loop3A_1160 = tpu.vector_load %arg13[%parallel_loop3A_1159] {strides = array<i32>} : memref<384xf32, #tpu.memory_space<vmem>>, vector<16xf32>,
      %parallel_loop3A_1161 = arith.constant 0 : i32
      %parallel_loop3A_1162 = arith.addi %parallel_loop3A_1136, %parallel_loop3A_1161 : i32
      %parallel_loop3A_1163 = arith.index_cast %parallel_loop3A_1162 : i32 to index
      %parallel_loop3A_1164 = tpu.vector_load %arg14[%parallel_loop3A_1163] {strides = array<i32>} : memref<320xf32, #tpu.memory_space<vmem>>, vector<16xf32>,
      %parallel_loop3A_1165 = arith.constant 16 : i32
      %parallel_loop3A_1166 = arith.addi %parallel_loop3A_1136, %parallel_loop3A_1165 : i32
      %parallel_loop3A_1167 = arith.index_cast %parallel_loop3A_1166 : i32 to index
      %parallel_loop3A_1168 = tpu.vector_load %arg14[%parallel_loop3A_1167] {strides = array<i32>} : memref<320xf32, #tpu.memory_space<vmem>>, vector<16xf32>,
      %parallel_loop3A_1169 = arith.constant 16 : i32
      %parallel_loop3A_1170 = arith.muli %parallel_loop3A_86, %parallel_loop3A_1169 : i32
      %parallel_loop3A_1171 = arith.constant 13 : i32
      %parallel_loop3A_1172 = arith.addi %parallel_loop3A_1170, %parallel_loop3A_1171 : i32
      %parallel_loop3A_1173 = arith.constant 128 : i32
      %parallel_loop3A_1174 = arith.muli %parallel_loop3A_1172, %parallel_loop3A_1173 : i32
      %parallel_loop3A_1175 = arith.constant 0 : i32
      %parallel_loop3A_1176 = arith.addi %parallel_loop3A_1174, %parallel_loop3A_1175 : i32
      %parallel_loop3A_1177 = arith.index_cast %parallel_loop3A_1176 : i32 to index
      %parallel_loop3A_1178 = tpu.vector_load %arg19[%parallel_loop3A_1177] {strides = array<i32>} : memref<65536xf32, #tpu.memory_space<vmem>>, vector<16xf32>,
      tpu.vector_store %arg19[%parallel_loop3A_1177], %parallel_loop3A_1140 {strides = array<i32>} : memref<65536xf32, #tpu.memory_space<vmem>>, vector<16xf32>,
      %parallel_loop3A_1179 = arith.constant 16 : i32
      %parallel_loop3A_1180 = arith.addi %parallel_loop3A_1174, %parallel_loop3A_1179 : i32
      %parallel_loop3A_1181 = arith.index_cast %parallel_loop3A_1180 : i32 to index
      %parallel_loop3A_1182 = tpu.vector_load %arg19[%parallel_loop3A_1181] {strides = array<i32>} : memref<65536xf32, #tpu.memory_space<vmem>>, vector<16xf32>,
      tpu.vector_store %arg19[%parallel_loop3A_1181], %parallel_loop3A_1144 {strides = array<i32>} : memref<65536xf32, #tpu.memory_space<vmem>>, vector<16xf32>,
      %parallel_loop3A_1183 = arith.constant 32 : i32
      %parallel_loop3A_1184 = arith.addi %parallel_loop3A_1174, %parallel_loop3A_1183 : i32
      %parallel_loop3A_1185 = arith.index_cast %parallel_loop3A_1184 : i32 to index
      %parallel_loop3A_1186 = tpu.vector_load %arg19[%parallel_loop3A_1185] {strides = array<i32>} : memref<65536xf32, #tpu.memory_space<vmem>>, vector<16xf32>,
      tpu.vector_store %arg19[%parallel_loop3A_1185], %parallel_loop3A_1148 {strides = array<i32>} : memref<65536xf32, #tpu.memory_space<vmem>>, vector<16xf32>,
      %parallel_loop3A_1187 = arith.constant 48 : i32
      %parallel_loop3A_1188 = arith.addi %parallel_loop3A_1174, %parallel_loop3A_1187 : i32
      %parallel_loop3A_1189 = arith.index_cast %parallel_loop3A_1188 : i32 to index
      %parallel_loop3A_1190 = tpu.vector_load %arg19[%parallel_loop3A_1189] {strides = array<i32>} : memref<65536xf32, #tpu.memory_space<vmem>>, vector<16xf32>,
      tpu.vector_store %arg19[%parallel_loop3A_1189], %parallel_loop3A_1152 {strides = array<i32>} : memref<65536xf32, #tpu.memory_space<vmem>>, vector<16xf32>,
      %parallel_loop3A_1191 = arith.constant 64 : i32
      %parallel_loop3A_1192 = arith.addi %parallel_loop3A_1174, %parallel_loop3A_1191 : i32
      %parallel_loop3A_1193 = arith.index_cast %parallel_loop3A_1192 : i32 to index
      %parallel_loop3A_1194 = tpu.vector_load %arg19[%parallel_loop3A_1193] {strides = array<i32>} : memref<65536xf32, #tpu.memory_space<vmem>>, vector<16xf32>,
      tpu.vector_store %arg19[%parallel_loop3A_1193], %parallel_loop3A_1156 {strides = array<i32>} : memref<65536xf32, #tpu.memory_space<vmem>>, vector<16xf32>,
      %parallel_loop3A_1195 = arith.constant 80 : i32
      %parallel_loop3A_1196 = arith.addi %parallel_loop3A_1174, %parallel_loop3A_1195 : i32
      %parallel_loop3A_1197 = arith.index_cast %parallel_loop3A_1196 : i32 to index
      %parallel_loop3A_1198 = tpu.vector_load %arg19[%parallel_loop3A_1197] {strides = array<i32>} : memref<65536xf32, #tpu.memory_space<vmem>>, vector<16xf32>,
      tpu.vector_store %arg19[%parallel_loop3A_1197], %parallel_loop3A_1160 {strides = array<i32>} : memref<65536xf32, #tpu.memory_space<vmem>>, vector<16xf32>,
      %parallel_loop3A_1199 = arith.constant 96 : i32
      %parallel_loop3A_1200 = arith.addi %parallel_loop3A_1174, %parallel_loop3A_1199 : i32
      %parallel_loop3A_1201 = arith.index_cast %parallel_loop3A_1200 : i32 to index
      %parallel_loop3A_1202 = tpu.vector_load %arg19[%parallel_loop3A_1201] {strides = array<i32>} : memref<65536xf32, #tpu.memory_space<vmem>>, vector<16xf32>,
      tpu.vector_store %arg19[%parallel_loop3A_1201], %parallel_loop3A_1164 {strides = array<i32>} : memref<65536xf32, #tpu.memory_space<vmem>>, vector<16xf32>,
      %parallel_loop3A_1203 = arith.constant 112 : i32
      %parallel_loop3A_1204 = arith.addi %parallel_loop3A_1174, %parallel_loop3A_1203 : i32
      %parallel_loop3A_1205 = arith.index_cast %parallel_loop3A_1204 : i32 to index
      %parallel_loop3A_1206 = tpu.vector_load %arg19[%parallel_loop3A_1205] {strides = array<i32>} : memref<65536xf32, #tpu.memory_space<vmem>>, vector<16xf32>,
      tpu.vector_store %arg19[%parallel_loop3A_1205], %parallel_loop3A_1168 {strides = array<i32>} : memref<65536xf32, #tpu.memory_space<vmem>>, vector<16xf32>,
      %parallel_loop3A_1207 = vector.extract_strided_slice %parallel_loop3A_93 {offsets = [14], sizes = [1], strides = [1]} : vector<16xi32> to vector<1xi32>
      %parallel_loop3A_1208 = vector.extract %parallel_loop3A_1207[0] : i32 from vector<1xi32>
      %parallel_loop3A_1209 = vector.extract_strided_slice %parallel_loop3A_100 {offsets = [14], sizes = [1], strides = [1]} : vector<16xi32> to vector<1xi32>
      %parallel_loop3A_1210 = vector.extract %parallel_loop3A_1209[0] : i32 from vector<1xi32>
      %parallel_loop3A_1211 = vector.extract_strided_slice %parallel_loop3A_107 {offsets = [14], sizes = [1], strides = [1]} : vector<16xi32> to vector<1xi32>
      %parallel_loop3A_1212 = vector.extract %parallel_loop3A_1211[0] : i32 from vector<1xi32>
      %parallel_loop3A_1213 = vector.extract_strided_slice %parallel_loop3A_114 {offsets = [14], sizes = [1], strides = [1]} : vector<16xi32> to vector<1xi32>
      %parallel_loop3A_1214 = vector.extract %parallel_loop3A_1213[0] : i32 from vector<1xi32>
      %parallel_loop3A_1215 = arith.constant 0 : i32
      %parallel_loop3A_1216 = arith.addi %parallel_loop3A_1208, %parallel_loop3A_1215 : i32
      %parallel_loop3A_1217 = arith.index_cast %parallel_loop3A_1216 : i32 to index
      %parallel_loop3A_1218 = tpu.vector_load %arg11[%parallel_loop3A_1217] {strides = array<i32>} : memref<768xf32, #tpu.memory_space<vmem>>, vector<16xf32>,
      %parallel_loop3A_1219 = arith.constant 16 : i32
      %parallel_loop3A_1220 = arith.addi %parallel_loop3A_1208, %parallel_loop3A_1219 : i32
      %parallel_loop3A_1221 = arith.index_cast %parallel_loop3A_1220 : i32 to index
      %parallel_loop3A_1222 = tpu.vector_load %arg11[%parallel_loop3A_1221] {strides = array<i32>} : memref<768xf32, #tpu.memory_space<vmem>>, vector<16xf32>,
      %parallel_loop3A_1223 = arith.constant 0 : i32
      %parallel_loop3A_1224 = arith.addi %parallel_loop3A_1210, %parallel_loop3A_1223 : i32
      %parallel_loop3A_1225 = arith.index_cast %parallel_loop3A_1224 : i32 to index
      %parallel_loop3A_1226 = tpu.vector_load %arg12[%parallel_loop3A_1225] {strides = array<i32>} : memref<224xf32, #tpu.memory_space<vmem>>, vector<16xf32>,
      %parallel_loop3A_1227 = arith.constant 16 : i32
      %parallel_loop3A_1228 = arith.addi %parallel_loop3A_1210, %parallel_loop3A_1227 : i32
      %parallel_loop3A_1229 = arith.index_cast %parallel_loop3A_1228 : i32 to index
      %parallel_loop3A_1230 = tpu.vector_load %arg12[%parallel_loop3A_1229] {strides = array<i32>} : memref<224xf32, #tpu.memory_space<vmem>>, vector<16xf32>,
      %parallel_loop3A_1231 = arith.constant 0 : i32
      %parallel_loop3A_1232 = arith.addi %parallel_loop3A_1212, %parallel_loop3A_1231 : i32
      %parallel_loop3A_1233 = arith.index_cast %parallel_loop3A_1232 : i32 to index
      %parallel_loop3A_1234 = tpu.vector_load %arg13[%parallel_loop3A_1233] {strides = array<i32>} : memref<384xf32, #tpu.memory_space<vmem>>, vector<16xf32>,
      %parallel_loop3A_1235 = arith.constant 16 : i32
      %parallel_loop3A_1236 = arith.addi %parallel_loop3A_1212, %parallel_loop3A_1235 : i32
      %parallel_loop3A_1237 = arith.index_cast %parallel_loop3A_1236 : i32 to index
      %parallel_loop3A_1238 = tpu.vector_load %arg13[%parallel_loop3A_1237] {strides = array<i32>} : memref<384xf32, #tpu.memory_space<vmem>>, vector<16xf32>,
      %parallel_loop3A_1239 = arith.constant 0 : i32
      %parallel_loop3A_1240 = arith.addi %parallel_loop3A_1214, %parallel_loop3A_1239 : i32
      %parallel_loop3A_1241 = arith.index_cast %parallel_loop3A_1240 : i32 to index
      %parallel_loop3A_1242 = tpu.vector_load %arg14[%parallel_loop3A_1241] {strides = array<i32>} : memref<320xf32, #tpu.memory_space<vmem>>, vector<16xf32>,
      %parallel_loop3A_1243 = arith.constant 16 : i32
      %parallel_loop3A_1244 = arith.addi %parallel_loop3A_1214, %parallel_loop3A_1243 : i32
      %parallel_loop3A_1245 = arith.index_cast %parallel_loop3A_1244 : i32 to index
      %parallel_loop3A_1246 = tpu.vector_load %arg14[%parallel_loop3A_1245] {strides = array<i32>} : memref<320xf32, #tpu.memory_space<vmem>>, vector<16xf32>,
      %parallel_loop3A_1247 = arith.constant 16 : i32
      %parallel_loop3A_1248 = arith.muli %parallel_loop3A_86, %parallel_loop3A_1247 : i32
      %parallel_loop3A_1249 = arith.constant 14 : i32
      %parallel_loop3A_1250 = arith.addi %parallel_loop3A_1248, %parallel_loop3A_1249 : i32
      %parallel_loop3A_1251 = arith.constant 128 : i32
      %parallel_loop3A_1252 = arith.muli %parallel_loop3A_1250, %parallel_loop3A_1251 : i32
      %parallel_loop3A_1253 = arith.constant 0 : i32
      %parallel_loop3A_1254 = arith.addi %parallel_loop3A_1252, %parallel_loop3A_1253 : i32
      %parallel_loop3A_1255 = arith.index_cast %parallel_loop3A_1254 : i32 to index
      %parallel_loop3A_1256 = tpu.vector_load %arg19[%parallel_loop3A_1255] {strides = array<i32>} : memref<65536xf32, #tpu.memory_space<vmem>>, vector<16xf32>,
      tpu.vector_store %arg19[%parallel_loop3A_1255], %parallel_loop3A_1218 {strides = array<i32>} : memref<65536xf32, #tpu.memory_space<vmem>>, vector<16xf32>,
      %parallel_loop3A_1257 = arith.constant 16 : i32
      %parallel_loop3A_1258 = arith.addi %parallel_loop3A_1252, %parallel_loop3A_1257 : i32
      %parallel_loop3A_1259 = arith.index_cast %parallel_loop3A_1258 : i32 to index
      %parallel_loop3A_1260 = tpu.vector_load %arg19[%parallel_loop3A_1259] {strides = array<i32>} : memref<65536xf32, #tpu.memory_space<vmem>>, vector<16xf32>,
      tpu.vector_store %arg19[%parallel_loop3A_1259], %parallel_loop3A_1222 {strides = array<i32>} : memref<65536xf32, #tpu.memory_space<vmem>>, vector<16xf32>,
      %parallel_loop3A_1261 = arith.constant 32 : i32
      %parallel_loop3A_1262 = arith.addi %parallel_loop3A_1252, %parallel_loop3A_1261 : i32
      %parallel_loop3A_1263 = arith.index_cast %parallel_loop3A_1262 : i32 to index
      %parallel_loop3A_1264 = tpu.vector_load %arg19[%parallel_loop3A_1263] {strides = array<i32>} : memref<65536xf32, #tpu.memory_space<vmem>>, vector<16xf32>,
      tpu.vector_store %arg19[%parallel_loop3A_1263], %parallel_loop3A_1226 {strides = array<i32>} : memref<65536xf32, #tpu.memory_space<vmem>>, vector<16xf32>,
      %parallel_loop3A_1265 = arith.constant 48 : i32
      %parallel_loop3A_1266 = arith.addi %parallel_loop3A_1252, %parallel_loop3A_1265 : i32
      %parallel_loop3A_1267 = arith.index_cast %parallel_loop3A_1266 : i32 to index
      %parallel_loop3A_1268 = tpu.vector_load %arg19[%parallel_loop3A_1267] {strides = array<i32>} : memref<65536xf32, #tpu.memory_space<vmem>>, vector<16xf32>,
      tpu.vector_store %arg19[%parallel_loop3A_1267], %parallel_loop3A_1230 {strides = array<i32>} : memref<65536xf32, #tpu.memory_space<vmem>>, vector<16xf32>,
      %parallel_loop3A_1269 = arith.constant 64 : i32
      %parallel_loop3A_1270 = arith.addi %parallel_loop3A_1252, %parallel_loop3A_1269 : i32
      %parallel_loop3A_1271 = arith.index_cast %parallel_loop3A_1270 : i32 to index
      %parallel_loop3A_1272 = tpu.vector_load %arg19[%parallel_loop3A_1271] {strides = array<i32>} : memref<65536xf32, #tpu.memory_space<vmem>>, vector<16xf32>,
      tpu.vector_store %arg19[%parallel_loop3A_1271], %parallel_loop3A_1234 {strides = array<i32>} : memref<65536xf32, #tpu.memory_space<vmem>>, vector<16xf32>,
      %parallel_loop3A_1273 = arith.constant 80 : i32
      %parallel_loop3A_1274 = arith.addi %parallel_loop3A_1252, %parallel_loop3A_1273 : i32
      %parallel_loop3A_1275 = arith.index_cast %parallel_loop3A_1274 : i32 to index
      %parallel_loop3A_1276 = tpu.vector_load %arg19[%parallel_loop3A_1275] {strides = array<i32>} : memref<65536xf32, #tpu.memory_space<vmem>>, vector<16xf32>,
      tpu.vector_store %arg19[%parallel_loop3A_1275], %parallel_loop3A_1238 {strides = array<i32>} : memref<65536xf32, #tpu.memory_space<vmem>>, vector<16xf32>,
      %parallel_loop3A_1277 = arith.constant 96 : i32
      %parallel_loop3A_1278 = arith.addi %parallel_loop3A_1252, %parallel_loop3A_1277 : i32
      %parallel_loop3A_1279 = arith.index_cast %parallel_loop3A_1278 : i32 to index
      %parallel_loop3A_1280 = tpu.vector_load %arg19[%parallel_loop3A_1279] {strides = array<i32>} : memref<65536xf32, #tpu.memory_space<vmem>>, vector<16xf32>,
      tpu.vector_store %arg19[%parallel_loop3A_1279], %parallel_loop3A_1242 {strides = array<i32>} : memref<65536xf32, #tpu.memory_space<vmem>>, vector<16xf32>,
      %parallel_loop3A_1281 = arith.constant 112 : i32
      %parallel_loop3A_1282 = arith.addi %parallel_loop3A_1252, %parallel_loop3A_1281 : i32
      %parallel_loop3A_1283 = arith.index_cast %parallel_loop3A_1282 : i32 to index
      %parallel_loop3A_1284 = tpu.vector_load %arg19[%parallel_loop3A_1283] {strides = array<i32>} : memref<65536xf32, #tpu.memory_space<vmem>>, vector<16xf32>,
      tpu.vector_store %arg19[%parallel_loop3A_1283], %parallel_loop3A_1246 {strides = array<i32>} : memref<65536xf32, #tpu.memory_space<vmem>>, vector<16xf32>,
      %parallel_loop3A_1285 = vector.extract_strided_slice %parallel_loop3A_93 {offsets = [15], sizes = [1], strides = [1]} : vector<16xi32> to vector<1xi32>
      %parallel_loop3A_1286 = vector.extract %parallel_loop3A_1285[0] : i32 from vector<1xi32>
      %parallel_loop3A_1287 = vector.extract_strided_slice %parallel_loop3A_100 {offsets = [15], sizes = [1], strides = [1]} : vector<16xi32> to vector<1xi32>
      %parallel_loop3A_1288 = vector.extract %parallel_loop3A_1287[0] : i32 from vector<1xi32>
      %parallel_loop3A_1289 = vector.extract_strided_slice %parallel_loop3A_107 {offsets = [15], sizes = [1], strides = [1]} : vector<16xi32> to vector<1xi32>
      %parallel_loop3A_1290 = vector.extract %parallel_loop3A_1289[0] : i32 from vector<1xi32>
      %parallel_loop3A_1291 = vector.extract_strided_slice %parallel_loop3A_114 {offsets = [15], sizes = [1], strides = [1]} : vector<16xi32> to vector<1xi32>
      %parallel_loop3A_1292 = vector.extract %parallel_loop3A_1291[0] : i32 from vector<1xi32>
      %parallel_loop3A_1293 = arith.constant 0 : i32
      %parallel_loop3A_1294 = arith.addi %parallel_loop3A_1286, %parallel_loop3A_1293 : i32
      %parallel_loop3A_1295 = arith.index_cast %parallel_loop3A_1294 : i32 to index
      %parallel_loop3A_1296 = tpu.vector_load %arg11[%parallel_loop3A_1295] {strides = array<i32>} : memref<768xf32, #tpu.memory_space<vmem>>, vector<16xf32>,
      %parallel_loop3A_1297 = arith.constant 16 : i32
      %parallel_loop3A_1298 = arith.addi %parallel_loop3A_1286, %parallel_loop3A_1297 : i32
      %parallel_loop3A_1299 = arith.index_cast %parallel_loop3A_1298 : i32 to index
      %parallel_loop3A_1300 = tpu.vector_load %arg11[%parallel_loop3A_1299] {strides = array<i32>} : memref<768xf32, #tpu.memory_space<vmem>>, vector<16xf32>,
      %parallel_loop3A_1301 = arith.constant 0 : i32
      %parallel_loop3A_1302 = arith.addi %parallel_loop3A_1288, %parallel_loop3A_1301 : i32
      %parallel_loop3A_1303 = arith.index_cast %parallel_loop3A_1302 : i32 to index
      %parallel_loop3A_1304 = tpu.vector_load %arg12[%parallel_loop3A_1303] {strides = array<i32>} : memref<224xf32, #tpu.memory_space<vmem>>, vector<16xf32>,
      %parallel_loop3A_1305 = arith.constant 16 : i32
      %parallel_loop3A_1306 = arith.addi %parallel_loop3A_1288, %parallel_loop3A_1305 : i32
      %parallel_loop3A_1307 = arith.index_cast %parallel_loop3A_1306 : i32 to index
      %parallel_loop3A_1308 = tpu.vector_load %arg12[%parallel_loop3A_1307] {strides = array<i32>} : memref<224xf32, #tpu.memory_space<vmem>>, vector<16xf32>,
      %parallel_loop3A_1309 = arith.constant 0 : i32
      %parallel_loop3A_1310 = arith.addi %parallel_loop3A_1290, %parallel_loop3A_1309 : i32
      %parallel_loop3A_1311 = arith.index_cast %parallel_loop3A_1310 : i32 to index
      %parallel_loop3A_1312 = tpu.vector_load %arg13[%parallel_loop3A_1311] {strides = array<i32>} : memref<384xf32, #tpu.memory_space<vmem>>, vector<16xf32>,
      %parallel_loop3A_1313 = arith.constant 16 : i32
      %parallel_loop3A_1314 = arith.addi %parallel_loop3A_1290, %parallel_loop3A_1313 : i32
      %parallel_loop3A_1315 = arith.index_cast %parallel_loop3A_1314 : i32 to index
      %parallel_loop3A_1316 = tpu.vector_load %arg13[%parallel_loop3A_1315] {strides = array<i32>} : memref<384xf32, #tpu.memory_space<vmem>>, vector<16xf32>,
      %parallel_loop3A_1317 = arith.constant 0 : i32
      %parallel_loop3A_1318 = arith.addi %parallel_loop3A_1292, %parallel_loop3A_1317 : i32
      %parallel_loop3A_1319 = arith.index_cast %parallel_loop3A_1318 : i32 to index
      %parallel_loop3A_1320 = tpu.vector_load %arg14[%parallel_loop3A_1319] {strides = array<i32>} : memref<320xf32, #tpu.memory_space<vmem>>, vector<16xf32>,
      %parallel_loop3A_1321 = arith.constant 16 : i32
      %parallel_loop3A_1322 = arith.addi %parallel_loop3A_1292, %parallel_loop3A_1321 : i32
      %parallel_loop3A_1323 = arith.index_cast %parallel_loop3A_1322 : i32 to index
      %parallel_loop3A_1324 = tpu.vector_load %arg14[%parallel_loop3A_1323] {strides = array<i32>} : memref<320xf32, #tpu.memory_space<vmem>>, vector<16xf32>,
      %parallel_loop3A_1325 = arith.constant 16 : i32
      %parallel_loop3A_1326 = arith.muli %parallel_loop3A_86, %parallel_loop3A_1325 : i32
      %parallel_loop3A_1327 = arith.constant 15 : i32
      %parallel_loop3A_1328 = arith.addi %parallel_loop3A_1326, %parallel_loop3A_1327 : i32
      %parallel_loop3A_1329 = arith.constant 128 : i32
      %parallel_loop3A_1330 = arith.muli %parallel_loop3A_1328, %parallel_loop3A_1329 : i32
      %parallel_loop3A_1331 = arith.constant 0 : i32
      %parallel_loop3A_1332 = arith.addi %parallel_loop3A_1330, %parallel_loop3A_1331 : i32
      %parallel_loop3A_1333 = arith.index_cast %parallel_loop3A_1332 : i32 to index
      %parallel_loop3A_1334 = tpu.vector_load %arg19[%parallel_loop3A_1333] {strides = array<i32>} : memref<65536xf32, #tpu.memory_space<vmem>>, vector<16xf32>,
      tpu.vector_store %arg19[%parallel_loop3A_1333], %parallel_loop3A_1296 {strides = array<i32>} : memref<65536xf32, #tpu.memory_space<vmem>>, vector<16xf32>,
      %parallel_loop3A_1335 = arith.constant 16 : i32
      %parallel_loop3A_1336 = arith.addi %parallel_loop3A_1330, %parallel_loop3A_1335 : i32
      %parallel_loop3A_1337 = arith.index_cast %parallel_loop3A_1336 : i32 to index
      %parallel_loop3A_1338 = tpu.vector_load %arg19[%parallel_loop3A_1337] {strides = array<i32>} : memref<65536xf32, #tpu.memory_space<vmem>>, vector<16xf32>,
      tpu.vector_store %arg19[%parallel_loop3A_1337], %parallel_loop3A_1300 {strides = array<i32>} : memref<65536xf32, #tpu.memory_space<vmem>>, vector<16xf32>,
      %parallel_loop3A_1339 = arith.constant 32 : i32
      %parallel_loop3A_1340 = arith.addi %parallel_loop3A_1330, %parallel_loop3A_1339 : i32
      %parallel_loop3A_1341 = arith.index_cast %parallel_loop3A_1340 : i32 to index
      %parallel_loop3A_1342 = tpu.vector_load %arg19[%parallel_loop3A_1341] {strides = array<i32>} : memref<65536xf32, #tpu.memory_space<vmem>>, vector<16xf32>,
      tpu.vector_store %arg19[%parallel_loop3A_1341], %parallel_loop3A_1304 {strides = array<i32>} : memref<65536xf32, #tpu.memory_space<vmem>>, vector<16xf32>,
      %parallel_loop3A_1343 = arith.constant 48 : i32
      %parallel_loop3A_1344 = arith.addi %parallel_loop3A_1330, %parallel_loop3A_1343 : i32
      %parallel_loop3A_1345 = arith.index_cast %parallel_loop3A_1344 : i32 to index
      %parallel_loop3A_1346 = tpu.vector_load %arg19[%parallel_loop3A_1345] {strides = array<i32>} : memref<65536xf32, #tpu.memory_space<vmem>>, vector<16xf32>,
      tpu.vector_store %arg19[%parallel_loop3A_1345], %parallel_loop3A_1308 {strides = array<i32>} : memref<65536xf32, #tpu.memory_space<vmem>>, vector<16xf32>,
      %parallel_loop3A_1347 = arith.constant 64 : i32
      %parallel_loop3A_1348 = arith.addi %parallel_loop3A_1330, %parallel_loop3A_1347 : i32
      %parallel_loop3A_1349 = arith.index_cast %parallel_loop3A_1348 : i32 to index
      %parallel_loop3A_1350 = tpu.vector_load %arg19[%parallel_loop3A_1349] {strides = array<i32>} : memref<65536xf32, #tpu.memory_space<vmem>>, vector<16xf32>,
      tpu.vector_store %arg19[%parallel_loop3A_1349], %parallel_loop3A_1312 {strides = array<i32>} : memref<65536xf32, #tpu.memory_space<vmem>>, vector<16xf32>,
      %parallel_loop3A_1351 = arith.constant 80 : i32
      %parallel_loop3A_1352 = arith.addi %parallel_loop3A_1330, %parallel_loop3A_1351 : i32
      %parallel_loop3A_1353 = arith.index_cast %parallel_loop3A_1352 : i32 to index
      %parallel_loop3A_1354 = tpu.vector_load %arg19[%parallel_loop3A_1353] {strides = array<i32>} : memref<65536xf32, #tpu.memory_space<vmem>>, vector<16xf32>,
      tpu.vector_store %arg19[%parallel_loop3A_1353], %parallel_loop3A_1316 {strides = array<i32>} : memref<65536xf32, #tpu.memory_space<vmem>>, vector<16xf32>,
      %parallel_loop3A_1355 = arith.constant 96 : i32
      %parallel_loop3A_1356 = arith.addi %parallel_loop3A_1330, %parallel_loop3A_1355 : i32
      %parallel_loop3A_1357 = arith.index_cast %parallel_loop3A_1356 : i32 to index
      %parallel_loop3A_1358 = tpu.vector_load %arg19[%parallel_loop3A_1357] {strides = array<i32>} : memref<65536xf32, #tpu.memory_space<vmem>>, vector<16xf32>,
      tpu.vector_store %arg19[%parallel_loop3A_1357], %parallel_loop3A_1320 {strides = array<i32>} : memref<65536xf32, #tpu.memory_space<vmem>>, vector<16xf32>,
      %parallel_loop3A_1359 = arith.constant 112 : i32
      %parallel_loop3A_1360 = arith.addi %parallel_loop3A_1330, %parallel_loop3A_1359 : i32
      %parallel_loop3A_1361 = arith.index_cast %parallel_loop3A_1360 : i32 to index
      %parallel_loop3A_1362 = tpu.vector_load %arg19[%parallel_loop3A_1361] {strides = array<i32>} : memref<65536xf32, #tpu.memory_space<vmem>>, vector<16xf32>,
      tpu.vector_store %arg19[%parallel_loop3A_1361], %parallel_loop3A_1324 {strides = array<i32>} : memref<65536xf32, #tpu.memory_space<vmem>>, vector<16xf32>,
    } {sc.loop_unroll_factor = 2 : i64, sc.parallel_access}
    %add3A_51 = arith.constant 0 : i32
    %add3A_52 = arith.addi %mul3A_2, %add3A_51 : i32
    %mul3A_53 = arith.constant 128 : i32
    %mul3A_54 = arith.muli %add3A_52, %mul3A_53 : i32
    %dma_start3A_55 = arith.constant 0 : i32
    %dma_start3A_56 = tpu.memref_slice %arg19[%dma_start3A_55] : memref<65536xf32, #tpu.memory_space<vmem>> -> memref<32768xf32, #tpu.memory_space<vmem>>
    %dma_start3A_57 = tpu.memref_slice %arg10[%mul3A_54] : memref<2097152xf32, #tpu.memory_space<hbm>> -> memref<32768xf32, #tpu.memory_space<hbm>>
    %dma_start3A_58 = tpu.memref_slice %arg10[%mul3A_54] : memref<2097152xf32, #tpu.memory_space<hbm>> -> memref<32768xf32, #tpu.memory_space<hbm>>
    %dma_start3A_59 = arith.constant 0 : i32
    %dma_start3A_60 = tpu.memref_slice %arg19[%dma_start3A_59] : memref<65536xf32, #tpu.memory_space<vmem>> -> memref<32768xf32, #tpu.memory_space<vmem>>
    tpu.enqueue_dma source(%dma_start3A_60 : memref<32768xf32, #tpu.memory_space<vmem>>) target(%dma_start3A_58 : memref<32768xf32, #tpu.memory_space<hbm>>) target_semaphore(%arg22 : memref<!tpu.dma_semaphore, #tpu.memory_space<semaphore_mem>>)
    %parallel_loop3A_61 = arith.constant 16 : i32
    %parallel_loop3A_62 = arith.constant 32 : i32
    %parallel_loop3A_63 = arith.constant 1 : i32
    scf.for %parallel_loop3A_86 = %parallel_loop3A_61 to %parallel_loop3A_62 step %parallel_loop3A_63  : i32 {
      %parallel_loop3A_87 = arith.constant 16 : i32
      %parallel_loop3A_88 = arith.muli %parallel_loop3A_86, %parallel_loop3A_87 : i32
      %parallel_loop3A_89 = arith.index_cast %parallel_loop3A_88 : i32 to index
      %parallel_loop3A_90 = tpu.vector_load %arg15[%parallel_loop3A_89] {strides = array<i32>} : memref<512xi32, #tpu.memory_space<vmem>>, vector<16xi32>,
      %parallel_loop3A_91 = arith.constant 32 : i32
      %parallel_loop3A_92 = vector.broadcast %parallel_loop3A_91 : i32 to vector<16xi32>
      %parallel_loop3A_93 = arith.muli %parallel_loop3A_90, %parallel_loop3A_92 : vector<16xi32>
      %parallel_loop3A_94 = arith.constant 16 : i32
      %parallel_loop3A_95 = arith.muli %parallel_loop3A_86, %parallel_loop3A_94 : i32
      %parallel_loop3A_96 = arith.index_cast %parallel_loop3A_95 : i32 to index
      %parallel_loop3A_97 = tpu.vector_load %arg16[%parallel_loop3A_96] {strides = array<i32>} : memref<512xi32, #tpu.memory_space<vmem>>, vector<16xi32>,
      %parallel_loop3A_98 = arith.constant 32 : i32
      %parallel_loop3A_99 = vector.broadcast %parallel_loop3A_98 : i32 to vector<16xi32>
      %parallel_loop3A_100 = arith.muli %parallel_loop3A_97, %parallel_loop3A_99 : vector<16xi32>
      %parallel_loop3A_101 = arith.constant 16 : i32
      %parallel_loop3A_102 = arith.muli %parallel_loop3A_86, %parallel_loop3A_101 : i32
      %parallel_loop3A_103 = arith.index_cast %parallel_loop3A_102 : i32 to index
      %parallel_loop3A_104 = tpu.vector_load %arg17[%parallel_loop3A_103] {strides = array<i32>} : memref<512xi32, #tpu.memory_space<vmem>>, vector<16xi32>,
      %parallel_loop3A_105 = arith.constant 32 : i32
      %parallel_loop3A_106 = vector.broadcast %parallel_loop3A_105 : i32 to vector<16xi32>
      %parallel_loop3A_107 = arith.muli %parallel_loop3A_104, %parallel_loop3A_106 : vector<16xi32>
      %parallel_loop3A_108 = arith.constant 16 : i32
      %parallel_loop3A_109 = arith.muli %parallel_loop3A_86, %parallel_loop3A_108 : i32
      %parallel_loop3A_110 = arith.index_cast %parallel_loop3A_109 : i32 to index
      %parallel_loop3A_111 = tpu.vector_load %arg18[%parallel_loop3A_110] {strides = array<i32>} : memref<512xi32, #tpu.memory_space<vmem>>, vector<16xi32>,
      %parallel_loop3A_112 = arith.constant 32 : i32
      %parallel_loop3A_113 = vector.broadcast %parallel_loop3A_112 : i32 to vector<16xi32>
      %parallel_loop3A_114 = arith.muli %parallel_loop3A_111, %parallel_loop3A_113 : vector<16xi32>
      %parallel_loop3A_115 = vector.extract_strided_slice %parallel_loop3A_93 {offsets = [0], sizes = [1], strides = [1]} : vector<16xi32> to vector<1xi32>
      %parallel_loop3A_116 = vector.extract %parallel_loop3A_115[0] : i32 from vector<1xi32>
      %parallel_loop3A_117 = vector.extract_strided_slice %parallel_loop3A_100 {offsets = [0], sizes = [1], strides = [1]} : vector<16xi32> to vector<1xi32>
      %parallel_loop3A_118 = vector.extract %parallel_loop3A_117[0] : i32 from vector<1xi32>
      %parallel_loop3A_119 = vector.extract_strided_slice %parallel_loop3A_107 {offsets = [0], sizes = [1], strides = [1]} : vector<16xi32> to vector<1xi32>
      %parallel_loop3A_120 = vector.extract %parallel_loop3A_119[0] : i32 from vector<1xi32>
      %parallel_loop3A_121 = vector.extract_strided_slice %parallel_loop3A_114 {offsets = [0], sizes = [1], strides = [1]} : vector<16xi32> to vector<1xi32>
      %parallel_loop3A_122 = vector.extract %parallel_loop3A_121[0] : i32 from vector<1xi32>
      %parallel_loop3A_123 = arith.constant 0 : i32
      %parallel_loop3A_124 = arith.addi %parallel_loop3A_116, %parallel_loop3A_123 : i32
      %parallel_loop3A_125 = arith.index_cast %parallel_loop3A_124 : i32 to index
      %parallel_loop3A_126 = tpu.vector_load %arg11[%parallel_loop3A_125] {strides = array<i32>} : memref<768xf32, #tpu.memory_space<vmem>>, vector<16xf32>,
      %parallel_loop3A_127 = arith.constant 16 : i32
      %parallel_loop3A_128 = arith.addi %parallel_loop3A_116, %parallel_loop3A_127 : i32
      %parallel_loop3A_129 = arith.index_cast %parallel_loop3A_128 : i32 to index
      %parallel_loop3A_130 = tpu.vector_load %arg11[%parallel_loop3A_129] {strides = array<i32>} : memref<768xf32, #tpu.memory_space<vmem>>, vector<16xf32>,
      %parallel_loop3A_131 = arith.constant 0 : i32
      %parallel_loop3A_132 = arith.addi %parallel_loop3A_118, %parallel_loop3A_131 : i32
      %parallel_loop3A_133 = arith.index_cast %parallel_loop3A_132 : i32 to index
      %parallel_loop3A_134 = tpu.vector_load %arg12[%parallel_loop3A_133] {strides = array<i32>} : memref<224xf32, #tpu.memory_space<vmem>>, vector<16xf32>,
      %parallel_loop3A_135 = arith.constant 16 : i32
      %parallel_loop3A_136 = arith.addi %parallel_loop3A_118, %parallel_loop3A_135 : i32
      %parallel_loop3A_137 = arith.index_cast %parallel_loop3A_136 : i32 to index
      %parallel_loop3A_138 = tpu.vector_load %arg12[%parallel_loop3A_137] {strides = array<i32>} : memref<224xf32, #tpu.memory_space<vmem>>, vector<16xf32>,
      %parallel_loop3A_139 = arith.constant 0 : i32
      %parallel_loop3A_140 = arith.addi %parallel_loop3A_120, %parallel_loop3A_139 : i32
      %parallel_loop3A_141 = arith.index_cast %parallel_loop3A_140 : i32 to index
      %parallel_loop3A_142 = tpu.vector_load %arg13[%parallel_loop3A_141] {strides = array<i32>} : memref<384xf32, #tpu.memory_space<vmem>>, vector<16xf32>,
      %parallel_loop3A_143 = arith.constant 16 : i32
      %parallel_loop3A_144 = arith.addi %parallel_loop3A_120, %parallel_loop3A_143 : i32
      %parallel_loop3A_145 = arith.index_cast %parallel_loop3A_144 : i32 to index
      %parallel_loop3A_146 = tpu.vector_load %arg13[%parallel_loop3A_145] {strides = array<i32>} : memref<384xf32, #tpu.memory_space<vmem>>, vector<16xf32>,
      %parallel_loop3A_147 = arith.constant 0 : i32
      %parallel_loop3A_148 = arith.addi %parallel_loop3A_122, %parallel_loop3A_147 : i32
      %parallel_loop3A_149 = arith.index_cast %parallel_loop3A_148 : i32 to index
      %parallel_loop3A_150 = tpu.vector_load %arg14[%parallel_loop3A_149] {strides = array<i32>} : memref<320xf32, #tpu.memory_space<vmem>>, vector<16xf32>,
      %parallel_loop3A_151 = arith.constant 16 : i32
      %parallel_loop3A_152 = arith.addi %parallel_loop3A_122, %parallel_loop3A_151 : i32
      %parallel_loop3A_153 = arith.index_cast %parallel_loop3A_152 : i32 to index
      %parallel_loop3A_154 = tpu.vector_load %arg14[%parallel_loop3A_153] {strides = array<i32>} : memref<320xf32, #tpu.memory_space<vmem>>, vector<16xf32>,
      %parallel_loop3A_155 = arith.constant 16 : i32
      %parallel_loop3A_156 = arith.muli %parallel_loop3A_86, %parallel_loop3A_155 : i32
      %parallel_loop3A_157 = arith.constant 0 : i32
      %parallel_loop3A_158 = arith.addi %parallel_loop3A_156, %parallel_loop3A_157 : i32
      %parallel_loop3A_159 = arith.constant 128 : i32
      %parallel_loop3A_160 = arith.muli %parallel_loop3A_158, %parallel_loop3A_159 : i32
      %parallel_loop3A_161 = arith.constant 0 : i32
      %parallel_loop3A_162 = arith.addi %parallel_loop3A_160, %parallel_loop3A_161 : i32
      %parallel_loop3A_163 = arith.index_cast %parallel_loop3A_162 : i32 to index
      %parallel_loop3A_164 = tpu.vector_load %arg19[%parallel_loop3A_163] {strides = array<i32>} : memref<65536xf32, #tpu.memory_space<vmem>>, vector<16xf32>,
      tpu.vector_store %arg19[%parallel_loop3A_163], %parallel_loop3A_126 {strides = array<i32>} : memref<65536xf32, #tpu.memory_space<vmem>>, vector<16xf32>,
      %parallel_loop3A_165 = arith.constant 16 : i32
      %parallel_loop3A_166 = arith.addi %parallel_loop3A_160, %parallel_loop3A_165 : i32
      %parallel_loop3A_167 = arith.index_cast %parallel_loop3A_166 : i32 to index
      %parallel_loop3A_168 = tpu.vector_load %arg19[%parallel_loop3A_167] {strides = array<i32>} : memref<65536xf32, #tpu.memory_space<vmem>>, vector<16xf32>,
      tpu.vector_store %arg19[%parallel_loop3A_167], %parallel_loop3A_130 {strides = array<i32>} : memref<65536xf32, #tpu.memory_space<vmem>>, vector<16xf32>,
      %parallel_loop3A_169 = arith.constant 32 : i32
      %parallel_loop3A_170 = arith.addi %parallel_loop3A_160, %parallel_loop3A_169 : i32
      %parallel_loop3A_171 = arith.index_cast %parallel_loop3A_170 : i32 to index
      %parallel_loop3A_172 = tpu.vector_load %arg19[%parallel_loop3A_171] {strides = array<i32>} : memref<65536xf32, #tpu.memory_space<vmem>>, vector<16xf32>,
      tpu.vector_store %arg19[%parallel_loop3A_171], %parallel_loop3A_134 {strides = array<i32>} : memref<65536xf32, #tpu.memory_space<vmem>>, vector<16xf32>,
      %parallel_loop3A_173 = arith.constant 48 : i32
      %parallel_loop3A_174 = arith.addi %parallel_loop3A_160, %parallel_loop3A_173 : i32
      %parallel_loop3A_175 = arith.index_cast %parallel_loop3A_174 : i32 to index
      %parallel_loop3A_176 = tpu.vector_load %arg19[%parallel_loop3A_175] {strides = array<i32>} : memref<65536xf32, #tpu.memory_space<vmem>>, vector<16xf32>,
      tpu.vector_store %arg19[%parallel_loop3A_175], %parallel_loop3A_138 {strides = array<i32>} : memref<65536xf32, #tpu.memory_space<vmem>>, vector<16xf32>,
      %parallel_loop3A_177 = arith.constant 64 : i32
      %parallel_loop3A_178 = arith.addi %parallel_loop3A_160, %parallel_loop3A_177 : i32
      %parallel_loop3A_179 = arith.index_cast %parallel_loop3A_178 : i32 to index
      %parallel_loop3A_180 = tpu.vector_load %arg19[%parallel_loop3A_179] {strides = array<i32>} : memref<65536xf32, #tpu.memory_space<vmem>>, vector<16xf32>,
      tpu.vector_store %arg19[%parallel_loop3A_179], %parallel_loop3A_142 {strides = array<i32>} : memref<65536xf32, #tpu.memory_space<vmem>>, vector<16xf32>,
      %parallel_loop3A_181 = arith.constant 80 : i32
      %parallel_loop3A_182 = arith.addi %parallel_loop3A_160, %parallel_loop3A_181 : i32
      %parallel_loop3A_183 = arith.index_cast %parallel_loop3A_182 : i32 to index
      %parallel_loop3A_184 = tpu.vector_load %arg19[%parallel_loop3A_183] {strides = array<i32>} : memref<65536xf32, #tpu.memory_space<vmem>>, vector<16xf32>,
      tpu.vector_store %arg19[%parallel_loop3A_183], %parallel_loop3A_146 {strides = array<i32>} : memref<65536xf32, #tpu.memory_space<vmem>>, vector<16xf32>,
      %parallel_loop3A_185 = arith.constant 96 : i32
      %parallel_loop3A_186 = arith.addi %parallel_loop3A_160, %parallel_loop3A_185 : i32
      %parallel_loop3A_187 = arith.index_cast %parallel_loop3A_186 : i32 to index
      %parallel_loop3A_188 = tpu.vector_load %arg19[%parallel_loop3A_187] {strides = array<i32>} : memref<65536xf32, #tpu.memory_space<vmem>>, vector<16xf32>,
      tpu.vector_store %arg19[%parallel_loop3A_187], %parallel_loop3A_150 {strides = array<i32>} : memref<65536xf32, #tpu.memory_space<vmem>>, vector<16xf32>,
      %parallel_loop3A_189 = arith.constant 112 : i32
      %parallel_loop3A_190 = arith.addi %parallel_loop3A_160, %parallel_loop3A_189 : i32
      %parallel_loop3A_191 = arith.index_cast %parallel_loop3A_190 : i32 to index
      %parallel_loop3A_192 = tpu.vector_load %arg19[%parallel_loop3A_191] {strides = array<i32>} : memref<65536xf32, #tpu.memory_space<vmem>>, vector<16xf32>,
      tpu.vector_store %arg19[%parallel_loop3A_191], %parallel_loop3A_154 {strides = array<i32>} : memref<65536xf32, #tpu.memory_space<vmem>>, vector<16xf32>,
      %parallel_loop3A_193 = vector.extract_strided_slice %parallel_loop3A_93 {offsets = [1], sizes = [1], strides = [1]} : vector<16xi32> to vector<1xi32>
      %parallel_loop3A_194 = vector.extract %parallel_loop3A_193[0] : i32 from vector<1xi32>
      %parallel_loop3A_195 = vector.extract_strided_slice %parallel_loop3A_100 {offsets = [1], sizes = [1], strides = [1]} : vector<16xi32> to vector<1xi32>
      %parallel_loop3A_196 = vector.extract %parallel_loop3A_195[0] : i32 from vector<1xi32>
      %parallel_loop3A_197 = vector.extract_strided_slice %parallel_loop3A_107 {offsets = [1], sizes = [1], strides = [1]} : vector<16xi32> to vector<1xi32>
      %parallel_loop3A_198 = vector.extract %parallel_loop3A_197[0] : i32 from vector<1xi32>
      %parallel_loop3A_199 = vector.extract_strided_slice %parallel_loop3A_114 {offsets = [1], sizes = [1], strides = [1]} : vector<16xi32> to vector<1xi32>
      %parallel_loop3A_200 = vector.extract %parallel_loop3A_199[0] : i32 from vector<1xi32>
      %parallel_loop3A_201 = arith.constant 0 : i32
      %parallel_loop3A_202 = arith.addi %parallel_loop3A_194, %parallel_loop3A_201 : i32
      %parallel_loop3A_203 = arith.index_cast %parallel_loop3A_202 : i32 to index
      %parallel_loop3A_204 = tpu.vector_load %arg11[%parallel_loop3A_203] {strides = array<i32>} : memref<768xf32, #tpu.memory_space<vmem>>, vector<16xf32>,
      %parallel_loop3A_205 = arith.constant 16 : i32
      %parallel_loop3A_206 = arith.addi %parallel_loop3A_194, %parallel_loop3A_205 : i32
      %parallel_loop3A_207 = arith.index_cast %parallel_loop3A_206 : i32 to index
      %parallel_loop3A_208 = tpu.vector_load %arg11[%parallel_loop3A_207] {strides = array<i32>} : memref<768xf32, #tpu.memory_space<vmem>>, vector<16xf32>,
      %parallel_loop3A_209 = arith.constant 0 : i32
      %parallel_loop3A_210 = arith.addi %parallel_loop3A_196, %parallel_loop3A_209 : i32
      %parallel_loop3A_211 = arith.index_cast %parallel_loop3A_210 : i32 to index
      %parallel_loop3A_212 = tpu.vector_load %arg12[%parallel_loop3A_211] {strides = array<i32>} : memref<224xf32, #tpu.memory_space<vmem>>, vector<16xf32>,
      %parallel_loop3A_213 = arith.constant 16 : i32
      %parallel_loop3A_214 = arith.addi %parallel_loop3A_196, %parallel_loop3A_213 : i32
      %parallel_loop3A_215 = arith.index_cast %parallel_loop3A_214 : i32 to index
      %parallel_loop3A_216 = tpu.vector_load %arg12[%parallel_loop3A_215] {strides = array<i32>} : memref<224xf32, #tpu.memory_space<vmem>>, vector<16xf32>,
      %parallel_loop3A_217 = arith.constant 0 : i32
      %parallel_loop3A_218 = arith.addi %parallel_loop3A_198, %parallel_loop3A_217 : i32
      %parallel_loop3A_219 = arith.index_cast %parallel_loop3A_218 : i32 to index
      %parallel_loop3A_220 = tpu.vector_load %arg13[%parallel_loop3A_219] {strides = array<i32>} : memref<384xf32, #tpu.memory_space<vmem>>, vector<16xf32>,
      %parallel_loop3A_221 = arith.constant 16 : i32
      %parallel_loop3A_222 = arith.addi %parallel_loop3A_198, %parallel_loop3A_221 : i32
      %parallel_loop3A_223 = arith.index_cast %parallel_loop3A_222 : i32 to index
      %parallel_loop3A_224 = tpu.vector_load %arg13[%parallel_loop3A_223] {strides = array<i32>} : memref<384xf32, #tpu.memory_space<vmem>>, vector<16xf32>,
      %parallel_loop3A_225 = arith.constant 0 : i32
      %parallel_loop3A_226 = arith.addi %parallel_loop3A_200, %parallel_loop3A_225 : i32
      %parallel_loop3A_227 = arith.index_cast %parallel_loop3A_226 : i32 to index
      %parallel_loop3A_228 = tpu.vector_load %arg14[%parallel_loop3A_227] {strides = array<i32>} : memref<320xf32, #tpu.memory_space<vmem>>, vector<16xf32>,
      %parallel_loop3A_229 = arith.constant 16 : i32
      %parallel_loop3A_230 = arith.addi %parallel_loop3A_200, %parallel_loop3A_229 : i32
      %parallel_loop3A_231 = arith.index_cast %parallel_loop3A_230 : i32 to index
      %parallel_loop3A_232 = tpu.vector_load %arg14[%parallel_loop3A_231] {strides = array<i32>} : memref<320xf32, #tpu.memory_space<vmem>>, vector<16xf32>,
      %parallel_loop3A_233 = arith.constant 16 : i32
      %parallel_loop3A_234 = arith.muli %parallel_loop3A_86, %parallel_loop3A_233 : i32
      %parallel_loop3A_235 = arith.constant 1 : i32
      %parallel_loop3A_236 = arith.addi %parallel_loop3A_234, %parallel_loop3A_235 : i32
      %parallel_loop3A_237 = arith.constant 128 : i32
      %parallel_loop3A_238 = arith.muli %parallel_loop3A_236, %parallel_loop3A_237 : i32
      %parallel_loop3A_239 = arith.constant 0 : i32
      %parallel_loop3A_240 = arith.addi %parallel_loop3A_238, %parallel_loop3A_239 : i32
      %parallel_loop3A_241 = arith.index_cast %parallel_loop3A_240 : i32 to index
      %parallel_loop3A_242 = tpu.vector_load %arg19[%parallel_loop3A_241] {strides = array<i32>} : memref<65536xf32, #tpu.memory_space<vmem>>, vector<16xf32>,
      tpu.vector_store %arg19[%parallel_loop3A_241], %parallel_loop3A_204 {strides = array<i32>} : memref<65536xf32, #tpu.memory_space<vmem>>, vector<16xf32>,
      %parallel_loop3A_243 = arith.constant 16 : i32
      %parallel_loop3A_244 = arith.addi %parallel_loop3A_238, %parallel_loop3A_243 : i32
      %parallel_loop3A_245 = arith.index_cast %parallel_loop3A_244 : i32 to index
      %parallel_loop3A_246 = tpu.vector_load %arg19[%parallel_loop3A_245] {strides = array<i32>} : memref<65536xf32, #tpu.memory_space<vmem>>, vector<16xf32>,
      tpu.vector_store %arg19[%parallel_loop3A_245], %parallel_loop3A_208 {strides = array<i32>} : memref<65536xf32, #tpu.memory_space<vmem>>, vector<16xf32>,
      %parallel_loop3A_247 = arith.constant 32 : i32
      %parallel_loop3A_248 = arith.addi %parallel_loop3A_238, %parallel_loop3A_247 : i32
      %parallel_loop3A_249 = arith.index_cast %parallel_loop3A_248 : i32 to index
      %parallel_loop3A_250 = tpu.vector_load %arg19[%parallel_loop3A_249] {strides = array<i32>} : memref<65536xf32, #tpu.memory_space<vmem>>, vector<16xf32>,
      tpu.vector_store %arg19[%parallel_loop3A_249], %parallel_loop3A_212 {strides = array<i32>} : memref<65536xf32, #tpu.memory_space<vmem>>, vector<16xf32>,
      %parallel_loop3A_251 = arith.constant 48 : i32
      %parallel_loop3A_252 = arith.addi %parallel_loop3A_238, %parallel_loop3A_251 : i32
      %parallel_loop3A_253 = arith.index_cast %parallel_loop3A_252 : i32 to index
      %parallel_loop3A_254 = tpu.vector_load %arg19[%parallel_loop3A_253] {strides = array<i32>} : memref<65536xf32, #tpu.memory_space<vmem>>, vector<16xf32>,
      tpu.vector_store %arg19[%parallel_loop3A_253], %parallel_loop3A_216 {strides = array<i32>} : memref<65536xf32, #tpu.memory_space<vmem>>, vector<16xf32>,
      %parallel_loop3A_255 = arith.constant 64 : i32
      %parallel_loop3A_256 = arith.addi %parallel_loop3A_238, %parallel_loop3A_255 : i32
      %parallel_loop3A_257 = arith.index_cast %parallel_loop3A_256 : i32 to index
      %parallel_loop3A_258 = tpu.vector_load %arg19[%parallel_loop3A_257] {strides = array<i32>} : memref<65536xf32, #tpu.memory_space<vmem>>, vector<16xf32>,
      tpu.vector_store %arg19[%parallel_loop3A_257], %parallel_loop3A_220 {strides = array<i32>} : memref<65536xf32, #tpu.memory_space<vmem>>, vector<16xf32>,
      %parallel_loop3A_259 = arith.constant 80 : i32
      %parallel_loop3A_260 = arith.addi %parallel_loop3A_238, %parallel_loop3A_259 : i32
      %parallel_loop3A_261 = arith.index_cast %parallel_loop3A_260 : i32 to index
      %parallel_loop3A_262 = tpu.vector_load %arg19[%parallel_loop3A_261] {strides = array<i32>} : memref<65536xf32, #tpu.memory_space<vmem>>, vector<16xf32>,
      tpu.vector_store %arg19[%parallel_loop3A_261], %parallel_loop3A_224 {strides = array<i32>} : memref<65536xf32, #tpu.memory_space<vmem>>, vector<16xf32>,
      %parallel_loop3A_263 = arith.constant 96 : i32
      %parallel_loop3A_264 = arith.addi %parallel_loop3A_238, %parallel_loop3A_263 : i32
      %parallel_loop3A_265 = arith.index_cast %parallel_loop3A_264 : i32 to index
      %parallel_loop3A_266 = tpu.vector_load %arg19[%parallel_loop3A_265] {strides = array<i32>} : memref<65536xf32, #tpu.memory_space<vmem>>, vector<16xf32>,
      tpu.vector_store %arg19[%parallel_loop3A_265], %parallel_loop3A_228 {strides = array<i32>} : memref<65536xf32, #tpu.memory_space<vmem>>, vector<16xf32>,
      %parallel_loop3A_267 = arith.constant 112 : i32
      %parallel_loop3A_268 = arith.addi %parallel_loop3A_238, %parallel_loop3A_267 : i32
      %parallel_loop3A_269 = arith.index_cast %parallel_loop3A_268 : i32 to index
      %parallel_loop3A_270 = tpu.vector_load %arg19[%parallel_loop3A_269] {strides = array<i32>} : memref<65536xf32, #tpu.memory_space<vmem>>, vector<16xf32>,
      tpu.vector_store %arg19[%parallel_loop3A_269], %parallel_loop3A_232 {strides = array<i32>} : memref<65536xf32, #tpu.memory_space<vmem>>, vector<16xf32>,
      %parallel_loop3A_271 = vector.extract_strided_slice %parallel_loop3A_93 {offsets = [2], sizes = [1], strides = [1]} : vector<16xi32> to vector<1xi32>
      %parallel_loop3A_272 = vector.extract %parallel_loop3A_271[0] : i32 from vector<1xi32>
      %parallel_loop3A_273 = vector.extract_strided_slice %parallel_loop3A_100 {offsets = [2], sizes = [1], strides = [1]} : vector<16xi32> to vector<1xi32>
      %parallel_loop3A_274 = vector.extract %parallel_loop3A_273[0] : i32 from vector<1xi32>
      %parallel_loop3A_275 = vector.extract_strided_slice %parallel_loop3A_107 {offsets = [2], sizes = [1], strides = [1]} : vector<16xi32> to vector<1xi32>
      %parallel_loop3A_276 = vector.extract %parallel_loop3A_275[0] : i32 from vector<1xi32>
      %parallel_loop3A_277 = vector.extract_strided_slice %parallel_loop3A_114 {offsets = [2], sizes = [1], strides = [1]} : vector<16xi32> to vector<1xi32>
      %parallel_loop3A_278 = vector.extract %parallel_loop3A_277[0] : i32 from vector<1xi32>
      %parallel_loop3A_279 = arith.constant 0 : i32
      %parallel_loop3A_280 = arith.addi %parallel_loop3A_272, %parallel_loop3A_279 : i32
      %parallel_loop3A_281 = arith.index_cast %parallel_loop3A_280 : i32 to index
      %parallel_loop3A_282 = tpu.vector_load %arg11[%parallel_loop3A_281] {strides = array<i32>} : memref<768xf32, #tpu.memory_space<vmem>>, vector<16xf32>,
      %parallel_loop3A_283 = arith.constant 16 : i32
      %parallel_loop3A_284 = arith.addi %parallel_loop3A_272, %parallel_loop3A_283 : i32
      %parallel_loop3A_285 = arith.index_cast %parallel_loop3A_284 : i32 to index
      %parallel_loop3A_286 = tpu.vector_load %arg11[%parallel_loop3A_285] {strides = array<i32>} : memref<768xf32, #tpu.memory_space<vmem>>, vector<16xf32>,
      %parallel_loop3A_287 = arith.constant 0 : i32
      %parallel_loop3A_288 = arith.addi %parallel_loop3A_274, %parallel_loop3A_287 : i32
      %parallel_loop3A_289 = arith.index_cast %parallel_loop3A_288 : i32 to index
      %parallel_loop3A_290 = tpu.vector_load %arg12[%parallel_loop3A_289] {strides = array<i32>} : memref<224xf32, #tpu.memory_space<vmem>>, vector<16xf32>,
      %parallel_loop3A_291 = arith.constant 16 : i32
      %parallel_loop3A_292 = arith.addi %parallel_loop3A_274, %parallel_loop3A_291 : i32
      %parallel_loop3A_293 = arith.index_cast %parallel_loop3A_292 : i32 to index
      %parallel_loop3A_294 = tpu.vector_load %arg12[%parallel_loop3A_293] {strides = array<i32>} : memref<224xf32, #tpu.memory_space<vmem>>, vector<16xf32>,
      %parallel_loop3A_295 = arith.constant 0 : i32
      %parallel_loop3A_296 = arith.addi %parallel_loop3A_276, %parallel_loop3A_295 : i32
      %parallel_loop3A_297 = arith.index_cast %parallel_loop3A_296 : i32 to index
      %parallel_loop3A_298 = tpu.vector_load %arg13[%parallel_loop3A_297] {strides = array<i32>} : memref<384xf32, #tpu.memory_space<vmem>>, vector<16xf32>,
      %parallel_loop3A_299 = arith.constant 16 : i32
      %parallel_loop3A_300 = arith.addi %parallel_loop3A_276, %parallel_loop3A_299 : i32
      %parallel_loop3A_301 = arith.index_cast %parallel_loop3A_300 : i32 to index
      %parallel_loop3A_302 = tpu.vector_load %arg13[%parallel_loop3A_301] {strides = array<i32>} : memref<384xf32, #tpu.memory_space<vmem>>, vector<16xf32>,
      %parallel_loop3A_303 = arith.constant 0 : i32
      %parallel_loop3A_304 = arith.addi %parallel_loop3A_278, %parallel_loop3A_303 : i32
      %parallel_loop3A_305 = arith.index_cast %parallel_loop3A_304 : i32 to index
      %parallel_loop3A_306 = tpu.vector_load %arg14[%parallel_loop3A_305] {strides = array<i32>} : memref<320xf32, #tpu.memory_space<vmem>>, vector<16xf32>,
      %parallel_loop3A_307 = arith.constant 16 : i32
      %parallel_loop3A_308 = arith.addi %parallel_loop3A_278, %parallel_loop3A_307 : i32
      %parallel_loop3A_309 = arith.index_cast %parallel_loop3A_308 : i32 to index
      %parallel_loop3A_310 = tpu.vector_load %arg14[%parallel_loop3A_309] {strides = array<i32>} : memref<320xf32, #tpu.memory_space<vmem>>, vector<16xf32>,
      %parallel_loop3A_311 = arith.constant 16 : i32
      %parallel_loop3A_312 = arith.muli %parallel_loop3A_86, %parallel_loop3A_311 : i32
      %parallel_loop3A_313 = arith.constant 2 : i32
      %parallel_loop3A_314 = arith.addi %parallel_loop3A_312, %parallel_loop3A_313 : i32
      %parallel_loop3A_315 = arith.constant 128 : i32
      %parallel_loop3A_316 = arith.muli %parallel_loop3A_314, %parallel_loop3A_315 : i32
      %parallel_loop3A_317 = arith.constant 0 : i32
      %parallel_loop3A_318 = arith.addi %parallel_loop3A_316, %parallel_loop3A_317 : i32
      %parallel_loop3A_319 = arith.index_cast %parallel_loop3A_318 : i32 to index
      %parallel_loop3A_320 = tpu.vector_load %arg19[%parallel_loop3A_319] {strides = array<i32>} : memref<65536xf32, #tpu.memory_space<vmem>>, vector<16xf32>,
      tpu.vector_store %arg19[%parallel_loop3A_319], %parallel_loop3A_282 {strides = array<i32>} : memref<65536xf32, #tpu.memory_space<vmem>>, vector<16xf32>,
      %parallel_loop3A_321 = arith.constant 16 : i32
      %parallel_loop3A_322 = arith.addi %parallel_loop3A_316, %parallel_loop3A_321 : i32
      %parallel_loop3A_323 = arith.index_cast %parallel_loop3A_322 : i32 to index
      %parallel_loop3A_324 = tpu.vector_load %arg19[%parallel_loop3A_323] {strides = array<i32>} : memref<65536xf32, #tpu.memory_space<vmem>>, vector<16xf32>,
      tpu.vector_store %arg19[%parallel_loop3A_323], %parallel_loop3A_286 {strides = array<i32>} : memref<65536xf32, #tpu.memory_space<vmem>>, vector<16xf32>,
      %parallel_loop3A_325 = arith.constant 32 : i32
      %parallel_loop3A_326 = arith.addi %parallel_loop3A_316, %parallel_loop3A_325 : i32
      %parallel_loop3A_327 = arith.index_cast %parallel_loop3A_326 : i32 to index
      %parallel_loop3A_328 = tpu.vector_load %arg19[%parallel_loop3A_327] {strides = array<i32>} : memref<65536xf32, #tpu.memory_space<vmem>>, vector<16xf32>,
      tpu.vector_store %arg19[%parallel_loop3A_327], %parallel_loop3A_290 {strides = array<i32>} : memref<65536xf32, #tpu.memory_space<vmem>>, vector<16xf32>,
      %parallel_loop3A_329 = arith.constant 48 : i32
      %parallel_loop3A_330 = arith.addi %parallel_loop3A_316, %parallel_loop3A_329 : i32
      %parallel_loop3A_331 = arith.index_cast %parallel_loop3A_330 : i32 to index
      %parallel_loop3A_332 = tpu.vector_load %arg19[%parallel_loop3A_331] {strides = array<i32>} : memref<65536xf32, #tpu.memory_space<vmem>>, vector<16xf32>,
      tpu.vector_store %arg19[%parallel_loop3A_331], %parallel_loop3A_294 {strides = array<i32>} : memref<65536xf32, #tpu.memory_space<vmem>>, vector<16xf32>,
      %parallel_loop3A_333 = arith.constant 64 : i32
      %parallel_loop3A_334 = arith.addi %parallel_loop3A_316, %parallel_loop3A_333 : i32
      %parallel_loop3A_335 = arith.index_cast %parallel_loop3A_334 : i32 to index
      %parallel_loop3A_336 = tpu.vector_load %arg19[%parallel_loop3A_335] {strides = array<i32>} : memref<65536xf32, #tpu.memory_space<vmem>>, vector<16xf32>,
      tpu.vector_store %arg19[%parallel_loop3A_335], %parallel_loop3A_298 {strides = array<i32>} : memref<65536xf32, #tpu.memory_space<vmem>>, vector<16xf32>,
      %parallel_loop3A_337 = arith.constant 80 : i32
      %parallel_loop3A_338 = arith.addi %parallel_loop3A_316, %parallel_loop3A_337 : i32
      %parallel_loop3A_339 = arith.index_cast %parallel_loop3A_338 : i32 to index
      %parallel_loop3A_340 = tpu.vector_load %arg19[%parallel_loop3A_339] {strides = array<i32>} : memref<65536xf32, #tpu.memory_space<vmem>>, vector<16xf32>,
      tpu.vector_store %arg19[%parallel_loop3A_339], %parallel_loop3A_302 {strides = array<i32>} : memref<65536xf32, #tpu.memory_space<vmem>>, vector<16xf32>,
      %parallel_loop3A_341 = arith.constant 96 : i32
      %parallel_loop3A_342 = arith.addi %parallel_loop3A_316, %parallel_loop3A_341 : i32
      %parallel_loop3A_343 = arith.index_cast %parallel_loop3A_342 : i32 to index
      %parallel_loop3A_344 = tpu.vector_load %arg19[%parallel_loop3A_343] {strides = array<i32>} : memref<65536xf32, #tpu.memory_space<vmem>>, vector<16xf32>,
      tpu.vector_store %arg19[%parallel_loop3A_343], %parallel_loop3A_306 {strides = array<i32>} : memref<65536xf32, #tpu.memory_space<vmem>>, vector<16xf32>,
      %parallel_loop3A_345 = arith.constant 112 : i32
      %parallel_loop3A_346 = arith.addi %parallel_loop3A_316, %parallel_loop3A_345 : i32
      %parallel_loop3A_347 = arith.index_cast %parallel_loop3A_346 : i32 to index
      %parallel_loop3A_348 = tpu.vector_load %arg19[%parallel_loop3A_347] {strides = array<i32>} : memref<65536xf32, #tpu.memory_space<vmem>>, vector<16xf32>,
      tpu.vector_store %arg19[%parallel_loop3A_347], %parallel_loop3A_310 {strides = array<i32>} : memref<65536xf32, #tpu.memory_space<vmem>>, vector<16xf32>,
      %parallel_loop3A_349 = vector.extract_strided_slice %parallel_loop3A_93 {offsets = [3], sizes = [1], strides = [1]} : vector<16xi32> to vector<1xi32>
      %parallel_loop3A_350 = vector.extract %parallel_loop3A_349[0] : i32 from vector<1xi32>
      %parallel_loop3A_351 = vector.extract_strided_slice %parallel_loop3A_100 {offsets = [3], sizes = [1], strides = [1]} : vector<16xi32> to vector<1xi32>
      %parallel_loop3A_352 = vector.extract %parallel_loop3A_351[0] : i32 from vector<1xi32>
      %parallel_loop3A_353 = vector.extract_strided_slice %parallel_loop3A_107 {offsets = [3], sizes = [1], strides = [1]} : vector<16xi32> to vector<1xi32>
      %parallel_loop3A_354 = vector.extract %parallel_loop3A_353[0] : i32 from vector<1xi32>
      %parallel_loop3A_355 = vector.extract_strided_slice %parallel_loop3A_114 {offsets = [3], sizes = [1], strides = [1]} : vector<16xi32> to vector<1xi32>
      %parallel_loop3A_356 = vector.extract %parallel_loop3A_355[0] : i32 from vector<1xi32>
      %parallel_loop3A_357 = arith.constant 0 : i32
      %parallel_loop3A_358 = arith.addi %parallel_loop3A_350, %parallel_loop3A_357 : i32
      %parallel_loop3A_359 = arith.index_cast %parallel_loop3A_358 : i32 to index
      %parallel_loop3A_360 = tpu.vector_load %arg11[%parallel_loop3A_359] {strides = array<i32>} : memref<768xf32, #tpu.memory_space<vmem>>, vector<16xf32>,
      %parallel_loop3A_361 = arith.constant 16 : i32
      %parallel_loop3A_362 = arith.addi %parallel_loop3A_350, %parallel_loop3A_361 : i32
      %parallel_loop3A_363 = arith.index_cast %parallel_loop3A_362 : i32 to index
      %parallel_loop3A_364 = tpu.vector_load %arg11[%parallel_loop3A_363] {strides = array<i32>} : memref<768xf32, #tpu.memory_space<vmem>>, vector<16xf32>,
      %parallel_loop3A_365 = arith.constant 0 : i32
      %parallel_loop3A_366 = arith.addi %parallel_loop3A_352, %parallel_loop3A_365 : i32
      %parallel_loop3A_367 = arith.index_cast %parallel_loop3A_366 : i32 to index
      %parallel_loop3A_368 = tpu.vector_load %arg12[%parallel_loop3A_367] {strides = array<i32>} : memref<224xf32, #tpu.memory_space<vmem>>, vector<16xf32>,
      %parallel_loop3A_369 = arith.constant 16 : i32
      %parallel_loop3A_370 = arith.addi %parallel_loop3A_352, %parallel_loop3A_369 : i32
      %parallel_loop3A_371 = arith.index_cast %parallel_loop3A_370 : i32 to index
      %parallel_loop3A_372 = tpu.vector_load %arg12[%parallel_loop3A_371] {strides = array<i32>} : memref<224xf32, #tpu.memory_space<vmem>>, vector<16xf32>,
      %parallel_loop3A_373 = arith.constant 0 : i32
      %parallel_loop3A_374 = arith.addi %parallel_loop3A_354, %parallel_loop3A_373 : i32
      %parallel_loop3A_375 = arith.index_cast %parallel_loop3A_374 : i32 to index
      %parallel_loop3A_376 = tpu.vector_load %arg13[%parallel_loop3A_375] {strides = array<i32>} : memref<384xf32, #tpu.memory_space<vmem>>, vector<16xf32>,
      %parallel_loop3A_377 = arith.constant 16 : i32
      %parallel_loop3A_378 = arith.addi %parallel_loop3A_354, %parallel_loop3A_377 : i32
      %parallel_loop3A_379 = arith.index_cast %parallel_loop3A_378 : i32 to index
      %parallel_loop3A_380 = tpu.vector_load %arg13[%parallel_loop3A_379] {strides = array<i32>} : memref<384xf32, #tpu.memory_space<vmem>>, vector<16xf32>,
      %parallel_loop3A_381 = arith.constant 0 : i32
      %parallel_loop3A_382 = arith.addi %parallel_loop3A_356, %parallel_loop3A_381 : i32
      %parallel_loop3A_383 = arith.index_cast %parallel_loop3A_382 : i32 to index
      %parallel_loop3A_384 = tpu.vector_load %arg14[%parallel_loop3A_383] {strides = array<i32>} : memref<320xf32, #tpu.memory_space<vmem>>, vector<16xf32>,
      %parallel_loop3A_385 = arith.constant 16 : i32
      %parallel_loop3A_386 = arith.addi %parallel_loop3A_356, %parallel_loop3A_385 : i32
      %parallel_loop3A_387 = arith.index_cast %parallel_loop3A_386 : i32 to index
      %parallel_loop3A_388 = tpu.vector_load %arg14[%parallel_loop3A_387] {strides = array<i32>} : memref<320xf32, #tpu.memory_space<vmem>>, vector<16xf32>,
      %parallel_loop3A_389 = arith.constant 16 : i32
      %parallel_loop3A_390 = arith.muli %parallel_loop3A_86, %parallel_loop3A_389 : i32
      %parallel_loop3A_391 = arith.constant 3 : i32
      %parallel_loop3A_392 = arith.addi %parallel_loop3A_390, %parallel_loop3A_391 : i32
      %parallel_loop3A_393 = arith.constant 128 : i32
      %parallel_loop3A_394 = arith.muli %parallel_loop3A_392, %parallel_loop3A_393 : i32
      %parallel_loop3A_395 = arith.constant 0 : i32
      %parallel_loop3A_396 = arith.addi %parallel_loop3A_394, %parallel_loop3A_395 : i32
      %parallel_loop3A_397 = arith.index_cast %parallel_loop3A_396 : i32 to index
      %parallel_loop3A_398 = tpu.vector_load %arg19[%parallel_loop3A_397] {strides = array<i32>} : memref<65536xf32, #tpu.memory_space<vmem>>, vector<16xf32>,
      tpu.vector_store %arg19[%parallel_loop3A_397], %parallel_loop3A_360 {strides = array<i32>} : memref<65536xf32, #tpu.memory_space<vmem>>, vector<16xf32>,
      %parallel_loop3A_399 = arith.constant 16 : i32
      %parallel_loop3A_400 = arith.addi %parallel_loop3A_394, %parallel_loop3A_399 : i32
      %parallel_loop3A_401 = arith.index_cast %parallel_loop3A_400 : i32 to index
      %parallel_loop3A_402 = tpu.vector_load %arg19[%parallel_loop3A_401] {strides = array<i32>} : memref<65536xf32, #tpu.memory_space<vmem>>, vector<16xf32>,
      tpu.vector_store %arg19[%parallel_loop3A_401], %parallel_loop3A_364 {strides = array<i32>} : memref<65536xf32, #tpu.memory_space<vmem>>, vector<16xf32>,
      %parallel_loop3A_403 = arith.constant 32 : i32
      %parallel_loop3A_404 = arith.addi %parallel_loop3A_394, %parallel_loop3A_403 : i32
      %parallel_loop3A_405 = arith.index_cast %parallel_loop3A_404 : i32 to index
      %parallel_loop3A_406 = tpu.vector_load %arg19[%parallel_loop3A_405] {strides = array<i32>} : memref<65536xf32, #tpu.memory_space<vmem>>, vector<16xf32>,
      tpu.vector_store %arg19[%parallel_loop3A_405], %parallel_loop3A_368 {strides = array<i32>} : memref<65536xf32, #tpu.memory_space<vmem>>, vector<16xf32>,
      %parallel_loop3A_407 = arith.constant 48 : i32
      %parallel_loop3A_408 = arith.addi %parallel_loop3A_394, %parallel_loop3A_407 : i32
      %parallel_loop3A_409 = arith.index_cast %parallel_loop3A_408 : i32 to index
      %parallel_loop3A_410 = tpu.vector_load %arg19[%parallel_loop3A_409] {strides = array<i32>} : memref<65536xf32, #tpu.memory_space<vmem>>, vector<16xf32>,
      tpu.vector_store %arg19[%parallel_loop3A_409], %parallel_loop3A_372 {strides = array<i32>} : memref<65536xf32, #tpu.memory_space<vmem>>, vector<16xf32>,
      %parallel_loop3A_411 = arith.constant 64 : i32
      %parallel_loop3A_412 = arith.addi %parallel_loop3A_394, %parallel_loop3A_411 : i32
      %parallel_loop3A_413 = arith.index_cast %parallel_loop3A_412 : i32 to index
      %parallel_loop3A_414 = tpu.vector_load %arg19[%parallel_loop3A_413] {strides = array<i32>} : memref<65536xf32, #tpu.memory_space<vmem>>, vector<16xf32>,
      tpu.vector_store %arg19[%parallel_loop3A_413], %parallel_loop3A_376 {strides = array<i32>} : memref<65536xf32, #tpu.memory_space<vmem>>, vector<16xf32>,
      %parallel_loop3A_415 = arith.constant 80 : i32
      %parallel_loop3A_416 = arith.addi %parallel_loop3A_394, %parallel_loop3A_415 : i32
      %parallel_loop3A_417 = arith.index_cast %parallel_loop3A_416 : i32 to index
      %parallel_loop3A_418 = tpu.vector_load %arg19[%parallel_loop3A_417] {strides = array<i32>} : memref<65536xf32, #tpu.memory_space<vmem>>, vector<16xf32>,
      tpu.vector_store %arg19[%parallel_loop3A_417], %parallel_loop3A_380 {strides = array<i32>} : memref<65536xf32, #tpu.memory_space<vmem>>, vector<16xf32>,
      %parallel_loop3A_419 = arith.constant 96 : i32
      %parallel_loop3A_420 = arith.addi %parallel_loop3A_394, %parallel_loop3A_419 : i32
      %parallel_loop3A_421 = arith.index_cast %parallel_loop3A_420 : i32 to index
      %parallel_loop3A_422 = tpu.vector_load %arg19[%parallel_loop3A_421] {strides = array<i32>} : memref<65536xf32, #tpu.memory_space<vmem>>, vector<16xf32>,
      tpu.vector_store %arg19[%parallel_loop3A_421], %parallel_loop3A_384 {strides = array<i32>} : memref<65536xf32, #tpu.memory_space<vmem>>, vector<16xf32>,
      %parallel_loop3A_423 = arith.constant 112 : i32
      %parallel_loop3A_424 = arith.addi %parallel_loop3A_394, %parallel_loop3A_423 : i32
      %parallel_loop3A_425 = arith.index_cast %parallel_loop3A_424 : i32 to index
      %parallel_loop3A_426 = tpu.vector_load %arg19[%parallel_loop3A_425] {strides = array<i32>} : memref<65536xf32, #tpu.memory_space<vmem>>, vector<16xf32>,
      tpu.vector_store %arg19[%parallel_loop3A_425], %parallel_loop3A_388 {strides = array<i32>} : memref<65536xf32, #tpu.memory_space<vmem>>, vector<16xf32>,
      %parallel_loop3A_427 = vector.extract_strided_slice %parallel_loop3A_93 {offsets = [4], sizes = [1], strides = [1]} : vector<16xi32> to vector<1xi32>
      %parallel_loop3A_428 = vector.extract %parallel_loop3A_427[0] : i32 from vector<1xi32>
      %parallel_loop3A_429 = vector.extract_strided_slice %parallel_loop3A_100 {offsets = [4], sizes = [1], strides = [1]} : vector<16xi32> to vector<1xi32>
      %parallel_loop3A_430 = vector.extract %parallel_loop3A_429[0] : i32 from vector<1xi32>
      %parallel_loop3A_431 = vector.extract_strided_slice %parallel_loop3A_107 {offsets = [4], sizes = [1], strides = [1]} : vector<16xi32> to vector<1xi32>
      %parallel_loop3A_432 = vector.extract %parallel_loop3A_431[0] : i32 from vector<1xi32>
      %parallel_loop3A_433 = vector.extract_strided_slice %parallel_loop3A_114 {offsets = [4], sizes = [1], strides = [1]} : vector<16xi32> to vector<1xi32>
      %parallel_loop3A_434 = vector.extract %parallel_loop3A_433[0] : i32 from vector<1xi32>
      %parallel_loop3A_435 = arith.constant 0 : i32
      %parallel_loop3A_436 = arith.addi %parallel_loop3A_428, %parallel_loop3A_435 : i32
      %parallel_loop3A_437 = arith.index_cast %parallel_loop3A_436 : i32 to index
      %parallel_loop3A_438 = tpu.vector_load %arg11[%parallel_loop3A_437] {strides = array<i32>} : memref<768xf32, #tpu.memory_space<vmem>>, vector<16xf32>,
      %parallel_loop3A_439 = arith.constant 16 : i32
      %parallel_loop3A_440 = arith.addi %parallel_loop3A_428, %parallel_loop3A_439 : i32
      %parallel_loop3A_441 = arith.index_cast %parallel_loop3A_440 : i32 to index
      %parallel_loop3A_442 = tpu.vector_load %arg11[%parallel_loop3A_441] {strides = array<i32>} : memref<768xf32, #tpu.memory_space<vmem>>, vector<16xf32>,
      %parallel_loop3A_443 = arith.constant 0 : i32
      %parallel_loop3A_444 = arith.addi %parallel_loop3A_430, %parallel_loop3A_443 : i32
      %parallel_loop3A_445 = arith.index_cast %parallel_loop3A_444 : i32 to index
      %parallel_loop3A_446 = tpu.vector_load %arg12[%parallel_loop3A_445] {strides = array<i32>} : memref<224xf32, #tpu.memory_space<vmem>>, vector<16xf32>,
      %parallel_loop3A_447 = arith.constant 16 : i32
      %parallel_loop3A_448 = arith.addi %parallel_loop3A_430, %parallel_loop3A_447 : i32
      %parallel_loop3A_449 = arith.index_cast %parallel_loop3A_448 : i32 to index
      %parallel_loop3A_450 = tpu.vector_load %arg12[%parallel_loop3A_449] {strides = array<i32>} : memref<224xf32, #tpu.memory_space<vmem>>, vector<16xf32>,
      %parallel_loop3A_451 = arith.constant 0 : i32
      %parallel_loop3A_452 = arith.addi %parallel_loop3A_432, %parallel_loop3A_451 : i32
      %parallel_loop3A_453 = arith.index_cast %parallel_loop3A_452 : i32 to index
      %parallel_loop3A_454 = tpu.vector_load %arg13[%parallel_loop3A_453] {strides = array<i32>} : memref<384xf32, #tpu.memory_space<vmem>>, vector<16xf32>,
      %parallel_loop3A_455 = arith.constant 16 : i32
      %parallel_loop3A_456 = arith.addi %parallel_loop3A_432, %parallel_loop3A_455 : i32
      %parallel_loop3A_457 = arith.index_cast %parallel_loop3A_456 : i32 to index
      %parallel_loop3A_458 = tpu.vector_load %arg13[%parallel_loop3A_457] {strides = array<i32>} : memref<384xf32, #tpu.memory_space<vmem>>, vector<16xf32>,
      %parallel_loop3A_459 = arith.constant 0 : i32
      %parallel_loop3A_460 = arith.addi %parallel_loop3A_434, %parallel_loop3A_459 : i32
      %parallel_loop3A_461 = arith.index_cast %parallel_loop3A_460 : i32 to index
      %parallel_loop3A_462 = tpu.vector_load %arg14[%parallel_loop3A_461] {strides = array<i32>} : memref<320xf32, #tpu.memory_space<vmem>>, vector<16xf32>,
      %parallel_loop3A_463 = arith.constant 16 : i32
      %parallel_loop3A_464 = arith.addi %parallel_loop3A_434, %parallel_loop3A_463 : i32
      %parallel_loop3A_465 = arith.index_cast %parallel_loop3A_464 : i32 to index
      %parallel_loop3A_466 = tpu.vector_load %arg14[%parallel_loop3A_465] {strides = array<i32>} : memref<320xf32, #tpu.memory_space<vmem>>, vector<16xf32>,
      %parallel_loop3A_467 = arith.constant 16 : i32
      %parallel_loop3A_468 = arith.muli %parallel_loop3A_86, %parallel_loop3A_467 : i32
      %parallel_loop3A_469 = arith.constant 4 : i32
      %parallel_loop3A_470 = arith.addi %parallel_loop3A_468, %parallel_loop3A_469 : i32
      %parallel_loop3A_471 = arith.constant 128 : i32
      %parallel_loop3A_472 = arith.muli %parallel_loop3A_470, %parallel_loop3A_471 : i32
      %parallel_loop3A_473 = arith.constant 0 : i32
      %parallel_loop3A_474 = arith.addi %parallel_loop3A_472, %parallel_loop3A_473 : i32
      %parallel_loop3A_475 = arith.index_cast %parallel_loop3A_474 : i32 to index
      %parallel_loop3A_476 = tpu.vector_load %arg19[%parallel_loop3A_475] {strides = array<i32>} : memref<65536xf32, #tpu.memory_space<vmem>>, vector<16xf32>,
      tpu.vector_store %arg19[%parallel_loop3A_475], %parallel_loop3A_438 {strides = array<i32>} : memref<65536xf32, #tpu.memory_space<vmem>>, vector<16xf32>,
      %parallel_loop3A_477 = arith.constant 16 : i32
      %parallel_loop3A_478 = arith.addi %parallel_loop3A_472, %parallel_loop3A_477 : i32
      %parallel_loop3A_479 = arith.index_cast %parallel_loop3A_478 : i32 to index
      %parallel_loop3A_480 = tpu.vector_load %arg19[%parallel_loop3A_479] {strides = array<i32>} : memref<65536xf32, #tpu.memory_space<vmem>>, vector<16xf32>,
      tpu.vector_store %arg19[%parallel_loop3A_479], %parallel_loop3A_442 {strides = array<i32>} : memref<65536xf32, #tpu.memory_space<vmem>>, vector<16xf32>,
      %parallel_loop3A_481 = arith.constant 32 : i32
      %parallel_loop3A_482 = arith.addi %parallel_loop3A_472, %parallel_loop3A_481 : i32
      %parallel_loop3A_483 = arith.index_cast %parallel_loop3A_482 : i32 to index
      %parallel_loop3A_484 = tpu.vector_load %arg19[%parallel_loop3A_483] {strides = array<i32>} : memref<65536xf32, #tpu.memory_space<vmem>>, vector<16xf32>,
      tpu.vector_store %arg19[%parallel_loop3A_483], %parallel_loop3A_446 {strides = array<i32>} : memref<65536xf32, #tpu.memory_space<vmem>>, vector<16xf32>,
      %parallel_loop3A_485 = arith.constant 48 : i32
      %parallel_loop3A_486 = arith.addi %parallel_loop3A_472, %parallel_loop3A_485 : i32
      %parallel_loop3A_487 = arith.index_cast %parallel_loop3A_486 : i32 to index
      %parallel_loop3A_488 = tpu.vector_load %arg19[%parallel_loop3A_487] {strides = array<i32>} : memref<65536xf32, #tpu.memory_space<vmem>>, vector<16xf32>,
      tpu.vector_store %arg19[%parallel_loop3A_487], %parallel_loop3A_450 {strides = array<i32>} : memref<65536xf32, #tpu.memory_space<vmem>>, vector<16xf32>,
      %parallel_loop3A_489 = arith.constant 64 : i32
      %parallel_loop3A_490 = arith.addi %parallel_loop3A_472, %parallel_loop3A_489 : i32
      %parallel_loop3A_491 = arith.index_cast %parallel_loop3A_490 : i32 to index
      %parallel_loop3A_492 = tpu.vector_load %arg19[%parallel_loop3A_491] {strides = array<i32>} : memref<65536xf32, #tpu.memory_space<vmem>>, vector<16xf32>,
      tpu.vector_store %arg19[%parallel_loop3A_491], %parallel_loop3A_454 {strides = array<i32>} : memref<65536xf32, #tpu.memory_space<vmem>>, vector<16xf32>,
      %parallel_loop3A_493 = arith.constant 80 : i32
      %parallel_loop3A_494 = arith.addi %parallel_loop3A_472, %parallel_loop3A_493 : i32
      %parallel_loop3A_495 = arith.index_cast %parallel_loop3A_494 : i32 to index
      %parallel_loop3A_496 = tpu.vector_load %arg19[%parallel_loop3A_495] {strides = array<i32>} : memref<65536xf32, #tpu.memory_space<vmem>>, vector<16xf32>,
      tpu.vector_store %arg19[%parallel_loop3A_495], %parallel_loop3A_458 {strides = array<i32>} : memref<65536xf32, #tpu.memory_space<vmem>>, vector<16xf32>,
      %parallel_loop3A_497 = arith.constant 96 : i32
      %parallel_loop3A_498 = arith.addi %parallel_loop3A_472, %parallel_loop3A_497 : i32
      %parallel_loop3A_499 = arith.index_cast %parallel_loop3A_498 : i32 to index
      %parallel_loop3A_500 = tpu.vector_load %arg19[%parallel_loop3A_499] {strides = array<i32>} : memref<65536xf32, #tpu.memory_space<vmem>>, vector<16xf32>,
      tpu.vector_store %arg19[%parallel_loop3A_499], %parallel_loop3A_462 {strides = array<i32>} : memref<65536xf32, #tpu.memory_space<vmem>>, vector<16xf32>,
      %parallel_loop3A_501 = arith.constant 112 : i32
      %parallel_loop3A_502 = arith.addi %parallel_loop3A_472, %parallel_loop3A_501 : i32
      %parallel_loop3A_503 = arith.index_cast %parallel_loop3A_502 : i32 to index
      %parallel_loop3A_504 = tpu.vector_load %arg19[%parallel_loop3A_503] {strides = array<i32>} : memref<65536xf32, #tpu.memory_space<vmem>>, vector<16xf32>,
      tpu.vector_store %arg19[%parallel_loop3A_503], %parallel_loop3A_466 {strides = array<i32>} : memref<65536xf32, #tpu.memory_space<vmem>>, vector<16xf32>,
      %parallel_loop3A_505 = vector.extract_strided_slice %parallel_loop3A_93 {offsets = [5], sizes = [1], strides = [1]} : vector<16xi32> to vector<1xi32>
      %parallel_loop3A_506 = vector.extract %parallel_loop3A_505[0] : i32 from vector<1xi32>
      %parallel_loop3A_507 = vector.extract_strided_slice %parallel_loop3A_100 {offsets = [5], sizes = [1], strides = [1]} : vector<16xi32> to vector<1xi32>
      %parallel_loop3A_508 = vector.extract %parallel_loop3A_507[0] : i32 from vector<1xi32>
      %parallel_loop3A_509 = vector.extract_strided_slice %parallel_loop3A_107 {offsets = [5], sizes = [1], strides = [1]} : vector<16xi32> to vector<1xi32>
      %parallel_loop3A_510 = vector.extract %parallel_loop3A_509[0] : i32 from vector<1xi32>
      %parallel_loop3A_511 = vector.extract_strided_slice %parallel_loop3A_114 {offsets = [5], sizes = [1], strides = [1]} : vector<16xi32> to vector<1xi32>
      %parallel_loop3A_512 = vector.extract %parallel_loop3A_511[0] : i32 from vector<1xi32>
      %parallel_loop3A_513 = arith.constant 0 : i32
      %parallel_loop3A_514 = arith.addi %parallel_loop3A_506, %parallel_loop3A_513 : i32
      %parallel_loop3A_515 = arith.index_cast %parallel_loop3A_514 : i32 to index
      %parallel_loop3A_516 = tpu.vector_load %arg11[%parallel_loop3A_515] {strides = array<i32>} : memref<768xf32, #tpu.memory_space<vmem>>, vector<16xf32>,
      %parallel_loop3A_517 = arith.constant 16 : i32
      %parallel_loop3A_518 = arith.addi %parallel_loop3A_506, %parallel_loop3A_517 : i32
      %parallel_loop3A_519 = arith.index_cast %parallel_loop3A_518 : i32 to index
      %parallel_loop3A_520 = tpu.vector_load %arg11[%parallel_loop3A_519] {strides = array<i32>} : memref<768xf32, #tpu.memory_space<vmem>>, vector<16xf32>,
      %parallel_loop3A_521 = arith.constant 0 : i32
      %parallel_loop3A_522 = arith.addi %parallel_loop3A_508, %parallel_loop3A_521 : i32
      %parallel_loop3A_523 = arith.index_cast %parallel_loop3A_522 : i32 to index
      %parallel_loop3A_524 = tpu.vector_load %arg12[%parallel_loop3A_523] {strides = array<i32>} : memref<224xf32, #tpu.memory_space<vmem>>, vector<16xf32>,
      %parallel_loop3A_525 = arith.constant 16 : i32
      %parallel_loop3A_526 = arith.addi %parallel_loop3A_508, %parallel_loop3A_525 : i32
      %parallel_loop3A_527 = arith.index_cast %parallel_loop3A_526 : i32 to index
      %parallel_loop3A_528 = tpu.vector_load %arg12[%parallel_loop3A_527] {strides = array<i32>} : memref<224xf32, #tpu.memory_space<vmem>>, vector<16xf32>,
      %parallel_loop3A_529 = arith.constant 0 : i32
      %parallel_loop3A_530 = arith.addi %parallel_loop3A_510, %parallel_loop3A_529 : i32
      %parallel_loop3A_531 = arith.index_cast %parallel_loop3A_530 : i32 to index
      %parallel_loop3A_532 = tpu.vector_load %arg13[%parallel_loop3A_531] {strides = array<i32>} : memref<384xf32, #tpu.memory_space<vmem>>, vector<16xf32>,
      %parallel_loop3A_533 = arith.constant 16 : i32
      %parallel_loop3A_534 = arith.addi %parallel_loop3A_510, %parallel_loop3A_533 : i32
      %parallel_loop3A_535 = arith.index_cast %parallel_loop3A_534 : i32 to index
      %parallel_loop3A_536 = tpu.vector_load %arg13[%parallel_loop3A_535] {strides = array<i32>} : memref<384xf32, #tpu.memory_space<vmem>>, vector<16xf32>,
      %parallel_loop3A_537 = arith.constant 0 : i32
      %parallel_loop3A_538 = arith.addi %parallel_loop3A_512, %parallel_loop3A_537 : i32
      %parallel_loop3A_539 = arith.index_cast %parallel_loop3A_538 : i32 to index
      %parallel_loop3A_540 = tpu.vector_load %arg14[%parallel_loop3A_539] {strides = array<i32>} : memref<320xf32, #tpu.memory_space<vmem>>, vector<16xf32>,
      %parallel_loop3A_541 = arith.constant 16 : i32
      %parallel_loop3A_542 = arith.addi %parallel_loop3A_512, %parallel_loop3A_541 : i32
      %parallel_loop3A_543 = arith.index_cast %parallel_loop3A_542 : i32 to index
      %parallel_loop3A_544 = tpu.vector_load %arg14[%parallel_loop3A_543] {strides = array<i32>} : memref<320xf32, #tpu.memory_space<vmem>>, vector<16xf32>,
      %parallel_loop3A_545 = arith.constant 16 : i32
      %parallel_loop3A_546 = arith.muli %parallel_loop3A_86, %parallel_loop3A_545 : i32
      %parallel_loop3A_547 = arith.constant 5 : i32
      %parallel_loop3A_548 = arith.addi %parallel_loop3A_546, %parallel_loop3A_547 : i32
      %parallel_loop3A_549 = arith.constant 128 : i32
      %parallel_loop3A_550 = arith.muli %parallel_loop3A_548, %parallel_loop3A_549 : i32
      %parallel_loop3A_551 = arith.constant 0 : i32
      %parallel_loop3A_552 = arith.addi %parallel_loop3A_550, %parallel_loop3A_551 : i32
      %parallel_loop3A_553 = arith.index_cast %parallel_loop3A_552 : i32 to index
      %parallel_loop3A_554 = tpu.vector_load %arg19[%parallel_loop3A_553] {strides = array<i32>} : memref<65536xf32, #tpu.memory_space<vmem>>, vector<16xf32>,
      tpu.vector_store %arg19[%parallel_loop3A_553], %parallel_loop3A_516 {strides = array<i32>} : memref<65536xf32, #tpu.memory_space<vmem>>, vector<16xf32>,
      %parallel_loop3A_555 = arith.constant 16 : i32
      %parallel_loop3A_556 = arith.addi %parallel_loop3A_550, %parallel_loop3A_555 : i32
      %parallel_loop3A_557 = arith.index_cast %parallel_loop3A_556 : i32 to index
      %parallel_loop3A_558 = tpu.vector_load %arg19[%parallel_loop3A_557] {strides = array<i32>} : memref<65536xf32, #tpu.memory_space<vmem>>, vector<16xf32>,
      tpu.vector_store %arg19[%parallel_loop3A_557], %parallel_loop3A_520 {strides = array<i32>} : memref<65536xf32, #tpu.memory_space<vmem>>, vector<16xf32>,
      %parallel_loop3A_559 = arith.constant 32 : i32
      %parallel_loop3A_560 = arith.addi %parallel_loop3A_550, %parallel_loop3A_559 : i32
      %parallel_loop3A_561 = arith.index_cast %parallel_loop3A_560 : i32 to index
      %parallel_loop3A_562 = tpu.vector_load %arg19[%parallel_loop3A_561] {strides = array<i32>} : memref<65536xf32, #tpu.memory_space<vmem>>, vector<16xf32>,
      tpu.vector_store %arg19[%parallel_loop3A_561], %parallel_loop3A_524 {strides = array<i32>} : memref<65536xf32, #tpu.memory_space<vmem>>, vector<16xf32>,
      %parallel_loop3A_563 = arith.constant 48 : i32
      %parallel_loop3A_564 = arith.addi %parallel_loop3A_550, %parallel_loop3A_563 : i32
      %parallel_loop3A_565 = arith.index_cast %parallel_loop3A_564 : i32 to index
      %parallel_loop3A_566 = tpu.vector_load %arg19[%parallel_loop3A_565] {strides = array<i32>} : memref<65536xf32, #tpu.memory_space<vmem>>, vector<16xf32>,
      tpu.vector_store %arg19[%parallel_loop3A_565], %parallel_loop3A_528 {strides = array<i32>} : memref<65536xf32, #tpu.memory_space<vmem>>, vector<16xf32>,
      %parallel_loop3A_567 = arith.constant 64 : i32
      %parallel_loop3A_568 = arith.addi %parallel_loop3A_550, %parallel_loop3A_567 : i32
      %parallel_loop3A_569 = arith.index_cast %parallel_loop3A_568 : i32 to index
      %parallel_loop3A_570 = tpu.vector_load %arg19[%parallel_loop3A_569] {strides = array<i32>} : memref<65536xf32, #tpu.memory_space<vmem>>, vector<16xf32>,
      tpu.vector_store %arg19[%parallel_loop3A_569], %parallel_loop3A_532 {strides = array<i32>} : memref<65536xf32, #tpu.memory_space<vmem>>, vector<16xf32>,
      %parallel_loop3A_571 = arith.constant 80 : i32
      %parallel_loop3A_572 = arith.addi %parallel_loop3A_550, %parallel_loop3A_571 : i32
      %parallel_loop3A_573 = arith.index_cast %parallel_loop3A_572 : i32 to index
      %parallel_loop3A_574 = tpu.vector_load %arg19[%parallel_loop3A_573] {strides = array<i32>} : memref<65536xf32, #tpu.memory_space<vmem>>, vector<16xf32>,
      tpu.vector_store %arg19[%parallel_loop3A_573], %parallel_loop3A_536 {strides = array<i32>} : memref<65536xf32, #tpu.memory_space<vmem>>, vector<16xf32>,
      %parallel_loop3A_575 = arith.constant 96 : i32
      %parallel_loop3A_576 = arith.addi %parallel_loop3A_550, %parallel_loop3A_575 : i32
      %parallel_loop3A_577 = arith.index_cast %parallel_loop3A_576 : i32 to index
      %parallel_loop3A_578 = tpu.vector_load %arg19[%parallel_loop3A_577] {strides = array<i32>} : memref<65536xf32, #tpu.memory_space<vmem>>, vector<16xf32>,
      tpu.vector_store %arg19[%parallel_loop3A_577], %parallel_loop3A_540 {strides = array<i32>} : memref<65536xf32, #tpu.memory_space<vmem>>, vector<16xf32>,
      %parallel_loop3A_579 = arith.constant 112 : i32
      %parallel_loop3A_580 = arith.addi %parallel_loop3A_550, %parallel_loop3A_579 : i32
      %parallel_loop3A_581 = arith.index_cast %parallel_loop3A_580 : i32 to index
      %parallel_loop3A_582 = tpu.vector_load %arg19[%parallel_loop3A_581] {strides = array<i32>} : memref<65536xf32, #tpu.memory_space<vmem>>, vector<16xf32>,
      tpu.vector_store %arg19[%parallel_loop3A_581], %parallel_loop3A_544 {strides = array<i32>} : memref<65536xf32, #tpu.memory_space<vmem>>, vector<16xf32>,
      %parallel_loop3A_583 = vector.extract_strided_slice %parallel_loop3A_93 {offsets = [6], sizes = [1], strides = [1]} : vector<16xi32> to vector<1xi32>
      %parallel_loop3A_584 = vector.extract %parallel_loop3A_583[0] : i32 from vector<1xi32>
      %parallel_loop3A_585 = vector.extract_strided_slice %parallel_loop3A_100 {offsets = [6], sizes = [1], strides = [1]} : vector<16xi32> to vector<1xi32>
      %parallel_loop3A_586 = vector.extract %parallel_loop3A_585[0] : i32 from vector<1xi32>
      %parallel_loop3A_587 = vector.extract_strided_slice %parallel_loop3A_107 {offsets = [6], sizes = [1], strides = [1]} : vector<16xi32> to vector<1xi32>
      %parallel_loop3A_588 = vector.extract %parallel_loop3A_587[0] : i32 from vector<1xi32>
      %parallel_loop3A_589 = vector.extract_strided_slice %parallel_loop3A_114 {offsets = [6], sizes = [1], strides = [1]} : vector<16xi32> to vector<1xi32>
      %parallel_loop3A_590 = vector.extract %parallel_loop3A_589[0] : i32 from vector<1xi32>
      %parallel_loop3A_591 = arith.constant 0 : i32
      %parallel_loop3A_592 = arith.addi %parallel_loop3A_584, %parallel_loop3A_591 : i32
      %parallel_loop3A_593 = arith.index_cast %parallel_loop3A_592 : i32 to index
      %parallel_loop3A_594 = tpu.vector_load %arg11[%parallel_loop3A_593] {strides = array<i32>} : memref<768xf32, #tpu.memory_space<vmem>>, vector<16xf32>,
      %parallel_loop3A_595 = arith.constant 16 : i32
      %parallel_loop3A_596 = arith.addi %parallel_loop3A_584, %parallel_loop3A_595 : i32
      %parallel_loop3A_597 = arith.index_cast %parallel_loop3A_596 : i32 to index
      %parallel_loop3A_598 = tpu.vector_load %arg11[%parallel_loop3A_597] {strides = array<i32>} : memref<768xf32, #tpu.memory_space<vmem>>, vector<16xf32>,
      %parallel_loop3A_599 = arith.constant 0 : i32
      %parallel_loop3A_600 = arith.addi %parallel_loop3A_586, %parallel_loop3A_599 : i32
      %parallel_loop3A_601 = arith.index_cast %parallel_loop3A_600 : i32 to index
      %parallel_loop3A_602 = tpu.vector_load %arg12[%parallel_loop3A_601] {strides = array<i32>} : memref<224xf32, #tpu.memory_space<vmem>>, vector<16xf32>,
      %parallel_loop3A_603 = arith.constant 16 : i32
      %parallel_loop3A_604 = arith.addi %parallel_loop3A_586, %parallel_loop3A_603 : i32
      %parallel_loop3A_605 = arith.index_cast %parallel_loop3A_604 : i32 to index
      %parallel_loop3A_606 = tpu.vector_load %arg12[%parallel_loop3A_605] {strides = array<i32>} : memref<224xf32, #tpu.memory_space<vmem>>, vector<16xf32>,
      %parallel_loop3A_607 = arith.constant 0 : i32
      %parallel_loop3A_608 = arith.addi %parallel_loop3A_588, %parallel_loop3A_607 : i32
      %parallel_loop3A_609 = arith.index_cast %parallel_loop3A_608 : i32 to index
      %parallel_loop3A_610 = tpu.vector_load %arg13[%parallel_loop3A_609] {strides = array<i32>} : memref<384xf32, #tpu.memory_space<vmem>>, vector<16xf32>,
      %parallel_loop3A_611 = arith.constant 16 : i32
      %parallel_loop3A_612 = arith.addi %parallel_loop3A_588, %parallel_loop3A_611 : i32
      %parallel_loop3A_613 = arith.index_cast %parallel_loop3A_612 : i32 to index
      %parallel_loop3A_614 = tpu.vector_load %arg13[%parallel_loop3A_613] {strides = array<i32>} : memref<384xf32, #tpu.memory_space<vmem>>, vector<16xf32>,
      %parallel_loop3A_615 = arith.constant 0 : i32
      %parallel_loop3A_616 = arith.addi %parallel_loop3A_590, %parallel_loop3A_615 : i32
      %parallel_loop3A_617 = arith.index_cast %parallel_loop3A_616 : i32 to index
      %parallel_loop3A_618 = tpu.vector_load %arg14[%parallel_loop3A_617] {strides = array<i32>} : memref<320xf32, #tpu.memory_space<vmem>>, vector<16xf32>,
      %parallel_loop3A_619 = arith.constant 16 : i32
      %parallel_loop3A_620 = arith.addi %parallel_loop3A_590, %parallel_loop3A_619 : i32
      %parallel_loop3A_621 = arith.index_cast %parallel_loop3A_620 : i32 to index
      %parallel_loop3A_622 = tpu.vector_load %arg14[%parallel_loop3A_621] {strides = array<i32>} : memref<320xf32, #tpu.memory_space<vmem>>, vector<16xf32>,
      %parallel_loop3A_623 = arith.constant 16 : i32
      %parallel_loop3A_624 = arith.muli %parallel_loop3A_86, %parallel_loop3A_623 : i32
      %parallel_loop3A_625 = arith.constant 6 : i32
      %parallel_loop3A_626 = arith.addi %parallel_loop3A_624, %parallel_loop3A_625 : i32
      %parallel_loop3A_627 = arith.constant 128 : i32
      %parallel_loop3A_628 = arith.muli %parallel_loop3A_626, %parallel_loop3A_627 : i32
      %parallel_loop3A_629 = arith.constant 0 : i32
      %parallel_loop3A_630 = arith.addi %parallel_loop3A_628, %parallel_loop3A_629 : i32
      %parallel_loop3A_631 = arith.index_cast %parallel_loop3A_630 : i32 to index
      %parallel_loop3A_632 = tpu.vector_load %arg19[%parallel_loop3A_631] {strides = array<i32>} : memref<65536xf32, #tpu.memory_space<vmem>>, vector<16xf32>,
      tpu.vector_store %arg19[%parallel_loop3A_631], %parallel_loop3A_594 {strides = array<i32>} : memref<65536xf32, #tpu.memory_space<vmem>>, vector<16xf32>,
      %parallel_loop3A_633 = arith.constant 16 : i32
      %parallel_loop3A_634 = arith.addi %parallel_loop3A_628, %parallel_loop3A_633 : i32
      %parallel_loop3A_635 = arith.index_cast %parallel_loop3A_634 : i32 to index
      %parallel_loop3A_636 = tpu.vector_load %arg19[%parallel_loop3A_635] {strides = array<i32>} : memref<65536xf32, #tpu.memory_space<vmem>>, vector<16xf32>,
      tpu.vector_store %arg19[%parallel_loop3A_635], %parallel_loop3A_598 {strides = array<i32>} : memref<65536xf32, #tpu.memory_space<vmem>>, vector<16xf32>,
      %parallel_loop3A_637 = arith.constant 32 : i32
      %parallel_loop3A_638 = arith.addi %parallel_loop3A_628, %parallel_loop3A_637 : i32
      %parallel_loop3A_639 = arith.index_cast %parallel_loop3A_638 : i32 to index
      %parallel_loop3A_640 = tpu.vector_load %arg19[%parallel_loop3A_639] {strides = array<i32>} : memref<65536xf32, #tpu.memory_space<vmem>>, vector<16xf32>,
      tpu.vector_store %arg19[%parallel_loop3A_639], %parallel_loop3A_602 {strides = array<i32>} : memref<65536xf32, #tpu.memory_space<vmem>>, vector<16xf32>,
      %parallel_loop3A_641 = arith.constant 48 : i32
      %parallel_loop3A_642 = arith.addi %parallel_loop3A_628, %parallel_loop3A_641 : i32
      %parallel_loop3A_643 = arith.index_cast %parallel_loop3A_642 : i32 to index
      %parallel_loop3A_644 = tpu.vector_load %arg19[%parallel_loop3A_643] {strides = array<i32>} : memref<65536xf32, #tpu.memory_space<vmem>>, vector<16xf32>,
      tpu.vector_store %arg19[%parallel_loop3A_643], %parallel_loop3A_606 {strides = array<i32>} : memref<65536xf32, #tpu.memory_space<vmem>>, vector<16xf32>,
      %parallel_loop3A_645 = arith.constant 64 : i32
      %parallel_loop3A_646 = arith.addi %parallel_loop3A_628, %parallel_loop3A_645 : i32
      %parallel_loop3A_647 = arith.index_cast %parallel_loop3A_646 : i32 to index
      %parallel_loop3A_648 = tpu.vector_load %arg19[%parallel_loop3A_647] {strides = array<i32>} : memref<65536xf32, #tpu.memory_space<vmem>>, vector<16xf32>,
      tpu.vector_store %arg19[%parallel_loop3A_647], %parallel_loop3A_610 {strides = array<i32>} : memref<65536xf32, #tpu.memory_space<vmem>>, vector<16xf32>,
      %parallel_loop3A_649 = arith.constant 80 : i32
      %parallel_loop3A_650 = arith.addi %parallel_loop3A_628, %parallel_loop3A_649 : i32
      %parallel_loop3A_651 = arith.index_cast %parallel_loop3A_650 : i32 to index
      %parallel_loop3A_652 = tpu.vector_load %arg19[%parallel_loop3A_651] {strides = array<i32>} : memref<65536xf32, #tpu.memory_space<vmem>>, vector<16xf32>,
      tpu.vector_store %arg19[%parallel_loop3A_651], %parallel_loop3A_614 {strides = array<i32>} : memref<65536xf32, #tpu.memory_space<vmem>>, vector<16xf32>,
      %parallel_loop3A_653 = arith.constant 96 : i32
      %parallel_loop3A_654 = arith.addi %parallel_loop3A_628, %parallel_loop3A_653 : i32
      %parallel_loop3A_655 = arith.index_cast %parallel_loop3A_654 : i32 to index
      %parallel_loop3A_656 = tpu.vector_load %arg19[%parallel_loop3A_655] {strides = array<i32>} : memref<65536xf32, #tpu.memory_space<vmem>>, vector<16xf32>,
      tpu.vector_store %arg19[%parallel_loop3A_655], %parallel_loop3A_618 {strides = array<i32>} : memref<65536xf32, #tpu.memory_space<vmem>>, vector<16xf32>,
      %parallel_loop3A_657 = arith.constant 112 : i32
      %parallel_loop3A_658 = arith.addi %parallel_loop3A_628, %parallel_loop3A_657 : i32
      %parallel_loop3A_659 = arith.index_cast %parallel_loop3A_658 : i32 to index
      %parallel_loop3A_660 = tpu.vector_load %arg19[%parallel_loop3A_659] {strides = array<i32>} : memref<65536xf32, #tpu.memory_space<vmem>>, vector<16xf32>,
      tpu.vector_store %arg19[%parallel_loop3A_659], %parallel_loop3A_622 {strides = array<i32>} : memref<65536xf32, #tpu.memory_space<vmem>>, vector<16xf32>,
      %parallel_loop3A_661 = vector.extract_strided_slice %parallel_loop3A_93 {offsets = [7], sizes = [1], strides = [1]} : vector<16xi32> to vector<1xi32>
      %parallel_loop3A_662 = vector.extract %parallel_loop3A_661[0] : i32 from vector<1xi32>
      %parallel_loop3A_663 = vector.extract_strided_slice %parallel_loop3A_100 {offsets = [7], sizes = [1], strides = [1]} : vector<16xi32> to vector<1xi32>
      %parallel_loop3A_664 = vector.extract %parallel_loop3A_663[0] : i32 from vector<1xi32>
      %parallel_loop3A_665 = vector.extract_strided_slice %parallel_loop3A_107 {offsets = [7], sizes = [1], strides = [1]} : vector<16xi32> to vector<1xi32>
      %parallel_loop3A_666 = vector.extract %parallel_loop3A_665[0] : i32 from vector<1xi32>
      %parallel_loop3A_667 = vector.extract_strided_slice %parallel_loop3A_114 {offsets = [7], sizes = [1], strides = [1]} : vector<16xi32> to vector<1xi32>
      %parallel_loop3A_668 = vector.extract %parallel_loop3A_667[0] : i32 from vector<1xi32>
      %parallel_loop3A_669 = arith.constant 0 : i32
      %parallel_loop3A_670 = arith.addi %parallel_loop3A_662, %parallel_loop3A_669 : i32
      %parallel_loop3A_671 = arith.index_cast %parallel_loop3A_670 : i32 to index
      %parallel_loop3A_672 = tpu.vector_load %arg11[%parallel_loop3A_671] {strides = array<i32>} : memref<768xf32, #tpu.memory_space<vmem>>, vector<16xf32>,
      %parallel_loop3A_673 = arith.constant 16 : i32
      %parallel_loop3A_674 = arith.addi %parallel_loop3A_662, %parallel_loop3A_673 : i32
      %parallel_loop3A_675 = arith.index_cast %parallel_loop3A_674 : i32 to index
      %parallel_loop3A_676 = tpu.vector_load %arg11[%parallel_loop3A_675] {strides = array<i32>} : memref<768xf32, #tpu.memory_space<vmem>>, vector<16xf32>,
      %parallel_loop3A_677 = arith.constant 0 : i32
      %parallel_loop3A_678 = arith.addi %parallel_loop3A_664, %parallel_loop3A_677 : i32
      %parallel_loop3A_679 = arith.index_cast %parallel_loop3A_678 : i32 to index
      %parallel_loop3A_680 = tpu.vector_load %arg12[%parallel_loop3A_679] {strides = array<i32>} : memref<224xf32, #tpu.memory_space<vmem>>, vector<16xf32>,
      %parallel_loop3A_681 = arith.constant 16 : i32
      %parallel_loop3A_682 = arith.addi %parallel_loop3A_664, %parallel_loop3A_681 : i32
      %parallel_loop3A_683 = arith.index_cast %parallel_loop3A_682 : i32 to index
      %parallel_loop3A_684 = tpu.vector_load %arg12[%parallel_loop3A_683] {strides = array<i32>} : memref<224xf32, #tpu.memory_space<vmem>>, vector<16xf32>,
      %parallel_loop3A_685 = arith.constant 0 : i32
      %parallel_loop3A_686 = arith.addi %parallel_loop3A_666, %parallel_loop3A_685 : i32
      %parallel_loop3A_687 = arith.index_cast %parallel_loop3A_686 : i32 to index
      %parallel_loop3A_688 = tpu.vector_load %arg13[%parallel_loop3A_687] {strides = array<i32>} : memref<384xf32, #tpu.memory_space<vmem>>, vector<16xf32>,
      %parallel_loop3A_689 = arith.constant 16 : i32
      %parallel_loop3A_690 = arith.addi %parallel_loop3A_666, %parallel_loop3A_689 : i32
      %parallel_loop3A_691 = arith.index_cast %parallel_loop3A_690 : i32 to index
      %parallel_loop3A_692 = tpu.vector_load %arg13[%parallel_loop3A_691] {strides = array<i32>} : memref<384xf32, #tpu.memory_space<vmem>>, vector<16xf32>,
      %parallel_loop3A_693 = arith.constant 0 : i32
      %parallel_loop3A_694 = arith.addi %parallel_loop3A_668, %parallel_loop3A_693 : i32
      %parallel_loop3A_695 = arith.index_cast %parallel_loop3A_694 : i32 to index
      %parallel_loop3A_696 = tpu.vector_load %arg14[%parallel_loop3A_695] {strides = array<i32>} : memref<320xf32, #tpu.memory_space<vmem>>, vector<16xf32>,
      %parallel_loop3A_697 = arith.constant 16 : i32
      %parallel_loop3A_698 = arith.addi %parallel_loop3A_668, %parallel_loop3A_697 : i32
      %parallel_loop3A_699 = arith.index_cast %parallel_loop3A_698 : i32 to index
      %parallel_loop3A_700 = tpu.vector_load %arg14[%parallel_loop3A_699] {strides = array<i32>} : memref<320xf32, #tpu.memory_space<vmem>>, vector<16xf32>,
      %parallel_loop3A_701 = arith.constant 16 : i32
      %parallel_loop3A_702 = arith.muli %parallel_loop3A_86, %parallel_loop3A_701 : i32
      %parallel_loop3A_703 = arith.constant 7 : i32
      %parallel_loop3A_704 = arith.addi %parallel_loop3A_702, %parallel_loop3A_703 : i32
      %parallel_loop3A_705 = arith.constant 128 : i32
      %parallel_loop3A_706 = arith.muli %parallel_loop3A_704, %parallel_loop3A_705 : i32
      %parallel_loop3A_707 = arith.constant 0 : i32
      %parallel_loop3A_708 = arith.addi %parallel_loop3A_706, %parallel_loop3A_707 : i32
      %parallel_loop3A_709 = arith.index_cast %parallel_loop3A_708 : i32 to index
      %parallel_loop3A_710 = tpu.vector_load %arg19[%parallel_loop3A_709] {strides = array<i32>} : memref<65536xf32, #tpu.memory_space<vmem>>, vector<16xf32>,
      tpu.vector_store %arg19[%parallel_loop3A_709], %parallel_loop3A_672 {strides = array<i32>} : memref<65536xf32, #tpu.memory_space<vmem>>, vector<16xf32>,
      %parallel_loop3A_711 = arith.constant 16 : i32
      %parallel_loop3A_712 = arith.addi %parallel_loop3A_706, %parallel_loop3A_711 : i32
      %parallel_loop3A_713 = arith.index_cast %parallel_loop3A_712 : i32 to index
      %parallel_loop3A_714 = tpu.vector_load %arg19[%parallel_loop3A_713] {strides = array<i32>} : memref<65536xf32, #tpu.memory_space<vmem>>, vector<16xf32>,
      tpu.vector_store %arg19[%parallel_loop3A_713], %parallel_loop3A_676 {strides = array<i32>} : memref<65536xf32, #tpu.memory_space<vmem>>, vector<16xf32>,
      %parallel_loop3A_715 = arith.constant 32 : i32
      %parallel_loop3A_716 = arith.addi %parallel_loop3A_706, %parallel_loop3A_715 : i32
      %parallel_loop3A_717 = arith.index_cast %parallel_loop3A_716 : i32 to index
      %parallel_loop3A_718 = tpu.vector_load %arg19[%parallel_loop3A_717] {strides = array<i32>} : memref<65536xf32, #tpu.memory_space<vmem>>, vector<16xf32>,
      tpu.vector_store %arg19[%parallel_loop3A_717], %parallel_loop3A_680 {strides = array<i32>} : memref<65536xf32, #tpu.memory_space<vmem>>, vector<16xf32>,
      %parallel_loop3A_719 = arith.constant 48 : i32
      %parallel_loop3A_720 = arith.addi %parallel_loop3A_706, %parallel_loop3A_719 : i32
      %parallel_loop3A_721 = arith.index_cast %parallel_loop3A_720 : i32 to index
      %parallel_loop3A_722 = tpu.vector_load %arg19[%parallel_loop3A_721] {strides = array<i32>} : memref<65536xf32, #tpu.memory_space<vmem>>, vector<16xf32>,
      tpu.vector_store %arg19[%parallel_loop3A_721], %parallel_loop3A_684 {strides = array<i32>} : memref<65536xf32, #tpu.memory_space<vmem>>, vector<16xf32>,
      %parallel_loop3A_723 = arith.constant 64 : i32
      %parallel_loop3A_724 = arith.addi %parallel_loop3A_706, %parallel_loop3A_723 : i32
      %parallel_loop3A_725 = arith.index_cast %parallel_loop3A_724 : i32 to index
      %parallel_loop3A_726 = tpu.vector_load %arg19[%parallel_loop3A_725] {strides = array<i32>} : memref<65536xf32, #tpu.memory_space<vmem>>, vector<16xf32>,
      tpu.vector_store %arg19[%parallel_loop3A_725], %parallel_loop3A_688 {strides = array<i32>} : memref<65536xf32, #tpu.memory_space<vmem>>, vector<16xf32>,
      %parallel_loop3A_727 = arith.constant 80 : i32
      %parallel_loop3A_728 = arith.addi %parallel_loop3A_706, %parallel_loop3A_727 : i32
      %parallel_loop3A_729 = arith.index_cast %parallel_loop3A_728 : i32 to index
      %parallel_loop3A_730 = tpu.vector_load %arg19[%parallel_loop3A_729] {strides = array<i32>} : memref<65536xf32, #tpu.memory_space<vmem>>, vector<16xf32>,
      tpu.vector_store %arg19[%parallel_loop3A_729], %parallel_loop3A_692 {strides = array<i32>} : memref<65536xf32, #tpu.memory_space<vmem>>, vector<16xf32>,
      %parallel_loop3A_731 = arith.constant 96 : i32
      %parallel_loop3A_732 = arith.addi %parallel_loop3A_706, %parallel_loop3A_731 : i32
      %parallel_loop3A_733 = arith.index_cast %parallel_loop3A_732 : i32 to index
      %parallel_loop3A_734 = tpu.vector_load %arg19[%parallel_loop3A_733] {strides = array<i32>} : memref<65536xf32, #tpu.memory_space<vmem>>, vector<16xf32>,
      tpu.vector_store %arg19[%parallel_loop3A_733], %parallel_loop3A_696 {strides = array<i32>} : memref<65536xf32, #tpu.memory_space<vmem>>, vector<16xf32>,
      %parallel_loop3A_735 = arith.constant 112 : i32
      %parallel_loop3A_736 = arith.addi %parallel_loop3A_706, %parallel_loop3A_735 : i32
      %parallel_loop3A_737 = arith.index_cast %parallel_loop3A_736 : i32 to index
      %parallel_loop3A_738 = tpu.vector_load %arg19[%parallel_loop3A_737] {strides = array<i32>} : memref<65536xf32, #tpu.memory_space<vmem>>, vector<16xf32>,
      tpu.vector_store %arg19[%parallel_loop3A_737], %parallel_loop3A_700 {strides = array<i32>} : memref<65536xf32, #tpu.memory_space<vmem>>, vector<16xf32>,
      %parallel_loop3A_739 = vector.extract_strided_slice %parallel_loop3A_93 {offsets = [8], sizes = [1], strides = [1]} : vector<16xi32> to vector<1xi32>
      %parallel_loop3A_740 = vector.extract %parallel_loop3A_739[0] : i32 from vector<1xi32>
      %parallel_loop3A_741 = vector.extract_strided_slice %parallel_loop3A_100 {offsets = [8], sizes = [1], strides = [1]} : vector<16xi32> to vector<1xi32>
      %parallel_loop3A_742 = vector.extract %parallel_loop3A_741[0] : i32 from vector<1xi32>
      %parallel_loop3A_743 = vector.extract_strided_slice %parallel_loop3A_107 {offsets = [8], sizes = [1], strides = [1]} : vector<16xi32> to vector<1xi32>
      %parallel_loop3A_744 = vector.extract %parallel_loop3A_743[0] : i32 from vector<1xi32>
      %parallel_loop3A_745 = vector.extract_strided_slice %parallel_loop3A_114 {offsets = [8], sizes = [1], strides = [1]} : vector<16xi32> to vector<1xi32>
      %parallel_loop3A_746 = vector.extract %parallel_loop3A_745[0] : i32 from vector<1xi32>
      %parallel_loop3A_747 = arith.constant 0 : i32
      %parallel_loop3A_748 = arith.addi %parallel_loop3A_740, %parallel_loop3A_747 : i32
      %parallel_loop3A_749 = arith.index_cast %parallel_loop3A_748 : i32 to index
      %parallel_loop3A_750 = tpu.vector_load %arg11[%parallel_loop3A_749] {strides = array<i32>} : memref<768xf32, #tpu.memory_space<vmem>>, vector<16xf32>,
      %parallel_loop3A_751 = arith.constant 16 : i32
      %parallel_loop3A_752 = arith.addi %parallel_loop3A_740, %parallel_loop3A_751 : i32
      %parallel_loop3A_753 = arith.index_cast %parallel_loop3A_752 : i32 to index
      %parallel_loop3A_754 = tpu.vector_load %arg11[%parallel_loop3A_753] {strides = array<i32>} : memref<768xf32, #tpu.memory_space<vmem>>, vector<16xf32>,
      %parallel_loop3A_755 = arith.constant 0 : i32
      %parallel_loop3A_756 = arith.addi %parallel_loop3A_742, %parallel_loop3A_755 : i32
      %parallel_loop3A_757 = arith.index_cast %parallel_loop3A_756 : i32 to index
      %parallel_loop3A_758 = tpu.vector_load %arg12[%parallel_loop3A_757] {strides = array<i32>} : memref<224xf32, #tpu.memory_space<vmem>>, vector<16xf32>,
      %parallel_loop3A_759 = arith.constant 16 : i32
      %parallel_loop3A_760 = arith.addi %parallel_loop3A_742, %parallel_loop3A_759 : i32
      %parallel_loop3A_761 = arith.index_cast %parallel_loop3A_760 : i32 to index
      %parallel_loop3A_762 = tpu.vector_load %arg12[%parallel_loop3A_761] {strides = array<i32>} : memref<224xf32, #tpu.memory_space<vmem>>, vector<16xf32>,
      %parallel_loop3A_763 = arith.constant 0 : i32
      %parallel_loop3A_764 = arith.addi %parallel_loop3A_744, %parallel_loop3A_763 : i32
      %parallel_loop3A_765 = arith.index_cast %parallel_loop3A_764 : i32 to index
      %parallel_loop3A_766 = tpu.vector_load %arg13[%parallel_loop3A_765] {strides = array<i32>} : memref<384xf32, #tpu.memory_space<vmem>>, vector<16xf32>,
      %parallel_loop3A_767 = arith.constant 16 : i32
      %parallel_loop3A_768 = arith.addi %parallel_loop3A_744, %parallel_loop3A_767 : i32
      %parallel_loop3A_769 = arith.index_cast %parallel_loop3A_768 : i32 to index
      %parallel_loop3A_770 = tpu.vector_load %arg13[%parallel_loop3A_769] {strides = array<i32>} : memref<384xf32, #tpu.memory_space<vmem>>, vector<16xf32>,
      %parallel_loop3A_771 = arith.constant 0 : i32
      %parallel_loop3A_772 = arith.addi %parallel_loop3A_746, %parallel_loop3A_771 : i32
      %parallel_loop3A_773 = arith.index_cast %parallel_loop3A_772 : i32 to index
      %parallel_loop3A_774 = tpu.vector_load %arg14[%parallel_loop3A_773] {strides = array<i32>} : memref<320xf32, #tpu.memory_space<vmem>>, vector<16xf32>,
      %parallel_loop3A_775 = arith.constant 16 : i32
      %parallel_loop3A_776 = arith.addi %parallel_loop3A_746, %parallel_loop3A_775 : i32
      %parallel_loop3A_777 = arith.index_cast %parallel_loop3A_776 : i32 to index
      %parallel_loop3A_778 = tpu.vector_load %arg14[%parallel_loop3A_777] {strides = array<i32>} : memref<320xf32, #tpu.memory_space<vmem>>, vector<16xf32>,
      %parallel_loop3A_779 = arith.constant 16 : i32
      %parallel_loop3A_780 = arith.muli %parallel_loop3A_86, %parallel_loop3A_779 : i32
      %parallel_loop3A_781 = arith.constant 8 : i32
      %parallel_loop3A_782 = arith.addi %parallel_loop3A_780, %parallel_loop3A_781 : i32
      %parallel_loop3A_783 = arith.constant 128 : i32
      %parallel_loop3A_784 = arith.muli %parallel_loop3A_782, %parallel_loop3A_783 : i32
      %parallel_loop3A_785 = arith.constant 0 : i32
      %parallel_loop3A_786 = arith.addi %parallel_loop3A_784, %parallel_loop3A_785 : i32
      %parallel_loop3A_787 = arith.index_cast %parallel_loop3A_786 : i32 to index
      %parallel_loop3A_788 = tpu.vector_load %arg19[%parallel_loop3A_787] {strides = array<i32>} : memref<65536xf32, #tpu.memory_space<vmem>>, vector<16xf32>,
      tpu.vector_store %arg19[%parallel_loop3A_787], %parallel_loop3A_750 {strides = array<i32>} : memref<65536xf32, #tpu.memory_space<vmem>>, vector<16xf32>,
      %parallel_loop3A_789 = arith.constant 16 : i32
      %parallel_loop3A_790 = arith.addi %parallel_loop3A_784, %parallel_loop3A_789 : i32
      %parallel_loop3A_791 = arith.index_cast %parallel_loop3A_790 : i32 to index
      %parallel_loop3A_792 = tpu.vector_load %arg19[%parallel_loop3A_791] {strides = array<i32>} : memref<65536xf32, #tpu.memory_space<vmem>>, vector<16xf32>,
      tpu.vector_store %arg19[%parallel_loop3A_791], %parallel_loop3A_754 {strides = array<i32>} : memref<65536xf32, #tpu.memory_space<vmem>>, vector<16xf32>,
      %parallel_loop3A_793 = arith.constant 32 : i32
      %parallel_loop3A_794 = arith.addi %parallel_loop3A_784, %parallel_loop3A_793 : i32
      %parallel_loop3A_795 = arith.index_cast %parallel_loop3A_794 : i32 to index
      %parallel_loop3A_796 = tpu.vector_load %arg19[%parallel_loop3A_795] {strides = array<i32>} : memref<65536xf32, #tpu.memory_space<vmem>>, vector<16xf32>,
      tpu.vector_store %arg19[%parallel_loop3A_795], %parallel_loop3A_758 {strides = array<i32>} : memref<65536xf32, #tpu.memory_space<vmem>>, vector<16xf32>,
      %parallel_loop3A_797 = arith.constant 48 : i32
      %parallel_loop3A_798 = arith.addi %parallel_loop3A_784, %parallel_loop3A_797 : i32
      %parallel_loop3A_799 = arith.index_cast %parallel_loop3A_798 : i32 to index
      %parallel_loop3A_800 = tpu.vector_load %arg19[%parallel_loop3A_799] {strides = array<i32>} : memref<65536xf32, #tpu.memory_space<vmem>>, vector<16xf32>,
      tpu.vector_store %arg19[%parallel_loop3A_799], %parallel_loop3A_762 {strides = array<i32>} : memref<65536xf32, #tpu.memory_space<vmem>>, vector<16xf32>,
      %parallel_loop3A_801 = arith.constant 64 : i32
      %parallel_loop3A_802 = arith.addi %parallel_loop3A_784, %parallel_loop3A_801 : i32
      %parallel_loop3A_803 = arith.index_cast %parallel_loop3A_802 : i32 to index
      %parallel_loop3A_804 = tpu.vector_load %arg19[%parallel_loop3A_803] {strides = array<i32>} : memref<65536xf32, #tpu.memory_space<vmem>>, vector<16xf32>,
      tpu.vector_store %arg19[%parallel_loop3A_803], %parallel_loop3A_766 {strides = array<i32>} : memref<65536xf32, #tpu.memory_space<vmem>>, vector<16xf32>,
      %parallel_loop3A_805 = arith.constant 80 : i32
      %parallel_loop3A_806 = arith.addi %parallel_loop3A_784, %parallel_loop3A_805 : i32
      %parallel_loop3A_807 = arith.index_cast %parallel_loop3A_806 : i32 to index
      %parallel_loop3A_808 = tpu.vector_load %arg19[%parallel_loop3A_807] {strides = array<i32>} : memref<65536xf32, #tpu.memory_space<vmem>>, vector<16xf32>,
      tpu.vector_store %arg19[%parallel_loop3A_807], %parallel_loop3A_770 {strides = array<i32>} : memref<65536xf32, #tpu.memory_space<vmem>>, vector<16xf32>,
      %parallel_loop3A_809 = arith.constant 96 : i32
      %parallel_loop3A_810 = arith.addi %parallel_loop3A_784, %parallel_loop3A_809 : i32
      %parallel_loop3A_811 = arith.index_cast %parallel_loop3A_810 : i32 to index
      %parallel_loop3A_812 = tpu.vector_load %arg19[%parallel_loop3A_811] {strides = array<i32>} : memref<65536xf32, #tpu.memory_space<vmem>>, vector<16xf32>,
      tpu.vector_store %arg19[%parallel_loop3A_811], %parallel_loop3A_774 {strides = array<i32>} : memref<65536xf32, #tpu.memory_space<vmem>>, vector<16xf32>,
      %parallel_loop3A_813 = arith.constant 112 : i32
      %parallel_loop3A_814 = arith.addi %parallel_loop3A_784, %parallel_loop3A_813 : i32
      %parallel_loop3A_815 = arith.index_cast %parallel_loop3A_814 : i32 to index
      %parallel_loop3A_816 = tpu.vector_load %arg19[%parallel_loop3A_815] {strides = array<i32>} : memref<65536xf32, #tpu.memory_space<vmem>>, vector<16xf32>,
      tpu.vector_store %arg19[%parallel_loop3A_815], %parallel_loop3A_778 {strides = array<i32>} : memref<65536xf32, #tpu.memory_space<vmem>>, vector<16xf32>,
      %parallel_loop3A_817 = vector.extract_strided_slice %parallel_loop3A_93 {offsets = [9], sizes = [1], strides = [1]} : vector<16xi32> to vector<1xi32>
      %parallel_loop3A_818 = vector.extract %parallel_loop3A_817[0] : i32 from vector<1xi32>
      %parallel_loop3A_819 = vector.extract_strided_slice %parallel_loop3A_100 {offsets = [9], sizes = [1], strides = [1]} : vector<16xi32> to vector<1xi32>
      %parallel_loop3A_820 = vector.extract %parallel_loop3A_819[0] : i32 from vector<1xi32>
      %parallel_loop3A_821 = vector.extract_strided_slice %parallel_loop3A_107 {offsets = [9], sizes = [1], strides = [1]} : vector<16xi32> to vector<1xi32>
      %parallel_loop3A_822 = vector.extract %parallel_loop3A_821[0] : i32 from vector<1xi32>
      %parallel_loop3A_823 = vector.extract_strided_slice %parallel_loop3A_114 {offsets = [9], sizes = [1], strides = [1]} : vector<16xi32> to vector<1xi32>
      %parallel_loop3A_824 = vector.extract %parallel_loop3A_823[0] : i32 from vector<1xi32>
      %parallel_loop3A_825 = arith.constant 0 : i32
      %parallel_loop3A_826 = arith.addi %parallel_loop3A_818, %parallel_loop3A_825 : i32
      %parallel_loop3A_827 = arith.index_cast %parallel_loop3A_826 : i32 to index
      %parallel_loop3A_828 = tpu.vector_load %arg11[%parallel_loop3A_827] {strides = array<i32>} : memref<768xf32, #tpu.memory_space<vmem>>, vector<16xf32>,
      %parallel_loop3A_829 = arith.constant 16 : i32
      %parallel_loop3A_830 = arith.addi %parallel_loop3A_818, %parallel_loop3A_829 : i32
      %parallel_loop3A_831 = arith.index_cast %parallel_loop3A_830 : i32 to index
      %parallel_loop3A_832 = tpu.vector_load %arg11[%parallel_loop3A_831] {strides = array<i32>} : memref<768xf32, #tpu.memory_space<vmem>>, vector<16xf32>,
      %parallel_loop3A_833 = arith.constant 0 : i32
      %parallel_loop3A_834 = arith.addi %parallel_loop3A_820, %parallel_loop3A_833 : i32
      %parallel_loop3A_835 = arith.index_cast %parallel_loop3A_834 : i32 to index
      %parallel_loop3A_836 = tpu.vector_load %arg12[%parallel_loop3A_835] {strides = array<i32>} : memref<224xf32, #tpu.memory_space<vmem>>, vector<16xf32>,
      %parallel_loop3A_837 = arith.constant 16 : i32
      %parallel_loop3A_838 = arith.addi %parallel_loop3A_820, %parallel_loop3A_837 : i32
      %parallel_loop3A_839 = arith.index_cast %parallel_loop3A_838 : i32 to index
      %parallel_loop3A_840 = tpu.vector_load %arg12[%parallel_loop3A_839] {strides = array<i32>} : memref<224xf32, #tpu.memory_space<vmem>>, vector<16xf32>,
      %parallel_loop3A_841 = arith.constant 0 : i32
      %parallel_loop3A_842 = arith.addi %parallel_loop3A_822, %parallel_loop3A_841 : i32
      %parallel_loop3A_843 = arith.index_cast %parallel_loop3A_842 : i32 to index
      %parallel_loop3A_844 = tpu.vector_load %arg13[%parallel_loop3A_843] {strides = array<i32>} : memref<384xf32, #tpu.memory_space<vmem>>, vector<16xf32>,
      %parallel_loop3A_845 = arith.constant 16 : i32
      %parallel_loop3A_846 = arith.addi %parallel_loop3A_822, %parallel_loop3A_845 : i32
      %parallel_loop3A_847 = arith.index_cast %parallel_loop3A_846 : i32 to index
      %parallel_loop3A_848 = tpu.vector_load %arg13[%parallel_loop3A_847] {strides = array<i32>} : memref<384xf32, #tpu.memory_space<vmem>>, vector<16xf32>,
      %parallel_loop3A_849 = arith.constant 0 : i32
      %parallel_loop3A_850 = arith.addi %parallel_loop3A_824, %parallel_loop3A_849 : i32
      %parallel_loop3A_851 = arith.index_cast %parallel_loop3A_850 : i32 to index
      %parallel_loop3A_852 = tpu.vector_load %arg14[%parallel_loop3A_851] {strides = array<i32>} : memref<320xf32, #tpu.memory_space<vmem>>, vector<16xf32>,
      %parallel_loop3A_853 = arith.constant 16 : i32
      %parallel_loop3A_854 = arith.addi %parallel_loop3A_824, %parallel_loop3A_853 : i32
      %parallel_loop3A_855 = arith.index_cast %parallel_loop3A_854 : i32 to index
      %parallel_loop3A_856 = tpu.vector_load %arg14[%parallel_loop3A_855] {strides = array<i32>} : memref<320xf32, #tpu.memory_space<vmem>>, vector<16xf32>,
      %parallel_loop3A_857 = arith.constant 16 : i32
      %parallel_loop3A_858 = arith.muli %parallel_loop3A_86, %parallel_loop3A_857 : i32
      %parallel_loop3A_859 = arith.constant 9 : i32
      %parallel_loop3A_860 = arith.addi %parallel_loop3A_858, %parallel_loop3A_859 : i32
      %parallel_loop3A_861 = arith.constant 128 : i32
      %parallel_loop3A_862 = arith.muli %parallel_loop3A_860, %parallel_loop3A_861 : i32
      %parallel_loop3A_863 = arith.constant 0 : i32
      %parallel_loop3A_864 = arith.addi %parallel_loop3A_862, %parallel_loop3A_863 : i32
      %parallel_loop3A_865 = arith.index_cast %parallel_loop3A_864 : i32 to index
      %parallel_loop3A_866 = tpu.vector_load %arg19[%parallel_loop3A_865] {strides = array<i32>} : memref<65536xf32, #tpu.memory_space<vmem>>, vector<16xf32>,
      tpu.vector_store %arg19[%parallel_loop3A_865], %parallel_loop3A_828 {strides = array<i32>} : memref<65536xf32, #tpu.memory_space<vmem>>, vector<16xf32>,
      %parallel_loop3A_867 = arith.constant 16 : i32
      %parallel_loop3A_868 = arith.addi %parallel_loop3A_862, %parallel_loop3A_867 : i32
      %parallel_loop3A_869 = arith.index_cast %parallel_loop3A_868 : i32 to index
      %parallel_loop3A_870 = tpu.vector_load %arg19[%parallel_loop3A_869] {strides = array<i32>} : memref<65536xf32, #tpu.memory_space<vmem>>, vector<16xf32>,
      tpu.vector_store %arg19[%parallel_loop3A_869], %parallel_loop3A_832 {strides = array<i32>} : memref<65536xf32, #tpu.memory_space<vmem>>, vector<16xf32>,
      %parallel_loop3A_871 = arith.constant 32 : i32
      %parallel_loop3A_872 = arith.addi %parallel_loop3A_862, %parallel_loop3A_871 : i32
      %parallel_loop3A_873 = arith.index_cast %parallel_loop3A_872 : i32 to index
      %parallel_loop3A_874 = tpu.vector_load %arg19[%parallel_loop3A_873] {strides = array<i32>} : memref<65536xf32, #tpu.memory_space<vmem>>, vector<16xf32>,
      tpu.vector_store %arg19[%parallel_loop3A_873], %parallel_loop3A_836 {strides = array<i32>} : memref<65536xf32, #tpu.memory_space<vmem>>, vector<16xf32>,
      %parallel_loop3A_875 = arith.constant 48 : i32
      %parallel_loop3A_876 = arith.addi %parallel_loop3A_862, %parallel_loop3A_875 : i32
      %parallel_loop3A_877 = arith.index_cast %parallel_loop3A_876 : i32 to index
      %parallel_loop3A_878 = tpu.vector_load %arg19[%parallel_loop3A_877] {strides = array<i32>} : memref<65536xf32, #tpu.memory_space<vmem>>, vector<16xf32>,
      tpu.vector_store %arg19[%parallel_loop3A_877], %parallel_loop3A_840 {strides = array<i32>} : memref<65536xf32, #tpu.memory_space<vmem>>, vector<16xf32>,
      %parallel_loop3A_879 = arith.constant 64 : i32
      %parallel_loop3A_880 = arith.addi %parallel_loop3A_862, %parallel_loop3A_879 : i32
      %parallel_loop3A_881 = arith.index_cast %parallel_loop3A_880 : i32 to index
      %parallel_loop3A_882 = tpu.vector_load %arg19[%parallel_loop3A_881] {strides = array<i32>} : memref<65536xf32, #tpu.memory_space<vmem>>, vector<16xf32>,
      tpu.vector_store %arg19[%parallel_loop3A_881], %parallel_loop3A_844 {strides = array<i32>} : memref<65536xf32, #tpu.memory_space<vmem>>, vector<16xf32>,
      %parallel_loop3A_883 = arith.constant 80 : i32
      %parallel_loop3A_884 = arith.addi %parallel_loop3A_862, %parallel_loop3A_883 : i32
      %parallel_loop3A_885 = arith.index_cast %parallel_loop3A_884 : i32 to index
      %parallel_loop3A_886 = tpu.vector_load %arg19[%parallel_loop3A_885] {strides = array<i32>} : memref<65536xf32, #tpu.memory_space<vmem>>, vector<16xf32>,
      tpu.vector_store %arg19[%parallel_loop3A_885], %parallel_loop3A_848 {strides = array<i32>} : memref<65536xf32, #tpu.memory_space<vmem>>, vector<16xf32>,
      %parallel_loop3A_887 = arith.constant 96 : i32
      %parallel_loop3A_888 = arith.addi %parallel_loop3A_862, %parallel_loop3A_887 : i32
      %parallel_loop3A_889 = arith.index_cast %parallel_loop3A_888 : i32 to index
      %parallel_loop3A_890 = tpu.vector_load %arg19[%parallel_loop3A_889] {strides = array<i32>} : memref<65536xf32, #tpu.memory_space<vmem>>, vector<16xf32>,
      tpu.vector_store %arg19[%parallel_loop3A_889], %parallel_loop3A_852 {strides = array<i32>} : memref<65536xf32, #tpu.memory_space<vmem>>, vector<16xf32>,
      %parallel_loop3A_891 = arith.constant 112 : i32
      %parallel_loop3A_892 = arith.addi %parallel_loop3A_862, %parallel_loop3A_891 : i32
      %parallel_loop3A_893 = arith.index_cast %parallel_loop3A_892 : i32 to index
      %parallel_loop3A_894 = tpu.vector_load %arg19[%parallel_loop3A_893] {strides = array<i32>} : memref<65536xf32, #tpu.memory_space<vmem>>, vector<16xf32>,
      tpu.vector_store %arg19[%parallel_loop3A_893], %parallel_loop3A_856 {strides = array<i32>} : memref<65536xf32, #tpu.memory_space<vmem>>, vector<16xf32>,
      %parallel_loop3A_895 = vector.extract_strided_slice %parallel_loop3A_93 {offsets = [10], sizes = [1], strides = [1]} : vector<16xi32> to vector<1xi32>
      %parallel_loop3A_896 = vector.extract %parallel_loop3A_895[0] : i32 from vector<1xi32>
      %parallel_loop3A_897 = vector.extract_strided_slice %parallel_loop3A_100 {offsets = [10], sizes = [1], strides = [1]} : vector<16xi32> to vector<1xi32>
      %parallel_loop3A_898 = vector.extract %parallel_loop3A_897[0] : i32 from vector<1xi32>
      %parallel_loop3A_899 = vector.extract_strided_slice %parallel_loop3A_107 {offsets = [10], sizes = [1], strides = [1]} : vector<16xi32> to vector<1xi32>
      %parallel_loop3A_900 = vector.extract %parallel_loop3A_899[0] : i32 from vector<1xi32>
      %parallel_loop3A_901 = vector.extract_strided_slice %parallel_loop3A_114 {offsets = [10], sizes = [1], strides = [1]} : vector<16xi32> to vector<1xi32>
      %parallel_loop3A_902 = vector.extract %parallel_loop3A_901[0] : i32 from vector<1xi32>
      %parallel_loop3A_903 = arith.constant 0 : i32
      %parallel_loop3A_904 = arith.addi %parallel_loop3A_896, %parallel_loop3A_903 : i32
      %parallel_loop3A_905 = arith.index_cast %parallel_loop3A_904 : i32 to index
      %parallel_loop3A_906 = tpu.vector_load %arg11[%parallel_loop3A_905] {strides = array<i32>} : memref<768xf32, #tpu.memory_space<vmem>>, vector<16xf32>,
      %parallel_loop3A_907 = arith.constant 16 : i32
      %parallel_loop3A_908 = arith.addi %parallel_loop3A_896, %parallel_loop3A_907 : i32
      %parallel_loop3A_909 = arith.index_cast %parallel_loop3A_908 : i32 to index
      %parallel_loop3A_910 = tpu.vector_load %arg11[%parallel_loop3A_909] {strides = array<i32>} : memref<768xf32, #tpu.memory_space<vmem>>, vector<16xf32>,
      %parallel_loop3A_911 = arith.constant 0 : i32
      %parallel_loop3A_912 = arith.addi %parallel_loop3A_898, %parallel_loop3A_911 : i32
      %parallel_loop3A_913 = arith.index_cast %parallel_loop3A_912 : i32 to index
      %parallel_loop3A_914 = tpu.vector_load %arg12[%parallel_loop3A_913] {strides = array<i32>} : memref<224xf32, #tpu.memory_space<vmem>>, vector<16xf32>,
      %parallel_loop3A_915 = arith.constant 16 : i32
      %parallel_loop3A_916 = arith.addi %parallel_loop3A_898, %parallel_loop3A_915 : i32
      %parallel_loop3A_917 = arith.index_cast %parallel_loop3A_916 : i32 to index
      %parallel_loop3A_918 = tpu.vector_load %arg12[%parallel_loop3A_917] {strides = array<i32>} : memref<224xf32, #tpu.memory_space<vmem>>, vector<16xf32>,
      %parallel_loop3A_919 = arith.constant 0 : i32
      %parallel_loop3A_920 = arith.addi %parallel_loop3A_900, %parallel_loop3A_919 : i32
      %parallel_loop3A_921 = arith.index_cast %parallel_loop3A_920 : i32 to index
      %parallel_loop3A_922 = tpu.vector_load %arg13[%parallel_loop3A_921] {strides = array<i32>} : memref<384xf32, #tpu.memory_space<vmem>>, vector<16xf32>,
      %parallel_loop3A_923 = arith.constant 16 : i32
      %parallel_loop3A_924 = arith.addi %parallel_loop3A_900, %parallel_loop3A_923 : i32
      %parallel_loop3A_925 = arith.index_cast %parallel_loop3A_924 : i32 to index
      %parallel_loop3A_926 = tpu.vector_load %arg13[%parallel_loop3A_925] {strides = array<i32>} : memref<384xf32, #tpu.memory_space<vmem>>, vector<16xf32>,
      %parallel_loop3A_927 = arith.constant 0 : i32
      %parallel_loop3A_928 = arith.addi %parallel_loop3A_902, %parallel_loop3A_927 : i32
      %parallel_loop3A_929 = arith.index_cast %parallel_loop3A_928 : i32 to index
      %parallel_loop3A_930 = tpu.vector_load %arg14[%parallel_loop3A_929] {strides = array<i32>} : memref<320xf32, #tpu.memory_space<vmem>>, vector<16xf32>,
      %parallel_loop3A_931 = arith.constant 16 : i32
      %parallel_loop3A_932 = arith.addi %parallel_loop3A_902, %parallel_loop3A_931 : i32
      %parallel_loop3A_933 = arith.index_cast %parallel_loop3A_932 : i32 to index
      %parallel_loop3A_934 = tpu.vector_load %arg14[%parallel_loop3A_933] {strides = array<i32>} : memref<320xf32, #tpu.memory_space<vmem>>, vector<16xf32>,
      %parallel_loop3A_935 = arith.constant 16 : i32
      %parallel_loop3A_936 = arith.muli %parallel_loop3A_86, %parallel_loop3A_935 : i32
      %parallel_loop3A_937 = arith.constant 10 : i32
      %parallel_loop3A_938 = arith.addi %parallel_loop3A_936, %parallel_loop3A_937 : i32
      %parallel_loop3A_939 = arith.constant 128 : i32
      %parallel_loop3A_940 = arith.muli %parallel_loop3A_938, %parallel_loop3A_939 : i32
      %parallel_loop3A_941 = arith.constant 0 : i32
      %parallel_loop3A_942 = arith.addi %parallel_loop3A_940, %parallel_loop3A_941 : i32
      %parallel_loop3A_943 = arith.index_cast %parallel_loop3A_942 : i32 to index
      %parallel_loop3A_944 = tpu.vector_load %arg19[%parallel_loop3A_943] {strides = array<i32>} : memref<65536xf32, #tpu.memory_space<vmem>>, vector<16xf32>,
      tpu.vector_store %arg19[%parallel_loop3A_943], %parallel_loop3A_906 {strides = array<i32>} : memref<65536xf32, #tpu.memory_space<vmem>>, vector<16xf32>,
      %parallel_loop3A_945 = arith.constant 16 : i32
      %parallel_loop3A_946 = arith.addi %parallel_loop3A_940, %parallel_loop3A_945 : i32
      %parallel_loop3A_947 = arith.index_cast %parallel_loop3A_946 : i32 to index
      %parallel_loop3A_948 = tpu.vector_load %arg19[%parallel_loop3A_947] {strides = array<i32>} : memref<65536xf32, #tpu.memory_space<vmem>>, vector<16xf32>,
      tpu.vector_store %arg19[%parallel_loop3A_947], %parallel_loop3A_910 {strides = array<i32>} : memref<65536xf32, #tpu.memory_space<vmem>>, vector<16xf32>,
      %parallel_loop3A_949 = arith.constant 32 : i32
      %parallel_loop3A_950 = arith.addi %parallel_loop3A_940, %parallel_loop3A_949 : i32
      %parallel_loop3A_951 = arith.index_cast %parallel_loop3A_950 : i32 to index
      %parallel_loop3A_952 = tpu.vector_load %arg19[%parallel_loop3A_951] {strides = array<i32>} : memref<65536xf32, #tpu.memory_space<vmem>>, vector<16xf32>,
      tpu.vector_store %arg19[%parallel_loop3A_951], %parallel_loop3A_914 {strides = array<i32>} : memref<65536xf32, #tpu.memory_space<vmem>>, vector<16xf32>,
      %parallel_loop3A_953 = arith.constant 48 : i32
      %parallel_loop3A_954 = arith.addi %parallel_loop3A_940, %parallel_loop3A_953 : i32
      %parallel_loop3A_955 = arith.index_cast %parallel_loop3A_954 : i32 to index
      %parallel_loop3A_956 = tpu.vector_load %arg19[%parallel_loop3A_955] {strides = array<i32>} : memref<65536xf32, #tpu.memory_space<vmem>>, vector<16xf32>,
      tpu.vector_store %arg19[%parallel_loop3A_955], %parallel_loop3A_918 {strides = array<i32>} : memref<65536xf32, #tpu.memory_space<vmem>>, vector<16xf32>,
      %parallel_loop3A_957 = arith.constant 64 : i32
      %parallel_loop3A_958 = arith.addi %parallel_loop3A_940, %parallel_loop3A_957 : i32
      %parallel_loop3A_959 = arith.index_cast %parallel_loop3A_958 : i32 to index
      %parallel_loop3A_960 = tpu.vector_load %arg19[%parallel_loop3A_959] {strides = array<i32>} : memref<65536xf32, #tpu.memory_space<vmem>>, vector<16xf32>,
      tpu.vector_store %arg19[%parallel_loop3A_959], %parallel_loop3A_922 {strides = array<i32>} : memref<65536xf32, #tpu.memory_space<vmem>>, vector<16xf32>,
      %parallel_loop3A_961 = arith.constant 80 : i32
      %parallel_loop3A_962 = arith.addi %parallel_loop3A_940, %parallel_loop3A_961 : i32
      %parallel_loop3A_963 = arith.index_cast %parallel_loop3A_962 : i32 to index
      %parallel_loop3A_964 = tpu.vector_load %arg19[%parallel_loop3A_963] {strides = array<i32>} : memref<65536xf32, #tpu.memory_space<vmem>>, vector<16xf32>,
      tpu.vector_store %arg19[%parallel_loop3A_963], %parallel_loop3A_926 {strides = array<i32>} : memref<65536xf32, #tpu.memory_space<vmem>>, vector<16xf32>,
      %parallel_loop3A_965 = arith.constant 96 : i32
      %parallel_loop3A_966 = arith.addi %parallel_loop3A_940, %parallel_loop3A_965 : i32
      %parallel_loop3A_967 = arith.index_cast %parallel_loop3A_966 : i32 to index
      %parallel_loop3A_968 = tpu.vector_load %arg19[%parallel_loop3A_967] {strides = array<i32>} : memref<65536xf32, #tpu.memory_space<vmem>>, vector<16xf32>,
      tpu.vector_store %arg19[%parallel_loop3A_967], %parallel_loop3A_930 {strides = array<i32>} : memref<65536xf32, #tpu.memory_space<vmem>>, vector<16xf32>,
      %parallel_loop3A_969 = arith.constant 112 : i32
      %parallel_loop3A_970 = arith.addi %parallel_loop3A_940, %parallel_loop3A_969 : i32
      %parallel_loop3A_971 = arith.index_cast %parallel_loop3A_970 : i32 to index
      %parallel_loop3A_972 = tpu.vector_load %arg19[%parallel_loop3A_971] {strides = array<i32>} : memref<65536xf32, #tpu.memory_space<vmem>>, vector<16xf32>,
      tpu.vector_store %arg19[%parallel_loop3A_971], %parallel_loop3A_934 {strides = array<i32>} : memref<65536xf32, #tpu.memory_space<vmem>>, vector<16xf32>,
      %parallel_loop3A_973 = vector.extract_strided_slice %parallel_loop3A_93 {offsets = [11], sizes = [1], strides = [1]} : vector<16xi32> to vector<1xi32>
      %parallel_loop3A_974 = vector.extract %parallel_loop3A_973[0] : i32 from vector<1xi32>
      %parallel_loop3A_975 = vector.extract_strided_slice %parallel_loop3A_100 {offsets = [11], sizes = [1], strides = [1]} : vector<16xi32> to vector<1xi32>
      %parallel_loop3A_976 = vector.extract %parallel_loop3A_975[0] : i32 from vector<1xi32>
      %parallel_loop3A_977 = vector.extract_strided_slice %parallel_loop3A_107 {offsets = [11], sizes = [1], strides = [1]} : vector<16xi32> to vector<1xi32>
      %parallel_loop3A_978 = vector.extract %parallel_loop3A_977[0] : i32 from vector<1xi32>
      %parallel_loop3A_979 = vector.extract_strided_slice %parallel_loop3A_114 {offsets = [11], sizes = [1], strides = [1]} : vector<16xi32> to vector<1xi32>
      %parallel_loop3A_980 = vector.extract %parallel_loop3A_979[0] : i32 from vector<1xi32>
      %parallel_loop3A_981 = arith.constant 0 : i32
      %parallel_loop3A_982 = arith.addi %parallel_loop3A_974, %parallel_loop3A_981 : i32
      %parallel_loop3A_983 = arith.index_cast %parallel_loop3A_982 : i32 to index
      %parallel_loop3A_984 = tpu.vector_load %arg11[%parallel_loop3A_983] {strides = array<i32>} : memref<768xf32, #tpu.memory_space<vmem>>, vector<16xf32>,
      %parallel_loop3A_985 = arith.constant 16 : i32
      %parallel_loop3A_986 = arith.addi %parallel_loop3A_974, %parallel_loop3A_985 : i32
      %parallel_loop3A_987 = arith.index_cast %parallel_loop3A_986 : i32 to index
      %parallel_loop3A_988 = tpu.vector_load %arg11[%parallel_loop3A_987] {strides = array<i32>} : memref<768xf32, #tpu.memory_space<vmem>>, vector<16xf32>,
      %parallel_loop3A_989 = arith.constant 0 : i32
      %parallel_loop3A_990 = arith.addi %parallel_loop3A_976, %parallel_loop3A_989 : i32
      %parallel_loop3A_991 = arith.index_cast %parallel_loop3A_990 : i32 to index
      %parallel_loop3A_992 = tpu.vector_load %arg12[%parallel_loop3A_991] {strides = array<i32>} : memref<224xf32, #tpu.memory_space<vmem>>, vector<16xf32>,
      %parallel_loop3A_993 = arith.constant 16 : i32
      %parallel_loop3A_994 = arith.addi %parallel_loop3A_976, %parallel_loop3A_993 : i32
      %parallel_loop3A_995 = arith.index_cast %parallel_loop3A_994 : i32 to index
      %parallel_loop3A_996 = tpu.vector_load %arg12[%parallel_loop3A_995] {strides = array<i32>} : memref<224xf32, #tpu.memory_space<vmem>>, vector<16xf32>,
      %parallel_loop3A_997 = arith.constant 0 : i32
      %parallel_loop3A_998 = arith.addi %parallel_loop3A_978, %parallel_loop3A_997 : i32
      %parallel_loop3A_999 = arith.index_cast %parallel_loop3A_998 : i32 to index
      %parallel_loop3A_1000 = tpu.vector_load %arg13[%parallel_loop3A_999] {strides = array<i32>} : memref<384xf32, #tpu.memory_space<vmem>>, vector<16xf32>,
      %parallel_loop3A_1001 = arith.constant 16 : i32
      %parallel_loop3A_1002 = arith.addi %parallel_loop3A_978, %parallel_loop3A_1001 : i32
      %parallel_loop3A_1003 = arith.index_cast %parallel_loop3A_1002 : i32 to index
      %parallel_loop3A_1004 = tpu.vector_load %arg13[%parallel_loop3A_1003] {strides = array<i32>} : memref<384xf32, #tpu.memory_space<vmem>>, vector<16xf32>,
      %parallel_loop3A_1005 = arith.constant 0 : i32
      %parallel_loop3A_1006 = arith.addi %parallel_loop3A_980, %parallel_loop3A_1005 : i32
      %parallel_loop3A_1007 = arith.index_cast %parallel_loop3A_1006 : i32 to index
      %parallel_loop3A_1008 = tpu.vector_load %arg14[%parallel_loop3A_1007] {strides = array<i32>} : memref<320xf32, #tpu.memory_space<vmem>>, vector<16xf32>,
      %parallel_loop3A_1009 = arith.constant 16 : i32
      %parallel_loop3A_1010 = arith.addi %parallel_loop3A_980, %parallel_loop3A_1009 : i32
      %parallel_loop3A_1011 = arith.index_cast %parallel_loop3A_1010 : i32 to index
      %parallel_loop3A_1012 = tpu.vector_load %arg14[%parallel_loop3A_1011] {strides = array<i32>} : memref<320xf32, #tpu.memory_space<vmem>>, vector<16xf32>,
      %parallel_loop3A_1013 = arith.constant 16 : i32
      %parallel_loop3A_1014 = arith.muli %parallel_loop3A_86, %parallel_loop3A_1013 : i32
      %parallel_loop3A_1015 = arith.constant 11 : i32
      %parallel_loop3A_1016 = arith.addi %parallel_loop3A_1014, %parallel_loop3A_1015 : i32
      %parallel_loop3A_1017 = arith.constant 128 : i32
      %parallel_loop3A_1018 = arith.muli %parallel_loop3A_1016, %parallel_loop3A_1017 : i32
      %parallel_loop3A_1019 = arith.constant 0 : i32
      %parallel_loop3A_1020 = arith.addi %parallel_loop3A_1018, %parallel_loop3A_1019 : i32
      %parallel_loop3A_1021 = arith.index_cast %parallel_loop3A_1020 : i32 to index
      %parallel_loop3A_1022 = tpu.vector_load %arg19[%parallel_loop3A_1021] {strides = array<i32>} : memref<65536xf32, #tpu.memory_space<vmem>>, vector<16xf32>,
      tpu.vector_store %arg19[%parallel_loop3A_1021], %parallel_loop3A_984 {strides = array<i32>} : memref<65536xf32, #tpu.memory_space<vmem>>, vector<16xf32>,
      %parallel_loop3A_1023 = arith.constant 16 : i32
      %parallel_loop3A_1024 = arith.addi %parallel_loop3A_1018, %parallel_loop3A_1023 : i32
      %parallel_loop3A_1025 = arith.index_cast %parallel_loop3A_1024 : i32 to index
      %parallel_loop3A_1026 = tpu.vector_load %arg19[%parallel_loop3A_1025] {strides = array<i32>} : memref<65536xf32, #tpu.memory_space<vmem>>, vector<16xf32>,
      tpu.vector_store %arg19[%parallel_loop3A_1025], %parallel_loop3A_988 {strides = array<i32>} : memref<65536xf32, #tpu.memory_space<vmem>>, vector<16xf32>,
      %parallel_loop3A_1027 = arith.constant 32 : i32
      %parallel_loop3A_1028 = arith.addi %parallel_loop3A_1018, %parallel_loop3A_1027 : i32
      %parallel_loop3A_1029 = arith.index_cast %parallel_loop3A_1028 : i32 to index
      %parallel_loop3A_1030 = tpu.vector_load %arg19[%parallel_loop3A_1029] {strides = array<i32>} : memref<65536xf32, #tpu.memory_space<vmem>>, vector<16xf32>,
      tpu.vector_store %arg19[%parallel_loop3A_1029], %parallel_loop3A_992 {strides = array<i32>} : memref<65536xf32, #tpu.memory_space<vmem>>, vector<16xf32>,
      %parallel_loop3A_1031 = arith.constant 48 : i32
      %parallel_loop3A_1032 = arith.addi %parallel_loop3A_1018, %parallel_loop3A_1031 : i32
      %parallel_loop3A_1033 = arith.index_cast %parallel_loop3A_1032 : i32 to index
      %parallel_loop3A_1034 = tpu.vector_load %arg19[%parallel_loop3A_1033] {strides = array<i32>} : memref<65536xf32, #tpu.memory_space<vmem>>, vector<16xf32>,
      tpu.vector_store %arg19[%parallel_loop3A_1033], %parallel_loop3A_996 {strides = array<i32>} : memref<65536xf32, #tpu.memory_space<vmem>>, vector<16xf32>,
      %parallel_loop3A_1035 = arith.constant 64 : i32
      %parallel_loop3A_1036 = arith.addi %parallel_loop3A_1018, %parallel_loop3A_1035 : i32
      %parallel_loop3A_1037 = arith.index_cast %parallel_loop3A_1036 : i32 to index
      %parallel_loop3A_1038 = tpu.vector_load %arg19[%parallel_loop3A_1037] {strides = array<i32>} : memref<65536xf32, #tpu.memory_space<vmem>>, vector<16xf32>,
      tpu.vector_store %arg19[%parallel_loop3A_1037], %parallel_loop3A_1000 {strides = array<i32>} : memref<65536xf32, #tpu.memory_space<vmem>>, vector<16xf32>,
      %parallel_loop3A_1039 = arith.constant 80 : i32
      %parallel_loop3A_1040 = arith.addi %parallel_loop3A_1018, %parallel_loop3A_1039 : i32
      %parallel_loop3A_1041 = arith.index_cast %parallel_loop3A_1040 : i32 to index
      %parallel_loop3A_1042 = tpu.vector_load %arg19[%parallel_loop3A_1041] {strides = array<i32>} : memref<65536xf32, #tpu.memory_space<vmem>>, vector<16xf32>,
      tpu.vector_store %arg19[%parallel_loop3A_1041], %parallel_loop3A_1004 {strides = array<i32>} : memref<65536xf32, #tpu.memory_space<vmem>>, vector<16xf32>,
      %parallel_loop3A_1043 = arith.constant 96 : i32
      %parallel_loop3A_1044 = arith.addi %parallel_loop3A_1018, %parallel_loop3A_1043 : i32
      %parallel_loop3A_1045 = arith.index_cast %parallel_loop3A_1044 : i32 to index
      %parallel_loop3A_1046 = tpu.vector_load %arg19[%parallel_loop3A_1045] {strides = array<i32>} : memref<65536xf32, #tpu.memory_space<vmem>>, vector<16xf32>,
      tpu.vector_store %arg19[%parallel_loop3A_1045], %parallel_loop3A_1008 {strides = array<i32>} : memref<65536xf32, #tpu.memory_space<vmem>>, vector<16xf32>,
      %parallel_loop3A_1047 = arith.constant 112 : i32
      %parallel_loop3A_1048 = arith.addi %parallel_loop3A_1018, %parallel_loop3A_1047 : i32
      %parallel_loop3A_1049 = arith.index_cast %parallel_loop3A_1048 : i32 to index
      %parallel_loop3A_1050 = tpu.vector_load %arg19[%parallel_loop3A_1049] {strides = array<i32>} : memref<65536xf32, #tpu.memory_space<vmem>>, vector<16xf32>,
      tpu.vector_store %arg19[%parallel_loop3A_1049], %parallel_loop3A_1012 {strides = array<i32>} : memref<65536xf32, #tpu.memory_space<vmem>>, vector<16xf32>,
      %parallel_loop3A_1051 = vector.extract_strided_slice %parallel_loop3A_93 {offsets = [12], sizes = [1], strides = [1]} : vector<16xi32> to vector<1xi32>
      %parallel_loop3A_1052 = vector.extract %parallel_loop3A_1051[0] : i32 from vector<1xi32>
      %parallel_loop3A_1053 = vector.extract_strided_slice %parallel_loop3A_100 {offsets = [12], sizes = [1], strides = [1]} : vector<16xi32> to vector<1xi32>
      %parallel_loop3A_1054 = vector.extract %parallel_loop3A_1053[0] : i32 from vector<1xi32>
      %parallel_loop3A_1055 = vector.extract_strided_slice %parallel_loop3A_107 {offsets = [12], sizes = [1], strides = [1]} : vector<16xi32> to vector<1xi32>
      %parallel_loop3A_1056 = vector.extract %parallel_loop3A_1055[0] : i32 from vector<1xi32>
      %parallel_loop3A_1057 = vector.extract_strided_slice %parallel_loop3A_114 {offsets = [12], sizes = [1], strides = [1]} : vector<16xi32> to vector<1xi32>
      %parallel_loop3A_1058 = vector.extract %parallel_loop3A_1057[0] : i32 from vector<1xi32>
      %parallel_loop3A_1059 = arith.constant 0 : i32
      %parallel_loop3A_1060 = arith.addi %parallel_loop3A_1052, %parallel_loop3A_1059 : i32
      %parallel_loop3A_1061 = arith.index_cast %parallel_loop3A_1060 : i32 to index
      %parallel_loop3A_1062 = tpu.vector_load %arg11[%parallel_loop3A_1061] {strides = array<i32>} : memref<768xf32, #tpu.memory_space<vmem>>, vector<16xf32>,
      %parallel_loop3A_1063 = arith.constant 16 : i32
      %parallel_loop3A_1064 = arith.addi %parallel_loop3A_1052, %parallel_loop3A_1063 : i32
      %parallel_loop3A_1065 = arith.index_cast %parallel_loop3A_1064 : i32 to index
      %parallel_loop3A_1066 = tpu.vector_load %arg11[%parallel_loop3A_1065] {strides = array<i32>} : memref<768xf32, #tpu.memory_space<vmem>>, vector<16xf32>,
      %parallel_loop3A_1067 = arith.constant 0 : i32
      %parallel_loop3A_1068 = arith.addi %parallel_loop3A_1054, %parallel_loop3A_1067 : i32
      %parallel_loop3A_1069 = arith.index_cast %parallel_loop3A_1068 : i32 to index
      %parallel_loop3A_1070 = tpu.vector_load %arg12[%parallel_loop3A_1069] {strides = array<i32>} : memref<224xf32, #tpu.memory_space<vmem>>, vector<16xf32>,
      %parallel_loop3A_1071 = arith.constant 16 : i32
      %parallel_loop3A_1072 = arith.addi %parallel_loop3A_1054, %parallel_loop3A_1071 : i32
      %parallel_loop3A_1073 = arith.index_cast %parallel_loop3A_1072 : i32 to index
      %parallel_loop3A_1074 = tpu.vector_load %arg12[%parallel_loop3A_1073] {strides = array<i32>} : memref<224xf32, #tpu.memory_space<vmem>>, vector<16xf32>,
      %parallel_loop3A_1075 = arith.constant 0 : i32
      %parallel_loop3A_1076 = arith.addi %parallel_loop3A_1056, %parallel_loop3A_1075 : i32
      %parallel_loop3A_1077 = arith.index_cast %parallel_loop3A_1076 : i32 to index
      %parallel_loop3A_1078 = tpu.vector_load %arg13[%parallel_loop3A_1077] {strides = array<i32>} : memref<384xf32, #tpu.memory_space<vmem>>, vector<16xf32>,
      %parallel_loop3A_1079 = arith.constant 16 : i32
      %parallel_loop3A_1080 = arith.addi %parallel_loop3A_1056, %parallel_loop3A_1079 : i32
      %parallel_loop3A_1081 = arith.index_cast %parallel_loop3A_1080 : i32 to index
      %parallel_loop3A_1082 = tpu.vector_load %arg13[%parallel_loop3A_1081] {strides = array<i32>} : memref<384xf32, #tpu.memory_space<vmem>>, vector<16xf32>,
      %parallel_loop3A_1083 = arith.constant 0 : i32
      %parallel_loop3A_1084 = arith.addi %parallel_loop3A_1058, %parallel_loop3A_1083 : i32
      %parallel_loop3A_1085 = arith.index_cast %parallel_loop3A_1084 : i32 to index
      %parallel_loop3A_1086 = tpu.vector_load %arg14[%parallel_loop3A_1085] {strides = array<i32>} : memref<320xf32, #tpu.memory_space<vmem>>, vector<16xf32>,
      %parallel_loop3A_1087 = arith.constant 16 : i32
      %parallel_loop3A_1088 = arith.addi %parallel_loop3A_1058, %parallel_loop3A_1087 : i32
      %parallel_loop3A_1089 = arith.index_cast %parallel_loop3A_1088 : i32 to index
      %parallel_loop3A_1090 = tpu.vector_load %arg14[%parallel_loop3A_1089] {strides = array<i32>} : memref<320xf32, #tpu.memory_space<vmem>>, vector<16xf32>,
      %parallel_loop3A_1091 = arith.constant 16 : i32
      %parallel_loop3A_1092 = arith.muli %parallel_loop3A_86, %parallel_loop3A_1091 : i32
      %parallel_loop3A_1093 = arith.constant 12 : i32
      %parallel_loop3A_1094 = arith.addi %parallel_loop3A_1092, %parallel_loop3A_1093 : i32
      %parallel_loop3A_1095 = arith.constant 128 : i32
      %parallel_loop3A_1096 = arith.muli %parallel_loop3A_1094, %parallel_loop3A_1095 : i32
      %parallel_loop3A_1097 = arith.constant 0 : i32
      %parallel_loop3A_1098 = arith.addi %parallel_loop3A_1096, %parallel_loop3A_1097 : i32
      %parallel_loop3A_1099 = arith.index_cast %parallel_loop3A_1098 : i32 to index
      %parallel_loop3A_1100 = tpu.vector_load %arg19[%parallel_loop3A_1099] {strides = array<i32>} : memref<65536xf32, #tpu.memory_space<vmem>>, vector<16xf32>,
      tpu.vector_store %arg19[%parallel_loop3A_1099], %parallel_loop3A_1062 {strides = array<i32>} : memref<65536xf32, #tpu.memory_space<vmem>>, vector<16xf32>,
      %parallel_loop3A_1101 = arith.constant 16 : i32
      %parallel_loop3A_1102 = arith.addi %parallel_loop3A_1096, %parallel_loop3A_1101 : i32
      %parallel_loop3A_1103 = arith.index_cast %parallel_loop3A_1102 : i32 to index
      %parallel_loop3A_1104 = tpu.vector_load %arg19[%parallel_loop3A_1103] {strides = array<i32>} : memref<65536xf32, #tpu.memory_space<vmem>>, vector<16xf32>,
      tpu.vector_store %arg19[%parallel_loop3A_1103], %parallel_loop3A_1066 {strides = array<i32>} : memref<65536xf32, #tpu.memory_space<vmem>>, vector<16xf32>,
      %parallel_loop3A_1105 = arith.constant 32 : i32
      %parallel_loop3A_1106 = arith.addi %parallel_loop3A_1096, %parallel_loop3A_1105 : i32
      %parallel_loop3A_1107 = arith.index_cast %parallel_loop3A_1106 : i32 to index
      %parallel_loop3A_1108 = tpu.vector_load %arg19[%parallel_loop3A_1107] {strides = array<i32>} : memref<65536xf32, #tpu.memory_space<vmem>>, vector<16xf32>,
      tpu.vector_store %arg19[%parallel_loop3A_1107], %parallel_loop3A_1070 {strides = array<i32>} : memref<65536xf32, #tpu.memory_space<vmem>>, vector<16xf32>,
      %parallel_loop3A_1109 = arith.constant 48 : i32
      %parallel_loop3A_1110 = arith.addi %parallel_loop3A_1096, %parallel_loop3A_1109 : i32
      %parallel_loop3A_1111 = arith.index_cast %parallel_loop3A_1110 : i32 to index
      %parallel_loop3A_1112 = tpu.vector_load %arg19[%parallel_loop3A_1111] {strides = array<i32>} : memref<65536xf32, #tpu.memory_space<vmem>>, vector<16xf32>,
      tpu.vector_store %arg19[%parallel_loop3A_1111], %parallel_loop3A_1074 {strides = array<i32>} : memref<65536xf32, #tpu.memory_space<vmem>>, vector<16xf32>,
      %parallel_loop3A_1113 = arith.constant 64 : i32
      %parallel_loop3A_1114 = arith.addi %parallel_loop3A_1096, %parallel_loop3A_1113 : i32
      %parallel_loop3A_1115 = arith.index_cast %parallel_loop3A_1114 : i32 to index
      %parallel_loop3A_1116 = tpu.vector_load %arg19[%parallel_loop3A_1115] {strides = array<i32>} : memref<65536xf32, #tpu.memory_space<vmem>>, vector<16xf32>,
      tpu.vector_store %arg19[%parallel_loop3A_1115], %parallel_loop3A_1078 {strides = array<i32>} : memref<65536xf32, #tpu.memory_space<vmem>>, vector<16xf32>,
      %parallel_loop3A_1117 = arith.constant 80 : i32
      %parallel_loop3A_1118 = arith.addi %parallel_loop3A_1096, %parallel_loop3A_1117 : i32
      %parallel_loop3A_1119 = arith.index_cast %parallel_loop3A_1118 : i32 to index
      %parallel_loop3A_1120 = tpu.vector_load %arg19[%parallel_loop3A_1119] {strides = array<i32>} : memref<65536xf32, #tpu.memory_space<vmem>>, vector<16xf32>,
      tpu.vector_store %arg19[%parallel_loop3A_1119], %parallel_loop3A_1082 {strides = array<i32>} : memref<65536xf32, #tpu.memory_space<vmem>>, vector<16xf32>,
      %parallel_loop3A_1121 = arith.constant 96 : i32
      %parallel_loop3A_1122 = arith.addi %parallel_loop3A_1096, %parallel_loop3A_1121 : i32
      %parallel_loop3A_1123 = arith.index_cast %parallel_loop3A_1122 : i32 to index
      %parallel_loop3A_1124 = tpu.vector_load %arg19[%parallel_loop3A_1123] {strides = array<i32>} : memref<65536xf32, #tpu.memory_space<vmem>>, vector<16xf32>,
      tpu.vector_store %arg19[%parallel_loop3A_1123], %parallel_loop3A_1086 {strides = array<i32>} : memref<65536xf32, #tpu.memory_space<vmem>>, vector<16xf32>,
      %parallel_loop3A_1125 = arith.constant 112 : i32
      %parallel_loop3A_1126 = arith.addi %parallel_loop3A_1096, %parallel_loop3A_1125 : i32
      %parallel_loop3A_1127 = arith.index_cast %parallel_loop3A_1126 : i32 to index
      %parallel_loop3A_1128 = tpu.vector_load %arg19[%parallel_loop3A_1127] {strides = array<i32>} : memref<65536xf32, #tpu.memory_space<vmem>>, vector<16xf32>,
      tpu.vector_store %arg19[%parallel_loop3A_1127], %parallel_loop3A_1090 {strides = array<i32>} : memref<65536xf32, #tpu.memory_space<vmem>>, vector<16xf32>,
      %parallel_loop3A_1129 = vector.extract_strided_slice %parallel_loop3A_93 {offsets = [13], sizes = [1], strides = [1]} : vector<16xi32> to vector<1xi32>
      %parallel_loop3A_1130 = vector.extract %parallel_loop3A_1129[0] : i32 from vector<1xi32>
      %parallel_loop3A_1131 = vector.extract_strided_slice %parallel_loop3A_100 {offsets = [13], sizes = [1], strides = [1]} : vector<16xi32> to vector<1xi32>
      %parallel_loop3A_1132 = vector.extract %parallel_loop3A_1131[0] : i32 from vector<1xi32>
      %parallel_loop3A_1133 = vector.extract_strided_slice %parallel_loop3A_107 {offsets = [13], sizes = [1], strides = [1]} : vector<16xi32> to vector<1xi32>
      %parallel_loop3A_1134 = vector.extract %parallel_loop3A_1133[0] : i32 from vector<1xi32>
      %parallel_loop3A_1135 = vector.extract_strided_slice %parallel_loop3A_114 {offsets = [13], sizes = [1], strides = [1]} : vector<16xi32> to vector<1xi32>
      %parallel_loop3A_1136 = vector.extract %parallel_loop3A_1135[0] : i32 from vector<1xi32>
      %parallel_loop3A_1137 = arith.constant 0 : i32
      %parallel_loop3A_1138 = arith.addi %parallel_loop3A_1130, %parallel_loop3A_1137 : i32
      %parallel_loop3A_1139 = arith.index_cast %parallel_loop3A_1138 : i32 to index
      %parallel_loop3A_1140 = tpu.vector_load %arg11[%parallel_loop3A_1139] {strides = array<i32>} : memref<768xf32, #tpu.memory_space<vmem>>, vector<16xf32>,
      %parallel_loop3A_1141 = arith.constant 16 : i32
      %parallel_loop3A_1142 = arith.addi %parallel_loop3A_1130, %parallel_loop3A_1141 : i32
      %parallel_loop3A_1143 = arith.index_cast %parallel_loop3A_1142 : i32 to index
      %parallel_loop3A_1144 = tpu.vector_load %arg11[%parallel_loop3A_1143] {strides = array<i32>} : memref<768xf32, #tpu.memory_space<vmem>>, vector<16xf32>,
      %parallel_loop3A_1145 = arith.constant 0 : i32
      %parallel_loop3A_1146 = arith.addi %parallel_loop3A_1132, %parallel_loop3A_1145 : i32
      %parallel_loop3A_1147 = arith.index_cast %parallel_loop3A_1146 : i32 to index
      %parallel_loop3A_1148 = tpu.vector_load %arg12[%parallel_loop3A_1147] {strides = array<i32>} : memref<224xf32, #tpu.memory_space<vmem>>, vector<16xf32>,
      %parallel_loop3A_1149 = arith.constant 16 : i32
      %parallel_loop3A_1150 = arith.addi %parallel_loop3A_1132, %parallel_loop3A_1149 : i32
      %parallel_loop3A_1151 = arith.index_cast %parallel_loop3A_1150 : i32 to index
      %parallel_loop3A_1152 = tpu.vector_load %arg12[%parallel_loop3A_1151] {strides = array<i32>} : memref<224xf32, #tpu.memory_space<vmem>>, vector<16xf32>,
      %parallel_loop3A_1153 = arith.constant 0 : i32
      %parallel_loop3A_1154 = arith.addi %parallel_loop3A_1134, %parallel_loop3A_1153 : i32
      %parallel_loop3A_1155 = arith.index_cast %parallel_loop3A_1154 : i32 to index
      %parallel_loop3A_1156 = tpu.vector_load %arg13[%parallel_loop3A_1155] {strides = array<i32>} : memref<384xf32, #tpu.memory_space<vmem>>, vector<16xf32>,
      %parallel_loop3A_1157 = arith.constant 16 : i32
      %parallel_loop3A_1158 = arith.addi %parallel_loop3A_1134, %parallel_loop3A_1157 : i32
      %parallel_loop3A_1159 = arith.index_cast %parallel_loop3A_1158 : i32 to index
      %parallel_loop3A_1160 = tpu.vector_load %arg13[%parallel_loop3A_1159] {strides = array<i32>} : memref<384xf32, #tpu.memory_space<vmem>>, vector<16xf32>,
      %parallel_loop3A_1161 = arith.constant 0 : i32
      %parallel_loop3A_1162 = arith.addi %parallel_loop3A_1136, %parallel_loop3A_1161 : i32
      %parallel_loop3A_1163 = arith.index_cast %parallel_loop3A_1162 : i32 to index
      %parallel_loop3A_1164 = tpu.vector_load %arg14[%parallel_loop3A_1163] {strides = array<i32>} : memref<320xf32, #tpu.memory_space<vmem>>, vector<16xf32>,
      %parallel_loop3A_1165 = arith.constant 16 : i32
      %parallel_loop3A_1166 = arith.addi %parallel_loop3A_1136, %parallel_loop3A_1165 : i32
      %parallel_loop3A_1167 = arith.index_cast %parallel_loop3A_1166 : i32 to index
      %parallel_loop3A_1168 = tpu.vector_load %arg14[%parallel_loop3A_1167] {strides = array<i32>} : memref<320xf32, #tpu.memory_space<vmem>>, vector<16xf32>,
      %parallel_loop3A_1169 = arith.constant 16 : i32
      %parallel_loop3A_1170 = arith.muli %parallel_loop3A_86, %parallel_loop3A_1169 : i32
      %parallel_loop3A_1171 = arith.constant 13 : i32
      %parallel_loop3A_1172 = arith.addi %parallel_loop3A_1170, %parallel_loop3A_1171 : i32
      %parallel_loop3A_1173 = arith.constant 128 : i32
      %parallel_loop3A_1174 = arith.muli %parallel_loop3A_1172, %parallel_loop3A_1173 : i32
      %parallel_loop3A_1175 = arith.constant 0 : i32
      %parallel_loop3A_1176 = arith.addi %parallel_loop3A_1174, %parallel_loop3A_1175 : i32
      %parallel_loop3A_1177 = arith.index_cast %parallel_loop3A_1176 : i32 to index
      %parallel_loop3A_1178 = tpu.vector_load %arg19[%parallel_loop3A_1177] {strides = array<i32>} : memref<65536xf32, #tpu.memory_space<vmem>>, vector<16xf32>,
      tpu.vector_store %arg19[%parallel_loop3A_1177], %parallel_loop3A_1140 {strides = array<i32>} : memref<65536xf32, #tpu.memory_space<vmem>>, vector<16xf32>,
      %parallel_loop3A_1179 = arith.constant 16 : i32
      %parallel_loop3A_1180 = arith.addi %parallel_loop3A_1174, %parallel_loop3A_1179 : i32
      %parallel_loop3A_1181 = arith.index_cast %parallel_loop3A_1180 : i32 to index
      %parallel_loop3A_1182 = tpu.vector_load %arg19[%parallel_loop3A_1181] {strides = array<i32>} : memref<65536xf32, #tpu.memory_space<vmem>>, vector<16xf32>,
      tpu.vector_store %arg19[%parallel_loop3A_1181], %parallel_loop3A_1144 {strides = array<i32>} : memref<65536xf32, #tpu.memory_space<vmem>>, vector<16xf32>,
      %parallel_loop3A_1183 = arith.constant 32 : i32
      %parallel_loop3A_1184 = arith.addi %parallel_loop3A_1174, %parallel_loop3A_1183 : i32
      %parallel_loop3A_1185 = arith.index_cast %parallel_loop3A_1184 : i32 to index
      %parallel_loop3A_1186 = tpu.vector_load %arg19[%parallel_loop3A_1185] {strides = array<i32>} : memref<65536xf32, #tpu.memory_space<vmem>>, vector<16xf32>,
      tpu.vector_store %arg19[%parallel_loop3A_1185], %parallel_loop3A_1148 {strides = array<i32>} : memref<65536xf32, #tpu.memory_space<vmem>>, vector<16xf32>,
      %parallel_loop3A_1187 = arith.constant 48 : i32
      %parallel_loop3A_1188 = arith.addi %parallel_loop3A_1174, %parallel_loop3A_1187 : i32
      %parallel_loop3A_1189 = arith.index_cast %parallel_loop3A_1188 : i32 to index
      %parallel_loop3A_1190 = tpu.vector_load %arg19[%parallel_loop3A_1189] {strides = array<i32>} : memref<65536xf32, #tpu.memory_space<vmem>>, vector<16xf32>,
      tpu.vector_store %arg19[%parallel_loop3A_1189], %parallel_loop3A_1152 {strides = array<i32>} : memref<65536xf32, #tpu.memory_space<vmem>>, vector<16xf32>,
      %parallel_loop3A_1191 = arith.constant 64 : i32
      %parallel_loop3A_1192 = arith.addi %parallel_loop3A_1174, %parallel_loop3A_1191 : i32
      %parallel_loop3A_1193 = arith.index_cast %parallel_loop3A_1192 : i32 to index
      %parallel_loop3A_1194 = tpu.vector_load %arg19[%parallel_loop3A_1193] {strides = array<i32>} : memref<65536xf32, #tpu.memory_space<vmem>>, vector<16xf32>,
      tpu.vector_store %arg19[%parallel_loop3A_1193], %parallel_loop3A_1156 {strides = array<i32>} : memref<65536xf32, #tpu.memory_space<vmem>>, vector<16xf32>,
      %parallel_loop3A_1195 = arith.constant 80 : i32
      %parallel_loop3A_1196 = arith.addi %parallel_loop3A_1174, %parallel_loop3A_1195 : i32
      %parallel_loop3A_1197 = arith.index_cast %parallel_loop3A_1196 : i32 to index
      %parallel_loop3A_1198 = tpu.vector_load %arg19[%parallel_loop3A_1197] {strides = array<i32>} : memref<65536xf32, #tpu.memory_space<vmem>>, vector<16xf32>,
      tpu.vector_store %arg19[%parallel_loop3A_1197], %parallel_loop3A_1160 {strides = array<i32>} : memref<65536xf32, #tpu.memory_space<vmem>>, vector<16xf32>,
      %parallel_loop3A_1199 = arith.constant 96 : i32
      %parallel_loop3A_1200 = arith.addi %parallel_loop3A_1174, %parallel_loop3A_1199 : i32
      %parallel_loop3A_1201 = arith.index_cast %parallel_loop3A_1200 : i32 to index
      %parallel_loop3A_1202 = tpu.vector_load %arg19[%parallel_loop3A_1201] {strides = array<i32>} : memref<65536xf32, #tpu.memory_space<vmem>>, vector<16xf32>,
      tpu.vector_store %arg19[%parallel_loop3A_1201], %parallel_loop3A_1164 {strides = array<i32>} : memref<65536xf32, #tpu.memory_space<vmem>>, vector<16xf32>,
      %parallel_loop3A_1203 = arith.constant 112 : i32
      %parallel_loop3A_1204 = arith.addi %parallel_loop3A_1174, %parallel_loop3A_1203 : i32
      %parallel_loop3A_1205 = arith.index_cast %parallel_loop3A_1204 : i32 to index
      %parallel_loop3A_1206 = tpu.vector_load %arg19[%parallel_loop3A_1205] {strides = array<i32>} : memref<65536xf32, #tpu.memory_space<vmem>>, vector<16xf32>,
      tpu.vector_store %arg19[%parallel_loop3A_1205], %parallel_loop3A_1168 {strides = array<i32>} : memref<65536xf32, #tpu.memory_space<vmem>>, vector<16xf32>,
      %parallel_loop3A_1207 = vector.extract_strided_slice %parallel_loop3A_93 {offsets = [14], sizes = [1], strides = [1]} : vector<16xi32> to vector<1xi32>
      %parallel_loop3A_1208 = vector.extract %parallel_loop3A_1207[0] : i32 from vector<1xi32>
      %parallel_loop3A_1209 = vector.extract_strided_slice %parallel_loop3A_100 {offsets = [14], sizes = [1], strides = [1]} : vector<16xi32> to vector<1xi32>
      %parallel_loop3A_1210 = vector.extract %parallel_loop3A_1209[0] : i32 from vector<1xi32>
      %parallel_loop3A_1211 = vector.extract_strided_slice %parallel_loop3A_107 {offsets = [14], sizes = [1], strides = [1]} : vector<16xi32> to vector<1xi32>
      %parallel_loop3A_1212 = vector.extract %parallel_loop3A_1211[0] : i32 from vector<1xi32>
      %parallel_loop3A_1213 = vector.extract_strided_slice %parallel_loop3A_114 {offsets = [14], sizes = [1], strides = [1]} : vector<16xi32> to vector<1xi32>
      %parallel_loop3A_1214 = vector.extract %parallel_loop3A_1213[0] : i32 from vector<1xi32>
      %parallel_loop3A_1215 = arith.constant 0 : i32
      %parallel_loop3A_1216 = arith.addi %parallel_loop3A_1208, %parallel_loop3A_1215 : i32
      %parallel_loop3A_1217 = arith.index_cast %parallel_loop3A_1216 : i32 to index
      %parallel_loop3A_1218 = tpu.vector_load %arg11[%parallel_loop3A_1217] {strides = array<i32>} : memref<768xf32, #tpu.memory_space<vmem>>, vector<16xf32>,
      %parallel_loop3A_1219 = arith.constant 16 : i32
      %parallel_loop3A_1220 = arith.addi %parallel_loop3A_1208, %parallel_loop3A_1219 : i32
      %parallel_loop3A_1221 = arith.index_cast %parallel_loop3A_1220 : i32 to index
      %parallel_loop3A_1222 = tpu.vector_load %arg11[%parallel_loop3A_1221] {strides = array<i32>} : memref<768xf32, #tpu.memory_space<vmem>>, vector<16xf32>,
      %parallel_loop3A_1223 = arith.constant 0 : i32
      %parallel_loop3A_1224 = arith.addi %parallel_loop3A_1210, %parallel_loop3A_1223 : i32
      %parallel_loop3A_1225 = arith.index_cast %parallel_loop3A_1224 : i32 to index
      %parallel_loop3A_1226 = tpu.vector_load %arg12[%parallel_loop3A_1225] {strides = array<i32>} : memref<224xf32, #tpu.memory_space<vmem>>, vector<16xf32>,
      %parallel_loop3A_1227 = arith.constant 16 : i32
      %parallel_loop3A_1228 = arith.addi %parallel_loop3A_1210, %parallel_loop3A_1227 : i32
      %parallel_loop3A_1229 = arith.index_cast %parallel_loop3A_1228 : i32 to index
      %parallel_loop3A_1230 = tpu.vector_load %arg12[%parallel_loop3A_1229] {strides = array<i32>} : memref<224xf32, #tpu.memory_space<vmem>>, vector<16xf32>,
      %parallel_loop3A_1231 = arith.constant 0 : i32
      %parallel_loop3A_1232 = arith.addi %parallel_loop3A_1212, %parallel_loop3A_1231 : i32
      %parallel_loop3A_1233 = arith.index_cast %parallel_loop3A_1232 : i32 to index
      %parallel_loop3A_1234 = tpu.vector_load %arg13[%parallel_loop3A_1233] {strides = array<i32>} : memref<384xf32, #tpu.memory_space<vmem>>, vector<16xf32>,
      %parallel_loop3A_1235 = arith.constant 16 : i32
      %parallel_loop3A_1236 = arith.addi %parallel_loop3A_1212, %parallel_loop3A_1235 : i32
      %parallel_loop3A_1237 = arith.index_cast %parallel_loop3A_1236 : i32 to index
      %parallel_loop3A_1238 = tpu.vector_load %arg13[%parallel_loop3A_1237] {strides = array<i32>} : memref<384xf32, #tpu.memory_space<vmem>>, vector<16xf32>,
      %parallel_loop3A_1239 = arith.constant 0 : i32
      %parallel_loop3A_1240 = arith.addi %parallel_loop3A_1214, %parallel_loop3A_1239 : i32
      %parallel_loop3A_1241 = arith.index_cast %parallel_loop3A_1240 : i32 to index
      %parallel_loop3A_1242 = tpu.vector_load %arg14[%parallel_loop3A_1241] {strides = array<i32>} : memref<320xf32, #tpu.memory_space<vmem>>, vector<16xf32>,
      %parallel_loop3A_1243 = arith.constant 16 : i32
      %parallel_loop3A_1244 = arith.addi %parallel_loop3A_1214, %parallel_loop3A_1243 : i32
      %parallel_loop3A_1245 = arith.index_cast %parallel_loop3A_1244 : i32 to index
      %parallel_loop3A_1246 = tpu.vector_load %arg14[%parallel_loop3A_1245] {strides = array<i32>} : memref<320xf32, #tpu.memory_space<vmem>>, vector<16xf32>,
      %parallel_loop3A_1247 = arith.constant 16 : i32
      %parallel_loop3A_1248 = arith.muli %parallel_loop3A_86, %parallel_loop3A_1247 : i32
      %parallel_loop3A_1249 = arith.constant 14 : i32
      %parallel_loop3A_1250 = arith.addi %parallel_loop3A_1248, %parallel_loop3A_1249 : i32
      %parallel_loop3A_1251 = arith.constant 128 : i32
      %parallel_loop3A_1252 = arith.muli %parallel_loop3A_1250, %parallel_loop3A_1251 : i32
      %parallel_loop3A_1253 = arith.constant 0 : i32
      %parallel_loop3A_1254 = arith.addi %parallel_loop3A_1252, %parallel_loop3A_1253 : i32
      %parallel_loop3A_1255 = arith.index_cast %parallel_loop3A_1254 : i32 to index
      %parallel_loop3A_1256 = tpu.vector_load %arg19[%parallel_loop3A_1255] {strides = array<i32>} : memref<65536xf32, #tpu.memory_space<vmem>>, vector<16xf32>,
      tpu.vector_store %arg19[%parallel_loop3A_1255], %parallel_loop3A_1218 {strides = array<i32>} : memref<65536xf32, #tpu.memory_space<vmem>>, vector<16xf32>,
      %parallel_loop3A_1257 = arith.constant 16 : i32
      %parallel_loop3A_1258 = arith.addi %parallel_loop3A_1252, %parallel_loop3A_1257 : i32
      %parallel_loop3A_1259 = arith.index_cast %parallel_loop3A_1258 : i32 to index
      %parallel_loop3A_1260 = tpu.vector_load %arg19[%parallel_loop3A_1259] {strides = array<i32>} : memref<65536xf32, #tpu.memory_space<vmem>>, vector<16xf32>,
      tpu.vector_store %arg19[%parallel_loop3A_1259], %parallel_loop3A_1222 {strides = array<i32>} : memref<65536xf32, #tpu.memory_space<vmem>>, vector<16xf32>,
      %parallel_loop3A_1261 = arith.constant 32 : i32
      %parallel_loop3A_1262 = arith.addi %parallel_loop3A_1252, %parallel_loop3A_1261 : i32
      %parallel_loop3A_1263 = arith.index_cast %parallel_loop3A_1262 : i32 to index
      %parallel_loop3A_1264 = tpu.vector_load %arg19[%parallel_loop3A_1263] {strides = array<i32>} : memref<65536xf32, #tpu.memory_space<vmem>>, vector<16xf32>,
      tpu.vector_store %arg19[%parallel_loop3A_1263], %parallel_loop3A_1226 {strides = array<i32>} : memref<65536xf32, #tpu.memory_space<vmem>>, vector<16xf32>,
      %parallel_loop3A_1265 = arith.constant 48 : i32
      %parallel_loop3A_1266 = arith.addi %parallel_loop3A_1252, %parallel_loop3A_1265 : i32
      %parallel_loop3A_1267 = arith.index_cast %parallel_loop3A_1266 : i32 to index
      %parallel_loop3A_1268 = tpu.vector_load %arg19[%parallel_loop3A_1267] {strides = array<i32>} : memref<65536xf32, #tpu.memory_space<vmem>>, vector<16xf32>,
      tpu.vector_store %arg19[%parallel_loop3A_1267], %parallel_loop3A_1230 {strides = array<i32>} : memref<65536xf32, #tpu.memory_space<vmem>>, vector<16xf32>,
      %parallel_loop3A_1269 = arith.constant 64 : i32
      %parallel_loop3A_1270 = arith.addi %parallel_loop3A_1252, %parallel_loop3A_1269 : i32
      %parallel_loop3A_1271 = arith.index_cast %parallel_loop3A_1270 : i32 to index
      %parallel_loop3A_1272 = tpu.vector_load %arg19[%parallel_loop3A_1271] {strides = array<i32>} : memref<65536xf32, #tpu.memory_space<vmem>>, vector<16xf32>,
      tpu.vector_store %arg19[%parallel_loop3A_1271], %parallel_loop3A_1234 {strides = array<i32>} : memref<65536xf32, #tpu.memory_space<vmem>>, vector<16xf32>,
      %parallel_loop3A_1273 = arith.constant 80 : i32
      %parallel_loop3A_1274 = arith.addi %parallel_loop3A_1252, %parallel_loop3A_1273 : i32
      %parallel_loop3A_1275 = arith.index_cast %parallel_loop3A_1274 : i32 to index
      %parallel_loop3A_1276 = tpu.vector_load %arg19[%parallel_loop3A_1275] {strides = array<i32>} : memref<65536xf32, #tpu.memory_space<vmem>>, vector<16xf32>,
      tpu.vector_store %arg19[%parallel_loop3A_1275], %parallel_loop3A_1238 {strides = array<i32>} : memref<65536xf32, #tpu.memory_space<vmem>>, vector<16xf32>,
      %parallel_loop3A_1277 = arith.constant 96 : i32
      %parallel_loop3A_1278 = arith.addi %parallel_loop3A_1252, %parallel_loop3A_1277 : i32
      %parallel_loop3A_1279 = arith.index_cast %parallel_loop3A_1278 : i32 to index
      %parallel_loop3A_1280 = tpu.vector_load %arg19[%parallel_loop3A_1279] {strides = array<i32>} : memref<65536xf32, #tpu.memory_space<vmem>>, vector<16xf32>,
      tpu.vector_store %arg19[%parallel_loop3A_1279], %parallel_loop3A_1242 {strides = array<i32>} : memref<65536xf32, #tpu.memory_space<vmem>>, vector<16xf32>,
      %parallel_loop3A_1281 = arith.constant 112 : i32
      %parallel_loop3A_1282 = arith.addi %parallel_loop3A_1252, %parallel_loop3A_1281 : i32
      %parallel_loop3A_1283 = arith.index_cast %parallel_loop3A_1282 : i32 to index
      %parallel_loop3A_1284 = tpu.vector_load %arg19[%parallel_loop3A_1283] {strides = array<i32>} : memref<65536xf32, #tpu.memory_space<vmem>>, vector<16xf32>,
      tpu.vector_store %arg19[%parallel_loop3A_1283], %parallel_loop3A_1246 {strides = array<i32>} : memref<65536xf32, #tpu.memory_space<vmem>>, vector<16xf32>,
      %parallel_loop3A_1285 = vector.extract_strided_slice %parallel_loop3A_93 {offsets = [15], sizes = [1], strides = [1]} : vector<16xi32> to vector<1xi32>
      %parallel_loop3A_1286 = vector.extract %parallel_loop3A_1285[0] : i32 from vector<1xi32>
      %parallel_loop3A_1287 = vector.extract_strided_slice %parallel_loop3A_100 {offsets = [15], sizes = [1], strides = [1]} : vector<16xi32> to vector<1xi32>
      %parallel_loop3A_1288 = vector.extract %parallel_loop3A_1287[0] : i32 from vector<1xi32>
      %parallel_loop3A_1289 = vector.extract_strided_slice %parallel_loop3A_107 {offsets = [15], sizes = [1], strides = [1]} : vector<16xi32> to vector<1xi32>
      %parallel_loop3A_1290 = vector.extract %parallel_loop3A_1289[0] : i32 from vector<1xi32>
      %parallel_loop3A_1291 = vector.extract_strided_slice %parallel_loop3A_114 {offsets = [15], sizes = [1], strides = [1]} : vector<16xi32> to vector<1xi32>
      %parallel_loop3A_1292 = vector.extract %parallel_loop3A_1291[0] : i32 from vector<1xi32>
      %parallel_loop3A_1293 = arith.constant 0 : i32
      %parallel_loop3A_1294 = arith.addi %parallel_loop3A_1286, %parallel_loop3A_1293 : i32
      %parallel_loop3A_1295 = arith.index_cast %parallel_loop3A_1294 : i32 to index
      %parallel_loop3A_1296 = tpu.vector_load %arg11[%parallel_loop3A_1295] {strides = array<i32>} : memref<768xf32, #tpu.memory_space<vmem>>, vector<16xf32>,
      %parallel_loop3A_1297 = arith.constant 16 : i32
      %parallel_loop3A_1298 = arith.addi %parallel_loop3A_1286, %parallel_loop3A_1297 : i32
      %parallel_loop3A_1299 = arith.index_cast %parallel_loop3A_1298 : i32 to index
      %parallel_loop3A_1300 = tpu.vector_load %arg11[%parallel_loop3A_1299] {strides = array<i32>} : memref<768xf32, #tpu.memory_space<vmem>>, vector<16xf32>,
      %parallel_loop3A_1301 = arith.constant 0 : i32
      %parallel_loop3A_1302 = arith.addi %parallel_loop3A_1288, %parallel_loop3A_1301 : i32
      %parallel_loop3A_1303 = arith.index_cast %parallel_loop3A_1302 : i32 to index
      %parallel_loop3A_1304 = tpu.vector_load %arg12[%parallel_loop3A_1303] {strides = array<i32>} : memref<224xf32, #tpu.memory_space<vmem>>, vector<16xf32>,
      %parallel_loop3A_1305 = arith.constant 16 : i32
      %parallel_loop3A_1306 = arith.addi %parallel_loop3A_1288, %parallel_loop3A_1305 : i32
      %parallel_loop3A_1307 = arith.index_cast %parallel_loop3A_1306 : i32 to index
      %parallel_loop3A_1308 = tpu.vector_load %arg12[%parallel_loop3A_1307] {strides = array<i32>} : memref<224xf32, #tpu.memory_space<vmem>>, vector<16xf32>,
      %parallel_loop3A_1309 = arith.constant 0 : i32
      %parallel_loop3A_1310 = arith.addi %parallel_loop3A_1290, %parallel_loop3A_1309 : i32
      %parallel_loop3A_1311 = arith.index_cast %parallel_loop3A_1310 : i32 to index
      %parallel_loop3A_1312 = tpu.vector_load %arg13[%parallel_loop3A_1311] {strides = array<i32>} : memref<384xf32, #tpu.memory_space<vmem>>, vector<16xf32>,
      %parallel_loop3A_1313 = arith.constant 16 : i32
      %parallel_loop3A_1314 = arith.addi %parallel_loop3A_1290, %parallel_loop3A_1313 : i32
      %parallel_loop3A_1315 = arith.index_cast %parallel_loop3A_1314 : i32 to index
      %parallel_loop3A_1316 = tpu.vector_load %arg13[%parallel_loop3A_1315] {strides = array<i32>} : memref<384xf32, #tpu.memory_space<vmem>>, vector<16xf32>,
      %parallel_loop3A_1317 = arith.constant 0 : i32
      %parallel_loop3A_1318 = arith.addi %parallel_loop3A_1292, %parallel_loop3A_1317 : i32
      %parallel_loop3A_1319 = arith.index_cast %parallel_loop3A_1318 : i32 to index
      %parallel_loop3A_1320 = tpu.vector_load %arg14[%parallel_loop3A_1319] {strides = array<i32>} : memref<320xf32, #tpu.memory_space<vmem>>, vector<16xf32>,
      %parallel_loop3A_1321 = arith.constant 16 : i32
      %parallel_loop3A_1322 = arith.addi %parallel_loop3A_1292, %parallel_loop3A_1321 : i32
      %parallel_loop3A_1323 = arith.index_cast %parallel_loop3A_1322 : i32 to index
      %parallel_loop3A_1324 = tpu.vector_load %arg14[%parallel_loop3A_1323] {strides = array<i32>} : memref<320xf32, #tpu.memory_space<vmem>>, vector<16xf32>,
      %parallel_loop3A_1325 = arith.constant 16 : i32
      %parallel_loop3A_1326 = arith.muli %parallel_loop3A_86, %parallel_loop3A_1325 : i32
      %parallel_loop3A_1327 = arith.constant 15 : i32
      %parallel_loop3A_1328 = arith.addi %parallel_loop3A_1326, %parallel_loop3A_1327 : i32
      %parallel_loop3A_1329 = arith.constant 128 : i32
      %parallel_loop3A_1330 = arith.muli %parallel_loop3A_1328, %parallel_loop3A_1329 : i32
      %parallel_loop3A_1331 = arith.constant 0 : i32
      %parallel_loop3A_1332 = arith.addi %parallel_loop3A_1330, %parallel_loop3A_1331 : i32
      %parallel_loop3A_1333 = arith.index_cast %parallel_loop3A_1332 : i32 to index
      %parallel_loop3A_1334 = tpu.vector_load %arg19[%parallel_loop3A_1333] {strides = array<i32>} : memref<65536xf32, #tpu.memory_space<vmem>>, vector<16xf32>,
      tpu.vector_store %arg19[%parallel_loop3A_1333], %parallel_loop3A_1296 {strides = array<i32>} : memref<65536xf32, #tpu.memory_space<vmem>>, vector<16xf32>,
      %parallel_loop3A_1335 = arith.constant 16 : i32
      %parallel_loop3A_1336 = arith.addi %parallel_loop3A_1330, %parallel_loop3A_1335 : i32
      %parallel_loop3A_1337 = arith.index_cast %parallel_loop3A_1336 : i32 to index
      %parallel_loop3A_1338 = tpu.vector_load %arg19[%parallel_loop3A_1337] {strides = array<i32>} : memref<65536xf32, #tpu.memory_space<vmem>>, vector<16xf32>,
      tpu.vector_store %arg19[%parallel_loop3A_1337], %parallel_loop3A_1300 {strides = array<i32>} : memref<65536xf32, #tpu.memory_space<vmem>>, vector<16xf32>,
      %parallel_loop3A_1339 = arith.constant 32 : i32
      %parallel_loop3A_1340 = arith.addi %parallel_loop3A_1330, %parallel_loop3A_1339 : i32
      %parallel_loop3A_1341 = arith.index_cast %parallel_loop3A_1340 : i32 to index
      %parallel_loop3A_1342 = tpu.vector_load %arg19[%parallel_loop3A_1341] {strides = array<i32>} : memref<65536xf32, #tpu.memory_space<vmem>>, vector<16xf32>,
      tpu.vector_store %arg19[%parallel_loop3A_1341], %parallel_loop3A_1304 {strides = array<i32>} : memref<65536xf32, #tpu.memory_space<vmem>>, vector<16xf32>,
      %parallel_loop3A_1343 = arith.constant 48 : i32
      %parallel_loop3A_1344 = arith.addi %parallel_loop3A_1330, %parallel_loop3A_1343 : i32
      %parallel_loop3A_1345 = arith.index_cast %parallel_loop3A_1344 : i32 to index
      %parallel_loop3A_1346 = tpu.vector_load %arg19[%parallel_loop3A_1345] {strides = array<i32>} : memref<65536xf32, #tpu.memory_space<vmem>>, vector<16xf32>,
      tpu.vector_store %arg19[%parallel_loop3A_1345], %parallel_loop3A_1308 {strides = array<i32>} : memref<65536xf32, #tpu.memory_space<vmem>>, vector<16xf32>,
      %parallel_loop3A_1347 = arith.constant 64 : i32
      %parallel_loop3A_1348 = arith.addi %parallel_loop3A_1330, %parallel_loop3A_1347 : i32
      %parallel_loop3A_1349 = arith.index_cast %parallel_loop3A_1348 : i32 to index
      %parallel_loop3A_1350 = tpu.vector_load %arg19[%parallel_loop3A_1349] {strides = array<i32>} : memref<65536xf32, #tpu.memory_space<vmem>>, vector<16xf32>,
      tpu.vector_store %arg19[%parallel_loop3A_1349], %parallel_loop3A_1312 {strides = array<i32>} : memref<65536xf32, #tpu.memory_space<vmem>>, vector<16xf32>,
      %parallel_loop3A_1351 = arith.constant 80 : i32
      %parallel_loop3A_1352 = arith.addi %parallel_loop3A_1330, %parallel_loop3A_1351 : i32
      %parallel_loop3A_1353 = arith.index_cast %parallel_loop3A_1352 : i32 to index
      %parallel_loop3A_1354 = tpu.vector_load %arg19[%parallel_loop3A_1353] {strides = array<i32>} : memref<65536xf32, #tpu.memory_space<vmem>>, vector<16xf32>,
      tpu.vector_store %arg19[%parallel_loop3A_1353], %parallel_loop3A_1316 {strides = array<i32>} : memref<65536xf32, #tpu.memory_space<vmem>>, vector<16xf32>,
      %parallel_loop3A_1355 = arith.constant 96 : i32
      %parallel_loop3A_1356 = arith.addi %parallel_loop3A_1330, %parallel_loop3A_1355 : i32
      %parallel_loop3A_1357 = arith.index_cast %parallel_loop3A_1356 : i32 to index
      %parallel_loop3A_1358 = tpu.vector_load %arg19[%parallel_loop3A_1357] {strides = array<i32>} : memref<65536xf32, #tpu.memory_space<vmem>>, vector<16xf32>,
      tpu.vector_store %arg19[%parallel_loop3A_1357], %parallel_loop3A_1320 {strides = array<i32>} : memref<65536xf32, #tpu.memory_space<vmem>>, vector<16xf32>,
      %parallel_loop3A_1359 = arith.constant 112 : i32
      %parallel_loop3A_1360 = arith.addi %parallel_loop3A_1330, %parallel_loop3A_1359 : i32
      %parallel_loop3A_1361 = arith.index_cast %parallel_loop3A_1360 : i32 to index
      %parallel_loop3A_1362 = tpu.vector_load %arg19[%parallel_loop3A_1361] {strides = array<i32>} : memref<65536xf32, #tpu.memory_space<vmem>>, vector<16xf32>,
      tpu.vector_store %arg19[%parallel_loop3A_1361], %parallel_loop3A_1324 {strides = array<i32>} : memref<65536xf32, #tpu.memory_space<vmem>>, vector<16xf32>,
    } {sc.loop_unroll_factor = 2 : i64, sc.parallel_access}
    %add3A_64 = arith.constant 256 : i32
    %add3A_65 = arith.addi %mul3A_2, %add3A_64 : i32
    %mul3A_66 = arith.constant 128 : i32
    %mul3A_67 = arith.muli %add3A_65, %mul3A_66 : i32
    %dma_start3A_68 = arith.constant 32768 : i32
    %dma_start3A_69 = tpu.memref_slice %arg19[%dma_start3A_68] : memref<65536xf32, #tpu.memory_space<vmem>> -> memref<32768xf32, #tpu.memory_space<vmem>>
    %dma_start3A_70 = tpu.memref_slice %arg10[%mul3A_67] : memref<2097152xf32, #tpu.memory_space<hbm>> -> memref<32768xf32, #tpu.memory_space<hbm>>
    %dma_start3A_71 = tpu.memref_slice %arg10[%mul3A_67] : memref<2097152xf32, #tpu.memory_space<hbm>> -> memref<32768xf32, #tpu.memory_space<hbm>>
    %dma_start3A_72 = arith.constant 32768 : i32
    %dma_start3A_73 = tpu.memref_slice %arg19[%dma_start3A_72] : memref<65536xf32, #tpu.memory_space<vmem>> -> memref<32768xf32, #tpu.memory_space<vmem>>
    tpu.enqueue_dma source(%dma_start3A_73 : memref<32768xf32, #tpu.memory_space<vmem>>) target(%dma_start3A_71 : memref<32768xf32, #tpu.memory_space<hbm>>) target_semaphore(%arg22 : memref<!tpu.dma_semaphore, #tpu.memory_space<semaphore_mem>>)
    %dma_wait3A_74 = arith.constant 0 : i32
    %dma_wait3A_75 = tpu.memref_slice %arg19[%dma_wait3A_74] : memref<65536xf32, #tpu.memory_space<vmem>> -> memref<32768xf32, #tpu.memory_space<vmem>>
    %dma_wait3A_76 = tpu.memref_slice %arg10[%mul3A_54] : memref<2097152xf32, #tpu.memory_space<hbm>> -> memref<32768xf32, #tpu.memory_space<hbm>>
    %dma_wait3A_77 = tpu.memref_slice %arg10[%mul3A_54] : memref<2097152xf32, #tpu.memory_space<hbm>> -> memref<32768xf32, #tpu.memory_space<hbm>>
    %dma_wait3A_78 = arith.constant 0 : i32
    %dma_wait3A_79 = tpu.memref_slice %arg19[%dma_wait3A_78] : memref<65536xf32, #tpu.memory_space<vmem>> -> memref<32768xf32, #tpu.memory_space<vmem>>
    tpu.wait_dma2 semaphore(%arg22 : memref<!tpu.dma_semaphore, #tpu.memory_space<semaphore_mem>>) src(%dma_wait3A_79 : memref<32768xf32, #tpu.memory_space<vmem>>) dst(%dma_wait3A_77 : memref<32768xf32, #tpu.memory_space<hbm>>)
    %dma_wait3A_80 = arith.constant 32768 : i32
    %dma_wait3A_81 = tpu.memref_slice %arg19[%dma_wait3A_80] : memref<65536xf32, #tpu.memory_space<vmem>> -> memref<32768xf32, #tpu.memory_space<vmem>>
    %dma_wait3A_82 = tpu.memref_slice %arg10[%mul3A_67] : memref<2097152xf32, #tpu.memory_space<hbm>> -> memref<32768xf32, #tpu.memory_space<hbm>>
    %dma_wait3A_83 = tpu.memref_slice %arg10[%mul3A_67] : memref<2097152xf32, #tpu.memory_space<hbm>> -> memref<32768xf32, #tpu.memory_space<hbm>>
    %dma_wait3A_84 = arith.constant 32768 : i32
    %dma_wait3A_85 = tpu.memref_slice %arg19[%dma_wait3A_84] : memref<65536xf32, #tpu.memory_space<vmem>> -> memref<32768xf32, #tpu.memory_space<vmem>>
    tpu.wait_dma2 semaphore(%arg22 : memref<!tpu.dma_semaphore, #tpu.memory_space<semaphore_mem>>) src(%dma_wait3A_85 : memref<32768xf32, #tpu.memory_space<vmem>>) dst(%dma_wait3A_83 : memref<32768xf32, #tpu.memory_space<hbm>>)
    return
  }
}

</mosaic_0001>

<sc_bundles>
// kernel: kernel.3.cloned.1.call-start
scs
__scs_entry_jumppad:
0x0: {  	(pc) =	sbr.rel $0x88, $3  }
0x1: {  	(tag) =	ssettag $0x0;
	lr =	simm.s32 $0x1  }
0x2: {  	[smem:$0x3F99] =	sst lr;
	_ =	strace $0xD0000000  }
0x3: {  	_ = 	snop  }
0x4: {  	_ = 	snop  }
0x5: {  	_ = 	snop  }
0x6: {  	_ = 	snop  }
0x7: {  	_ = 	snop  }
__scs_overlays_trampoline_lowered:
0x8: {  	[smem:$0x3FA8] =	sst s0  }
0x9: {  	[smem:$0x3FA9] =	sst s1  }
0xa: {  	[smem:$0x3FAA] =	sst s2  }
0xb: {  	[smem:$0x3FAB] =	sst s3  }
0xc: {  	[smem:$0x3FAC] =	sst s4  }
0xd: {  	[smem:$0x3FAD] =	sst s5  }
0xe: {  	[smem:$0x3FAE] =	sst s6  }
0xf: {  	[smem:$0x3FAF] =	sst s7  }
0x10: {  	[smem:$0x3FB0] =	sst s8  }
0x11: {  	[smem:$0x3FB1] =	sst s9;
	s0 =	simm.s32 @!p0 $0x0  }
0x12: {  	s1 =	sld [smem:$0x3F97];
	s0 =	simm.s32 @p0 $0x1  }
0x13: {  	[smem:$0x3FB2] =	sst s0;
	s0 =	simm.s32 @!p1 $0x0  }
0x14: {  	s2 =	sld [smem:$0x3F96];
	s0 =	simm.s32 @p1 $0x1  }
0x15: {  	[smem:$0x3FB3] =	sst s0;
	s0 =	simm.s32 @!p2 $0x0  }
0x16: {  	s3 =	sld [smem:$0x3FDB];
	s0 =	simm.s32 @p2 $0x1  }
0x17: {  	s4 =	simm.s32 $0x1BF5;
	[smem:$0x3FB5] =	sst s0  }
0x18: {  	s0 =	sld [smem:$0x3F98];
	_ =	swait.ge [sflag:s4], $0x0  }
0x19: {  	s7 =	sld [smem:$0x3F99]  }
0x1a: {  	s8 =	sadd.s32 $0xFFFFE003, lr  }
0x1b: {  	s9 =	sadd.s32 $0xFFFFFEF7, lr;
	s5 =	simm.s32 $0xFFFFFFFF;
	p2 =	slt.u32 s8, $0xFFFFF086  }
0x1c: {  	p1 =	slt.u32 s9, $0xF7A;
	s5 =	simm.s32 @!p2 $0x0  }
0x1d: {  	s5 =	simm.s32 @p1 $0x1;
	p0 =	seq.s32 s7, s2  }
0x1e: {  	s7 =	smul.u32 @!p0 $0xF7A, s2;
	p2 =	seq.s32 @!p0 s5, $0x0  }
0x1f: {  	s9 =	smul.u32 $0xF7A, s1;
	s8 =	simm.s32 @!p0 $0x1BF5;
	p2 =	por !p2, p0  }
0x20: {  	[sflag:s8] =	ssyncset.s32 @!p0 $0xFFFFF086;
	s6 =	sadd.s32 @!p0 s3, s7;
	s7 =	simm.s32 @!p0 $0x108  }
0x21: {  	s3 =	sadd.s32 s3, s9;
	s6 =	sadd.s32 @!p0 $0x88, s6;
	s7 =	simm.s32 @p2 $0x1082  }
0x22: {  	[simem:s7], [sflag:s8] =	dma.local @!p0 [hbm:s6], $0xF7A  }
0x23: {  	s9 =	sor.u32 $0xD0000000, s2;
	s6 =	simm.s32 $0x108;
	_ =	swait.ge @!p0 [sflag:s8], $0x0  }
0x24: {  	s3 =	sadd.s32 $0x88, s3;
	s6 =	simm.s32 @!p1 $0x1082;
	[sflag:s4] =	ssyncset.s32 $0xFFFFF086  }
0x25: {  	[simem:s6], [sflag:s4] =	dma.local [hbm:s3], $0xF7A  }
0x26: {  	[smem:$0x3F99] =	sst s1;
	(tag) =	ssettag s2;
	_ =	strace s9  }
0x27: {  	s1 =	sld [smem:$0x3FA9]  }
0x28: {  	s2 =	sld [smem:$0x3FAA]  }
0x29: {  	s4 =	sld [smem:$0x3FAC]  }
0x2a: {  	p0 =	seq.s32 s5, $0x0;
	s5 =	sld [smem:$0x3FAD]  }
0x2b: {  	s6 =	sld [smem:$0x3FAE]  }
0x2c: {  	s7 =	sld [smem:$0x3FAF]  }
0x2d: {  	s3 =	simm.s32 $0x108;
	s8 =	sld [smem:$0x3FB0]  }
0x2e: {  	s3 =	simm.s32 @!p0 $0x1082;
	s9 =	sld [smem:$0x3FB1]  }
0x2f: {  	lr =	sadd.s32 s0, s3;
	s0 =	sld [smem:$0x3FA8]  }
0x30: {  	s3 =	sld [smem:$0x3FAB]  }
0x31: {  	[smem:$0x3FB4] =	sst s10  }
0x32: {  	s10 =	sld [smem:$0x3FB2];
	_ =	sdelay $0x3  }
0x33: {  	p0 =	seq.s32 s10, $0x1;
	s10 =	sld [smem:$0x3FB4];
	_ =	sdelay $0x3  }
0x34: {  	[smem:$0x3FB4] =	sst s10  }
0x35: {  	s10 =	sld [smem:$0x3FB3];
	_ =	sdelay $0x3  }
0x36: {  	p1 =	seq.s32 s10, $0x1;
	s10 =	sld [smem:$0x3FB4];
	_ =	sdelay $0x3  }
0x37: {  	[smem:$0x3FB4] =	sst s10  }
0x38: {  	s10 =	sld [smem:$0x3FB5]  }
0x39: {  	_ = 	snop;
	(pc) =	sbr.ind lr, $3  }
0x3a: {  	_ = 	snop  }
0x3b: {  	_ = 	snop  }
0x3c: {  	p2 =	seq.s32 s10, $0x1;
	s10 =	sld [smem:$0x3FB4]  }
0x3d: {  	_ =	shalt  }
0x3e: {  	_ =	shalt  }
0x3f: {  	_ =	shalt  }
0x40: {  	_ =	shalt  }
0x41: {  	_ =	shalt  }
0x42: {  	_ =	shalt  }
0x43: {  	_ =	shalt  }
0x44: {  	_ =	shalt  }
0x45: {  	_ =	shalt  }
0x46: {  	_ =	shalt  }
0x47: {  	_ =	shalt  }
0x48: {  	_ =	shalt  }
0x49: {  	_ =	shalt  }
0x4a: {  	_ =	shalt  }
0x4b: {  	_ =	shalt  }
0x4c: {  	_ =	shalt  }
0x4d: {  	_ =	shalt  }
0x4e: {  	_ =	shalt  }
0x4f: {  	_ =	shalt  }
0x50: {  	_ =	shalt  }
0x51: {  	_ =	shalt  }
0x52: {  	_ =	shalt  }
0x53: {  	_ =	shalt  }
0x54: {  	_ =	shalt  }
0x55: {  	_ =	shalt  }
0x56: {  	_ =	shalt  }
0x57: {  	_ =	shalt  }
0x58: {  	_ =	shalt  }
0x59: {  	_ =	shalt  }
0x5a: {  	_ =	shalt  }
0x5b: {  	_ =	shalt  }
0x5c: {  	_ =	shalt  }
0x5d: {  	_ =	shalt  }
0x5e: {  	_ =	shalt  }
0x5f: {  	_ =	shalt  }
0x60: {  	_ =	shalt  }
0x61: {  	_ =	shalt  }
0x62: {  	_ =	shalt  }
0x63: {  	_ =	shalt  }
0x64: {  	_ =	shalt  }
0x65: {  	_ =	shalt  }
0x66: {  	_ =	shalt  }
0x67: {  	_ =	shalt  }
0x68: {  	_ =	shalt  }
0x69: {  	_ =	shalt  }
0x6a: {  	_ =	shalt  }
0x6b: {  	_ =	shalt  }
0x6c: {  	_ =	shalt  }
0x6d: {  	_ =	shalt  }
0x6e: {  	_ =	shalt  }
0x6f: {  	_ =	shalt  }
0x70: {  	_ =	shalt  }
0x71: {  	_ =	shalt  }
0x72: {  	_ =	shalt  }
0x73: {  	_ =	shalt  }
0x74: {  	_ =	shalt  }
0x75: {  	_ =	shalt  }
0x76: {  	_ =	shalt  }
0x77: {  	_ =	shalt  }
0x78: {  	_ =	shalt  }
0x79: {  	_ =	shalt  }
0x7a: {  	_ =	shalt  }
0x7b: {  	_ =	shalt  }
0x7c: {  	_ =	shalt  }
0x7d: {  	_ =	shalt  }
0x7e: {  	_ =	shalt  }
0x7f: {  	_ =	shalt  }
0x80: {  	_ =	shalt  }
0x81: {  	_ =	shalt  }
0x82: {  	_ =	shalt  }
0x83: {  	_ =	shalt  }
0x84: {  	_ =	shalt  }
0x85: {  	_ =	shalt  }
0x86: {  	_ =	shalt  }
0x87: {  	_ =	shalt  }
.Lfunc_end0:
.L_simem_size_0:
called_computation_lowered:
.L_overlay_start_0:
0x88: {  	s2 =	sld [smem:$0x3FD9]  }
0x89: {  	s3 =	sld [smem:$0x3FFE];
	_ =	sdelay $0x1  }
0x8a: {  	s1 =	srdreg.scid  }
0x8b: {  	s0 =	sand.u32 $0x1, s1  }
0x8c: {  	s17 =	sshll.u32 s0, $0xA;
	s2 =	sadd.s32 s3, s2  }
0x8d: {  	s2 =	sadd.s32 s2, s17  }
0x8e: {  	[smem:$0x3FC0] =	sst s2  }
0x8f: {  	_ = 	snop  }
0x90: {  	s2 =	sld [smem:$0x3FC9]  }
0x91: {  	s18 =	sld [smem:$0x3FC8]  }
0x92: {  	s4 =	sld [smem:$0x3FC7]  }
0x93: {  	s5 =	sld [smem:$0x3FC6]  }
0x94: {  	s6 =	sld [smem:$0x3FD0];
	(tm) =	ssettm $0x1  }
0x95: {  	s7 =	sld [smem:$0x3FFB];
	_ =	sdelay $0x3  }
0x96: {  	_ =	strace s7  }
0x97: {  	s7 =	sld [smem:$0x3FFC];
	_ =	sdelay $0x3  }
0x98: {  	_ =	strace s7  }
0x99: {  	s7 =	sld [smem:$0x3FFD];
	_ =	sdelay $0x3  }
0x9a: {  	_ =	strace s7  }
0x9b: {  	_ =	strace $0x8FFFFFFF  }
0x9c: {  	s19 =	sld [smem:$0x3FDB];
	_ =	sdelay $0x1  }
0x9d: {  	s8 =	simm.s32 $_scs_section_size  }
0x9e: {  	s9 =	simm.s32 $_size__tile_overlayer_lowered;
	s10 =	simm.s32 $_tile_overlayer_lowered  }
0x9f: {  	s22 =	simm.s32 $0x1BFF;
	s21 =	sshll.u32 s10, $0x1;
	s7 =	sadd.s32 s8, s19  }
0xa0: {  	s11 =	simm.s32 $0x0;
	s20 =	sshll.u32 s9, $0x1;
	s9 =	sadd.s32 s21, s7  }
0xa1: {  	[timem:s11], [sflag:s22] =	dma.local [hbm:s9], s20  }
0xa2: {  	_ =	swait.ge [sflag:s22], s20  }
0xa3: {  	s8 =	ssub.s32 $0x0, s20;
	[sflag:s22] =	ssyncset.done $0x0  }
0xa4: {  	[sflag:s22] =	ssyncadd.s32 s8;
	_ =	sdelay $0x1  }
0xa5: {  	s23 =	simm.s32 $0x1B8B  }
0xa6: {  	_ =	swait.ge [sflag:s23], $0x1  }
0xa7: {  	[sflag:s23] =	ssyncset.done $0x0  }
0xa8: {  	s25 =	simm.s32 $0x1B8E;
	s24 =	sld [smem:$0x3FFE];
	[sflag:s23] =	ssyncadd.s32 $0xFFFFFFFF  }
0xa9: {  	s26 =	simm.s32 $execute0_lowered;
	[smem:$0x3FD2] =	sst s25  }
0xaa: {  	s9 =	sshll.u32 s26, $0x1;
	_ =	strace $0x80000046;
	[dreg:$0x1] =	wrdreg $0xFFFFFFFF  }
0xab: {  	s28 =	simm.s32 $_size_execute0_lowered;
	s7 =	sadd.s32 s7, s9;
	[dreg:$0x0] =	wrdreg $0x0  }
0xac: {  	s9 =	sshll.u32 s28, $0x1;
	[dreg:$0x2] =	wrdreg s7  }
0xad: {  	[dreg:$0x3] =	wrdreg s9  }
0xae: {  	[dreg:$0x4] =	wrdreg $0xC0  }
0xaf: {  	_ =	task [dreg:s11], $0x5FFFF  }
0xb0: {  	[dreg:$0x1] =	wrdreg $0xFFFFFFFF  }
0xb1: {  	[dreg:$0x0] =	wrdreg $0x60  }
0xb2: {  	[dreg:$0x2] =	wrdreg s2  }
0xb3: {  	[dreg:$0x3] =	wrdreg s18  }
0xb4: {  	[dreg:$0x4] =	wrdreg s4  }
0xb5: {  	[dreg:$0x5] =	wrdreg s5  }
0xb6: {  	[dreg:$0x6] =	wrdreg s24  }
0xb7: {  	[dreg:$0x7] =	wrdreg s6  }
0xb8: {  	[dreg:$0x8] =	wrdreg $0x9  }
0xb9: {  	_ =	task.clear_ibuf [dreg:s11], $0x9FFFF;
	_ =	strace $0x90000046  }
0xba: {  	s29 =	simm.s32 $0x9;
	_ =	strace $0x80000048  }
0xbb: {  	_ =	swait.ge [sflag:s29], $0x1  }
0xbc: {  	[sflag:s29] =	ssyncadd.s32 $0xFFFFFFFF  }
0xbd: {  	_ =	strace $0x90000048  }
0xbe: {  	_ =	sfence  }
0xbf: {  	s30 =	sld [smem:$0x0];
	_ =	sdelay $0x2  }
0xc0: {  	s31 =	sshll.u32 s1, $0xD;
	s1 =	sshrl.u32 s1, $0x2  }
0xc1: {  	s3 =	sand.u32 $0x4000, s31;
	s1 =	sadd.s32 s1, s30  }
0xc2: {  	s0 =	sor.u32 s3, s0;
	s1 =	sshll.u32 s1, $0x11  }
0xc3: {  	s0 =	sor.u32 s1, s0  }
0xc4: {  	s0 =	sadd.s32 $0x8F2B, s0  }
0xc5: {  	[sflag:s0] =	ssyncadd.remote.s32 $0x1  }
0xc6: {  	_ =	sfence.sel $0xFFFF  }
0xc7: {  	[dreg:$0x0] =	wrdreg $0xFFFFFFFF;
	(pc) =	sbr.abs _section_cstart, $3  }
0xc8: {  	[dreg:$0x1] =	wrdreg $0xFFFFFFFF  }
0xc9: {  	_ =	task.clear_ibuf [dreg:s11], $0x2FFFF;
	_ =	strace $0x9FFFFFFF  }
0xca: {  	(tm) =	ssettm $0x7FFFFFFF  }
0xcb: {  	_ =	shalt  }
tec
execute0_lowered:
.L_overlay_start_1:
0x0: {  	(tag) =	ssettag $0x1  }
0x1: {  	s0 =	rddreg [dreg:$0x0]  }
0x2: {  	s2 =	rddreg [dreg:$0x1]  }
0x3: {  	s3 =	rddreg [dreg:$0x2]  }
0x4: {  	s4 =	rddreg [dreg:$0x3]  }
0x5: {  	s5 =	rddreg [dreg:$0x4]  }
0x6: {  	s6 =	rddreg [dreg:$0x5];
	s1 =	simm.s32 $0x0;
	s7 =	srdreg.scid  }
0x7: {  	s9 =	stileid.u32;
	[smem:$0x7FF] =	sst s1  }
0x8: {  	s8 =	sadd.s32 $0xA00, s5;
	s7 =	sand.u32 $0x1, s7;
	s22 =	sadd.s32 $0x400, s5  }
0x9: {  	s9 =	sshll.u32 s9, $0x1;
	_ =	strace $0x80000047;
	[dreg:$0x7] =	wrdreg s8  }
0xa: {  	s10 =	sadd.s32 $0x600, s5;
	s5 =	sadd.s32 $0x800, s5;
	[dreg:$0x8] =	wrdreg s22  }
0xb: {  	s23 =	ssub.s32 $0x2, s7;
	[dreg:$0x9] =	wrdreg s10;
	s7 =	sor.u32 s7, s9  }
0xc: {  	s21 =	simm.s32 $0x1;
	[dreg:$0xa] =	wrdreg s5;
	s26 =	sshll.u32 s7, $0x6  }
0xd: {  	s22 =	simm.s32 $0x2;
	s24 =	sshrl.u32 s23, $0x1;
	s0 =	sadd.s32 s0, s26  }
0xe: {  	s29 =	sshll.u32 s7, $0xD;
	s28 =	sadd.s32 s2, s26;
	[dreg:$0xb] =	wrdreg s0  }
0xf: {  	s25 =	ssub.s32 s23, s24;
	s30 =	sadd.s32 s3, s26;
	[dreg:$0xc] =	wrdreg s28  }
0x10: {  	s31 =	sadd.s32 s4, s26;
	s11 =	sadd.s32 s6, s29;
	[dreg:$0xd] =	wrdreg s30  }
0x11: {  	s26 =	simm.s32 $0x0;
	[dreg:$0xe] =	wrdreg s31;
	s0 =	sadd.s32 $0x1000, s11  }
0x12: {  	s13 =	smax.u32 s25, $0x1;
	s25 =	simm.s32 $0x3;
	[dreg:$0xf] =	wrdreg s0  }
.LBB2_1:
0x13: {  	s0 =	rddreg [dreg:$0x7]  }
0x14: {  	[tilespmem:s1], [sflag:$0x1] =	stream.linear.gather [hbm4b:s0+s1], $0x300, $0x38;
	[tilespmem:$0x10EA0] =	vst v63  }
0x15: {  	s12 =	rddreg [dreg:$0x8];
	s2 =	simm.s32 $0x300  }
0x16: {  	[tilespmem:s2], [sflag:$0x1] =	stream.linear.gather [hbm4b:s12+s1], $0xE0, $0x38;
	[tilespmem:$0x10EA0] =	vst v63  }
0x17: {  	s14 =	rddreg [dreg:$0x9];
	s15 =	simm.s32 $0x3E0  }
0x18: {  	[tilespmem:s15], [sflag:$0x1] =	stream.linear.gather [hbm4b:s14+s1], $0x180, $0x38;
	[tilespmem:$0x10EA0] =	vst v63  }
0x19: {  	s16 =	rddreg [dreg:$0xa];
	s17 =	simm.s32 $0x560  }
0x1a: {  	[tilespmem:s17], [sflag:$0x1] =	stream.linear.gather [hbm4b:s16+s1], $0x140, $0x38;
	[tilespmem:$0x10EA0] =	vst v63  }
0x1b: {  	s18 =	rddreg [dreg:$0xb];
	s19 =	simm.s32 $0x6A0  }
0x1c: {  	[tilespmem:s19], [sflag:$0x2] =	stream.linear.gather [hbm4b:s18+s1], $0x200, $0x38;
	[tilespmem:$0x10EA0] =	vst v63  }
0x1d: {  	s20 =	rddreg [dreg:$0xc];
	s23 =	simm.s32 $0x8A0  }
0x1e: {  	[tilespmem:s23], [sflag:$0x2] =	stream.linear.gather [hbm4b:s20+s1], $0x200, $0x38;
	[tilespmem:$0x10EA0] =	vst v63  }
0x1f: {  	s24 =	rddreg [dreg:$0xd];
	s29 =	simm.s32 $0xAA0  }
0x20: {  	[tilespmem:s29], [sflag:$0x2] =	stream.linear.gather [hbm4b:s24+s1], $0x200, $0x38;
	[tilespmem:$0x10EA0] =	vst v63  }
0x21: {  	s30 =	rddreg [dreg:$0xe];
	s31 =	simm.s32 $0xCA0  }
0x22: {  	[tilespmem:s31], [sflag:$0x2] =	stream.linear.gather [hbm4b:s30+s1], $0x200, $0x38;
	[tilespmem:$0x10EA0] =	vst v63  }
0x23: {  	_ =	swait.ge [sflag:s21], $0x300  }
0x24: {  	[sflag:s21] =	ssyncset.done $0x0  }
0x25: {  	[sflag:s21] =	ssyncadd.s32 $0xFFFFFD00  }
0x26: {  	_ =	swait.ge [sflag:s21], $0xE0  }
0x27: {  	[sflag:s21] =	ssyncset.done $0x0  }
0x28: {  	[sflag:s21] =	ssyncadd.s32 $0xFFFFFF20  }
0x29: {  	_ =	swait.ge [sflag:s21], $0x180  }
0x2a: {  	[sflag:s21] =	ssyncset.done $0x0  }
0x2b: {  	[sflag:s21] =	ssyncadd.s32 $0xFFFFFE80  }
0x2c: {  	_ =	swait.ge [sflag:s21], $0x140  }
0x2d: {  	[sflag:s21] =	ssyncset.done $0x0  }
0x2e: {  	[sflag:s21] =	ssyncadd.s32 $0xFFFFFEC0  }
0x2f: {  	_ =	swait.ge [sflag:s22], $0x200  }
0x30: {  	[sflag:s22] =	ssyncset.done $0x0  }
0x31: {  	[sflag:s22] =	ssyncadd.s32 $0xFFFFFE00  }
0x32: {  	_ =	swait.ge [sflag:s22], $0x200  }
0x33: {  	[sflag:s22] =	ssyncset.done $0x0  }
0x34: {  	[sflag:s22] =	ssyncadd.s32 $0xFFFFFE00  }
0x35: {  	_ =	swait.ge [sflag:s22], $0x200  }
0x36: {  	[sflag:s22] =	ssyncset.done $0x0  }
0x37: {  	[sflag:s22] =	ssyncadd.s32 $0xFFFFFE00  }
0x38: {  	_ =	swait.ge [sflag:s22], $0x200  }
0x39: {  	[sflag:s22] =	ssyncset.done $0x0  }
0x3a: {  	s28 =	simm.s32 $0x0;
	[sflag:s22] =	ssyncadd.s32 $0xFFFFFE00  }
.LBB2_2:
0x3b: {  	s0 =	sshll.u32 s28, $0x4  }
0x3c: {  	v0 =	vld [tilespmem:s0+$0x6A0];
	_ =	sdelay $0x1  }
0x3d: {  	v1 =	vld [tilespmem:s0+$0x8A0];
	_ =	sdelay $0x1  }
0x3e: {  	v2 =	vld [tilespmem:s0+$0xAA0]  }
0x3f: {  	v0 =	vshll.u32 v0, $0x5  }
0x40: {  	v4 =	vld [tilespmem:s0+$0xCA0];
	(v2sf) =	vpush v0, $0x0  }
0x41: {  	v1 =	vshll.u32 v1, $0x5  }
0x42: {  	(v2sf) =	vpush v1, $0x0  }
0x43: {  	v3 =	vshll.u32 v2, $0x5  }
0x44: {  	(v2sf) =	vpush v3, $0x0  }
0x45: {  	v30 =	vshll.u32 v4, $0x5  }
0x46: {  	(v2sf) =	vpush v30, $0x0;
	_ =	sdelay $0x8  }
0x47: {  	(v2sf) =	vpush v0, $0x1;
	s29 =	spop (v2sf)  }
0x48: {  	v31 =	vld [tilespmem:s29+$0x0]  }
0x49: {  	(v2sf) =	vpush v1, $0x1;
	s2 =	spop (v2sf);
	v5 =	vld [tilespmem:s29+$0x10]  }
0x4a: {  	v6 =	vld [tilespmem:s2+$0x300]  }
0x4b: {  	(v2sf) =	vpush v3, $0x1;
	s30 =	spop (v2sf);
	v7 =	vld [tilespmem:s2+$0x310]  }
0x4c: {  	v8 =	vld [tilespmem:s30+$0x3E0]  }
0x4d: {  	s3 =	sshll.u32 s28, $0xB;
	(v2sf) =	vpush v30, $0x1;
	s31 =	spop (v2sf);
	v9 =	vld [tilespmem:s30+$0x3F0]  }
0x4e: {  	s29 =	sand.u32 $0x3FFFF800, s3;
	v10 =	vld [tilespmem:s31+$0x560]  }
0x4f: {  	v11 =	vld [tilespmem:s31+$0x570];
	[tilespmem:s29+$0xEA0] =	vst v31  }
0x50: {  	[tilespmem:s29+$0xEB0] =	vst v5  }
0x51: {  	[tilespmem:s29+$0xEC0] =	vst v6  }
0x52: {  	[tilespmem:s29+$0xED0] =	vst v7  }
0x53: {  	[tilespmem:s29+$0xEE0] =	vst v8  }
0x54: {  	[tilespmem:s29+$0xEF0] =	vst v9  }
0x55: {  	[tilespmem:s29+$0xF00] =	vst v10  }
0x56: {  	(v2sf) =	vpush v0, $0x2;
	s4 =	spop (v2sf);
	[tilespmem:s29+$0xF10] =	vst v11  }
0x57: {  	v4 =	vld [tilespmem:s4+$0x0]  }
0x58: {  	(v2sf) =	vpush v1, $0x2;
	s5 =	spop (v2sf);
	v5 =	vld [tilespmem:s4+$0x10]  }
0x59: {  	v6 =	vld [tilespmem:s5+$0x300]  }
0x5a: {  	(v2sf) =	vpush v3, $0x2;
	s6 =	spop (v2sf);
	v7 =	vld [tilespmem:s5+$0x310]  }
0x5b: {  	v8 =	vld [tilespmem:s6+$0x3E0]  }
0x5c: {  	(v2sf) =	vpush v30, $0x2;
	s7 =	spop (v2sf);
	v9 =	vld [tilespmem:s6+$0x3F0]  }
0x5d: {  	v10 =	vld [tilespmem:s7+$0x560]  }
0x5e: {  	v11 =	vld [tilespmem:s7+$0x570];
	[tilespmem:s29+$0xF20] =	vst v4  }
0x5f: {  	[tilespmem:s29+$0xF30] =	vst v5  }
0x60: {  	[tilespmem:s29+$0xF40] =	vst v6  }
0x61: {  	[tilespmem:s29+$0xF50] =	vst v7  }
0x62: {  	[tilespmem:s29+$0xF60] =	vst v8  }
0x63: {  	[tilespmem:s29+$0xF70] =	vst v9  }
0x64: {  	[tilespmem:s29+$0xF80] =	vst v10  }
0x65: {  	(v2sf) =	vpush v0, $0x3;
	s8 =	spop (v2sf);
	[tilespmem:s29+$0xF90] =	vst v11  }
0x66: {  	v4 =	vld [tilespmem:s8+$0x0]  }
0x67: {  	(v2sf) =	vpush v1, $0x3;
	s9 =	spop (v2sf);
	v5 =	vld [tilespmem:s8+$0x10]  }
0x68: {  	v6 =	vld [tilespmem:s9+$0x300]  }
0x69: {  	(v2sf) =	vpush v3, $0x3;
	s10 =	spop (v2sf);
	v7 =	vld [tilespmem:s9+$0x310]  }
0x6a: {  	v8 =	vld [tilespmem:s10+$0x3E0]  }
0x6b: {  	(v2sf) =	vpush v30, $0x3;
	s12 =	spop (v2sf);
	v9 =	vld [tilespmem:s10+$0x3F0]  }
0x6c: {  	v10 =	vld [tilespmem:s12+$0x560]  }
0x6d: {  	v11 =	vld [tilespmem:s12+$0x570];
	[tilespmem:s29+$0xFA0] =	vst v4  }
0x6e: {  	[tilespmem:s29+$0xFB0] =	vst v5  }
0x6f: {  	[tilespmem:s29+$0xFC0] =	vst v6  }
0x70: {  	[tilespmem:s29+$0xFD0] =	vst v7  }
0x71: {  	[tilespmem:s29+$0xFE0] =	vst v8  }
0x72: {  	[tilespmem:s29+$0xFF0] =	vst v9  }
0x73: {  	[tilespmem:s29+$0x1000] =	vst v10  }
0x74: {  	(v2sf) =	vpush v0, $0x4;
	s14 =	spop (v2sf);
	[tilespmem:s29+$0x1010] =	vst v11  }
0x75: {  	v4 =	vld [tilespmem:s14+$0x0]  }
0x76: {  	(v2sf) =	vpush v1, $0x4;
	s15 =	spop (v2sf);
	v5 =	vld [tilespmem:s14+$0x10]  }
0x77: {  	v6 =	vld [tilespmem:s15+$0x300]  }
0x78: {  	(v2sf) =	vpush v3, $0x4;
	s16 =	spop (v2sf);
	v7 =	vld [tilespmem:s15+$0x310]  }
0x79: {  	v8 =	vld [tilespmem:s16+$0x3E0]  }
0x7a: {  	(v2sf) =	vpush v30, $0x4;
	s17 =	spop (v2sf);
	v9 =	vld [tilespmem:s16+$0x3F0]  }
0x7b: {  	v10 =	vld [tilespmem:s17+$0x560]  }
0x7c: {  	v11 =	vld [tilespmem:s17+$0x570];
	[tilespmem:s29+$0x1020] =	vst v4  }
0x7d: {  	[tilespmem:s29+$0x1030] =	vst v5  }
0x7e: {  	[tilespmem:s29+$0x1040] =	vst v6  }
0x7f: {  	[tilespmem:s29+$0x1050] =	vst v7  }
0x80: {  	[tilespmem:s29+$0x1060] =	vst v8  }
0x81: {  	[tilespmem:s29+$0x1070] =	vst v9  }
0x82: {  	[tilespmem:s29+$0x1080] =	vst v10  }
0x83: {  	(v2sf) =	vpush v0, $0x5;
	s18 =	spop (v2sf);
	[tilespmem:s29+$0x1090] =	vst v11  }
0x84: {  	v4 =	vld [tilespmem:s18+$0x0]  }
0x85: {  	(v2sf) =	vpush v1, $0x5;
	s19 =	spop (v2sf);
	v5 =	vld [tilespmem:s18+$0x10]  }
0x86: {  	v6 =	vld [tilespmem:s19+$0x300]  }
0x87: {  	(v2sf) =	vpush v3, $0x5;
	s20 =	spop (v2sf);
	v7 =	vld [tilespmem:s19+$0x310]  }
0x88: {  	v8 =	vld [tilespmem:s20+$0x3E0]  }
0x89: {  	(v2sf) =	vpush v30, $0x5;
	s23 =	spop (v2sf);
	v9 =	vld [tilespmem:s20+$0x3F0]  }
0x8a: {  	v10 =	vld [tilespmem:s23+$0x560]  }
0x8b: {  	v11 =	vld [tilespmem:s23+$0x570];
	[tilespmem:s29+$0x10A0] =	vst v4  }
0x8c: {  	[tilespmem:s29+$0x10B0] =	vst v5  }
0x8d: {  	[tilespmem:s29+$0x10C0] =	vst v6  }
0x8e: {  	[tilespmem:s29+$0x10D0] =	vst v7  }
0x8f: {  	[tilespmem:s29+$0x10E0] =	vst v8  }
0x90: {  	[tilespmem:s29+$0x10F0] =	vst v9  }
0x91: {  	[tilespmem:s29+$0x1100] =	vst v10  }
0x92: {  	(v2sf) =	vpush v0, $0x6;
	s24 =	spop (v2sf);
	[tilespmem:s29+$0x1110] =	vst v11  }
0x93: {  	v4 =	vld [tilespmem:s24+$0x0]  }
0x94: {  	(v2sf) =	vpush v1, $0x6;
	s30 =	spop (v2sf);
	v5 =	vld [tilespmem:s24+$0x10]  }
0x95: {  	v6 =	vld [tilespmem:s30+$0x300]  }
0x96: {  	(v2sf) =	vpush v3, $0x6;
	s31 =	spop (v2sf);
	v7 =	vld [tilespmem:s30+$0x310]  }
0x97: {  	v8 =	vld [tilespmem:s31+$0x3E0]  }
0x98: {  	(v2sf) =	vpush v30, $0x6;
	s3 =	spop (v2sf);
	v9 =	vld [tilespmem:s31+$0x3F0]  }
0x99: {  	v10 =	vld [tilespmem:s3+$0x560]  }
0x9a: {  	v11 =	vld [tilespmem:s3+$0x570];
	[tilespmem:s29+$0x1120] =	vst v4  }
0x9b: {  	[tilespmem:s29+$0x1130] =	vst v5  }
0x9c: {  	[tilespmem:s29+$0x1140] =	vst v6  }
0x9d: {  	[tilespmem:s29+$0x1150] =	vst v7  }
0x9e: {  	[tilespmem:s29+$0x1160] =	vst v8  }
0x9f: {  	[tilespmem:s29+$0x1170] =	vst v9  }
0xa0: {  	[tilespmem:s29+$0x1180] =	vst v10  }
0xa1: {  	(v2sf) =	vpush v0, $0x7;
	s4 =	spop (v2sf);
	[tilespmem:s29+$0x1190] =	vst v11  }
0xa2: {  	v4 =	vld [tilespmem:s4+$0x0]  }
0xa3: {  	(v2sf) =	vpush v1, $0x7;
	s5 =	spop (v2sf);
	v5 =	vld [tilespmem:s4+$0x10]  }
0xa4: {  	v6 =	vld [tilespmem:s5+$0x300]  }
0xa5: {  	(v2sf) =	vpush v3, $0x7;
	s6 =	spop (v2sf);
	v7 =	vld [tilespmem:s5+$0x310]  }
0xa6: {  	v8 =	vld [tilespmem:s6+$0x3E0]  }
0xa7: {  	(v2sf) =	vpush v30, $0x7;
	s7 =	spop (v2sf);
	v9 =	vld [tilespmem:s6+$0x3F0]  }
0xa8: {  	v10 =	vld [tilespmem:s7+$0x560]  }
0xa9: {  	v11 =	vld [tilespmem:s7+$0x570];
	[tilespmem:s29+$0x11A0] =	vst v4  }
0xaa: {  	[tilespmem:s29+$0x11B0] =	vst v5  }
0xab: {  	[tilespmem:s29+$0x11C0] =	vst v6  }
0xac: {  	[tilespmem:s29+$0x11D0] =	vst v7  }
0xad: {  	[tilespmem:s29+$0x11E0] =	vst v8  }
0xae: {  	[tilespmem:s29+$0x11F0] =	vst v9  }
0xaf: {  	[tilespmem:s29+$0x1200] =	vst v10  }
0xb0: {  	(v2sf) =	vpush v0, $0x8;
	s8 =	spop (v2sf);
	[tilespmem:s29+$0x1210] =	vst v11  }
0xb1: {  	v4 =	vld [tilespmem:s8+$0x0]  }
0xb2: {  	(v2sf) =	vpush v1, $0x8;
	s9 =	spop (v2sf);
	v5 =	vld [tilespmem:s8+$0x10]  }
0xb3: {  	v6 =	vld [tilespmem:s9+$0x300]  }
0xb4: {  	(v2sf) =	vpush v3, $0x8;
	s10 =	spop (v2sf);
	v7 =	vld [tilespmem:s9+$0x310]  }
0xb5: {  	v8 =	vld [tilespmem:s10+$0x3E0]  }
0xb6: {  	(v2sf) =	vpush v30, $0x8;
	s12 =	spop (v2sf);
	v9 =	vld [tilespmem:s10+$0x3F0]  }
0xb7: {  	v10 =	vld [tilespmem:s12+$0x560]  }
0xb8: {  	v11 =	vld [tilespmem:s12+$0x570];
	[tilespmem:s29+$0x1220] =	vst v4  }
0xb9: {  	[tilespmem:s29+$0x1230] =	vst v5  }
0xba: {  	[tilespmem:s29+$0x1240] =	vst v6  }
0xbb: {  	[tilespmem:s29+$0x1250] =	vst v7  }
0xbc: {  	[tilespmem:s29+$0x1260] =	vst v8  }
0xbd: {  	[tilespmem:s29+$0x1270] =	vst v9  }
0xbe: {  	[tilespmem:s29+$0x1280] =	vst v10  }
0xbf: {  	(v2sf) =	vpush v0, $0x9;
	s14 =	spop (v2sf);
	[tilespmem:s29+$0x1290] =	vst v11  }
0xc0: {  	v4 =	vld [tilespmem:s14+$0x0]  }
0xc1: {  	(v2sf) =	vpush v1, $0x9;
	s15 =	spop (v2sf);
	v5 =	vld [tilespmem:s14+$0x10]  }
0xc2: {  	v6 =	vld [tilespmem:s15+$0x300]  }
0xc3: {  	(v2sf) =	vpush v3, $0x9;
	s16 =	spop (v2sf);
	v7 =	vld [tilespmem:s15+$0x310]  }
0xc4: {  	v8 =	vld [tilespmem:s16+$0x3E0]  }
0xc5: {  	(v2sf) =	vpush v30, $0x9;
	s17 =	spop (v2sf);
	v9 =	vld [tilespmem:s16+$0x3F0]  }
0xc6: {  	v10 =	vld [tilespmem:s17+$0x560]  }
0xc7: {  	v11 =	vld [tilespmem:s17+$0x570];
	[tilespmem:s29+$0x12A0] =	vst v4  }
0xc8: {  	[tilespmem:s29+$0x12B0] =	vst v5  }
0xc9: {  	[tilespmem:s29+$0x12C0] =	vst v6  }
0xca: {  	[tilespmem:s29+$0x12D0] =	vst v7  }
0xcb: {  	[tilespmem:s29+$0x12E0] =	vst v8  }
0xcc: {  	[tilespmem:s29+$0x12F0] =	vst v9  }
0xcd: {  	[tilespmem:s29+$0x1300] =	vst v10  }
0xce: {  	(v2sf) =	vpush v0, $0xA;
	s18 =	spop (v2sf);
	[tilespmem:s29+$0x1310] =	vst v11  }
0xcf: {  	v4 =	vld [tilespmem:s18+$0x0]  }
0xd0: {  	(v2sf) =	vpush v1, $0xA;
	s19 =	spop (v2sf);
	v5 =	vld [tilespmem:s18+$0x10]  }
0xd1: {  	v6 =	vld [tilespmem:s19+$0x300]  }
0xd2: {  	(v2sf) =	vpush v3, $0xA;
	s20 =	spop (v2sf);
	v7 =	vld [tilespmem:s19+$0x310]  }
0xd3: {  	v8 =	vld [tilespmem:s20+$0x3E0]  }
0xd4: {  	(v2sf) =	vpush v30, $0xA;
	s23 =	spop (v2sf);
	v9 =	vld [tilespmem:s20+$0x3F0]  }
0xd5: {  	v10 =	vld [tilespmem:s23+$0x560]  }
0xd6: {  	v11 =	vld [tilespmem:s23+$0x570];
	[tilespmem:s29+$0x1320] =	vst v4  }
0xd7: {  	[tilespmem:s29+$0x1330] =	vst v5  }
0xd8: {  	[tilespmem:s29+$0x1340] =	vst v6  }
0xd9: {  	[tilespmem:s29+$0x1350] =	vst v7  }
0xda: {  	(v2sf) =	vpush v0, $0xB;
	[tilespmem:s29+$0x1360] =	vst v8  }
0xdb: {  	(v2sf) =	vpush v1, $0xB;
	[tilespmem:s29+$0x1370] =	vst v9  }
0xdc: {  	(v2sf) =	vpush v3, $0xB;
	[tilespmem:s29+$0x1380] =	vst v10  }
0xdd: {  	(v2sf) =	vpush v30, $0xB;
	s24 =	spop (v2sf);
	[tilespmem:s29+$0x1390] =	vst v11  }
0xde: {  	v4 =	vld [tilespmem:s24+$0x0]  }
0xdf: {  	s30 =	spop (v2sf);
	v5 =	vld [tilespmem:s24+$0x10]  }
0xe0: {  	v6 =	vld [tilespmem:s30+$0x300]  }
0xe1: {  	s31 =	spop (v2sf);
	v7 =	vld [tilespmem:s30+$0x310]  }
0xe2: {  	v8 =	vld [tilespmem:s31+$0x3E0]  }
0xe3: {  	s3 =	spop (v2sf);
	v9 =	vld [tilespmem:s31+$0x3F0]  }
0xe4: {  	v10 =	vld [tilespmem:s3+$0x560]  }
0xe5: {  	v11 =	vld [tilespmem:s3+$0x570];
	[tilespmem:s29+$0x13A0] =	vst v4  }
0xe6: {  	[tilespmem:s29+$0x13B0] =	vst v5  }
0xe7: {  	[tilespmem:s29+$0x13C0] =	vst v6  }
0xe8: {  	[tilespmem:s29+$0x13D0] =	vst v7  }
0xe9: {  	s10 =	spop (v2sf);
	[tilespmem:s29+$0x13E0] =	vst v8  }
0xea: {  	s9 =	spop (v2sf);
	[tilespmem:s29+$0x13F0] =	vst v9  }
0xeb: {  	s8 =	spop (v2sf);
	[tilespmem:s29+$0x1400] =	vst v10  }
0xec: {  	s7 =	spop (v2sf);
	[tilespmem:s29+$0x1410] =	vst v11  }
0xed: {  	v4 =	vld [tilespmem:s10+$0x0];
	(v2sf) =	vpush v0, $0xC  }
0xee: {  	(v2sf) =	vpush v1, $0xC  }
0xef: {  	(v2sf) =	vpush v3, $0xC  }
0xf0: {  	(v2sf) =	vpush v30, $0xC  }
0xf1: {  	(v2sf) =	vpush v0, $0xD  }
0xf2: {  	(v2sf) =	vpush v1, $0xD  }
0xf3: {  	(v2sf) =	vpush v3, $0xD  }
0xf4: {  	(v2sf) =	vpush v30, $0xD  }
0xf5: {  	s30 =	sor.u32 $0x1, s28;
	(v2sf) =	vpush v0, $0xE  }
0xf6: {  	s4 =	sshll.u32 s30, $0x4;
	(v2sf) =	vpush v1, $0xE  }
0xf7: {  	v32 =	vld [tilespmem:s4+$0x6A0];
	(v2sf) =	vpush v3, $0xE  }
0xf8: {  	(v2sf) =	vpush v30, $0xE  }
0xf9: {  	v33 =	vld [tilespmem:s4+$0x8A0];
	(v2sf) =	vpush v0, $0xF  }
0xfa: {  	(v2sf) =	vpush v1, $0xF  }
0xfb: {  	v34 =	vld [tilespmem:s4+$0xAA0];
	(v2sf) =	vpush v3, $0xF  }
0xfc: {  	v3 =	vshll.u32 v32, $0x5;
	s6 =	spop (v2sf);
	(v2sf) =	vpush v30, $0xF  }
0xfd: {  	v35 =	vld [tilespmem:s4+$0xCA0];
	s5 =	spop (v2sf);
	(v2sf) =	vpush v3, $0x0  }
0xfe: {  	v2 =	vshll.u32 v33, $0x5;
	s4 =	spop (v2sf)  }
0xff: {  	(v2sf) =	vpush v2, $0x0;
	s3 =	spop (v2sf)  }
0x100: {  	v1 =	vshll.u32 v34, $0x5;
	s24 =	spop (v2sf)  }
0x101: {  	(v2sf) =	vpush v1, $0x0;
	s23 =	spop (v2sf)  }
0x102: {  	v0 =	vshll.u32 v35, $0x5;
	s20 =	spop (v2sf)  }
0x103: {  	(v2sf) =	vpush v0, $0x0;
	s19 =	spop (v2sf)  }
0x104: {  	s18 =	spop (v2sf)  }
0x105: {  	s17 =	spop (v2sf)  }
0x106: {  	s16 =	spop (v2sf)  }
0x107: {  	s15 =	spop (v2sf)  }
0x108: {  	s14 =	spop (v2sf)  }
0x109: {  	s2 =	spop (v2sf)  }
0x10a: {  	s0 =	spop (v2sf)  }
0x10b: {  	s31 =	spop (v2sf)  }
0x10c: {  	(v2sf) =	vpush v3, $0x1;
	s12 =	spop (v2sf)  }
0x10d: {  	v36 =	vld [tilespmem:s12+$0x0]  }
0x10e: {  	(v2sf) =	vpush v2, $0x1;
	v37 =	vld [tilespmem:s12+$0x10];
	s12 =	spop (v2sf)  }
0x10f: {  	v38 =	vld [tilespmem:s12+$0x300]  }
0x110: {  	(v2sf) =	vpush v1, $0x1;
	v39 =	vld [tilespmem:s12+$0x310];
	s12 =	spop (v2sf)  }
0x111: {  	v40 =	vld [tilespmem:s12+$0x3E0]  }
0x112: {  	s30 =	sshll.u32 s30, $0xB;
	(v2sf) =	vpush v0, $0x1;
	v41 =	vld [tilespmem:s12+$0x3F0];
	s12 =	spop (v2sf)  }
0x113: {  	s30 =	sand.u32 $0x3FFFF800, s30;
	v42 =	vld [tilespmem:s12+$0x560]  }
0x114: {  	v12 =	vld [tilespmem:s12+$0x570];
	[tilespmem:s30+$0xEA0] =	vst v36  }
0x115: {  	[tilespmem:s30+$0xEB0] =	vst v37  }
0x116: {  	[tilespmem:s30+$0xEC0] =	vst v38  }
0x117: {  	[tilespmem:s30+$0xED0] =	vst v39  }
0x118: {  	[tilespmem:s30+$0xEE0] =	vst v40  }
0x119: {  	[tilespmem:s30+$0xEF0] =	vst v41  }
0x11a: {  	[tilespmem:s30+$0xF00] =	vst v42  }
0x11b: {  	[tilespmem:s30+$0xF10] =	vst v12;
	s12 =	spop (v2sf);
	(v2sf) =	vpush v3, $0x2  }
0x11c: {  	v5 =	vld [tilespmem:s12+$0x0]  }
0x11d: {  	v6 =	vld [tilespmem:s12+$0x10];
	s12 =	spop (v2sf);
	(v2sf) =	vpush v2, $0x2  }
0x11e: {  	v7 =	vld [tilespmem:s12+$0x300]  }
0x11f: {  	v8 =	vld [tilespmem:s12+$0x310];
	s12 =	spop (v2sf);
	(v2sf) =	vpush v1, $0x2  }
0x120: {  	v9 =	vld [tilespmem:s12+$0x3E0]  }
0x121: {  	v10 =	vld [tilespmem:s12+$0x3F0];
	s12 =	spop (v2sf);
	(v2sf) =	vpush v0, $0x2  }
0x122: {  	v11 =	vld [tilespmem:s12+$0x560]  }
0x123: {  	v12 =	vld [tilespmem:s12+$0x570];
	[tilespmem:s30+$0xF20] =	vst v5  }
0x124: {  	[tilespmem:s30+$0xF30] =	vst v6  }
0x125: {  	[tilespmem:s30+$0xF40] =	vst v7  }
0x126: {  	[tilespmem:s30+$0xF50] =	vst v8  }
0x127: {  	[tilespmem:s30+$0xF60] =	vst v9  }
0x128: {  	[tilespmem:s30+$0xF70] =	vst v10  }
0x129: {  	[tilespmem:s30+$0xF80] =	vst v11  }
0x12a: {  	[tilespmem:s30+$0xF90] =	vst v12;
	s12 =	spop (v2sf);
	(v2sf) =	vpush v3, $0x3  }
0x12b: {  	v5 =	vld [tilespmem:s12+$0x0]  }
0x12c: {  	v6 =	vld [tilespmem:s12+$0x10];
	s12 =	spop (v2sf);
	(v2sf) =	vpush v2, $0x3  }
0x12d: {  	v7 =	vld [tilespmem:s12+$0x300]  }
0x12e: {  	v8 =	vld [tilespmem:s12+$0x310];
	s12 =	spop (v2sf);
	(v2sf) =	vpush v1, $0x3  }
0x12f: {  	v9 =	vld [tilespmem:s12+$0x3E0]  }
0x130: {  	v10 =	vld [tilespmem:s12+$0x3F0];
	s12 =	spop (v2sf);
	(v2sf) =	vpush v0, $0x3  }
0x131: {  	v11 =	vld [tilespmem:s12+$0x560]  }
0x132: {  	v12 =	vld [tilespmem:s12+$0x570];
	[tilespmem:s30+$0xFA0] =	vst v5  }
0x133: {  	[tilespmem:s30+$0xFB0] =	vst v6  }
0x134: {  	[tilespmem:s30+$0xFC0] =	vst v7  }
0x135: {  	[tilespmem:s30+$0xFD0] =	vst v8  }
0x136: {  	[tilespmem:s30+$0xFE0] =	vst v9  }
0x137: {  	[tilespmem:s30+$0xFF0] =	vst v10  }
0x138: {  	[tilespmem:s30+$0x1000] =	vst v11  }
0x139: {  	[tilespmem:s30+$0x1010] =	vst v12;
	s12 =	spop (v2sf);
	(v2sf) =	vpush v3, $0x4  }
0x13a: {  	v5 =	vld [tilespmem:s12+$0x0]  }
0x13b: {  	v6 =	vld [tilespmem:s12+$0x10];
	s12 =	spop (v2sf);
	(v2sf) =	vpush v2, $0x4  }
0x13c: {  	v7 =	vld [tilespmem:s12+$0x300]  }
0x13d: {  	v8 =	vld [tilespmem:s12+$0x310];
	s12 =	spop (v2sf);
	(v2sf) =	vpush v1, $0x4  }
0x13e: {  	v9 =	vld [tilespmem:s12+$0x3E0]  }
0x13f: {  	v10 =	vld [tilespmem:s12+$0x3F0];
	s12 =	spop (v2sf);
	(v2sf) =	vpush v0, $0x4  }
0x140: {  	v11 =	vld [tilespmem:s12+$0x560]  }
0x141: {  	v12 =	vld [tilespmem:s12+$0x570];
	[tilespmem:s30+$0x1020] =	vst v5  }
0x142: {  	[tilespmem:s30+$0x1030] =	vst v6  }
0x143: {  	[tilespmem:s30+$0x1040] =	vst v7  }
0x144: {  	[tilespmem:s30+$0x1050] =	vst v8  }
0x145: {  	[tilespmem:s30+$0x1060] =	vst v9  }
0x146: {  	[tilespmem:s30+$0x1070] =	vst v10  }
0x147: {  	[tilespmem:s30+$0x1080] =	vst v11  }
0x148: {  	[tilespmem:s30+$0x1090] =	vst v12;
	s12 =	spop (v2sf);
	(v2sf) =	vpush v3, $0x5  }
0x149: {  	v5 =	vld [tilespmem:s12+$0x0]  }
0x14a: {  	v6 =	vld [tilespmem:s12+$0x10];
	s12 =	spop (v2sf);
	(v2sf) =	vpush v2, $0x5  }
0x14b: {  	v7 =	vld [tilespmem:s12+$0x300]  }
0x14c: {  	v8 =	vld [tilespmem:s12+$0x310];
	s12 =	spop (v2sf);
	(v2sf) =	vpush v1, $0x5  }
0x14d: {  	v9 =	vld [tilespmem:s12+$0x3E0]  }
0x14e: {  	v10 =	vld [tilespmem:s12+$0x3F0];
	s12 =	spop (v2sf);
	(v2sf) =	vpush v0, $0x5  }
0x14f: {  	v11 =	vld [tilespmem:s12+$0x560]  }
0x150: {  	v12 =	vld [tilespmem:s12+$0x570];
	[tilespmem:s30+$0x10A0] =	vst v5  }
0x151: {  	[tilespmem:s30+$0x10B0] =	vst v6  }
0x152: {  	[tilespmem:s30+$0x10C0] =	vst v7  }
0x153: {  	[tilespmem:s30+$0x10D0] =	vst v8  }
0x154: {  	[tilespmem:s30+$0x10E0] =	vst v9  }
0x155: {  	[tilespmem:s30+$0x10F0] =	vst v10  }
0x156: {  	[tilespmem:s30+$0x1100] =	vst v11  }
0x157: {  	[tilespmem:s30+$0x1110] =	vst v12;
	s12 =	spop (v2sf);
	(v2sf) =	vpush v3, $0x6  }
0x158: {  	v5 =	vld [tilespmem:s12+$0x0]  }
0x159: {  	v6 =	vld [tilespmem:s12+$0x10];
	s12 =	spop (v2sf);
	(v2sf) =	vpush v2, $0x6  }
0x15a: {  	v7 =	vld [tilespmem:s12+$0x300]  }
0x15b: {  	v8 =	vld [tilespmem:s12+$0x310];
	s12 =	spop (v2sf);
	(v2sf) =	vpush v1, $0x6  }
0x15c: {  	v9 =	vld [tilespmem:s12+$0x3E0]  }
0x15d: {  	v10 =	vld [tilespmem:s12+$0x3F0];
	s12 =	spop (v2sf);
	(v2sf) =	vpush v0, $0x6  }
0x15e: {  	v11 =	vld [tilespmem:s12+$0x560]  }
0x15f: {  	v12 =	vld [tilespmem:s12+$0x570];
	[tilespmem:s30+$0x1120] =	vst v5  }
0x160: {  	[tilespmem:s30+$0x1130] =	vst v6  }
0x161: {  	[tilespmem:s30+$0x1140] =	vst v7  }
0x162: {  	[tilespmem:s30+$0x1150] =	vst v8  }
0x163: {  	[tilespmem:s30+$0x1160] =	vst v9  }
0x164: {  	[tilespmem:s30+$0x1170] =	vst v10  }
0x165: {  	[tilespmem:s30+$0x1180] =	vst v11  }
0x166: {  	[tilespmem:s30+$0x1190] =	vst v12;
	s12 =	spop (v2sf);
	(v2sf) =	vpush v3, $0x7  }
0x167: {  	v5 =	vld [tilespmem:s12+$0x0]  }
0x168: {  	v6 =	vld [tilespmem:s12+$0x10];
	s12 =	spop (v2sf);
	(v2sf) =	vpush v2, $0x7  }
0x169: {  	v7 =	vld [tilespmem:s12+$0x300]  }
0x16a: {  	v8 =	vld [tilespmem:s12+$0x310];
	s12 =	spop (v2sf);
	(v2sf) =	vpush v1, $0x7  }
0x16b: {  	v9 =	vld [tilespmem:s12+$0x3E0]  }
0x16c: {  	v10 =	vld [tilespmem:s12+$0x3F0];
	s12 =	spop (v2sf);
	(v2sf) =	vpush v0, $0x7  }
0x16d: {  	v11 =	vld [tilespmem:s12+$0x560]  }
0x16e: {  	v12 =	vld [tilespmem:s12+$0x570];
	[tilespmem:s30+$0x11A0] =	vst v5  }
0x16f: {  	[tilespmem:s30+$0x11B0] =	vst v6  }
0x170: {  	[tilespmem:s30+$0x11C0] =	vst v7  }
0x171: {  	[tilespmem:s30+$0x11D0] =	vst v8  }
0x172: {  	[tilespmem:s30+$0x11E0] =	vst v9  }
0x173: {  	[tilespmem:s30+$0x11F0] =	vst v10  }
0x174: {  	[tilespmem:s30+$0x1200] =	vst v11  }
0x175: {  	[tilespmem:s30+$0x1210] =	vst v12;
	s12 =	spop (v2sf);
	(v2sf) =	vpush v3, $0x8  }
0x176: {  	v5 =	vld [tilespmem:s12+$0x0]  }
0x177: {  	v6 =	vld [tilespmem:s12+$0x10];
	s12 =	spop (v2sf);
	(v2sf) =	vpush v2, $0x8  }
0x178: {  	v7 =	vld [tilespmem:s12+$0x300]  }
0x179: {  	v8 =	vld [tilespmem:s12+$0x310];
	s12 =	spop (v2sf);
	(v2sf) =	vpush v1, $0x8  }
0x17a: {  	v9 =	vld [tilespmem:s12+$0x3E0]  }
0x17b: {  	v10 =	vld [tilespmem:s12+$0x3F0];
	s12 =	spop (v2sf);
	(v2sf) =	vpush v0, $0x8  }
0x17c: {  	v11 =	vld [tilespmem:s12+$0x560]  }
0x17d: {  	v12 =	vld [tilespmem:s12+$0x570];
	[tilespmem:s30+$0x1220] =	vst v5  }
0x17e: {  	v43 =	vld [tilespmem:s10+$0x10];
	[tilespmem:s30+$0x1230] =	vst v6  }
0x17f: {  	v44 =	vld [tilespmem:s9+$0x300];
	[tilespmem:s30+$0x1240] =	vst v7  }
0x180: {  	v45 =	vld [tilespmem:s9+$0x310];
	[tilespmem:s30+$0x1250] =	vst v8  }
0x181: {  	v46 =	vld [tilespmem:s8+$0x3E0];
	[tilespmem:s30+$0x1260] =	vst v9  }
0x182: {  	v47 =	vld [tilespmem:s8+$0x3F0];
	[tilespmem:s30+$0x1270] =	vst v10  }
0x183: {  	v48 =	vld [tilespmem:s7+$0x560];
	[tilespmem:s30+$0x1280] =	vst v11  }
0x184: {  	v49 =	vld [tilespmem:s7+$0x570];
	[tilespmem:s30+$0x1290] =	vst v12;
	s12 =	spop (v2sf);
	(v2sf) =	vpush v3, $0x9  }
0x185: {  	v5 =	vld [tilespmem:s12+$0x0]  }
0x186: {  	v6 =	vld [tilespmem:s12+$0x10];
	s12 =	spop (v2sf);
	(v2sf) =	vpush v2, $0x9  }
0x187: {  	v7 =	vld [tilespmem:s12+$0x300]  }
0x188: {  	v8 =	vld [tilespmem:s12+$0x310];
	s12 =	spop (v2sf);
	(v2sf) =	vpush v1, $0x9  }
0x189: {  	v9 =	vld [tilespmem:s12+$0x3E0]  }
0x18a: {  	v10 =	vld [tilespmem:s12+$0x3F0];
	s12 =	spop (v2sf);
	(v2sf) =	vpush v0, $0x9  }
0x18b: {  	[tilespmem:s29+$0x1420] =	vst v4;
	v11 =	vld [tilespmem:s12+$0x560]  }
0x18c: {  	v12 =	vld [tilespmem:s12+$0x570];
	[tilespmem:s30+$0x12A0] =	vst v5  }
0x18d: {  	[tilespmem:s30+$0x12B0] =	vst v6  }
0x18e: {  	[tilespmem:s30+$0x12C0] =	vst v7  }
0x18f: {  	[tilespmem:s30+$0x12D0] =	vst v8  }
0x190: {  	[tilespmem:s30+$0x12E0] =	vst v9  }
0x191: {  	[tilespmem:s30+$0x12F0] =	vst v10  }
0x192: {  	[tilespmem:s30+$0x1300] =	vst v11  }
0x193: {  	[tilespmem:s30+$0x1310] =	vst v12;
	s12 =	spop (v2sf);
	(v2sf) =	vpush v3, $0xA  }
0x194: {  	[tilespmem:s29+$0x1430] =	vst v43;
	v5 =	vld [tilespmem:s12+$0x0]  }
0x195: {  	[tilespmem:s29+$0x1440] =	vst v44;
	v6 =	vld [tilespmem:s12+$0x10];
	s12 =	spop (v2sf);
	(v2sf) =	vpush v2, $0xA  }
0x196: {  	[tilespmem:s29+$0x1450] =	vst v45;
	v7 =	vld [tilespmem:s12+$0x300]  }
0x197: {  	[tilespmem:s29+$0x1460] =	vst v46;
	v8 =	vld [tilespmem:s12+$0x310];
	s12 =	spop (v2sf);
	(v2sf) =	vpush v1, $0xA  }
0x198: {  	[tilespmem:s29+$0x1470] =	vst v47;
	v9 =	vld [tilespmem:s12+$0x3E0]  }
0x199: {  	[tilespmem:s29+$0x1480] =	vst v48;
	v10 =	vld [tilespmem:s12+$0x3F0];
	s12 =	spop (v2sf);
	(v2sf) =	vpush v0, $0xA  }
0x19a: {  	[tilespmem:s29+$0x1490] =	vst v49;
	v11 =	vld [tilespmem:s12+$0x560]  }
0x19b: {  	v12 =	vld [tilespmem:s12+$0x570];
	[tilespmem:s30+$0x1320] =	vst v5  }
0x19c: {  	[tilespmem:s30+$0x1330] =	vst v6  }
0x19d: {  	[tilespmem:s30+$0x1340] =	vst v7  }
0x19e: {  	[tilespmem:s30+$0x1350] =	vst v8  }
0x19f: {  	[tilespmem:s30+$0x1360] =	vst v9  }
0x1a0: {  	v57 =	vld [tilespmem:s6+$0x10];
	[tilespmem:s30+$0x1370] =	vst v10  }
0x1a1: {  	v58 =	vld [tilespmem:s5+$0x300];
	[tilespmem:s30+$0x1380] =	vst v11  }
0x1a2: {  	v59 =	vld [tilespmem:s5+$0x310];
	[tilespmem:s30+$0x1390] =	vst v12;
	s12 =	spop (v2sf)  }
0x1a3: {  	v5 =	vld [tilespmem:s12+$0x0]  }
0x1a4: {  	v6 =	vld [tilespmem:s12+$0x10];
	s12 =	spop (v2sf)  }
0x1a5: {  	v7 =	vld [tilespmem:s12+$0x300]  }
0x1a6: {  	v8 =	vld [tilespmem:s12+$0x310];
	s12 =	spop (v2sf)  }
0x1a7: {  	v9 =	vld [tilespmem:s12+$0x3E0]  }
0x1a8: {  	v10 =	vld [tilespmem:s12+$0x3F0];
	s12 =	spop (v2sf)  }
0x1a9: {  	v11 =	vld [tilespmem:s12+$0x560]  }
0x1aa: {  	v60 =	vld [tilespmem:s4+$0x3E0]  }
0x1ab: {  	v61 =	vld [tilespmem:s4+$0x3F0]  }
0x1ac: {  	v62 =	vld [tilespmem:s3+$0x560]  }
0x1ad: {  	v63 =	vld [tilespmem:s3+$0x570]  }
0x1ae: {  	v12 =	vld [tilespmem:s12+$0x570];
	[tilespmem:s30+$0x1400] =	vst v11  }
0x1af: {  	(v2sf) =	vpush v3, $0xB;
	v11 =	vld [tilespmem:s6+$0x0];
	[tilespmem:s29+$0x14B0] =	vst v57  }
0x1b0: {  	[tilespmem:s29+$0x14C0] =	vst v58  }
0x1b1: {  	(v2sf) =	vpush v2, $0xB;
	[tilespmem:s29+$0x14D0] =	vst v59  }
0x1b2: {  	[tilespmem:s29+$0x14E0] =	vst v60  }
0x1b3: {  	(v2sf) =	vpush v1, $0xB;
	[tilespmem:s29+$0x14F0] =	vst v61  }
0x1b4: {  	[tilespmem:s29+$0x1500] =	vst v62  }
0x1b5: {  	(v2sf) =	vpush v0, $0xB;
	[tilespmem:s29+$0x1510] =	vst v63  }
0x1b6: {  	[tilespmem:s29+$0x14A0] =	vst v11  }
0x1b7: {  	[tilespmem:s30+$0x13F0] =	vst v10;
	v10 =	vld [tilespmem:s24+$0x0]  }
0x1b8: {  	[tilespmem:s30+$0x13A0] =	vst v5;
	v23 =	vld [tilespmem:s24+$0x10]  }
0x1b9: {  	[tilespmem:s30+$0x13B0] =	vst v6;
	v24 =	vld [tilespmem:s23+$0x300]  }
0x1ba: {  	[tilespmem:s30+$0x13C0] =	vst v7;
	v25 =	vld [tilespmem:s23+$0x310]  }
0x1bb: {  	[tilespmem:s30+$0x13D0] =	vst v8;
	v26 =	vld [tilespmem:s20+$0x3E0]  }
0x1bc: {  	[tilespmem:s30+$0x13E0] =	vst v9;
	v27 =	vld [tilespmem:s20+$0x3F0]  }
0x1bd: {  	[tilespmem:s30+$0x1410] =	vst v12;
	v28 =	vld [tilespmem:s19+$0x560]  }
0x1be: {  	s8 =	spop (v2sf);
	v29 =	vld [tilespmem:s19+$0x570];
	[tilespmem:s29+$0x1520] =	vst v10  }
0x1bf: {  	(v2sf) =	vpush v3, $0xC;
	v50 =	vld [tilespmem:s8+$0x0];
	[tilespmem:s29+$0x1530] =	vst v23  }
0x1c0: {  	v51 =	vld [tilespmem:s8+$0x10];
	s9 =	spop (v2sf);
	[tilespmem:s29+$0x1540] =	vst v24  }
0x1c1: {  	(v2sf) =	vpush v2, $0xC;
	v52 =	vld [tilespmem:s9+$0x300];
	[tilespmem:s29+$0x1550] =	vst v25  }
0x1c2: {  	v53 =	vld [tilespmem:s9+$0x310];
	s10 =	spop (v2sf);
	[tilespmem:s29+$0x1560] =	vst v26  }
0x1c3: {  	(v2sf) =	vpush v1, $0xC;
	v54 =	vld [tilespmem:s10+$0x3E0];
	[tilespmem:s29+$0x1570] =	vst v27  }
0x1c4: {  	v55 =	vld [tilespmem:s10+$0x3F0];
	s12 =	spop (v2sf);
	[tilespmem:s29+$0x1580] =	vst v28  }
0x1c5: {  	(v2sf) =	vpush v0, $0xC;
	v56 =	vld [tilespmem:s12+$0x560];
	[tilespmem:s29+$0x1590] =	vst v29  }
0x1c6: {  	v12 =	vld [tilespmem:s12+$0x570];
	[tilespmem:s30+$0x1420] =	vst v50  }
0x1c7: {  	[tilespmem:s30+$0x1430] =	vst v51;
	v9 =	vld [tilespmem:s18+$0x0]  }
0x1c8: {  	v37 =	vld [tilespmem:s18+$0x10];
	[tilespmem:s30+$0x1440] =	vst v52  }
0x1c9: {  	v38 =	vld [tilespmem:s17+$0x300];
	[tilespmem:s30+$0x1450] =	vst v53  }
0x1ca: {  	v39 =	vld [tilespmem:s17+$0x310];
	[tilespmem:s30+$0x1460] =	vst v54  }
0x1cb: {  	v40 =	vld [tilespmem:s16+$0x3E0];
	[tilespmem:s30+$0x1470] =	vst v55  }
0x1cc: {  	v41 =	vld [tilespmem:s16+$0x3F0];
	[tilespmem:s30+$0x1480] =	vst v56  }
0x1cd: {  	v42 =	vld [tilespmem:s15+$0x560];
	[tilespmem:s30+$0x1490] =	vst v12  }
0x1ce: {  	v43 =	vld [tilespmem:s15+$0x570];
	[tilespmem:s29+$0x15A0] =	vst v9;
	s4 =	spop (v2sf);
	(v2sf) =	vpush v3, $0xD  }
0x1cf: {  	[tilespmem:s29+$0x15B0] =	vst v37;
	v16 =	vld [tilespmem:s4+$0x0]  }
0x1d0: {  	[tilespmem:s29+$0x15C0] =	vst v38;
	v17 =	vld [tilespmem:s4+$0x10];
	s5 =	spop (v2sf);
	(v2sf) =	vpush v2, $0xD  }
0x1d1: {  	[tilespmem:s29+$0x15D0] =	vst v39;
	v18 =	vld [tilespmem:s5+$0x300]  }
0x1d2: {  	[tilespmem:s29+$0x15E0] =	vst v40;
	v19 =	vld [tilespmem:s5+$0x310];
	s6 =	spop (v2sf);
	(v2sf) =	vpush v1, $0xD  }
0x1d3: {  	[tilespmem:s29+$0x15F0] =	vst v41;
	v20 =	vld [tilespmem:s6+$0x3E0]  }
0x1d4: {  	[tilespmem:s29+$0x1600] =	vst v42;
	v21 =	vld [tilespmem:s6+$0x3F0];
	s7 =	spop (v2sf);
	(v2sf) =	vpush v0, $0xD  }
0x1d5: {  	[tilespmem:s29+$0x1610] =	vst v43;
	v22 =	vld [tilespmem:s7+$0x560]  }
0x1d6: {  	v12 =	vld [tilespmem:s7+$0x570];
	[tilespmem:s30+$0x14A0] =	vst v16  }
0x1d7: {  	[tilespmem:s30+$0x14B0] =	vst v17  }
0x1d8: {  	[tilespmem:s30+$0x14C0] =	vst v18  }
0x1d9: {  	[tilespmem:s30+$0x14D0] =	vst v19  }
0x1da: {  	[tilespmem:s30+$0x14E0] =	vst v20  }
0x1db: {  	[tilespmem:s30+$0x14F0] =	vst v21  }
0x1dc: {  	[tilespmem:s30+$0x1500] =	vst v22  }
0x1dd: {  	v6 =	vld [tilespmem:s14+$0x0];
	[tilespmem:s30+$0x1510] =	vst v12;
	s8 =	spop (v2sf);
	(v2sf) =	vpush v3, $0xE  }
0x1de: {  	v30 =	vld [tilespmem:s8+$0x0]  }
0x1df: {  	v31 =	vld [tilespmem:s8+$0x10];
	s9 =	spop (v2sf);
	(v2sf) =	vpush v2, $0xE  }
0x1e0: {  	v32 =	vld [tilespmem:s9+$0x300]  }
0x1e1: {  	v33 =	vld [tilespmem:s9+$0x310];
	s10 =	spop (v2sf);
	(v2sf) =	vpush v1, $0xE  }
0x1e2: {  	v34 =	vld [tilespmem:s10+$0x3E0]  }
0x1e3: {  	v35 =	vld [tilespmem:s10+$0x3F0];
	s12 =	spop (v2sf);
	(v2sf) =	vpush v0, $0xE  }
0x1e4: {  	v36 =	vld [tilespmem:s12+$0x560]  }
0x1e5: {  	v12 =	vld [tilespmem:s12+$0x570];
	[tilespmem:s30+$0x1520] =	vst v30  }
0x1e6: {  	v7 =	vld [tilespmem:s14+$0x10];
	[tilespmem:s30+$0x1530] =	vst v31  }
0x1e7: {  	v52 =	vld [tilespmem:s2+$0x300];
	[tilespmem:s30+$0x1540] =	vst v32  }
0x1e8: {  	v8 =	vld [tilespmem:s2+$0x310];
	[tilespmem:s30+$0x1550] =	vst v33  }
0x1e9: {  	v53 =	vld [tilespmem:s0+$0x3E0];
	[tilespmem:s30+$0x1560] =	vst v34  }
0x1ea: {  	v54 =	vld [tilespmem:s0+$0x3F0];
	[tilespmem:s30+$0x1570] =	vst v35  }
0x1eb: {  	v55 =	vld [tilespmem:s31+$0x560];
	[tilespmem:s30+$0x1580] =	vst v36  }
0x1ec: {  	v56 =	vld [tilespmem:s31+$0x570];
	[tilespmem:s30+$0x1590] =	vst v12;
	s15 =	spop (v2sf);
	(v2sf) =	vpush v3, $0xF  }
0x1ed: {  	v44 =	vld [tilespmem:s15+$0x0]  }
0x1ee: {  	v45 =	vld [tilespmem:s15+$0x10];
	s16 =	spop (v2sf);
	(v2sf) =	vpush v2, $0xF  }
0x1ef: {  	v46 =	vld [tilespmem:s16+$0x300]  }
0x1f0: {  	v47 =	vld [tilespmem:s16+$0x310];
	s17 =	spop (v2sf);
	(v2sf) =	vpush v1, $0xF  }
0x1f1: {  	v48 =	vld [tilespmem:s17+$0x3E0]  }
0x1f2: {  	v49 =	vld [tilespmem:s17+$0x3F0];
	s18 =	spop (v2sf);
	(v2sf) =	vpush v0, $0xF  }
0x1f3: {  	[tilespmem:s29+$0x1620] =	vst v6;
	v50 =	vld [tilespmem:s18+$0x560]  }
0x1f4: {  	v51 =	vld [tilespmem:s18+$0x570];
	[tilespmem:s30+$0x15A0] =	vst v44  }
0x1f5: {  	[tilespmem:s30+$0x15B0] =	vst v45  }
0x1f6: {  	[tilespmem:s30+$0x15C0] =	vst v46  }
0x1f7: {  	[tilespmem:s30+$0x15D0] =	vst v47  }
0x1f8: {  	[tilespmem:s30+$0x15E0] =	vst v48  }
0x1f9: {  	[tilespmem:s30+$0x15F0] =	vst v49  }
0x1fa: {  	[tilespmem:s30+$0x1600] =	vst v50  }
0x1fb: {  	[tilespmem:s30+$0x1610] =	vst v51;
	s19 =	spop (v2sf)  }
0x1fc: {  	[tilespmem:s29+$0x1630] =	vst v7;
	v0 =	vld [tilespmem:s19+$0x0]  }
0x1fd: {  	[tilespmem:s29+$0x1640] =	vst v52;
	s20 =	spop (v2sf);
	v57 =	vld [tilespmem:s19+$0x10]  }
0x1fe: {  	[tilespmem:s29+$0x1650] =	vst v8;
	v58 =	vld [tilespmem:s20+$0x300]  }
0x1ff: {  	[tilespmem:s29+$0x1660] =	vst v53;
	s23 =	spop (v2sf);
	v59 =	vld [tilespmem:s20+$0x310]  }
0x200: {  	[tilespmem:s29+$0x1670] =	vst v54;
	v60 =	vld [tilespmem:s23+$0x3E0]  }
0x201: {  	[tilespmem:s29+$0x1680] =	vst v55;
	s24 =	spop (v2sf);
	v61 =	vld [tilespmem:s23+$0x3F0]  }
0x202: {  	[tilespmem:s29+$0x1690] =	vst v56;
	v62 =	vld [tilespmem:s24+$0x560]  }
0x203: {  	v63 =	vld [tilespmem:s24+$0x570];
	[tilespmem:s30+$0x1620] =	vst v0  }
0x204: {  	[tilespmem:s30+$0x1630] =	vst v57  }
0x205: {  	p0 =	slt.u32 s28, $0xE;
	[tilespmem:s30+$0x1640] =	vst v58  }
.Ltmp0:
0x206: {  	[tilespmem:s30+$0x1650] =	vst v59;
	(pc) =	sbr.rel @p0 .LBB2_2-.Ltmp0, $4  }
0x207: {  	[tilespmem:s30+$0x1660] =	vst v60  }
0x208: {  	[tilespmem:s30+$0x1670] =	vst v61  }
0x209: {  	s31 =	sadd.s32 $0x2, s28;
	[tilespmem:s30+$0x1680] =	vst v62  }
0x20a: {  	s28 =	smov.u32 s31;
	[tilespmem:s30+$0x1690] =	vst v63  }
0x20b: {  	s0 =	simm.s32 $0xEA0;
	s28 =	simm.s32 $0x10  }
0x20c: {  	[hbm4b:s11+s1] =	stream.linear.scatter [tilespmem:s0], [sflag:$0x3], $0x8000, $0x38;
	[tilespmem:$0x10EA0] =	vst v63  }
.LBB2_4:
0x20d: {  	s0 =	sshll.u32 s28, $0x4  }
0x20e: {  	v0 =	vld [tilespmem:s0+$0x6A0];
	_ =	sdelay $0x1  }
0x20f: {  	v1 =	vld [tilespmem:s0+$0x8A0];
	_ =	sdelay $0x1  }
0x210: {  	v2 =	vld [tilespmem:s0+$0xAA0]  }
0x211: {  	v0 =	vshll.u32 v0, $0x5  }
0x212: {  	v4 =	vld [tilespmem:s0+$0xCA0];
	(v2sf) =	vpush v0, $0x0  }
0x213: {  	v1 =	vshll.u32 v1, $0x5  }
0x214: {  	(v2sf) =	vpush v1, $0x0  }
0x215: {  	v3 =	vshll.u32 v2, $0x5  }
0x216: {  	(v2sf) =	vpush v3, $0x0  }
0x217: {  	v30 =	vshll.u32 v4, $0x5  }
0x218: {  	(v2sf) =	vpush v30, $0x0;
	_ =	sdelay $0x8  }
0x219: {  	(v2sf) =	vpush v0, $0x1;
	s29 =	spop (v2sf)  }
0x21a: {  	v31 =	vld [tilespmem:s29+$0x0]  }
0x21b: {  	(v2sf) =	vpush v1, $0x1;
	s2 =	spop (v2sf);
	v5 =	vld [tilespmem:s29+$0x10]  }
0x21c: {  	v6 =	vld [tilespmem:s2+$0x300]  }
0x21d: {  	(v2sf) =	vpush v3, $0x1;
	s30 =	spop (v2sf);
	v7 =	vld [tilespmem:s2+$0x310]  }
0x21e: {  	v8 =	vld [tilespmem:s30+$0x3E0]  }
0x21f: {  	s3 =	sshll.u32 s28, $0xB;
	(v2sf) =	vpush v30, $0x1;
	s31 =	spop (v2sf);
	v9 =	vld [tilespmem:s30+$0x3F0]  }
0x220: {  	s29 =	sand.u32 $0x3FFFF800, s3;
	v10 =	vld [tilespmem:s31+$0x560]  }
0x221: {  	v11 =	vld [tilespmem:s31+$0x570];
	[tilespmem:s29+$0xEA0] =	vst v31  }
0x222: {  	[tilespmem:s29+$0xEB0] =	vst v5  }
0x223: {  	[tilespmem:s29+$0xEC0] =	vst v6  }
0x224: {  	[tilespmem:s29+$0xED0] =	vst v7  }
0x225: {  	[tilespmem:s29+$0xEE0] =	vst v8  }
0x226: {  	[tilespmem:s29+$0xEF0] =	vst v9  }
0x227: {  	[tilespmem:s29+$0xF00] =	vst v10  }
0x228: {  	(v2sf) =	vpush v0, $0x2;
	s4 =	spop (v2sf);
	[tilespmem:s29+$0xF10] =	vst v11  }
0x229: {  	v4 =	vld [tilespmem:s4+$0x0]  }
0x22a: {  	(v2sf) =	vpush v1, $0x2;
	s5 =	spop (v2sf);
	v5 =	vld [tilespmem:s4+$0x10]  }
0x22b: {  	v6 =	vld [tilespmem:s5+$0x300]  }
0x22c: {  	(v2sf) =	vpush v3, $0x2;
	s6 =	spop (v2sf);
	v7 =	vld [tilespmem:s5+$0x310]  }
0x22d: {  	v8 =	vld [tilespmem:s6+$0x3E0]  }
0x22e: {  	(v2sf) =	vpush v30, $0x2;
	s7 =	spop (v2sf);
	v9 =	vld [tilespmem:s6+$0x3F0]  }
0x22f: {  	v10 =	vld [tilespmem:s7+$0x560]  }
0x230: {  	v11 =	vld [tilespmem:s7+$0x570];
	[tilespmem:s29+$0xF20] =	vst v4  }
0x231: {  	[tilespmem:s29+$0xF30] =	vst v5  }
0x232: {  	[tilespmem:s29+$0xF40] =	vst v6  }
0x233: {  	[tilespmem:s29+$0xF50] =	vst v7  }
0x234: {  	[tilespmem:s29+$0xF60] =	vst v8  }
0x235: {  	[tilespmem:s29+$0xF70] =	vst v9  }
0x236: {  	[tilespmem:s29+$0xF80] =	vst v10  }
0x237: {  	(v2sf) =	vpush v0, $0x3;
	s8 =	spop (v2sf);
	[tilespmem:s29+$0xF90] =	vst v11  }
0x238: {  	v4 =	vld [tilespmem:s8+$0x0]  }
0x239: {  	(v2sf) =	vpush v1, $0x3;
	s9 =	spop (v2sf);
	v5 =	vld [tilespmem:s8+$0x10]  }
0x23a: {  	v6 =	vld [tilespmem:s9+$0x300]  }
0x23b: {  	(v2sf) =	vpush v3, $0x3;
	s10 =	spop (v2sf);
	v7 =	vld [tilespmem:s9+$0x310]  }
0x23c: {  	v8 =	vld [tilespmem:s10+$0x3E0]  }
0x23d: {  	(v2sf) =	vpush v30, $0x3;
	s12 =	spop (v2sf);
	v9 =	vld [tilespmem:s10+$0x3F0]  }
0x23e: {  	v10 =	vld [tilespmem:s12+$0x560]  }
0x23f: {  	v11 =	vld [tilespmem:s12+$0x570];
	[tilespmem:s29+$0xFA0] =	vst v4  }
0x240: {  	[tilespmem:s29+$0xFB0] =	vst v5  }
0x241: {  	[tilespmem:s29+$0xFC0] =	vst v6  }
0x242: {  	[tilespmem:s29+$0xFD0] =	vst v7  }
0x243: {  	[tilespmem:s29+$0xFE0] =	vst v8  }
0x244: {  	[tilespmem:s29+$0xFF0] =	vst v9  }
0x245: {  	[tilespmem:s29+$0x1000] =	vst v10  }
0x246: {  	(v2sf) =	vpush v0, $0x4;
	s14 =	spop (v2sf);
	[tilespmem:s29+$0x1010] =	vst v11  }
0x247: {  	v4 =	vld [tilespmem:s14+$0x0]  }
0x248: {  	(v2sf) =	vpush v1, $0x4;
	s15 =	spop (v2sf);
	v5 =	vld [tilespmem:s14+$0x10]  }
0x249: {  	v6 =	vld [tilespmem:s15+$0x300]  }
0x24a: {  	(v2sf) =	vpush v3, $0x4;
	s16 =	spop (v2sf);
	v7 =	vld [tilespmem:s15+$0x310]  }
0x24b: {  	v8 =	vld [tilespmem:s16+$0x3E0]  }
0x24c: {  	(v2sf) =	vpush v30, $0x4;
	s17 =	spop (v2sf);
	v9 =	vld [tilespmem:s16+$0x3F0]  }
0x24d: {  	v10 =	vld [tilespmem:s17+$0x560]  }
0x24e: {  	v11 =	vld [tilespmem:s17+$0x570];
	[tilespmem:s29+$0x1020] =	vst v4  }
0x24f: {  	[tilespmem:s29+$0x1030] =	vst v5  }
0x250: {  	[tilespmem:s29+$0x1040] =	vst v6  }
0x251: {  	[tilespmem:s29+$0x1050] =	vst v7  }
0x252: {  	[tilespmem:s29+$0x1060] =	vst v8  }
0x253: {  	[tilespmem:s29+$0x1070] =	vst v9  }
0x254: {  	[tilespmem:s29+$0x1080] =	vst v10  }
0x255: {  	(v2sf) =	vpush v0, $0x5;
	s18 =	spop (v2sf);
	[tilespmem:s29+$0x1090] =	vst v11  }
0x256: {  	v4 =	vld [tilespmem:s18+$0x0]  }
0x257: {  	(v2sf) =	vpush v1, $0x5;
	s19 =	spop (v2sf);
	v5 =	vld [tilespmem:s18+$0x10]  }
0x258: {  	v6 =	vld [tilespmem:s19+$0x300]  }
0x259: {  	(v2sf) =	vpush v3, $0x5;
	s20 =	spop (v2sf);
	v7 =	vld [tilespmem:s19+$0x310]  }
0x25a: {  	v8 =	vld [tilespmem:s20+$0x3E0]  }
0x25b: {  	(v2sf) =	vpush v30, $0x5;
	s23 =	spop (v2sf);
	v9 =	vld [tilespmem:s20+$0x3F0]  }
0x25c: {  	v10 =	vld [tilespmem:s23+$0x560]  }
0x25d: {  	v11 =	vld [tilespmem:s23+$0x570];
	[tilespmem:s29+$0x10A0] =	vst v4  }
0x25e: {  	[tilespmem:s29+$0x10B0] =	vst v5  }
0x25f: {  	[tilespmem:s29+$0x10C0] =	vst v6  }
0x260: {  	[tilespmem:s29+$0x10D0] =	vst v7  }
0x261: {  	[tilespmem:s29+$0x10E0] =	vst v8  }
0x262: {  	[tilespmem:s29+$0x10F0] =	vst v9  }
0x263: {  	[tilespmem:s29+$0x1100] =	vst v10  }
0x264: {  	(v2sf) =	vpush v0, $0x6;
	s24 =	spop (v2sf);
	[tilespmem:s29+$0x1110] =	vst v11  }
0x265: {  	v4 =	vld [tilespmem:s24+$0x0]  }
0x266: {  	(v2sf) =	vpush v1, $0x6;
	s30 =	spop (v2sf);
	v5 =	vld [tilespmem:s24+$0x10]  }
0x267: {  	v6 =	vld [tilespmem:s30+$0x300]  }
0x268: {  	(v2sf) =	vpush v3, $0x6;
	s31 =	spop (v2sf);
	v7 =	vld [tilespmem:s30+$0x310]  }
0x269: {  	v8 =	vld [tilespmem:s31+$0x3E0]  }
0x26a: {  	(v2sf) =	vpush v30, $0x6;
	s3 =	spop (v2sf);
	v9 =	vld [tilespmem:s31+$0x3F0]  }
0x26b: {  	v10 =	vld [tilespmem:s3+$0x560]  }
0x26c: {  	v11 =	vld [tilespmem:s3+$0x570];
	[tilespmem:s29+$0x1120] =	vst v4  }
0x26d: {  	[tilespmem:s29+$0x1130] =	vst v5  }
0x26e: {  	[tilespmem:s29+$0x1140] =	vst v6  }
0x26f: {  	[tilespmem:s29+$0x1150] =	vst v7  }
0x270: {  	[tilespmem:s29+$0x1160] =	vst v8  }
0x271: {  	[tilespmem:s29+$0x1170] =	vst v9  }
0x272: {  	[tilespmem:s29+$0x1180] =	vst v10  }
0x273: {  	(v2sf) =	vpush v0, $0x7;
	s4 =	spop (v2sf);
	[tilespmem:s29+$0x1190] =	vst v11  }
0x274: {  	v4 =	vld [tilespmem:s4+$0x0]  }
0x275: {  	(v2sf) =	vpush v1, $0x7;
	s5 =	spop (v2sf);
	v5 =	vld [tilespmem:s4+$0x10]  }
0x276: {  	v6 =	vld [tilespmem:s5+$0x300]  }
0x277: {  	(v2sf) =	vpush v3, $0x7;
	s6 =	spop (v2sf);
	v7 =	vld [tilespmem:s5+$0x310]  }
0x278: {  	v8 =	vld [tilespmem:s6+$0x3E0]  }
0x279: {  	(v2sf) =	vpush v30, $0x7;
	s7 =	spop (v2sf);
	v9 =	vld [tilespmem:s6+$0x3F0]  }
0x27a: {  	v10 =	vld [tilespmem:s7+$0x560]  }
0x27b: {  	v11 =	vld [tilespmem:s7+$0x570];
	[tilespmem:s29+$0x11A0] =	vst v4  }
0x27c: {  	[tilespmem:s29+$0x11B0] =	vst v5  }
0x27d: {  	[tilespmem:s29+$0x11C0] =	vst v6  }
0x27e: {  	[tilespmem:s29+$0x11D0] =	vst v7  }
0x27f: {  	[tilespmem:s29+$0x11E0] =	vst v8  }
0x280: {  	[tilespmem:s29+$0x11F0] =	vst v9  }
0x281: {  	[tilespmem:s29+$0x1200] =	vst v10  }
0x282: {  	(v2sf) =	vpush v0, $0x8;
	s8 =	spop (v2sf);
	[tilespmem:s29+$0x1210] =	vst v11  }
0x283: {  	v4 =	vld [tilespmem:s8+$0x0]  }
0x284: {  	(v2sf) =	vpush v1, $0x8;
	s9 =	spop (v2sf);
	v5 =	vld [tilespmem:s8+$0x10]  }
0x285: {  	v6 =	vld [tilespmem:s9+$0x300]  }
0x286: {  	(v2sf) =	vpush v3, $0x8;
	s10 =	spop (v2sf);
	v7 =	vld [tilespmem:s9+$0x310]  }
0x287: {  	v8 =	vld [tilespmem:s10+$0x3E0]  }
0x288: {  	(v2sf) =	vpush v30, $0x8;
	s12 =	spop (v2sf);
	v9 =	vld [tilespmem:s10+$0x3F0]  }
0x289: {  	v10 =	vld [tilespmem:s12+$0x560]  }
0x28a: {  	v11 =	vld [tilespmem:s12+$0x570];
	[tilespmem:s29+$0x1220] =	vst v4  }
0x28b: {  	[tilespmem:s29+$0x1230] =	vst v5  }
0x28c: {  	[tilespmem:s29+$0x1240] =	vst v6  }
0x28d: {  	[tilespmem:s29+$0x1250] =	vst v7  }
0x28e: {  	[tilespmem:s29+$0x1260] =	vst v8  }
0x28f: {  	[tilespmem:s29+$0x1270] =	vst v9  }
0x290: {  	[tilespmem:s29+$0x1280] =	vst v10  }
0x291: {  	(v2sf) =	vpush v0, $0x9;
	s14 =	spop (v2sf);
	[tilespmem:s29+$0x1290] =	vst v11  }
0x292: {  	v4 =	vld [tilespmem:s14+$0x0]  }
0x293: {  	(v2sf) =	vpush v1, $0x9;
	s15 =	spop (v2sf);
	v5 =	vld [tilespmem:s14+$0x10]  }
0x294: {  	v6 =	vld [tilespmem:s15+$0x300]  }
0x295: {  	(v2sf) =	vpush v3, $0x9;
	s16 =	spop (v2sf);
	v7 =	vld [tilespmem:s15+$0x310]  }
0x296: {  	v8 =	vld [tilespmem:s16+$0x3E0]  }
0x297: {  	(v2sf) =	vpush v30, $0x9;
	s17 =	spop (v2sf);
	v9 =	vld [tilespmem:s16+$0x3F0]  }
0x298: {  	v10 =	vld [tilespmem:s17+$0x560]  }
0x299: {  	v11 =	vld [tilespmem:s17+$0x570];
	[tilespmem:s29+$0x12A0] =	vst v4  }
0x29a: {  	[tilespmem:s29+$0x12B0] =	vst v5  }
0x29b: {  	[tilespmem:s29+$0x12C0] =	vst v6  }
0x29c: {  	[tilespmem:s29+$0x12D0] =	vst v7  }
0x29d: {  	[tilespmem:s29+$0x12E0] =	vst v8  }
0x29e: {  	[tilespmem:s29+$0x12F0] =	vst v9  }
0x29f: {  	[tilespmem:s29+$0x1300] =	vst v10  }
0x2a0: {  	(v2sf) =	vpush v0, $0xA;
	s18 =	spop (v2sf);
	[tilespmem:s29+$0x1310] =	vst v11  }
0x2a1: {  	v4 =	vld [tilespmem:s18+$0x0]  }
0x2a2: {  	(v2sf) =	vpush v1, $0xA;
	s19 =	spop (v2sf);
	v5 =	vld [tilespmem:s18+$0x10]  }
0x2a3: {  	v6 =	vld [tilespmem:s19+$0x300]  }
0x2a4: {  	(v2sf) =	vpush v3, $0xA;
	s20 =	spop (v2sf);
	v7 =	vld [tilespmem:s19+$0x310]  }
0x2a5: {  	v8 =	vld [tilespmem:s20+$0x3E0]  }
0x2a6: {  	(v2sf) =	vpush v30, $0xA;
	s23 =	spop (v2sf);
	v9 =	vld [tilespmem:s20+$0x3F0]  }
0x2a7: {  	v10 =	vld [tilespmem:s23+$0x560]  }
0x2a8: {  	v11 =	vld [tilespmem:s23+$0x570];
	[tilespmem:s29+$0x1320] =	vst v4  }
0x2a9: {  	[tilespmem:s29+$0x1330] =	vst v5  }
0x2aa: {  	[tilespmem:s29+$0x1340] =	vst v6  }
0x2ab: {  	[tilespmem:s29+$0x1350] =	vst v7  }
0x2ac: {  	(v2sf) =	vpush v0, $0xB;
	[tilespmem:s29+$0x1360] =	vst v8  }
0x2ad: {  	(v2sf) =	vpush v1, $0xB;
	[tilespmem:s29+$0x1370] =	vst v9  }
0x2ae: {  	(v2sf) =	vpush v3, $0xB;
	[tilespmem:s29+$0x1380] =	vst v10  }
0x2af: {  	(v2sf) =	vpush v30, $0xB;
	s24 =	spop (v2sf);
	[tilespmem:s29+$0x1390] =	vst v11  }
0x2b0: {  	v4 =	vld [tilespmem:s24+$0x0]  }
0x2b1: {  	s30 =	spop (v2sf);
	v5 =	vld [tilespmem:s24+$0x10]  }
0x2b2: {  	v6 =	vld [tilespmem:s30+$0x300]  }
0x2b3: {  	s31 =	spop (v2sf);
	v7 =	vld [tilespmem:s30+$0x310]  }
0x2b4: {  	v8 =	vld [tilespmem:s31+$0x3E0]  }
0x2b5: {  	s3 =	spop (v2sf);
	v9 =	vld [tilespmem:s31+$0x3F0]  }
0x2b6: {  	v10 =	vld [tilespmem:s3+$0x560]  }
0x2b7: {  	v11 =	vld [tilespmem:s3+$0x570];
	[tilespmem:s29+$0x13A0] =	vst v4  }
0x2b8: {  	[tilespmem:s29+$0x13B0] =	vst v5  }
0x2b9: {  	[tilespmem:s29+$0x13C0] =	vst v6  }
0x2ba: {  	[tilespmem:s29+$0x13D0] =	vst v7  }
0x2bb: {  	s10 =	spop (v2sf);
	[tilespmem:s29+$0x13E0] =	vst v8  }
0x2bc: {  	s9 =	spop (v2sf);
	[tilespmem:s29+$0x13F0] =	vst v9  }
0x2bd: {  	s8 =	spop (v2sf);
	[tilespmem:s29+$0x1400] =	vst v10  }
0x2be: {  	s7 =	spop (v2sf);
	[tilespmem:s29+$0x1410] =	vst v11  }
0x2bf: {  	v4 =	vld [tilespmem:s10+$0x0];
	(v2sf) =	vpush v0, $0xC  }
0x2c0: {  	(v2sf) =	vpush v1, $0xC  }
0x2c1: {  	(v2sf) =	vpush v3, $0xC  }
0x2c2: {  	(v2sf) =	vpush v30, $0xC  }
0x2c3: {  	(v2sf) =	vpush v0, $0xD  }
0x2c4: {  	(v2sf) =	vpush v1, $0xD  }
0x2c5: {  	(v2sf) =	vpush v3, $0xD  }
0x2c6: {  	(v2sf) =	vpush v30, $0xD  }
0x2c7: {  	s12 =	sor.u32 $0x1, s28;
	(v2sf) =	vpush v0, $0xE  }
0x2c8: {  	s4 =	sshll.u32 s12, $0x4;
	(v2sf) =	vpush v1, $0xE  }
0x2c9: {  	v32 =	vld [tilespmem:s4+$0x6A0];
	(v2sf) =	vpush v3, $0xE  }
0x2ca: {  	(v2sf) =	vpush v30, $0xE  }
0x2cb: {  	v33 =	vld [tilespmem:s4+$0x8A0];
	(v2sf) =	vpush v0, $0xF  }
0x2cc: {  	(v2sf) =	vpush v1, $0xF  }
0x2cd: {  	v34 =	vld [tilespmem:s4+$0xAA0];
	(v2sf) =	vpush v3, $0xF  }
0x2ce: {  	v3 =	vshll.u32 v32, $0x5;
	s6 =	spop (v2sf);
	(v2sf) =	vpush v30, $0xF  }
0x2cf: {  	v35 =	vld [tilespmem:s4+$0xCA0];
	s5 =	spop (v2sf);
	(v2sf) =	vpush v3, $0x0  }
0x2d0: {  	v2 =	vshll.u32 v33, $0x5;
	s4 =	spop (v2sf)  }
0x2d1: {  	(v2sf) =	vpush v2, $0x0;
	s3 =	spop (v2sf)  }
0x2d2: {  	v1 =	vshll.u32 v34, $0x5;
	s24 =	spop (v2sf)  }
0x2d3: {  	(v2sf) =	vpush v1, $0x0;
	s23 =	spop (v2sf)  }
0x2d4: {  	v0 =	vshll.u32 v35, $0x5;
	s20 =	spop (v2sf)  }
0x2d5: {  	(v2sf) =	vpush v0, $0x0;
	s19 =	spop (v2sf)  }
0x2d6: {  	s18 =	spop (v2sf)  }
0x2d7: {  	s17 =	spop (v2sf)  }
0x2d8: {  	s16 =	spop (v2sf)  }
0x2d9: {  	s15 =	spop (v2sf)  }
0x2da: {  	s14 =	spop (v2sf)  }
0x2db: {  	s2 =	spop (v2sf)  }
0x2dc: {  	s0 =	spop (v2sf)  }
0x2dd: {  	s31 =	spop (v2sf)  }
0x2de: {  	s30 =	spop (v2sf)  }
0x2df: {  	(v2sf) =	vpush v3, $0x1;
	v36 =	vld [tilespmem:s30+$0x0]  }
0x2e0: {  	v37 =	vld [tilespmem:s30+$0x10];
	s30 =	spop (v2sf)  }
0x2e1: {  	(v2sf) =	vpush v2, $0x1;
	v38 =	vld [tilespmem:s30+$0x300]  }
0x2e2: {  	v39 =	vld [tilespmem:s30+$0x310];
	s30 =	spop (v2sf)  }
0x2e3: {  	(v2sf) =	vpush v1, $0x1;
	v40 =	vld [tilespmem:s30+$0x3E0]  }
0x2e4: {  	v41 =	vld [tilespmem:s30+$0x3F0];
	s30 =	spop (v2sf)  }
0x2e5: {  	s12 =	sshll.u32 s12, $0xB;
	(v2sf) =	vpush v0, $0x1;
	v42 =	vld [tilespmem:s30+$0x560]  }
0x2e6: {  	v12 =	vld [tilespmem:s30+$0x570];
	s30 =	sand.u32 $0x3FFFF800, s12  }
0x2e7: {  	[tilespmem:s30+$0xEA0] =	vst v36  }
0x2e8: {  	[tilespmem:s30+$0xEB0] =	vst v37  }
0x2e9: {  	[tilespmem:s30+$0xEC0] =	vst v38  }
0x2ea: {  	[tilespmem:s30+$0xED0] =	vst v39  }
0x2eb: {  	[tilespmem:s30+$0xEE0] =	vst v40  }
0x2ec: {  	[tilespmem:s30+$0xEF0] =	vst v41  }
0x2ed: {  	[tilespmem:s30+$0xF00] =	vst v42  }
0x2ee: {  	[tilespmem:s30+$0xF10] =	vst v12;
	s12 =	spop (v2sf);
	(v2sf) =	vpush v3, $0x2  }
0x2ef: {  	v5 =	vld [tilespmem:s12+$0x0]  }
0x2f0: {  	v6 =	vld [tilespmem:s12+$0x10];
	s12 =	spop (v2sf);
	(v2sf) =	vpush v2, $0x2  }
0x2f1: {  	v7 =	vld [tilespmem:s12+$0x300]  }
0x2f2: {  	v8 =	vld [tilespmem:s12+$0x310];
	s12 =	spop (v2sf);
	(v2sf) =	vpush v1, $0x2  }
0x2f3: {  	v9 =	vld [tilespmem:s12+$0x3E0]  }
0x2f4: {  	v10 =	vld [tilespmem:s12+$0x3F0];
	s12 =	spop (v2sf);
	(v2sf) =	vpush v0, $0x2  }
0x2f5: {  	v11 =	vld [tilespmem:s12+$0x560]  }
0x2f6: {  	v12 =	vld [tilespmem:s12+$0x570];
	[tilespmem:s30+$0xF20] =	vst v5  }
0x2f7: {  	[tilespmem:s30+$0xF30] =	vst v6  }
0x2f8: {  	[tilespmem:s30+$0xF40] =	vst v7  }
0x2f9: {  	[tilespmem:s30+$0xF50] =	vst v8  }
0x2fa: {  	[tilespmem:s30+$0xF60] =	vst v9  }
0x2fb: {  	[tilespmem:s30+$0xF70] =	vst v10  }
0x2fc: {  	[tilespmem:s30+$0xF80] =	vst v11  }
0x2fd: {  	[tilespmem:s30+$0xF90] =	vst v12;
	s12 =	spop (v2sf);
	(v2sf) =	vpush v3, $0x3  }
0x2fe: {  	v5 =	vld [tilespmem:s12+$0x0]  }
0x2ff: {  	v6 =	vld [tilespmem:s12+$0x10];
	s12 =	spop (v2sf);
	(v2sf) =	vpush v2, $0x3  }
0x300: {  	v7 =	vld [tilespmem:s12+$0x300]  }
0x301: {  	v8 =	vld [tilespmem:s12+$0x310];
	s12 =	spop (v2sf);
	(v2sf) =	vpush v1, $0x3  }
0x302: {  	v9 =	vld [tilespmem:s12+$0x3E0]  }
0x303: {  	v10 =	vld [tilespmem:s12+$0x3F0];
	s12 =	spop (v2sf);
	(v2sf) =	vpush v0, $0x3  }
0x304: {  	v11 =	vld [tilespmem:s12+$0x560]  }
0x305: {  	v12 =	vld [tilespmem:s12+$0x570];
	[tilespmem:s30+$0xFA0] =	vst v5  }
0x306: {  	[tilespmem:s30+$0xFB0] =	vst v6  }
0x307: {  	[tilespmem:s30+$0xFC0] =	vst v7  }
0x308: {  	[tilespmem:s30+$0xFD0] =	vst v8  }
0x309: {  	[tilespmem:s30+$0xFE0] =	vst v9  }
0x30a: {  	[tilespmem:s30+$0xFF0] =	vst v10  }
0x30b: {  	[tilespmem:s30+$0x1000] =	vst v11  }
0x30c: {  	[tilespmem:s30+$0x1010] =	vst v12;
	s12 =	spop (v2sf);
	(v2sf) =	vpush v3, $0x4  }
0x30d: {  	v5 =	vld [tilespmem:s12+$0x0]  }
0x30e: {  	v6 =	vld [tilespmem:s12+$0x10];
	s12 =	spop (v2sf);
	(v2sf) =	vpush v2, $0x4  }
0x30f: {  	v7 =	vld [tilespmem:s12+$0x300]  }
0x310: {  	v8 =	vld [tilespmem:s12+$0x310];
	s12 =	spop (v2sf);
	(v2sf) =	vpush v1, $0x4  }
0x311: {  	v9 =	vld [tilespmem:s12+$0x3E0]  }
0x312: {  	v10 =	vld [tilespmem:s12+$0x3F0];
	s12 =	spop (v2sf);
	(v2sf) =	vpush v0, $0x4  }
0x313: {  	v11 =	vld [tilespmem:s12+$0x560]  }
0x314: {  	v12 =	vld [tilespmem:s12+$0x570];
	[tilespmem:s30+$0x1020] =	vst v5  }
0x315: {  	[tilespmem:s30+$0x1030] =	vst v6  }
0x316: {  	[tilespmem:s30+$0x1040] =	vst v7  }
0x317: {  	[tilespmem:s30+$0x1050] =	vst v8  }
0x318: {  	[tilespmem:s30+$0x1060] =	vst v9  }
0x319: {  	[tilespmem:s30+$0x1070] =	vst v10  }
0x31a: {  	[tilespmem:s30+$0x1080] =	vst v11  }
0x31b: {  	[tilespmem:s30+$0x1090] =	vst v12;
	s12 =	spop (v2sf);
	(v2sf) =	vpush v3, $0x5  }
0x31c: {  	v5 =	vld [tilespmem:s12+$0x0]  }
0x31d: {  	v6 =	vld [tilespmem:s12+$0x10];
	s12 =	spop (v2sf);
	(v2sf) =	vpush v2, $0x5  }
0x31e: {  	v7 =	vld [tilespmem:s12+$0x300]  }
0x31f: {  	v8 =	vld [tilespmem:s12+$0x310];
	s12 =	spop (v2sf);
	(v2sf) =	vpush v1, $0x5  }
0x320: {  	v9 =	vld [tilespmem:s12+$0x3E0]  }
0x321: {  	v10 =	vld [tilespmem:s12+$0x3F0];
	s12 =	spop (v2sf);
	(v2sf) =	vpush v0, $0x5  }
0x322: {  	v11 =	vld [tilespmem:s12+$0x560]  }
0x323: {  	v12 =	vld [tilespmem:s12+$0x570];
	[tilespmem:s30+$0x10A0] =	vst v5  }
0x324: {  	[tilespmem:s30+$0x10B0] =	vst v6  }
0x325: {  	[tilespmem:s30+$0x10C0] =	vst v7  }
0x326: {  	[tilespmem:s30+$0x10D0] =	vst v8  }
0x327: {  	[tilespmem:s30+$0x10E0] =	vst v9  }
0x328: {  	[tilespmem:s30+$0x10F0] =	vst v10  }
0x329: {  	[tilespmem:s30+$0x1100] =	vst v11  }
0x32a: {  	[tilespmem:s30+$0x1110] =	vst v12;
	s12 =	spop (v2sf);
	(v2sf) =	vpush v3, $0x6  }
0x32b: {  	v5 =	vld [tilespmem:s12+$0x0]  }
0x32c: {  	v6 =	vld [tilespmem:s12+$0x10];
	s12 =	spop (v2sf);
	(v2sf) =	vpush v2, $0x6  }
0x32d: {  	v7 =	vld [tilespmem:s12+$0x300]  }
0x32e: {  	v8 =	vld [tilespmem:s12+$0x310];
	s12 =	spop (v2sf);
	(v2sf) =	vpush v1, $0x6  }
0x32f: {  	v9 =	vld [tilespmem:s12+$0x3E0]  }
0x330: {  	v10 =	vld [tilespmem:s12+$0x3F0];
	s12 =	spop (v2sf);
	(v2sf) =	vpush v0, $0x6  }
0x331: {  	v11 =	vld [tilespmem:s12+$0x560]  }
0x332: {  	v12 =	vld [tilespmem:s12+$0x570];
	[tilespmem:s30+$0x1120] =	vst v5  }
0x333: {  	[tilespmem:s30+$0x1130] =	vst v6  }
0x334: {  	[tilespmem:s30+$0x1140] =	vst v7  }
0x335: {  	[tilespmem:s30+$0x1150] =	vst v8  }
0x336: {  	[tilespmem:s30+$0x1160] =	vst v9  }
0x337: {  	[tilespmem:s30+$0x1170] =	vst v10  }
0x338: {  	[tilespmem:s30+$0x1180] =	vst v11  }
0x339: {  	[tilespmem:s30+$0x1190] =	vst v12;
	s12 =	spop (v2sf);
	(v2sf) =	vpush v3, $0x7  }
0x33a: {  	v5 =	vld [tilespmem:s12+$0x0]  }
0x33b: {  	v6 =	vld [tilespmem:s12+$0x10];
	s12 =	spop (v2sf);
	(v2sf) =	vpush v2, $0x7  }
0x33c: {  	v7 =	vld [tilespmem:s12+$0x300]  }
0x33d: {  	v8 =	vld [tilespmem:s12+$0x310];
	s12 =	spop (v2sf);
	(v2sf) =	vpush v1, $0x7  }
0x33e: {  	v9 =	vld [tilespmem:s12+$0x3E0]  }
0x33f: {  	v10 =	vld [tilespmem:s12+$0x3F0];
	s12 =	spop (v2sf);
	(v2sf) =	vpush v0, $0x7  }
0x340: {  	v11 =	vld [tilespmem:s12+$0x560]  }
0x341: {  	v12 =	vld [tilespmem:s12+$0x570];
	[tilespmem:s30+$0x11A0] =	vst v5  }
0x342: {  	[tilespmem:s30+$0x11B0] =	vst v6  }
0x343: {  	[tilespmem:s30+$0x11C0] =	vst v7  }
0x344: {  	[tilespmem:s30+$0x11D0] =	vst v8  }
0x345: {  	[tilespmem:s30+$0x11E0] =	vst v9  }
0x346: {  	[tilespmem:s30+$0x11F0] =	vst v10  }
0x347: {  	[tilespmem:s30+$0x1200] =	vst v11  }
0x348: {  	[tilespmem:s30+$0x1210] =	vst v12;
	s12 =	spop (v2sf);
	(v2sf) =	vpush v3, $0x8  }
0x349: {  	v5 =	vld [tilespmem:s12+$0x0]  }
0x34a: {  	v6 =	vld [tilespmem:s12+$0x10];
	s12 =	spop (v2sf);
	(v2sf) =	vpush v2, $0x8  }
0x34b: {  	v7 =	vld [tilespmem:s12+$0x300]  }
0x34c: {  	v8 =	vld [tilespmem:s12+$0x310];
	s12 =	spop (v2sf);
	(v2sf) =	vpush v1, $0x8  }
0x34d: {  	v9 =	vld [tilespmem:s12+$0x3E0]  }
0x34e: {  	v10 =	vld [tilespmem:s12+$0x3F0];
	s12 =	spop (v2sf);
	(v2sf) =	vpush v0, $0x8  }
0x34f: {  	v11 =	vld [tilespmem:s12+$0x560]  }
0x350: {  	v12 =	vld [tilespmem:s12+$0x570];
	[tilespmem:s30+$0x1220] =	vst v5  }
0x351: {  	v43 =	vld [tilespmem:s10+$0x10];
	[tilespmem:s30+$0x1230] =	vst v6  }
0x352: {  	v44 =	vld [tilespmem:s9+$0x300];
	[tilespmem:s30+$0x1240] =	vst v7  }
0x353: {  	v45 =	vld [tilespmem:s9+$0x310];
	[tilespmem:s30+$0x1250] =	vst v8  }
0x354: {  	v46 =	vld [tilespmem:s8+$0x3E0];
	[tilespmem:s30+$0x1260] =	vst v9  }
0x355: {  	v47 =	vld [tilespmem:s8+$0x3F0];
	[tilespmem:s30+$0x1270] =	vst v10  }
0x356: {  	v48 =	vld [tilespmem:s7+$0x560];
	[tilespmem:s30+$0x1280] =	vst v11  }
0x357: {  	v49 =	vld [tilespmem:s7+$0x570];
	[tilespmem:s30+$0x1290] =	vst v12;
	s12 =	spop (v2sf);
	(v2sf) =	vpush v3, $0x9  }
0x358: {  	v5 =	vld [tilespmem:s12+$0x0]  }
0x359: {  	v6 =	vld [tilespmem:s12+$0x10];
	s12 =	spop (v2sf);
	(v2sf) =	vpush v2, $0x9  }
0x35a: {  	v7 =	vld [tilespmem:s12+$0x300]  }
0x35b: {  	v8 =	vld [tilespmem:s12+$0x310];
	s12 =	spop (v2sf);
	(v2sf) =	vpush v1, $0x9  }
0x35c: {  	v9 =	vld [tilespmem:s12+$0x3E0]  }
0x35d: {  	v10 =	vld [tilespmem:s12+$0x3F0];
	s12 =	spop (v2sf);
	(v2sf) =	vpush v0, $0x9  }
0x35e: {  	[tilespmem:s29+$0x1420] =	vst v4;
	v11 =	vld [tilespmem:s12+$0x560]  }
0x35f: {  	v12 =	vld [tilespmem:s12+$0x570];
	[tilespmem:s30+$0x12A0] =	vst v5  }
0x360: {  	[tilespmem:s30+$0x12B0] =	vst v6  }
0x361: {  	[tilespmem:s30+$0x12C0] =	vst v7  }
0x362: {  	[tilespmem:s30+$0x12D0] =	vst v8  }
0x363: {  	[tilespmem:s30+$0x12E0] =	vst v9  }
0x364: {  	[tilespmem:s30+$0x12F0] =	vst v10  }
0x365: {  	[tilespmem:s30+$0x1300] =	vst v11  }
0x366: {  	[tilespmem:s30+$0x1310] =	vst v12;
	s12 =	spop (v2sf);
	(v2sf) =	vpush v3, $0xA  }
0x367: {  	[tilespmem:s29+$0x1430] =	vst v43;
	v5 =	vld [tilespmem:s12+$0x0]  }
0x368: {  	[tilespmem:s29+$0x1440] =	vst v44;
	v6 =	vld [tilespmem:s12+$0x10];
	s12 =	spop (v2sf);
	(v2sf) =	vpush v2, $0xA  }
0x369: {  	[tilespmem:s29+$0x1450] =	vst v45;
	v7 =	vld [tilespmem:s12+$0x300]  }
0x36a: {  	[tilespmem:s29+$0x1460] =	vst v46;
	v8 =	vld [tilespmem:s12+$0x310];
	s12 =	spop (v2sf);
	(v2sf) =	vpush v1, $0xA  }
0x36b: {  	[tilespmem:s29+$0x1470] =	vst v47;
	v9 =	vld [tilespmem:s12+$0x3E0]  }
0x36c: {  	[tilespmem:s29+$0x1480] =	vst v48;
	v10 =	vld [tilespmem:s12+$0x3F0];
	s12 =	spop (v2sf);
	(v2sf) =	vpush v0, $0xA  }
0x36d: {  	[tilespmem:s29+$0x1490] =	vst v49;
	v11 =	vld [tilespmem:s12+$0x560]  }
0x36e: {  	v12 =	vld [tilespmem:s12+$0x570];
	[tilespmem:s30+$0x1320] =	vst v5  }
0x36f: {  	[tilespmem:s30+$0x1330] =	vst v6  }
0x370: {  	[tilespmem:s30+$0x1340] =	vst v7  }
0x371: {  	[tilespmem:s30+$0x1350] =	vst v8  }
0x372: {  	[tilespmem:s30+$0x1360] =	vst v9  }
0x373: {  	v57 =	vld [tilespmem:s6+$0x10];
	[tilespmem:s30+$0x1370] =	vst v10  }
0x374: {  	v58 =	vld [tilespmem:s5+$0x300];
	[tilespmem:s30+$0x1380] =	vst v11  }
0x375: {  	v59 =	vld [tilespmem:s5+$0x310];
	[tilespmem:s30+$0x1390] =	vst v12;
	s12 =	spop (v2sf)  }
0x376: {  	v5 =	vld [tilespmem:s12+$0x0]  }
0x377: {  	v6 =	vld [tilespmem:s12+$0x10];
	s12 =	spop (v2sf)  }
0x378: {  	v7 =	vld [tilespmem:s12+$0x300]  }
0x379: {  	v8 =	vld [tilespmem:s12+$0x310];
	s12 =	spop (v2sf)  }
0x37a: {  	v9 =	vld [tilespmem:s12+$0x3E0]  }
0x37b: {  	v10 =	vld [tilespmem:s12+$0x3F0];
	s12 =	spop (v2sf)  }
0x37c: {  	v11 =	vld [tilespmem:s12+$0x560]  }
0x37d: {  	v60 =	vld [tilespmem:s4+$0x3E0]  }
0x37e: {  	v61 =	vld [tilespmem:s4+$0x3F0]  }
0x37f: {  	v62 =	vld [tilespmem:s3+$0x560]  }
0x380: {  	v63 =	vld [tilespmem:s3+$0x570]  }
0x381: {  	v12 =	vld [tilespmem:s12+$0x570];
	[tilespmem:s30+$0x1400] =	vst v11  }
0x382: {  	(v2sf) =	vpush v3, $0xB;
	v11 =	vld [tilespmem:s6+$0x0];
	[tilespmem:s29+$0x14B0] =	vst v57  }
0x383: {  	[tilespmem:s29+$0x14C0] =	vst v58  }
0x384: {  	(v2sf) =	vpush v2, $0xB;
	[tilespmem:s29+$0x14D0] =	vst v59  }
0x385: {  	[tilespmem:s29+$0x14E0] =	vst v60  }
0x386: {  	(v2sf) =	vpush v1, $0xB;
	[tilespmem:s29+$0x14F0] =	vst v61  }
0x387: {  	[tilespmem:s29+$0x1500] =	vst v62  }
0x388: {  	(v2sf) =	vpush v0, $0xB;
	[tilespmem:s29+$0x1510] =	vst v63  }
0x389: {  	[tilespmem:s29+$0x14A0] =	vst v11  }
0x38a: {  	[tilespmem:s30+$0x13F0] =	vst v10;
	v10 =	vld [tilespmem:s24+$0x0]  }
0x38b: {  	[tilespmem:s30+$0x13A0] =	vst v5;
	v23 =	vld [tilespmem:s24+$0x10]  }
0x38c: {  	[tilespmem:s30+$0x13B0] =	vst v6;
	v24 =	vld [tilespmem:s23+$0x300]  }
0x38d: {  	[tilespmem:s30+$0x13C0] =	vst v7;
	v25 =	vld [tilespmem:s23+$0x310]  }
0x38e: {  	[tilespmem:s30+$0x13D0] =	vst v8;
	v26 =	vld [tilespmem:s20+$0x3E0]  }
0x38f: {  	[tilespmem:s30+$0x13E0] =	vst v9;
	v27 =	vld [tilespmem:s20+$0x3F0]  }
0x390: {  	[tilespmem:s30+$0x1410] =	vst v12;
	v28 =	vld [tilespmem:s19+$0x560]  }
0x391: {  	s8 =	spop (v2sf);
	v29 =	vld [tilespmem:s19+$0x570];
	[tilespmem:s29+$0x1520] =	vst v10  }
0x392: {  	(v2sf) =	vpush v3, $0xC;
	v50 =	vld [tilespmem:s8+$0x0];
	[tilespmem:s29+$0x1530] =	vst v23  }
0x393: {  	v51 =	vld [tilespmem:s8+$0x10];
	s9 =	spop (v2sf);
	[tilespmem:s29+$0x1540] =	vst v24  }
0x394: {  	(v2sf) =	vpush v2, $0xC;
	v52 =	vld [tilespmem:s9+$0x300];
	[tilespmem:s29+$0x1550] =	vst v25  }
0x395: {  	v53 =	vld [tilespmem:s9+$0x310];
	s10 =	spop (v2sf);
	[tilespmem:s29+$0x1560] =	vst v26  }
0x396: {  	(v2sf) =	vpush v1, $0xC;
	v54 =	vld [tilespmem:s10+$0x3E0];
	[tilespmem:s29+$0x1570] =	vst v27  }
0x397: {  	v55 =	vld [tilespmem:s10+$0x3F0];
	s12 =	spop (v2sf);
	[tilespmem:s29+$0x1580] =	vst v28  }
0x398: {  	(v2sf) =	vpush v0, $0xC;
	v56 =	vld [tilespmem:s12+$0x560];
	[tilespmem:s29+$0x1590] =	vst v29  }
0x399: {  	v12 =	vld [tilespmem:s12+$0x570];
	[tilespmem:s30+$0x1420] =	vst v50  }
0x39a: {  	[tilespmem:s30+$0x1430] =	vst v51;
	v9 =	vld [tilespmem:s18+$0x0]  }
0x39b: {  	v37 =	vld [tilespmem:s18+$0x10];
	[tilespmem:s30+$0x1440] =	vst v52  }
0x39c: {  	v38 =	vld [tilespmem:s17+$0x300];
	[tilespmem:s30+$0x1450] =	vst v53  }
0x39d: {  	v39 =	vld [tilespmem:s17+$0x310];
	[tilespmem:s30+$0x1460] =	vst v54  }
0x39e: {  	v40 =	vld [tilespmem:s16+$0x3E0];
	[tilespmem:s30+$0x1470] =	vst v55  }
0x39f: {  	v41 =	vld [tilespmem:s16+$0x3F0];
	[tilespmem:s30+$0x1480] =	vst v56  }
0x3a0: {  	v42 =	vld [tilespmem:s15+$0x560];
	[tilespmem:s30+$0x1490] =	vst v12  }
0x3a1: {  	v43 =	vld [tilespmem:s15+$0x570];
	[tilespmem:s29+$0x15A0] =	vst v9;
	s4 =	spop (v2sf);
	(v2sf) =	vpush v3, $0xD  }
0x3a2: {  	[tilespmem:s29+$0x15B0] =	vst v37;
	v16 =	vld [tilespmem:s4+$0x0]  }
0x3a3: {  	[tilespmem:s29+$0x15C0] =	vst v38;
	v17 =	vld [tilespmem:s4+$0x10];
	s5 =	spop (v2sf);
	(v2sf) =	vpush v2, $0xD  }
0x3a4: {  	[tilespmem:s29+$0x15D0] =	vst v39;
	v18 =	vld [tilespmem:s5+$0x300]  }
0x3a5: {  	[tilespmem:s29+$0x15E0] =	vst v40;
	v19 =	vld [tilespmem:s5+$0x310];
	s6 =	spop (v2sf);
	(v2sf) =	vpush v1, $0xD  }
0x3a6: {  	[tilespmem:s29+$0x15F0] =	vst v41;
	v20 =	vld [tilespmem:s6+$0x3E0]  }
0x3a7: {  	[tilespmem:s29+$0x1600] =	vst v42;
	v21 =	vld [tilespmem:s6+$0x3F0];
	s7 =	spop (v2sf);
	(v2sf) =	vpush v0, $0xD  }
0x3a8: {  	[tilespmem:s29+$0x1610] =	vst v43;
	v22 =	vld [tilespmem:s7+$0x560]  }
0x3a9: {  	v12 =	vld [tilespmem:s7+$0x570];
	[tilespmem:s30+$0x14A0] =	vst v16  }
0x3aa: {  	[tilespmem:s30+$0x14B0] =	vst v17  }
0x3ab: {  	[tilespmem:s30+$0x14C0] =	vst v18  }
0x3ac: {  	[tilespmem:s30+$0x14D0] =	vst v19  }
0x3ad: {  	[tilespmem:s30+$0x14E0] =	vst v20  }
0x3ae: {  	[tilespmem:s30+$0x14F0] =	vst v21  }
0x3af: {  	[tilespmem:s30+$0x1500] =	vst v22  }
0x3b0: {  	v6 =	vld [tilespmem:s14+$0x0];
	[tilespmem:s30+$0x1510] =	vst v12;
	s8 =	spop (v2sf);
	(v2sf) =	vpush v3, $0xE  }
0x3b1: {  	v30 =	vld [tilespmem:s8+$0x0]  }
0x3b2: {  	v31 =	vld [tilespmem:s8+$0x10];
	s9 =	spop (v2sf);
	(v2sf) =	vpush v2, $0xE  }
0x3b3: {  	v32 =	vld [tilespmem:s9+$0x300]  }
0x3b4: {  	v33 =	vld [tilespmem:s9+$0x310];
	s10 =	spop (v2sf);
	(v2sf) =	vpush v1, $0xE  }
0x3b5: {  	v34 =	vld [tilespmem:s10+$0x3E0]  }
0x3b6: {  	v35 =	vld [tilespmem:s10+$0x3F0];
	s12 =	spop (v2sf);
	(v2sf) =	vpush v0, $0xE  }
0x3b7: {  	v36 =	vld [tilespmem:s12+$0x560]  }
0x3b8: {  	v12 =	vld [tilespmem:s12+$0x570];
	[tilespmem:s30+$0x1520] =	vst v30  }
0x3b9: {  	v7 =	vld [tilespmem:s14+$0x10];
	[tilespmem:s30+$0x1530] =	vst v31  }
0x3ba: {  	v52 =	vld [tilespmem:s2+$0x300];
	[tilespmem:s30+$0x1540] =	vst v32  }
0x3bb: {  	v8 =	vld [tilespmem:s2+$0x310];
	[tilespmem:s30+$0x1550] =	vst v33  }
0x3bc: {  	v53 =	vld [tilespmem:s0+$0x3E0];
	[tilespmem:s30+$0x1560] =	vst v34  }
0x3bd: {  	v54 =	vld [tilespmem:s0+$0x3F0];
	[tilespmem:s30+$0x1570] =	vst v35  }
0x3be: {  	v55 =	vld [tilespmem:s31+$0x560];
	[tilespmem:s30+$0x1580] =	vst v36  }
0x3bf: {  	v56 =	vld [tilespmem:s31+$0x570];
	[tilespmem:s30+$0x1590] =	vst v12;
	s15 =	spop (v2sf);
	(v2sf) =	vpush v3, $0xF  }
0x3c0: {  	v44 =	vld [tilespmem:s15+$0x0]  }
0x3c1: {  	v45 =	vld [tilespmem:s15+$0x10];
	s16 =	spop (v2sf);
	(v2sf) =	vpush v2, $0xF  }
0x3c2: {  	v46 =	vld [tilespmem:s16+$0x300]  }
0x3c3: {  	v47 =	vld [tilespmem:s16+$0x310];
	s17 =	spop (v2sf);
	(v2sf) =	vpush v1, $0xF  }
0x3c4: {  	v48 =	vld [tilespmem:s17+$0x3E0]  }
0x3c5: {  	v49 =	vld [tilespmem:s17+$0x3F0];
	s18 =	spop (v2sf);
	(v2sf) =	vpush v0, $0xF  }
0x3c6: {  	[tilespmem:s29+$0x1620] =	vst v6;
	v50 =	vld [tilespmem:s18+$0x560]  }
0x3c7: {  	v51 =	vld [tilespmem:s18+$0x570];
	[tilespmem:s30+$0x15A0] =	vst v44  }
0x3c8: {  	[tilespmem:s30+$0x15B0] =	vst v45  }
0x3c9: {  	[tilespmem:s30+$0x15C0] =	vst v46  }
0x3ca: {  	[tilespmem:s30+$0x15D0] =	vst v47  }
0x3cb: {  	[tilespmem:s30+$0x15E0] =	vst v48  }
0x3cc: {  	[tilespmem:s30+$0x15F0] =	vst v49  }
0x3cd: {  	[tilespmem:s30+$0x1600] =	vst v50  }
0x3ce: {  	[tilespmem:s30+$0x1610] =	vst v51;
	s19 =	spop (v2sf)  }
0x3cf: {  	[tilespmem:s29+$0x1630] =	vst v7;
	v0 =	vld [tilespmem:s19+$0x0]  }
0x3d0: {  	[tilespmem:s29+$0x1640] =	vst v52;
	s20 =	spop (v2sf);
	v57 =	vld [tilespmem:s19+$0x10]  }
0x3d1: {  	[tilespmem:s29+$0x1650] =	vst v8;
	v58 =	vld [tilespmem:s20+$0x300]  }
0x3d2: {  	[tilespmem:s29+$0x1660] =	vst v53;
	s23 =	spop (v2sf);
	v59 =	vld [tilespmem:s20+$0x310]  }
0x3d3: {  	[tilespmem:s29+$0x1670] =	vst v54;
	v60 =	vld [tilespmem:s23+$0x3E0]  }
0x3d4: {  	[tilespmem:s29+$0x1680] =	vst v55;
	s24 =	spop (v2sf);
	v61 =	vld [tilespmem:s23+$0x3F0]  }
0x3d5: {  	[tilespmem:s29+$0x1690] =	vst v56;
	v62 =	vld [tilespmem:s24+$0x560]  }
0x3d6: {  	v63 =	vld [tilespmem:s24+$0x570];
	[tilespmem:s30+$0x1620] =	vst v0  }
0x3d7: {  	[tilespmem:s30+$0x1630] =	vst v57  }
0x3d8: {  	p0 =	slt.u32 s28, $0x1E;
	[tilespmem:s30+$0x1640] =	vst v58  }
.Ltmp1:
0x3d9: {  	[tilespmem:s30+$0x1650] =	vst v59;
	(pc) =	sbr.rel @p0 .LBB2_4-.Ltmp1, $4  }
0x3da: {  	[tilespmem:s30+$0x1660] =	vst v60  }
0x3db: {  	[tilespmem:s30+$0x1670] =	vst v61  }
0x3dc: {  	s31 =	sadd.s32 $0x2, s28;
	[tilespmem:s30+$0x1680] =	vst v62  }
0x3dd: {  	s28 =	smov.u32 s31;
	[tilespmem:s30+$0x1690] =	vst v63  }
0x3de: {  	s0 =	rddreg [dreg:$0xf];
	s2 =	simm.s32 $0x8EA0;
	s26 =	sadd.s32 $0x1, s26  }
0x3df: {  	[hbm4b:s0+s1] =	stream.linear.scatter [tilespmem:s2], [sflag:$0x3], $0x8000, $0x38;
	[tilespmem:$0x10EA0] =	vst v63  }
0x3e0: {  	p0 =	sne.s32 s26, s13;
	_ =	swait.ge [sflag:s25], $0x8000  }
.Ltmp2:
0x3e1: {  	[sflag:s25] =	ssyncset.done $0x0;
	(pc) =	sbr.rel @p0 .LBB2_1-.Ltmp2, $4  }
0x3e2: {  	[sflag:s25] =	ssyncadd.s32 $0xFFFF8000  }
0x3e3: {  	_ =	swait.ge [sflag:s25], $0x8000  }
0x3e4: {  	[sflag:s25] =	ssyncset.done $0x0  }
0x3e5: {  	[sflag:s25] =	ssyncadd.s32 $0xFFFF8000  }
0x3e6: {  	_ =	sfence.sel $0x180000  }
0x3e7: {  	[bflag:$0x0] =	sbarrier.arrive $0xFFFF  }
0x3e8: {  	_ =	strace $0x90000047  }
0x3e9: {  	s0 =	stileid.u32;
	[bflag:$0x2] =	sbarrier.arrive $0xFFFF  }
0x3ea: {  	p0 =	sne.s32 s0, $0x0;
	s0 =	rddreg [dreg:$0x6]  }
0x3eb: {  	s0 =	sadd.s32 @!p0 $0x100000, s0  }
0x3ec: {  	[sflag:s0] =	ssyncadd.tile.s32 @!p0 $0x1;
	_ =	shalt  }
.Lfunc_end2:
_tile_overlayer_lowered:
.L_overlay_start_2:
0x3ed: {  	(tag) =	ssettag $0x2  }
0x3ee: {  	s0 =	rddreg [dreg:$0x0];
	s2 =	stileid.u32  }
0x3ef: {  	s1 =	rddreg [dreg:$0x1];
	p0 =	sne.s32 s2, $0x0  }
0x3f0: {  	s3 =	rddreg [dreg:$0x2];
	[bflag:$0x3] =	sbarrier.arrive $0xFFFF;
	s2 =	simm.s32 @!p0 $0x1C04  }
0x3f1: {  	[timem:s3], [sflag:s2] =	dma.local @!p0 [hbm:s0], s1  }
0x3f2: {  	s0 =	simm.s32 @!p0 $0x4  }
0x3f3: {  	_ =	swait.ge @!p0 [sflag:s0], s1  }
0x3f4: {  	s1 =	ssub.s32 @!p0 $0x0, s1;
	[sflag:s0] =	ssyncset.done @!p0 $0x0  }
0x3f5: {  	[sflag:s0] =	ssyncadd.s32 @!p0 s1  }
0x3f6: {  	[bflag:$0x3] =	sbarrier.arrive $0xFFFF  }
0x3f7: {  	_ =	shalt  }

</sc_bundles>
